<compile_context>
chip_gen: v7x
topology: tpu7x:2x2x1
jax: 0.10.2.dev20260603
libtpu: 0.0.44.dev20260713+nightly
codegen_flags: <defaults>
</compile_context>

<pallas_src>
import functools

import jax
import jax.numpy as jnp
from jax import lax
from jax.experimental import pallas as pl
from jax.experimental.pallas import tpu as pltpu
from jax.experimental.pallas import tpu_sc as plsc

_VOCAB = 1000000
_EMBED = 32
_BATCH = 16384
_LANE = 128

_NC = 2
_NS = 16
_L = 16
_NW = _NC * _NS
_BPW = _BATCH // _NW
_NG = _BPW // _L
_NSLOT = 4

_mesh = plsc.VectorSubcoreMesh(core_axis_name="c", subcore_axis_name="s")


@functools.partial(
    pl.kernel,
    out_type=jax.ShapeDtypeStruct((_BATCH,), jnp.float32),
    mesh=_mesh,
    scratch_types=[
        pltpu.VMEM((_BPW,), jnp.int32),
        pltpu.VMEM((_BPW,), jnp.int32),
        pltpu.VMEM((_NSLOT * _EMBED, _LANE), jnp.float32),
        pltpu.VMEM((_NSLOT * _EMBED, _LANE), jnp.float32),
        pltpu.VMEM((_BPW,), jnp.float32),
        pltpu.SemaphoreType.DMA((_NSLOT,)),
        pltpu.SemaphoreType.DMA((_NSLOT,)),
    ],
    compiler_params=pltpu.CompilerParams(
        needs_layout_passes=False, use_tc_tiling_on_sc=True),
)
def _skipgram(xc_hbm, xt_hbm, ctxT_hbm, tgtT_hbm, out_hbm,
              xc_v, xt_v, cring, tring, out_v, sem_c, sem_t):
    wid = lax.axis_index("s") * _NC + lax.axis_index("c")
    base = wid * _BPW

    pltpu.sync_copy(xc_hbm.at[pl.ds(base, _BPW)], xc_v)
    pltpu.sync_copy(xt_hbm.at[pl.ds(base, _BPW)], xt_v)

    lane = lax.iota(jnp.int32, _L)

    def issue(slot, ccol, tcol):
        ccol = pl.multiple_of(ccol, _LANE)
        tcol = pl.multiple_of(tcol, _LANE)
        for p in range(4):
            pltpu.async_copy(
                ctxT_hbm.at[pl.ds(p * 8, 8), pl.ds(ccol, _LANE)],
                cring.at[pl.ds(slot * _EMBED + p * 8, 8)], sem_c.at[slot])
            pltpu.async_copy(
                tgtT_hbm.at[pl.ds(p * 8, 8), pl.ds(tcol, _LANE)],
                tring.at[pl.ds(slot * _EMBED + p * 8, 8)], sem_t.at[slot])

    def wait(slot):
        pltpu.make_async_copy(
            ctxT_hbm.at[:, pl.ds(0, _LANE)],
            cring.at[pl.ds(slot * _EMBED, _EMBED)], sem_c.at[slot]).wait()
        pltpu.make_async_copy(
            tgtT_hbm.at[:, pl.ds(0, _LANE)],
            tring.at[pl.ds(slot * _EMBED, _EMBED)], sem_t.at[slot]).wait()

    def col_of(iv):
        return (iv >> 7) * _LANE

    icv0 = xc_v[pl.ds(0, _L)]
    itv0 = xt_v[pl.ds(0, _L)]
    ccol0 = col_of(icv0)
    tcol0 = col_of(itv0)
    for j in range(_NSLOT):
        issue(j, ccol0[j], tcol0[j])

    def group(g, carry):
        icv = xc_v[pl.ds(g * _L, _L)]
        itv = xt_v[pl.ds(g * _L, _L)]
        ccol = col_of(icv)
        tcol = col_of(itv)
        icl = icv - ccol
        itl = itv - tcol
        gn = jnp.minimum(g + 1, _NG - 1)
        icv_n = xc_v[pl.ds(gn * _L, _L)]
        itv_n = xt_v[pl.ds(gn * _L, _L)]
        ccol_n = col_of(icv_n)
        tcol_n = col_of(itv_n)

        res = jnp.zeros((_L,), jnp.float32)
        for j in range(_L):
            slot = j % _NSLOT
            wait(slot)
            crows = jnp.full((_L,), slot * _EMBED, jnp.int32) + lane
            trows = crows
            ccols = jnp.full((_L,), 1, jnp.int32) * icl[j]
            tcols = jnp.full((_L,), 1, jnp.int32) * itl[j]
            c0 = plsc.load_gather(cring, [crows, ccols])
            c1 = plsc.load_gather(cring, [crows + _L, ccols])
            t0 = plsc.load_gather(tring, [trows, tcols])
            t1 = plsc.load_gather(tring, [trows + _L, tcols])
            p = c0 * t0 + c1 * t1
            s = lax.reduce_sum_p.bind(p, axes=(0,))
            res = jnp.where(lane == j, s, res)
            if j < _NSLOT:
                issue(slot, ccol[j + _NSLOT], tcol[j + _NSLOT])
            else:
                issue(slot, ccol_n[j - _NSLOT], tcol_n[j - _NSLOT])

        out_v[pl.ds(g * _L, _L)] = 1.0 / (1.0 + jnp.exp(-res))
        return carry

    lax.fori_loop(0, _NG, group, 0)

    for j in range(_NSLOT):
        wait(j)

    pltpu.sync_copy(out_v, out_hbm.at[pl.ds(base, _BPW)])


def kernel(x, context_table, target_table):
    xc = x[:, 0].astype(jnp.int32)
    xt = x[:, 1].astype(jnp.int32)
    return _skipgram(xc, xt, context_table.T, target_table.T)

# --- scband reference (transcript-rebuilt; emitter-appended) ---
"""Pipeline reference for scband-skip-gram-model-88055419503326 (READ-ONLY COPY).

The authoritative reference and input builder live on the scoring server;
editing this copy changes nothing except your own understanding.
"""

import jax, jax.numpy as jnp
import numpy as np

VOCAB = 1000000
EMBED = 32
BATCH = 16384


def setup_inputs(seed: int = 0) -> dict:
    key = jax.random.key(seed)
    k1, k2, k3 = jax.random.split(key, 3)
    x = jax.random.randint(k1, (BATCH, 2), 0, VOCAB, dtype=jnp.int64 if jax.config.jax_enable_x64 else jnp.int32)
    context_table = jax.random.normal(k2, (VOCAB, EMBED), dtype=jnp.float32)
    target_table = jax.random.normal(k3, (VOCAB, EMBED), dtype=jnp.float32)
    return {"x": x, "context_table": context_table, "target_table": target_table}


def reference(x, context_table, target_table):
    # SkipGramModel.forward:
    #   logits = sum(context_embedding[x[:,0]] * target_embedding[x[:,1]], dim=1)
    #   return sigmoid(logits)
    ctx = jnp.take(context_table, x[:, 0], axis=0)
    tgt = jnp.take(target_table, x[:, 1], axis=0)
    logits = jnp.sum(ctx * tgt, axis=1)
    return jax.nn.sigmoid(logits)

if __name__ == "__main__":
    import jax
    _d = setup_inputs()
    print(jax.jit(kernel)(*tuple(_d.values())))

</pallas_src>

<mosaic_0001>
#map = affine_map<(d0, d1) -> (0)>
#map1 = affine_map<(d0, d1) -> (0, 0)>
module attributes {stable_mosaic.version = 14 : i64} {
  func.func @_skipgram(%arg0: i32, %arg1: i32, %arg2: memref<16384xi32, #tpu.memory_space<hbm>>, %arg3: memref<16384xi32, #tpu.memory_space<hbm>>, %arg4: memref<32x1000000xf32, #tpu.memory_space<hbm>>, %arg5: memref<32x1000000xf32, #tpu.memory_space<hbm>>, %arg6: memref<16384xf32, #tpu.memory_space<hbm>>, %arg7: memref<512xi32, #tpu.memory_space<vmem>>, %arg8: memref<512xi32, #tpu.memory_space<vmem>>, %arg9: memref<128x128xf32, #tpu.memory_space<vmem>>, %arg10: memref<128x128xf32, #tpu.memory_space<vmem>>, %arg11: memref<512xf32, #tpu.memory_space<vmem>>, %arg12: memref<4x!tpu.dma_semaphore, #tpu.memory_space<semaphore_mem>>, %arg13: memref<4x!tpu.dma_semaphore, #tpu.memory_space<semaphore_mem>>) attributes {dimension_semantics = [#tpu.dimension_semantics<core_parallel>, #tpu.dimension_semantics<subcore_parallel>], iteration_bounds = array<i64: 2, 16>, scalar_prefetch = 0 : i64, scratch_operands = 7 : i64, tpu.core_type = #tpu.core_type<sc_vector_subcore>, window_params = [{transform_indices = #map}, {transform_indices = #map}, {transform_indices = #map1}, {transform_indices = #map1}, {transform_indices = #map}]} {
    %mul3A = arith.constant 2 : i32
    %mul3A_0 = arith.muli %arg1, %mul3A : i32
    %add3A = arith.addi %mul3A_0, %arg0 : i32
    %mul3A_1 = arith.constant 512 : i32
    %mul3A_2 = arith.muli %add3A, %mul3A_1 : i32
    "tpu.region"() ({
      %run_scoped3A = tpu.sem_alloc : memref<!tpu.dma_semaphore, #tpu.memory_space<semaphore_mem>>
      %dma_start3A_577 = tpu.memref_slice %arg2[%mul3A_2] : memref<16384xi32, #tpu.memory_space<hbm>> -> memref<512xi32, #tpu.memory_space<hbm>>
      %dma_start3A_578 = tpu.memref_slice %arg2[%mul3A_2] : memref<16384xi32, #tpu.memory_space<hbm>> -> memref<512xi32, #tpu.memory_space<hbm>>
      tpu.enqueue_dma source(%dma_start3A_578 : memref<512xi32, #tpu.memory_space<hbm>>) target(%arg7 : memref<512xi32, #tpu.memory_space<vmem>>) target_semaphore(%run_scoped3A : memref<!tpu.dma_semaphore, #tpu.memory_space<semaphore_mem>>)
      %dma_wait3A_579 = tpu.memref_slice %arg2[%mul3A_2] : memref<16384xi32, #tpu.memory_space<hbm>> -> memref<512xi32, #tpu.memory_space<hbm>>
      %dma_wait3A_580 = tpu.memref_slice %arg2[%mul3A_2] : memref<16384xi32, #tpu.memory_space<hbm>> -> memref<512xi32, #tpu.memory_space<hbm>>
      tpu.wait_dma2 semaphore(%run_scoped3A : memref<!tpu.dma_semaphore, #tpu.memory_space<semaphore_mem>>) src(%dma_wait3A_580 : memref<512xi32, #tpu.memory_space<hbm>>) dst(%arg7 : memref<512xi32, #tpu.memory_space<vmem>>)
      tpu.yield
    }) : () -> ()
    "tpu.region"() ({
      %run_scoped3A = tpu.sem_alloc : memref<!tpu.dma_semaphore, #tpu.memory_space<semaphore_mem>>
      %dma_start3A_577 = tpu.memref_slice %arg3[%mul3A_2] : memref<16384xi32, #tpu.memory_space<hbm>> -> memref<512xi32, #tpu.memory_space<hbm>>
      %dma_start3A_578 = tpu.memref_slice %arg3[%mul3A_2] : memref<16384xi32, #tpu.memory_space<hbm>> -> memref<512xi32, #tpu.memory_space<hbm>>
      tpu.enqueue_dma source(%dma_start3A_578 : memref<512xi32, #tpu.memory_space<hbm>>) target(%arg8 : memref<512xi32, #tpu.memory_space<vmem>>) target_semaphore(%run_scoped3A : memref<!tpu.dma_semaphore, #tpu.memory_space<semaphore_mem>>)
      %dma_wait3A_579 = tpu.memref_slice %arg3[%mul3A_2] : memref<16384xi32, #tpu.memory_space<hbm>> -> memref<512xi32, #tpu.memory_space<hbm>>
      %dma_wait3A_580 = tpu.memref_slice %arg3[%mul3A_2] : memref<16384xi32, #tpu.memory_space<hbm>> -> memref<512xi32, #tpu.memory_space<hbm>>
      tpu.wait_dma2 semaphore(%run_scoped3A : memref<!tpu.dma_semaphore, #tpu.memory_space<semaphore_mem>>) src(%dma_wait3A_580 : memref<512xi32, #tpu.memory_space<hbm>>) dst(%arg8 : memref<512xi32, #tpu.memory_space<vmem>>)
      tpu.yield
    }) : () -> ()
    %iota3A = tpu.iota {dimensions = array<i32: 0>} : vector<16xi32>
    %get3A = arith.constant 0 : index
    %get3A_3 = tpu.vector_load %arg7[%get3A] {strides = array<i32>} : memref<512xi32, #tpu.memory_space<vmem>>, vector<16xi32>,
    %get3A_4 = arith.constant 0 : index
    %get3A_5 = tpu.vector_load %arg8[%get3A_4] {strides = array<i32>} : memref<512xi32, #tpu.memory_space<vmem>>, vector<16xi32>,
    %shift_right_arithmetic3A = arith.constant 7 : i32
    %shift_right_arithmetic3A_6 = vector.broadcast %shift_right_arithmetic3A : i32 to vector<16xi32>
    %shift_right_arithmetic3A_7 = arith.shrsi %get3A_3, %shift_right_arithmetic3A_6 : vector<16xi32>
    %mul3A_8 = arith.constant 128 : i32
    %mul3A_9 = vector.broadcast %mul3A_8 : i32 to vector<16xi32>
    %mul3A_10 = arith.muli %shift_right_arithmetic3A_7, %mul3A_9 : vector<16xi32>
    %shift_right_arithmetic3A_11 = arith.constant 7 : i32
    %shift_right_arithmetic3A_12 = vector.broadcast %shift_right_arithmetic3A_11 : i32 to vector<16xi32>
    %shift_right_arithmetic3A_13 = arith.shrsi %get3A_5, %shift_right_arithmetic3A_12 : vector<16xi32>
    %mul3A_14 = arith.constant 128 : i32
    %mul3A_15 = vector.broadcast %mul3A_14 : i32 to vector<16xi32>
    %mul3A_16 = arith.muli %shift_right_arithmetic3A_13, %mul3A_15 : vector<16xi32>
    %slice3A = vector.extract_strided_slice %mul3A_10 {offsets = [0], sizes = [1], strides = [1]} : vector<16xi32> to vector<1xi32>
    %squeeze3A = vector.extract %slice3A[0] : i32 from vector<1xi32>
    %slice3A_17 = vector.extract_strided_slice %mul3A_16 {offsets = [0], sizes = [1], strides = [1]} : vector<16xi32> to vector<1xi32>
    %squeeze3A_18 = vector.extract %slice3A_17[0] : i32 from vector<1xi32>
    %multiple_of3A = tpu.assume_multiple %squeeze3A, 128 : i32
    %multiple_of3A_19 = tpu.assume_multiple %squeeze3A_18, 128 : i32
    %dma_start3A = arith.constant 0 : i32
    %dma_start3A_20 = arith.constant 0 : i32
    %dma_start3A_21 = arith.constant 0 : i32
    %dma_start3A_22 = tpu.memref_slice %arg9[%dma_start3A_20, %dma_start3A_21] : memref<128x128xf32, #tpu.memory_space<vmem>> -> memref<8x128xf32, #tpu.memory_space<vmem>>
    %dma_start3A_23 = arith.constant 0 : i32
    %dma_start3A_24 = tpu.memref_slice %arg4[%dma_start3A_23, %multiple_of3A] : memref<32x1000000xf32, #tpu.memory_space<hbm>> -> memref<8x128xf32, #tpu.memory_space<hbm>>
    %dma_start3A_25 = tpu.memref_slice %arg12[%dma_start3A] : memref<4x!tpu.dma_semaphore, #tpu.memory_space<semaphore_mem>> -> memref<1x!tpu.dma_semaphore, #tpu.memory_space<semaphore_mem>>
    %dma_start3A_26 = tpu.memref_squeeze %dma_start3A_25 : memref<1x!tpu.dma_semaphore, #tpu.memory_space<semaphore_mem>> -> memref<!tpu.dma_semaphore, #tpu.memory_space<semaphore_mem>>
    %dma_start3A_27 = arith.constant 0 : i32
    %dma_start3A_28 = arith.constant 0 : i32
    %dma_start3A_29 = tpu.memref_slice %arg9[%dma_start3A_27, %dma_start3A_28] : memref<128x128xf32, #tpu.memory_space<vmem>> -> memref<8x128xf32, #tpu.memory_space<vmem>>
    %dma_start3A_30 = arith.constant 0 : i32
    %dma_start3A_31 = tpu.memref_slice %arg4[%dma_start3A_30, %multiple_of3A] : memref<32x1000000xf32, #tpu.memory_space<hbm>> -> memref<8x128xf32, #tpu.memory_space<hbm>>
    tpu.enqueue_dma source(%dma_start3A_31 : memref<8x128xf32, #tpu.memory_space<hbm>>) target(%dma_start3A_29 : memref<8x128xf32, #tpu.memory_space<vmem>>) target_semaphore(%dma_start3A_26 : memref<!tpu.dma_semaphore, #tpu.memory_space<semaphore_mem>>)
    %dma_start3A_32 = arith.constant 0 : i32
    %dma_start3A_33 = arith.constant 0 : i32
    %dma_start3A_34 = arith.constant 0 : i32
    %dma_start3A_35 = tpu.memref_slice %arg10[%dma_start3A_33, %dma_start3A_34] : memref<128x128xf32, #tpu.memory_space<vmem>> -> memref<8x128xf32, #tpu.memory_space<vmem>>
    %dma_start3A_36 = arith.constant 0 : i32
    %dma_start3A_37 = tpu.memref_slice %arg5[%dma_start3A_36, %multiple_of3A_19] : memref<32x1000000xf32, #tpu.memory_space<hbm>> -> memref<8x128xf32, #tpu.memory_space<hbm>>
    %dma_start3A_38 = tpu.memref_slice %arg13[%dma_start3A_32] : memref<4x!tpu.dma_semaphore, #tpu.memory_space<semaphore_mem>> -> memref<1x!tpu.dma_semaphore, #tpu.memory_space<semaphore_mem>>
    %dma_start3A_39 = tpu.memref_squeeze %dma_start3A_38 : memref<1x!tpu.dma_semaphore, #tpu.memory_space<semaphore_mem>> -> memref<!tpu.dma_semaphore, #tpu.memory_space<semaphore_mem>>
    %dma_start3A_40 = arith.constant 0 : i32
    %dma_start3A_41 = arith.constant 0 : i32
    %dma_start3A_42 = tpu.memref_slice %arg10[%dma_start3A_40, %dma_start3A_41] : memref<128x128xf32, #tpu.memory_space<vmem>> -> memref<8x128xf32, #tpu.memory_space<vmem>>
    %dma_start3A_43 = arith.constant 0 : i32
    %dma_start3A_44 = tpu.memref_slice %arg5[%dma_start3A_43, %multiple_of3A_19] : memref<32x1000000xf32, #tpu.memory_space<hbm>> -> memref<8x128xf32, #tpu.memory_space<hbm>>
    tpu.enqueue_dma source(%dma_start3A_44 : memref<8x128xf32, #tpu.memory_space<hbm>>) target(%dma_start3A_42 : memref<8x128xf32, #tpu.memory_space<vmem>>) target_semaphore(%dma_start3A_39 : memref<!tpu.dma_semaphore, #tpu.memory_space<semaphore_mem>>)
    %dma_start3A_45 = arith.constant 0 : i32
    %dma_start3A_46 = arith.constant 8 : i32
    %dma_start3A_47 = arith.constant 0 : i32
    %dma_start3A_48 = tpu.memref_slice %arg9[%dma_start3A_46, %dma_start3A_47] : memref<128x128xf32, #tpu.memory_space<vmem>> -> memref<8x128xf32, #tpu.memory_space<vmem>>
    %dma_start3A_49 = arith.constant 8 : i32
    %dma_start3A_50 = tpu.memref_slice %arg4[%dma_start3A_49, %multiple_of3A] : memref<32x1000000xf32, #tpu.memory_space<hbm>> -> memref<8x128xf32, #tpu.memory_space<hbm>>
    %dma_start3A_51 = tpu.memref_slice %arg12[%dma_start3A_45] : memref<4x!tpu.dma_semaphore, #tpu.memory_space<semaphore_mem>> -> memref<1x!tpu.dma_semaphore, #tpu.memory_space<semaphore_mem>>
    %dma_start3A_52 = tpu.memref_squeeze %dma_start3A_51 : memref<1x!tpu.dma_semaphore, #tpu.memory_space<semaphore_mem>> -> memref<!tpu.dma_semaphore, #tpu.memory_space<semaphore_mem>>
    %dma_start3A_53 = arith.constant 8 : i32
    %dma_start3A_54 = arith.constant 0 : i32
    %dma_start3A_55 = tpu.memref_slice %arg9[%dma_start3A_53, %dma_start3A_54] : memref<128x128xf32, #tpu.memory_space<vmem>> -> memref<8x128xf32, #tpu.memory_space<vmem>>
    %dma_start3A_56 = arith.constant 8 : i32
    %dma_start3A_57 = tpu.memref_slice %arg4[%dma_start3A_56, %multiple_of3A] : memref<32x1000000xf32, #tpu.memory_space<hbm>> -> memref<8x128xf32, #tpu.memory_space<hbm>>
    tpu.enqueue_dma source(%dma_start3A_57 : memref<8x128xf32, #tpu.memory_space<hbm>>) target(%dma_start3A_55 : memref<8x128xf32, #tpu.memory_space<vmem>>) target_semaphore(%dma_start3A_52 : memref<!tpu.dma_semaphore, #tpu.memory_space<semaphore_mem>>)
    %dma_start3A_58 = arith.constant 0 : i32
    %dma_start3A_59 = arith.constant 8 : i32
    %dma_start3A_60 = arith.constant 0 : i32
    %dma_start3A_61 = tpu.memref_slice %arg10[%dma_start3A_59, %dma_start3A_60] : memref<128x128xf32, #tpu.memory_space<vmem>> -> memref<8x128xf32, #tpu.memory_space<vmem>>
    %dma_start3A_62 = arith.constant 8 : i32
    %dma_start3A_63 = tpu.memref_slice %arg5[%dma_start3A_62, %multiple_of3A_19] : memref<32x1000000xf32, #tpu.memory_space<hbm>> -> memref<8x128xf32, #tpu.memory_space<hbm>>
    %dma_start3A_64 = tpu.memref_slice %arg13[%dma_start3A_58] : memref<4x!tpu.dma_semaphore, #tpu.memory_space<semaphore_mem>> -> memref<1x!tpu.dma_semaphore, #tpu.memory_space<semaphore_mem>>
    %dma_start3A_65 = tpu.memref_squeeze %dma_start3A_64 : memref<1x!tpu.dma_semaphore, #tpu.memory_space<semaphore_mem>> -> memref<!tpu.dma_semaphore, #tpu.memory_space<semaphore_mem>>
    %dma_start3A_66 = arith.constant 8 : i32
    %dma_start3A_67 = arith.constant 0 : i32
    %dma_start3A_68 = tpu.memref_slice %arg10[%dma_start3A_66, %dma_start3A_67] : memref<128x128xf32, #tpu.memory_space<vmem>> -> memref<8x128xf32, #tpu.memory_space<vmem>>
    %dma_start3A_69 = arith.constant 8 : i32
    %dma_start3A_70 = tpu.memref_slice %arg5[%dma_start3A_69, %multiple_of3A_19] : memref<32x1000000xf32, #tpu.memory_space<hbm>> -> memref<8x128xf32, #tpu.memory_space<hbm>>
    tpu.enqueue_dma source(%dma_start3A_70 : memref<8x128xf32, #tpu.memory_space<hbm>>) target(%dma_start3A_68 : memref<8x128xf32, #tpu.memory_space<vmem>>) target_semaphore(%dma_start3A_65 : memref<!tpu.dma_semaphore, #tpu.memory_space<semaphore_mem>>)
    %dma_start3A_71 = arith.constant 0 : i32
    %dma_start3A_72 = arith.constant 16 : i32
    %dma_start3A_73 = arith.constant 0 : i32
    %dma_start3A_74 = tpu.memref_slice %arg9[%dma_start3A_72, %dma_start3A_73] : memref<128x128xf32, #tpu.memory_space<vmem>> -> memref<8x128xf32, #tpu.memory_space<vmem>>
    %dma_start3A_75 = arith.constant 16 : i32
    %dma_start3A_76 = tpu.memref_slice %arg4[%dma_start3A_75, %multiple_of3A] : memref<32x1000000xf32, #tpu.memory_space<hbm>> -> memref<8x128xf32, #tpu.memory_space<hbm>>
    %dma_start3A_77 = tpu.memref_slice %arg12[%dma_start3A_71] : memref<4x!tpu.dma_semaphore, #tpu.memory_space<semaphore_mem>> -> memref<1x!tpu.dma_semaphore, #tpu.memory_space<semaphore_mem>>
    %dma_start3A_78 = tpu.memref_squeeze %dma_start3A_77 : memref<1x!tpu.dma_semaphore, #tpu.memory_space<semaphore_mem>> -> memref<!tpu.dma_semaphore, #tpu.memory_space<semaphore_mem>>
    %dma_start3A_79 = arith.constant 16 : i32
    %dma_start3A_80 = arith.constant 0 : i32
    %dma_start3A_81 = tpu.memref_slice %arg9[%dma_start3A_79, %dma_start3A_80] : memref<128x128xf32, #tpu.memory_space<vmem>> -> memref<8x128xf32, #tpu.memory_space<vmem>>
    %dma_start3A_82 = arith.constant 16 : i32
    %dma_start3A_83 = tpu.memref_slice %arg4[%dma_start3A_82, %multiple_of3A] : memref<32x1000000xf32, #tpu.memory_space<hbm>> -> memref<8x128xf32, #tpu.memory_space<hbm>>
    tpu.enqueue_dma source(%dma_start3A_83 : memref<8x128xf32, #tpu.memory_space<hbm>>) target(%dma_start3A_81 : memref<8x128xf32, #tpu.memory_space<vmem>>) target_semaphore(%dma_start3A_78 : memref<!tpu.dma_semaphore, #tpu.memory_space<semaphore_mem>>)
    %dma_start3A_84 = arith.constant 0 : i32
    %dma_start3A_85 = arith.constant 16 : i32
    %dma_start3A_86 = arith.constant 0 : i32
    %dma_start3A_87 = tpu.memref_slice %arg10[%dma_start3A_85, %dma_start3A_86] : memref<128x128xf32, #tpu.memory_space<vmem>> -> memref<8x128xf32, #tpu.memory_space<vmem>>
    %dma_start3A_88 = arith.constant 16 : i32
    %dma_start3A_89 = tpu.memref_slice %arg5[%dma_start3A_88, %multiple_of3A_19] : memref<32x1000000xf32, #tpu.memory_space<hbm>> -> memref<8x128xf32, #tpu.memory_space<hbm>>
    %dma_start3A_90 = tpu.memref_slice %arg13[%dma_start3A_84] : memref<4x!tpu.dma_semaphore, #tpu.memory_space<semaphore_mem>> -> memref<1x!tpu.dma_semaphore, #tpu.memory_space<semaphore_mem>>
    %dma_start3A_91 = tpu.memref_squeeze %dma_start3A_90 : memref<1x!tpu.dma_semaphore, #tpu.memory_space<semaphore_mem>> -> memref<!tpu.dma_semaphore, #tpu.memory_space<semaphore_mem>>
    %dma_start3A_92 = arith.constant 16 : i32
    %dma_start3A_93 = arith.constant 0 : i32
    %dma_start3A_94 = tpu.memref_slice %arg10[%dma_start3A_92, %dma_start3A_93] : memref<128x128xf32, #tpu.memory_space<vmem>> -> memref<8x128xf32, #tpu.memory_space<vmem>>
    %dma_start3A_95 = arith.constant 16 : i32
    %dma_start3A_96 = tpu.memref_slice %arg5[%dma_start3A_95, %multiple_of3A_19] : memref<32x1000000xf32, #tpu.memory_space<hbm>> -> memref<8x128xf32, #tpu.memory_space<hbm>>
    tpu.enqueue_dma source(%dma_start3A_96 : memref<8x128xf32, #tpu.memory_space<hbm>>) target(%dma_start3A_94 : memref<8x128xf32, #tpu.memory_space<vmem>>) target_semaphore(%dma_start3A_91 : memref<!tpu.dma_semaphore, #tpu.memory_space<semaphore_mem>>)
    %dma_start3A_97 = arith.constant 0 : i32
    %dma_start3A_98 = arith.constant 24 : i32
    %dma_start3A_99 = arith.constant 0 : i32
    %dma_start3A_100 = tpu.memref_slice %arg9[%dma_start3A_98, %dma_start3A_99] : memref<128x128xf32, #tpu.memory_space<vmem>> -> memref<8x128xf32, #tpu.memory_space<vmem>>
    %dma_start3A_101 = arith.constant 24 : i32
    %dma_start3A_102 = tpu.memref_slice %arg4[%dma_start3A_101, %multiple_of3A] : memref<32x1000000xf32, #tpu.memory_space<hbm>> -> memref<8x128xf32, #tpu.memory_space<hbm>>
    %dma_start3A_103 = tpu.memref_slice %arg12[%dma_start3A_97] : memref<4x!tpu.dma_semaphore, #tpu.memory_space<semaphore_mem>> -> memref<1x!tpu.dma_semaphore, #tpu.memory_space<semaphore_mem>>
    %dma_start3A_104 = tpu.memref_squeeze %dma_start3A_103 : memref<1x!tpu.dma_semaphore, #tpu.memory_space<semaphore_mem>> -> memref<!tpu.dma_semaphore, #tpu.memory_space<semaphore_mem>>
    %dma_start3A_105 = arith.constant 24 : i32
    %dma_start3A_106 = arith.constant 0 : i32
    %dma_start3A_107 = tpu.memref_slice %arg9[%dma_start3A_105, %dma_start3A_106] : memref<128x128xf32, #tpu.memory_space<vmem>> -> memref<8x128xf32, #tpu.memory_space<vmem>>
    %dma_start3A_108 = arith.constant 24 : i32
    %dma_start3A_109 = tpu.memref_slice %arg4[%dma_start3A_108, %multiple_of3A] : memref<32x1000000xf32, #tpu.memory_space<hbm>> -> memref<8x128xf32, #tpu.memory_space<hbm>>
    tpu.enqueue_dma source(%dma_start3A_109 : memref<8x128xf32, #tpu.memory_space<hbm>>) target(%dma_start3A_107 : memref<8x128xf32, #tpu.memory_space<vmem>>) target_semaphore(%dma_start3A_104 : memref<!tpu.dma_semaphore, #tpu.memory_space<semaphore_mem>>)
    %dma_start3A_110 = arith.constant 0 : i32
    %dma_start3A_111 = arith.constant 24 : i32
    %dma_start3A_112 = arith.constant 0 : i32
    %dma_start3A_113 = tpu.memref_slice %arg10[%dma_start3A_111, %dma_start3A_112] : memref<128x128xf32, #tpu.memory_space<vmem>> -> memref<8x128xf32, #tpu.memory_space<vmem>>
    %dma_start3A_114 = arith.constant 24 : i32
    %dma_start3A_115 = tpu.memref_slice %arg5[%dma_start3A_114, %multiple_of3A_19] : memref<32x1000000xf32, #tpu.memory_space<hbm>> -> memref<8x128xf32, #tpu.memory_space<hbm>>
    %dma_start3A_116 = tpu.memref_slice %arg13[%dma_start3A_110] : memref<4x!tpu.dma_semaphore, #tpu.memory_space<semaphore_mem>> -> memref<1x!tpu.dma_semaphore, #tpu.memory_space<semaphore_mem>>
    %dma_start3A_117 = tpu.memref_squeeze %dma_start3A_116 : memref<1x!tpu.dma_semaphore, #tpu.memory_space<semaphore_mem>> -> memref<!tpu.dma_semaphore, #tpu.memory_space<semaphore_mem>>
    %dma_start3A_118 = arith.constant 24 : i32
    %dma_start3A_119 = arith.constant 0 : i32
    %dma_start3A_120 = tpu.memref_slice %arg10[%dma_start3A_118, %dma_start3A_119] : memref<128x128xf32, #tpu.memory_space<vmem>> -> memref<8x128xf32, #tpu.memory_space<vmem>>
    %dma_start3A_121 = arith.constant 24 : i32
    %dma_start3A_122 = tpu.memref_slice %arg5[%dma_start3A_121, %multiple_of3A_19] : memref<32x1000000xf32, #tpu.memory_space<hbm>> -> memref<8x128xf32, #tpu.memory_space<hbm>>
    tpu.enqueue_dma source(%dma_start3A_122 : memref<8x128xf32, #tpu.memory_space<hbm>>) target(%dma_start3A_120 : memref<8x128xf32, #tpu.memory_space<vmem>>) target_semaphore(%dma_start3A_117 : memref<!tpu.dma_semaphore, #tpu.memory_space<semaphore_mem>>)
    %slice3A_123 = vector.extract_strided_slice %mul3A_10 {offsets = [1], sizes = [1], strides = [1]} : vector<16xi32> to vector<1xi32>
    %squeeze3A_124 = vector.extract %slice3A_123[0] : i32 from vector<1xi32>
    %slice3A_125 = vector.extract_strided_slice %mul3A_16 {offsets = [1], sizes = [1], strides = [1]} : vector<16xi32> to vector<1xi32>
    %squeeze3A_126 = vector.extract %slice3A_125[0] : i32 from vector<1xi32>
    %multiple_of3A_127 = tpu.assume_multiple %squeeze3A_124, 128 : i32
    %multiple_of3A_128 = tpu.assume_multiple %squeeze3A_126, 128 : i32
    %dma_start3A_129 = arith.constant 1 : i32
    %dma_start3A_130 = arith.constant 32 : i32
    %dma_start3A_131 = arith.constant 0 : i32
    %dma_start3A_132 = tpu.memref_slice %arg9[%dma_start3A_130, %dma_start3A_131] : memref<128x128xf32, #tpu.memory_space<vmem>> -> memref<8x128xf32, #tpu.memory_space<vmem>>
    %dma_start3A_133 = arith.constant 0 : i32
    %dma_start3A_134 = tpu.memref_slice %arg4[%dma_start3A_133, %multiple_of3A_127] : memref<32x1000000xf32, #tpu.memory_space<hbm>> -> memref<8x128xf32, #tpu.memory_space<hbm>>
    %dma_start3A_135 = tpu.memref_slice %arg12[%dma_start3A_129] : memref<4x!tpu.dma_semaphore, #tpu.memory_space<semaphore_mem>> -> memref<1x!tpu.dma_semaphore, #tpu.memory_space<semaphore_mem>>
    %dma_start3A_136 = tpu.memref_squeeze %dma_start3A_135 : memref<1x!tpu.dma_semaphore, #tpu.memory_space<semaphore_mem>> -> memref<!tpu.dma_semaphore, #tpu.memory_space<semaphore_mem>>
    %dma_start3A_137 = arith.constant 32 : i32
    %dma_start3A_138 = arith.constant 0 : i32
    %dma_start3A_139 = tpu.memref_slice %arg9[%dma_start3A_137, %dma_start3A_138] : memref<128x128xf32, #tpu.memory_space<vmem>> -> memref<8x128xf32, #tpu.memory_space<vmem>>
    %dma_start3A_140 = arith.constant 0 : i32
    %dma_start3A_141 = tpu.memref_slice %arg4[%dma_start3A_140, %multiple_of3A_127] : memref<32x1000000xf32, #tpu.memory_space<hbm>> -> memref<8x128xf32, #tpu.memory_space<hbm>>
    tpu.enqueue_dma source(%dma_start3A_141 : memref<8x128xf32, #tpu.memory_space<hbm>>) target(%dma_start3A_139 : memref<8x128xf32, #tpu.memory_space<vmem>>) target_semaphore(%dma_start3A_136 : memref<!tpu.dma_semaphore, #tpu.memory_space<semaphore_mem>>)
    %dma_start3A_142 = arith.constant 1 : i32
    %dma_start3A_143 = arith.constant 32 : i32
    %dma_start3A_144 = arith.constant 0 : i32
    %dma_start3A_145 = tpu.memref_slice %arg10[%dma_start3A_143, %dma_start3A_144] : memref<128x128xf32, #tpu.memory_space<vmem>> -> memref<8x128xf32, #tpu.memory_space<vmem>>
    %dma_start3A_146 = arith.constant 0 : i32
    %dma_start3A_147 = tpu.memref_slice %arg5[%dma_start3A_146, %multiple_of3A_128] : memref<32x1000000xf32, #tpu.memory_space<hbm>> -> memref<8x128xf32, #tpu.memory_space<hbm>>
    %dma_start3A_148 = tpu.memref_slice %arg13[%dma_start3A_142] : memref<4x!tpu.dma_semaphore, #tpu.memory_space<semaphore_mem>> -> memref<1x!tpu.dma_semaphore, #tpu.memory_space<semaphore_mem>>
    %dma_start3A_149 = tpu.memref_squeeze %dma_start3A_148 : memref<1x!tpu.dma_semaphore, #tpu.memory_space<semaphore_mem>> -> memref<!tpu.dma_semaphore, #tpu.memory_space<semaphore_mem>>
    %dma_start3A_150 = arith.constant 32 : i32
    %dma_start3A_151 = arith.constant 0 : i32
    %dma_start3A_152 = tpu.memref_slice %arg10[%dma_start3A_150, %dma_start3A_151] : memref<128x128xf32, #tpu.memory_space<vmem>> -> memref<8x128xf32, #tpu.memory_space<vmem>>
    %dma_start3A_153 = arith.constant 0 : i32
    %dma_start3A_154 = tpu.memref_slice %arg5[%dma_start3A_153, %multiple_of3A_128] : memref<32x1000000xf32, #tpu.memory_space<hbm>> -> memref<8x128xf32, #tpu.memory_space<hbm>>
    tpu.enqueue_dma source(%dma_start3A_154 : memref<8x128xf32, #tpu.memory_space<hbm>>) target(%dma_start3A_152 : memref<8x128xf32, #tpu.memory_space<vmem>>) target_semaphore(%dma_start3A_149 : memref<!tpu.dma_semaphore, #tpu.memory_space<semaphore_mem>>)
    %dma_start3A_155 = arith.constant 1 : i32
    %dma_start3A_156 = arith.constant 40 : i32
    %dma_start3A_157 = arith.constant 0 : i32
    %dma_start3A_158 = tpu.memref_slice %arg9[%dma_start3A_156, %dma_start3A_157] : memref<128x128xf32, #tpu.memory_space<vmem>> -> memref<8x128xf32, #tpu.memory_space<vmem>>
    %dma_start3A_159 = arith.constant 8 : i32
    %dma_start3A_160 = tpu.memref_slice %arg4[%dma_start3A_159, %multiple_of3A_127] : memref<32x1000000xf32, #tpu.memory_space<hbm>> -> memref<8x128xf32, #tpu.memory_space<hbm>>
    %dma_start3A_161 = tpu.memref_slice %arg12[%dma_start3A_155] : memref<4x!tpu.dma_semaphore, #tpu.memory_space<semaphore_mem>> -> memref<1x!tpu.dma_semaphore, #tpu.memory_space<semaphore_mem>>
    %dma_start3A_162 = tpu.memref_squeeze %dma_start3A_161 : memref<1x!tpu.dma_semaphore, #tpu.memory_space<semaphore_mem>> -> memref<!tpu.dma_semaphore, #tpu.memory_space<semaphore_mem>>
    %dma_start3A_163 = arith.constant 40 : i32
    %dma_start3A_164 = arith.constant 0 : i32
    %dma_start3A_165 = tpu.memref_slice %arg9[%dma_start3A_163, %dma_start3A_164] : memref<128x128xf32, #tpu.memory_space<vmem>> -> memref<8x128xf32, #tpu.memory_space<vmem>>
    %dma_start3A_166 = arith.constant 8 : i32
    %dma_start3A_167 = tpu.memref_slice %arg4[%dma_start3A_166, %multiple_of3A_127] : memref<32x1000000xf32, #tpu.memory_space<hbm>> -> memref<8x128xf32, #tpu.memory_space<hbm>>
    tpu.enqueue_dma source(%dma_start3A_167 : memref<8x128xf32, #tpu.memory_space<hbm>>) target(%dma_start3A_165 : memref<8x128xf32, #tpu.memory_space<vmem>>) target_semaphore(%dma_start3A_162 : memref<!tpu.dma_semaphore, #tpu.memory_space<semaphore_mem>>)
    %dma_start3A_168 = arith.constant 1 : i32
    %dma_start3A_169 = arith.constant 40 : i32
    %dma_start3A_170 = arith.constant 0 : i32
    %dma_start3A_171 = tpu.memref_slice %arg10[%dma_start3A_169, %dma_start3A_170] : memref<128x128xf32, #tpu.memory_space<vmem>> -> memref<8x128xf32, #tpu.memory_space<vmem>>
    %dma_start3A_172 = arith.constant 8 : i32
    %dma_start3A_173 = tpu.memref_slice %arg5[%dma_start3A_172, %multiple_of3A_128] : memref<32x1000000xf32, #tpu.memory_space<hbm>> -> memref<8x128xf32, #tpu.memory_space<hbm>>
    %dma_start3A_174 = tpu.memref_slice %arg13[%dma_start3A_168] : memref<4x!tpu.dma_semaphore, #tpu.memory_space<semaphore_mem>> -> memref<1x!tpu.dma_semaphore, #tpu.memory_space<semaphore_mem>>
    %dma_start3A_175 = tpu.memref_squeeze %dma_start3A_174 : memref<1x!tpu.dma_semaphore, #tpu.memory_space<semaphore_mem>> -> memref<!tpu.dma_semaphore, #tpu.memory_space<semaphore_mem>>
    %dma_start3A_176 = arith.constant 40 : i32
    %dma_start3A_177 = arith.constant 0 : i32
    %dma_start3A_178 = tpu.memref_slice %arg10[%dma_start3A_176, %dma_start3A_177] : memref<128x128xf32, #tpu.memory_space<vmem>> -> memref<8x128xf32, #tpu.memory_space<vmem>>
    %dma_start3A_179 = arith.constant 8 : i32
    %dma_start3A_180 = tpu.memref_slice %arg5[%dma_start3A_179, %multiple_of3A_128] : memref<32x1000000xf32, #tpu.memory_space<hbm>> -> memref<8x128xf32, #tpu.memory_space<hbm>>
    tpu.enqueue_dma source(%dma_start3A_180 : memref<8x128xf32, #tpu.memory_space<hbm>>) target(%dma_start3A_178 : memref<8x128xf32, #tpu.memory_space<vmem>>) target_semaphore(%dma_start3A_175 : memref<!tpu.dma_semaphore, #tpu.memory_space<semaphore_mem>>)
    %dma_start3A_181 = arith.constant 1 : i32
    %dma_start3A_182 = arith.constant 48 : i32
    %dma_start3A_183 = arith.constant 0 : i32
    %dma_start3A_184 = tpu.memref_slice %arg9[%dma_start3A_182, %dma_start3A_183] : memref<128x128xf32, #tpu.memory_space<vmem>> -> memref<8x128xf32, #tpu.memory_space<vmem>>
    %dma_start3A_185 = arith.constant 16 : i32
    %dma_start3A_186 = tpu.memref_slice %arg4[%dma_start3A_185, %multiple_of3A_127] : memref<32x1000000xf32, #tpu.memory_space<hbm>> -> memref<8x128xf32, #tpu.memory_space<hbm>>
    %dma_start3A_187 = tpu.memref_slice %arg12[%dma_start3A_181] : memref<4x!tpu.dma_semaphore, #tpu.memory_space<semaphore_mem>> -> memref<1x!tpu.dma_semaphore, #tpu.memory_space<semaphore_mem>>
    %dma_start3A_188 = tpu.memref_squeeze %dma_start3A_187 : memref<1x!tpu.dma_semaphore, #tpu.memory_space<semaphore_mem>> -> memref<!tpu.dma_semaphore, #tpu.memory_space<semaphore_mem>>
    %dma_start3A_189 = arith.constant 48 : i32
    %dma_start3A_190 = arith.constant 0 : i32
    %dma_start3A_191 = tpu.memref_slice %arg9[%dma_start3A_189, %dma_start3A_190] : memref<128x128xf32, #tpu.memory_space<vmem>> -> memref<8x128xf32, #tpu.memory_space<vmem>>
    %dma_start3A_192 = arith.constant 16 : i32
    %dma_start3A_193 = tpu.memref_slice %arg4[%dma_start3A_192, %multiple_of3A_127] : memref<32x1000000xf32, #tpu.memory_space<hbm>> -> memref<8x128xf32, #tpu.memory_space<hbm>>
    tpu.enqueue_dma source(%dma_start3A_193 : memref<8x128xf32, #tpu.memory_space<hbm>>) target(%dma_start3A_191 : memref<8x128xf32, #tpu.memory_space<vmem>>) target_semaphore(%dma_start3A_188 : memref<!tpu.dma_semaphore, #tpu.memory_space<semaphore_mem>>)
    %dma_start3A_194 = arith.constant 1 : i32
    %dma_start3A_195 = arith.constant 48 : i32
    %dma_start3A_196 = arith.constant 0 : i32
    %dma_start3A_197 = tpu.memref_slice %arg10[%dma_start3A_195, %dma_start3A_196] : memref<128x128xf32, #tpu.memory_space<vmem>> -> memref<8x128xf32, #tpu.memory_space<vmem>>
    %dma_start3A_198 = arith.constant 16 : i32
    %dma_start3A_199 = tpu.memref_slice %arg5[%dma_start3A_198, %multiple_of3A_128] : memref<32x1000000xf32, #tpu.memory_space<hbm>> -> memref<8x128xf32, #tpu.memory_space<hbm>>
    %dma_start3A_200 = tpu.memref_slice %arg13[%dma_start3A_194] : memref<4x!tpu.dma_semaphore, #tpu.memory_space<semaphore_mem>> -> memref<1x!tpu.dma_semaphore, #tpu.memory_space<semaphore_mem>>
    %dma_start3A_201 = tpu.memref_squeeze %dma_start3A_200 : memref<1x!tpu.dma_semaphore, #tpu.memory_space<semaphore_mem>> -> memref<!tpu.dma_semaphore, #tpu.memory_space<semaphore_mem>>
    %dma_start3A_202 = arith.constant 48 : i32
    %dma_start3A_203 = arith.constant 0 : i32
    %dma_start3A_204 = tpu.memref_slice %arg10[%dma_start3A_202, %dma_start3A_203] : memref<128x128xf32, #tpu.memory_space<vmem>> -> memref<8x128xf32, #tpu.memory_space<vmem>>
    %dma_start3A_205 = arith.constant 16 : i32
    %dma_start3A_206 = tpu.memref_slice %arg5[%dma_start3A_205, %multiple_of3A_128] : memref<32x1000000xf32, #tpu.memory_space<hbm>> -> memref<8x128xf32, #tpu.memory_space<hbm>>
    tpu.enqueue_dma source(%dma_start3A_206 : memref<8x128xf32, #tpu.memory_space<hbm>>) target(%dma_start3A_204 : memref<8x128xf32, #tpu.memory_space<vmem>>) target_semaphore(%dma_start3A_201 : memref<!tpu.dma_semaphore, #tpu.memory_space<semaphore_mem>>)
    %dma_start3A_207 = arith.constant 1 : i32
    %dma_start3A_208 = arith.constant 56 : i32
    %dma_start3A_209 = arith.constant 0 : i32
    %dma_start3A_210 = tpu.memref_slice %arg9[%dma_start3A_208, %dma_start3A_209] : memref<128x128xf32, #tpu.memory_space<vmem>> -> memref<8x128xf32, #tpu.memory_space<vmem>>
    %dma_start3A_211 = arith.constant 24 : i32
    %dma_start3A_212 = tpu.memref_slice %arg4[%dma_start3A_211, %multiple_of3A_127] : memref<32x1000000xf32, #tpu.memory_space<hbm>> -> memref<8x128xf32, #tpu.memory_space<hbm>>
    %dma_start3A_213 = tpu.memref_slice %arg12[%dma_start3A_207] : memref<4x!tpu.dma_semaphore, #tpu.memory_space<semaphore_mem>> -> memref<1x!tpu.dma_semaphore, #tpu.memory_space<semaphore_mem>>
    %dma_start3A_214 = tpu.memref_squeeze %dma_start3A_213 : memref<1x!tpu.dma_semaphore, #tpu.memory_space<semaphore_mem>> -> memref<!tpu.dma_semaphore, #tpu.memory_space<semaphore_mem>>
    %dma_start3A_215 = arith.constant 56 : i32
    %dma_start3A_216 = arith.constant 0 : i32
    %dma_start3A_217 = tpu.memref_slice %arg9[%dma_start3A_215, %dma_start3A_216] : memref<128x128xf32, #tpu.memory_space<vmem>> -> memref<8x128xf32, #tpu.memory_space<vmem>>
    %dma_start3A_218 = arith.constant 24 : i32
    %dma_start3A_219 = tpu.memref_slice %arg4[%dma_start3A_218, %multiple_of3A_127] : memref<32x1000000xf32, #tpu.memory_space<hbm>> -> memref<8x128xf32, #tpu.memory_space<hbm>>
    tpu.enqueue_dma source(%dma_start3A_219 : memref<8x128xf32, #tpu.memory_space<hbm>>) target(%dma_start3A_217 : memref<8x128xf32, #tpu.memory_space<vmem>>) target_semaphore(%dma_start3A_214 : memref<!tpu.dma_semaphore, #tpu.memory_space<semaphore_mem>>)
    %dma_start3A_220 = arith.constant 1 : i32
    %dma_start3A_221 = arith.constant 56 : i32
    %dma_start3A_222 = arith.constant 0 : i32
    %dma_start3A_223 = tpu.memref_slice %arg10[%dma_start3A_221, %dma_start3A_222] : memref<128x128xf32, #tpu.memory_space<vmem>> -> memref<8x128xf32, #tpu.memory_space<vmem>>
    %dma_start3A_224 = arith.constant 24 : i32
    %dma_start3A_225 = tpu.memref_slice %arg5[%dma_start3A_224, %multiple_of3A_128] : memref<32x1000000xf32, #tpu.memory_space<hbm>> -> memref<8x128xf32, #tpu.memory_space<hbm>>
    %dma_start3A_226 = tpu.memref_slice %arg13[%dma_start3A_220] : memref<4x!tpu.dma_semaphore, #tpu.memory_space<semaphore_mem>> -> memref<1x!tpu.dma_semaphore, #tpu.memory_space<semaphore_mem>>
    %dma_start3A_227 = tpu.memref_squeeze %dma_start3A_226 : memref<1x!tpu.dma_semaphore, #tpu.memory_space<semaphore_mem>> -> memref<!tpu.dma_semaphore, #tpu.memory_space<semaphore_mem>>
    %dma_start3A_228 = arith.constant 56 : i32
    %dma_start3A_229 = arith.constant 0 : i32
    %dma_start3A_230 = tpu.memref_slice %arg10[%dma_start3A_228, %dma_start3A_229] : memref<128x128xf32, #tpu.memory_space<vmem>> -> memref<8x128xf32, #tpu.memory_space<vmem>>
    %dma_start3A_231 = arith.constant 24 : i32
    %dma_start3A_232 = tpu.memref_slice %arg5[%dma_start3A_231, %multiple_of3A_128] : memref<32x1000000xf32, #tpu.memory_space<hbm>> -> memref<8x128xf32, #tpu.memory_space<hbm>>
    tpu.enqueue_dma source(%dma_start3A_232 : memref<8x128xf32, #tpu.memory_space<hbm>>) target(%dma_start3A_230 : memref<8x128xf32, #tpu.memory_space<vmem>>) target_semaphore(%dma_start3A_227 : memref<!tpu.dma_semaphore, #tpu.memory_space<semaphore_mem>>)
    %slice3A_233 = vector.extract_strided_slice %mul3A_10 {offsets = [2], sizes = [1], strides = [1]} : vector<16xi32> to vector<1xi32>
    %squeeze3A_234 = vector.extract %slice3A_233[0] : i32 from vector<1xi32>
    %slice3A_235 = vector.extract_strided_slice %mul3A_16 {offsets = [2], sizes = [1], strides = [1]} : vector<16xi32> to vector<1xi32>
    %squeeze3A_236 = vector.extract %slice3A_235[0] : i32 from vector<1xi32>
    %multiple_of3A_237 = tpu.assume_multiple %squeeze3A_234, 128 : i32
    %multiple_of3A_238 = tpu.assume_multiple %squeeze3A_236, 128 : i32
    %dma_start3A_239 = arith.constant 2 : i32
    %dma_start3A_240 = arith.constant 64 : i32
    %dma_start3A_241 = arith.constant 0 : i32
    %dma_start3A_242 = tpu.memref_slice %arg9[%dma_start3A_240, %dma_start3A_241] : memref<128x128xf32, #tpu.memory_space<vmem>> -> memref<8x128xf32, #tpu.memory_space<vmem>>
    %dma_start3A_243 = arith.constant 0 : i32
    %dma_start3A_244 = tpu.memref_slice %arg4[%dma_start3A_243, %multiple_of3A_237] : memref<32x1000000xf32, #tpu.memory_space<hbm>> -> memref<8x128xf32, #tpu.memory_space<hbm>>
    %dma_start3A_245 = tpu.memref_slice %arg12[%dma_start3A_239] : memref<4x!tpu.dma_semaphore, #tpu.memory_space<semaphore_mem>> -> memref<1x!tpu.dma_semaphore, #tpu.memory_space<semaphore_mem>>
    %dma_start3A_246 = tpu.memref_squeeze %dma_start3A_245 : memref<1x!tpu.dma_semaphore, #tpu.memory_space<semaphore_mem>> -> memref<!tpu.dma_semaphore, #tpu.memory_space<semaphore_mem>>
    %dma_start3A_247 = arith.constant 64 : i32
    %dma_start3A_248 = arith.constant 0 : i32
    %dma_start3A_249 = tpu.memref_slice %arg9[%dma_start3A_247, %dma_start3A_248] : memref<128x128xf32, #tpu.memory_space<vmem>> -> memref<8x128xf32, #tpu.memory_space<vmem>>
    %dma_start3A_250 = arith.constant 0 : i32
    %dma_start3A_251 = tpu.memref_slice %arg4[%dma_start3A_250, %multiple_of3A_237] : memref<32x1000000xf32, #tpu.memory_space<hbm>> -> memref<8x128xf32, #tpu.memory_space<hbm>>
    tpu.enqueue_dma source(%dma_start3A_251 : memref<8x128xf32, #tpu.memory_space<hbm>>) target(%dma_start3A_249 : memref<8x128xf32, #tpu.memory_space<vmem>>) target_semaphore(%dma_start3A_246 : memref<!tpu.dma_semaphore, #tpu.memory_space<semaphore_mem>>)
    %dma_start3A_252 = arith.constant 2 : i32
    %dma_start3A_253 = arith.constant 64 : i32
    %dma_start3A_254 = arith.constant 0 : i32
    %dma_start3A_255 = tpu.memref_slice %arg10[%dma_start3A_253, %dma_start3A_254] : memref<128x128xf32, #tpu.memory_space<vmem>> -> memref<8x128xf32, #tpu.memory_space<vmem>>
    %dma_start3A_256 = arith.constant 0 : i32
    %dma_start3A_257 = tpu.memref_slice %arg5[%dma_start3A_256, %multiple_of3A_238] : memref<32x1000000xf32, #tpu.memory_space<hbm>> -> memref<8x128xf32, #tpu.memory_space<hbm>>
    %dma_start3A_258 = tpu.memref_slice %arg13[%dma_start3A_252] : memref<4x!tpu.dma_semaphore, #tpu.memory_space<semaphore_mem>> -> memref<1x!tpu.dma_semaphore, #tpu.memory_space<semaphore_mem>>
    %dma_start3A_259 = tpu.memref_squeeze %dma_start3A_258 : memref<1x!tpu.dma_semaphore, #tpu.memory_space<semaphore_mem>> -> memref<!tpu.dma_semaphore, #tpu.memory_space<semaphore_mem>>
    %dma_start3A_260 = arith.constant 64 : i32
    %dma_start3A_261 = arith.constant 0 : i32
    %dma_start3A_262 = tpu.memref_slice %arg10[%dma_start3A_260, %dma_start3A_261] : memref<128x128xf32, #tpu.memory_space<vmem>> -> memref<8x128xf32, #tpu.memory_space<vmem>>
    %dma_start3A_263 = arith.constant 0 : i32
    %dma_start3A_264 = tpu.memref_slice %arg5[%dma_start3A_263, %multiple_of3A_238] : memref<32x1000000xf32, #tpu.memory_space<hbm>> -> memref<8x128xf32, #tpu.memory_space<hbm>>
    tpu.enqueue_dma source(%dma_start3A_264 : memref<8x128xf32, #tpu.memory_space<hbm>>) target(%dma_start3A_262 : memref<8x128xf32, #tpu.memory_space<vmem>>) target_semaphore(%dma_start3A_259 : memref<!tpu.dma_semaphore, #tpu.memory_space<semaphore_mem>>)
    %dma_start3A_265 = arith.constant 2 : i32
    %dma_start3A_266 = arith.constant 72 : i32
    %dma_start3A_267 = arith.constant 0 : i32
    %dma_start3A_268 = tpu.memref_slice %arg9[%dma_start3A_266, %dma_start3A_267] : memref<128x128xf32, #tpu.memory_space<vmem>> -> memref<8x128xf32, #tpu.memory_space<vmem>>
    %dma_start3A_269 = arith.constant 8 : i32
    %dma_start3A_270 = tpu.memref_slice %arg4[%dma_start3A_269, %multiple_of3A_237] : memref<32x1000000xf32, #tpu.memory_space<hbm>> -> memref<8x128xf32, #tpu.memory_space<hbm>>
    %dma_start3A_271 = tpu.memref_slice %arg12[%dma_start3A_265] : memref<4x!tpu.dma_semaphore, #tpu.memory_space<semaphore_mem>> -> memref<1x!tpu.dma_semaphore, #tpu.memory_space<semaphore_mem>>
    %dma_start3A_272 = tpu.memref_squeeze %dma_start3A_271 : memref<1x!tpu.dma_semaphore, #tpu.memory_space<semaphore_mem>> -> memref<!tpu.dma_semaphore, #tpu.memory_space<semaphore_mem>>
    %dma_start3A_273 = arith.constant 72 : i32
    %dma_start3A_274 = arith.constant 0 : i32
    %dma_start3A_275 = tpu.memref_slice %arg9[%dma_start3A_273, %dma_start3A_274] : memref<128x128xf32, #tpu.memory_space<vmem>> -> memref<8x128xf32, #tpu.memory_space<vmem>>
    %dma_start3A_276 = arith.constant 8 : i32
    %dma_start3A_277 = tpu.memref_slice %arg4[%dma_start3A_276, %multiple_of3A_237] : memref<32x1000000xf32, #tpu.memory_space<hbm>> -> memref<8x128xf32, #tpu.memory_space<hbm>>
    tpu.enqueue_dma source(%dma_start3A_277 : memref<8x128xf32, #tpu.memory_space<hbm>>) target(%dma_start3A_275 : memref<8x128xf32, #tpu.memory_space<vmem>>) target_semaphore(%dma_start3A_272 : memref<!tpu.dma_semaphore, #tpu.memory_space<semaphore_mem>>)
    %dma_start3A_278 = arith.constant 2 : i32
    %dma_start3A_279 = arith.constant 72 : i32
    %dma_start3A_280 = arith.constant 0 : i32
    %dma_start3A_281 = tpu.memref_slice %arg10[%dma_start3A_279, %dma_start3A_280] : memref<128x128xf32, #tpu.memory_space<vmem>> -> memref<8x128xf32, #tpu.memory_space<vmem>>
    %dma_start3A_282 = arith.constant 8 : i32
    %dma_start3A_283 = tpu.memref_slice %arg5[%dma_start3A_282, %multiple_of3A_238] : memref<32x1000000xf32, #tpu.memory_space<hbm>> -> memref<8x128xf32, #tpu.memory_space<hbm>>
    %dma_start3A_284 = tpu.memref_slice %arg13[%dma_start3A_278] : memref<4x!tpu.dma_semaphore, #tpu.memory_space<semaphore_mem>> -> memref<1x!tpu.dma_semaphore, #tpu.memory_space<semaphore_mem>>
    %dma_start3A_285 = tpu.memref_squeeze %dma_start3A_284 : memref<1x!tpu.dma_semaphore, #tpu.memory_space<semaphore_mem>> -> memref<!tpu.dma_semaphore, #tpu.memory_space<semaphore_mem>>
    %dma_start3A_286 = arith.constant 72 : i32
    %dma_start3A_287 = arith.constant 0 : i32
    %dma_start3A_288 = tpu.memref_slice %arg10[%dma_start3A_286, %dma_start3A_287] : memref<128x128xf32, #tpu.memory_space<vmem>> -> memref<8x128xf32, #tpu.memory_space<vmem>>
    %dma_start3A_289 = arith.constant 8 : i32
    %dma_start3A_290 = tpu.memref_slice %arg5[%dma_start3A_289, %multiple_of3A_238] : memref<32x1000000xf32, #tpu.memory_space<hbm>> -> memref<8x128xf32, #tpu.memory_space<hbm>>
    tpu.enqueue_dma source(%dma_start3A_290 : memref<8x128xf32, #tpu.memory_space<hbm>>) target(%dma_start3A_288 : memref<8x128xf32, #tpu.memory_space<vmem>>) target_semaphore(%dma_start3A_285 : memref<!tpu.dma_semaphore, #tpu.memory_space<semaphore_mem>>)
    %dma_start3A_291 = arith.constant 2 : i32
    %dma_start3A_292 = arith.constant 80 : i32
    %dma_start3A_293 = arith.constant 0 : i32
    %dma_start3A_294 = tpu.memref_slice %arg9[%dma_start3A_292, %dma_start3A_293] : memref<128x128xf32, #tpu.memory_space<vmem>> -> memref<8x128xf32, #tpu.memory_space<vmem>>
    %dma_start3A_295 = arith.constant 16 : i32
    %dma_start3A_296 = tpu.memref_slice %arg4[%dma_start3A_295, %multiple_of3A_237] : memref<32x1000000xf32, #tpu.memory_space<hbm>> -> memref<8x128xf32, #tpu.memory_space<hbm>>
    %dma_start3A_297 = tpu.memref_slice %arg12[%dma_start3A_291] : memref<4x!tpu.dma_semaphore, #tpu.memory_space<semaphore_mem>> -> memref<1x!tpu.dma_semaphore, #tpu.memory_space<semaphore_mem>>
    %dma_start3A_298 = tpu.memref_squeeze %dma_start3A_297 : memref<1x!tpu.dma_semaphore, #tpu.memory_space<semaphore_mem>> -> memref<!tpu.dma_semaphore, #tpu.memory_space<semaphore_mem>>
    %dma_start3A_299 = arith.constant 80 : i32
    %dma_start3A_300 = arith.constant 0 : i32
    %dma_start3A_301 = tpu.memref_slice %arg9[%dma_start3A_299, %dma_start3A_300] : memref<128x128xf32, #tpu.memory_space<vmem>> -> memref<8x128xf32, #tpu.memory_space<vmem>>
    %dma_start3A_302 = arith.constant 16 : i32
    %dma_start3A_303 = tpu.memref_slice %arg4[%dma_start3A_302, %multiple_of3A_237] : memref<32x1000000xf32, #tpu.memory_space<hbm>> -> memref<8x128xf32, #tpu.memory_space<hbm>>
    tpu.enqueue_dma source(%dma_start3A_303 : memref<8x128xf32, #tpu.memory_space<hbm>>) target(%dma_start3A_301 : memref<8x128xf32, #tpu.memory_space<vmem>>) target_semaphore(%dma_start3A_298 : memref<!tpu.dma_semaphore, #tpu.memory_space<semaphore_mem>>)
    %dma_start3A_304 = arith.constant 2 : i32
    %dma_start3A_305 = arith.constant 80 : i32
    %dma_start3A_306 = arith.constant 0 : i32
    %dma_start3A_307 = tpu.memref_slice %arg10[%dma_start3A_305, %dma_start3A_306] : memref<128x128xf32, #tpu.memory_space<vmem>> -> memref<8x128xf32, #tpu.memory_space<vmem>>
    %dma_start3A_308 = arith.constant 16 : i32
    %dma_start3A_309 = tpu.memref_slice %arg5[%dma_start3A_308, %multiple_of3A_238] : memref<32x1000000xf32, #tpu.memory_space<hbm>> -> memref<8x128xf32, #tpu.memory_space<hbm>>
    %dma_start3A_310 = tpu.memref_slice %arg13[%dma_start3A_304] : memref<4x!tpu.dma_semaphore, #tpu.memory_space<semaphore_mem>> -> memref<1x!tpu.dma_semaphore, #tpu.memory_space<semaphore_mem>>
    %dma_start3A_311 = tpu.memref_squeeze %dma_start3A_310 : memref<1x!tpu.dma_semaphore, #tpu.memory_space<semaphore_mem>> -> memref<!tpu.dma_semaphore, #tpu.memory_space<semaphore_mem>>
    %dma_start3A_312 = arith.constant 80 : i32
    %dma_start3A_313 = arith.constant 0 : i32
    %dma_start3A_314 = tpu.memref_slice %arg10[%dma_start3A_312, %dma_start3A_313] : memref<128x128xf32, #tpu.memory_space<vmem>> -> memref<8x128xf32, #tpu.memory_space<vmem>>
    %dma_start3A_315 = arith.constant 16 : i32
    %dma_start3A_316 = tpu.memref_slice %arg5[%dma_start3A_315, %multiple_of3A_238] : memref<32x1000000xf32, #tpu.memory_space<hbm>> -> memref<8x128xf32, #tpu.memory_space<hbm>>
    tpu.enqueue_dma source(%dma_start3A_316 : memref<8x128xf32, #tpu.memory_space<hbm>>) target(%dma_start3A_314 : memref<8x128xf32, #tpu.memory_space<vmem>>) target_semaphore(%dma_start3A_311 : memref<!tpu.dma_semaphore, #tpu.memory_space<semaphore_mem>>)
    %dma_start3A_317 = arith.constant 2 : i32
    %dma_start3A_318 = arith.constant 88 : i32
    %dma_start3A_319 = arith.constant 0 : i32
    %dma_start3A_320 = tpu.memref_slice %arg9[%dma_start3A_318, %dma_start3A_319] : memref<128x128xf32, #tpu.memory_space<vmem>> -> memref<8x128xf32, #tpu.memory_space<vmem>>
    %dma_start3A_321 = arith.constant 24 : i32
    %dma_start3A_322 = tpu.memref_slice %arg4[%dma_start3A_321, %multiple_of3A_237] : memref<32x1000000xf32, #tpu.memory_space<hbm>> -> memref<8x128xf32, #tpu.memory_space<hbm>>
    %dma_start3A_323 = tpu.memref_slice %arg12[%dma_start3A_317] : memref<4x!tpu.dma_semaphore, #tpu.memory_space<semaphore_mem>> -> memref<1x!tpu.dma_semaphore, #tpu.memory_space<semaphore_mem>>
    %dma_start3A_324 = tpu.memref_squeeze %dma_start3A_323 : memref<1x!tpu.dma_semaphore, #tpu.memory_space<semaphore_mem>> -> memref<!tpu.dma_semaphore, #tpu.memory_space<semaphore_mem>>
    %dma_start3A_325 = arith.constant 88 : i32
    %dma_start3A_326 = arith.constant 0 : i32
    %dma_start3A_327 = tpu.memref_slice %arg9[%dma_start3A_325, %dma_start3A_326] : memref<128x128xf32, #tpu.memory_space<vmem>> -> memref<8x128xf32, #tpu.memory_space<vmem>>
    %dma_start3A_328 = arith.constant 24 : i32
    %dma_start3A_329 = tpu.memref_slice %arg4[%dma_start3A_328, %multiple_of3A_237] : memref<32x1000000xf32, #tpu.memory_space<hbm>> -> memref<8x128xf32, #tpu.memory_space<hbm>>
    tpu.enqueue_dma source(%dma_start3A_329 : memref<8x128xf32, #tpu.memory_space<hbm>>) target(%dma_start3A_327 : memref<8x128xf32, #tpu.memory_space<vmem>>) target_semaphore(%dma_start3A_324 : memref<!tpu.dma_semaphore, #tpu.memory_space<semaphore_mem>>)
    %dma_start3A_330 = arith.constant 2 : i32
    %dma_start3A_331 = arith.constant 88 : i32
    %dma_start3A_332 = arith.constant 0 : i32
    %dma_start3A_333 = tpu.memref_slice %arg10[%dma_start3A_331, %dma_start3A_332] : memref<128x128xf32, #tpu.memory_space<vmem>> -> memref<8x128xf32, #tpu.memory_space<vmem>>
    %dma_start3A_334 = arith.constant 24 : i32
    %dma_start3A_335 = tpu.memref_slice %arg5[%dma_start3A_334, %multiple_of3A_238] : memref<32x1000000xf32, #tpu.memory_space<hbm>> -> memref<8x128xf32, #tpu.memory_space<hbm>>
    %dma_start3A_336 = tpu.memref_slice %arg13[%dma_start3A_330] : memref<4x!tpu.dma_semaphore, #tpu.memory_space<semaphore_mem>> -> memref<1x!tpu.dma_semaphore, #tpu.memory_space<semaphore_mem>>
    %dma_start3A_337 = tpu.memref_squeeze %dma_start3A_336 : memref<1x!tpu.dma_semaphore, #tpu.memory_space<semaphore_mem>> -> memref<!tpu.dma_semaphore, #tpu.memory_space<semaphore_mem>>
    %dma_start3A_338 = arith.constant 88 : i32
    %dma_start3A_339 = arith.constant 0 : i32
    %dma_start3A_340 = tpu.memref_slice %arg10[%dma_start3A_338, %dma_start3A_339] : memref<128x128xf32, #tpu.memory_space<vmem>> -> memref<8x128xf32, #tpu.memory_space<vmem>>
    %dma_start3A_341 = arith.constant 24 : i32
    %dma_start3A_342 = tpu.memref_slice %arg5[%dma_start3A_341, %multiple_of3A_238] : memref<32x1000000xf32, #tpu.memory_space<hbm>> -> memref<8x128xf32, #tpu.memory_space<hbm>>
    tpu.enqueue_dma source(%dma_start3A_342 : memref<8x128xf32, #tpu.memory_space<hbm>>) target(%dma_start3A_340 : memref<8x128xf32, #tpu.memory_space<vmem>>) target_semaphore(%dma_start3A_337 : memref<!tpu.dma_semaphore, #tpu.memory_space<semaphore_mem>>)
    %slice3A_343 = vector.extract_strided_slice %mul3A_10 {offsets = [3], sizes = [1], strides = [1]} : vector<16xi32> to vector<1xi32>
    %squeeze3A_344 = vector.extract %slice3A_343[0] : i32 from vector<1xi32>
    %slice3A_345 = vector.extract_strided_slice %mul3A_16 {offsets = [3], sizes = [1], strides = [1]} : vector<16xi32> to vector<1xi32>
    %squeeze3A_346 = vector.extract %slice3A_345[0] : i32 from vector<1xi32>
    %multiple_of3A_347 = tpu.assume_multiple %squeeze3A_344, 128 : i32
    %multiple_of3A_348 = tpu.assume_multiple %squeeze3A_346, 128 : i32
    %dma_start3A_349 = arith.constant 3 : i32
    %dma_start3A_350 = arith.constant 96 : i32
    %dma_start3A_351 = arith.constant 0 : i32
    %dma_start3A_352 = tpu.memref_slice %arg9[%dma_start3A_350, %dma_start3A_351] : memref<128x128xf32, #tpu.memory_space<vmem>> -> memref<8x128xf32, #tpu.memory_space<vmem>>
    %dma_start3A_353 = arith.constant 0 : i32
    %dma_start3A_354 = tpu.memref_slice %arg4[%dma_start3A_353, %multiple_of3A_347] : memref<32x1000000xf32, #tpu.memory_space<hbm>> -> memref<8x128xf32, #tpu.memory_space<hbm>>
    %dma_start3A_355 = tpu.memref_slice %arg12[%dma_start3A_349] : memref<4x!tpu.dma_semaphore, #tpu.memory_space<semaphore_mem>> -> memref<1x!tpu.dma_semaphore, #tpu.memory_space<semaphore_mem>>
    %dma_start3A_356 = tpu.memref_squeeze %dma_start3A_355 : memref<1x!tpu.dma_semaphore, #tpu.memory_space<semaphore_mem>> -> memref<!tpu.dma_semaphore, #tpu.memory_space<semaphore_mem>>
    %dma_start3A_357 = arith.constant 96 : i32
    %dma_start3A_358 = arith.constant 0 : i32
    %dma_start3A_359 = tpu.memref_slice %arg9[%dma_start3A_357, %dma_start3A_358] : memref<128x128xf32, #tpu.memory_space<vmem>> -> memref<8x128xf32, #tpu.memory_space<vmem>>
    %dma_start3A_360 = arith.constant 0 : i32
    %dma_start3A_361 = tpu.memref_slice %arg4[%dma_start3A_360, %multiple_of3A_347] : memref<32x1000000xf32, #tpu.memory_space<hbm>> -> memref<8x128xf32, #tpu.memory_space<hbm>>
    tpu.enqueue_dma source(%dma_start3A_361 : memref<8x128xf32, #tpu.memory_space<hbm>>) target(%dma_start3A_359 : memref<8x128xf32, #tpu.memory_space<vmem>>) target_semaphore(%dma_start3A_356 : memref<!tpu.dma_semaphore, #tpu.memory_space<semaphore_mem>>)
    %dma_start3A_362 = arith.constant 3 : i32
    %dma_start3A_363 = arith.constant 96 : i32
    %dma_start3A_364 = arith.constant 0 : i32
    %dma_start3A_365 = tpu.memref_slice %arg10[%dma_start3A_363, %dma_start3A_364] : memref<128x128xf32, #tpu.memory_space<vmem>> -> memref<8x128xf32, #tpu.memory_space<vmem>>
    %dma_start3A_366 = arith.constant 0 : i32
    %dma_start3A_367 = tpu.memref_slice %arg5[%dma_start3A_366, %multiple_of3A_348] : memref<32x1000000xf32, #tpu.memory_space<hbm>> -> memref<8x128xf32, #tpu.memory_space<hbm>>
    %dma_start3A_368 = tpu.memref_slice %arg13[%dma_start3A_362] : memref<4x!tpu.dma_semaphore, #tpu.memory_space<semaphore_mem>> -> memref<1x!tpu.dma_semaphore, #tpu.memory_space<semaphore_mem>>
    %dma_start3A_369 = tpu.memref_squeeze %dma_start3A_368 : memref<1x!tpu.dma_semaphore, #tpu.memory_space<semaphore_mem>> -> memref<!tpu.dma_semaphore, #tpu.memory_space<semaphore_mem>>
    %dma_start3A_370 = arith.constant 96 : i32
    %dma_start3A_371 = arith.constant 0 : i32
    %dma_start3A_372 = tpu.memref_slice %arg10[%dma_start3A_370, %dma_start3A_371] : memref<128x128xf32, #tpu.memory_space<vmem>> -> memref<8x128xf32, #tpu.memory_space<vmem>>
    %dma_start3A_373 = arith.constant 0 : i32
    %dma_start3A_374 = tpu.memref_slice %arg5[%dma_start3A_373, %multiple_of3A_348] : memref<32x1000000xf32, #tpu.memory_space<hbm>> -> memref<8x128xf32, #tpu.memory_space<hbm>>
    tpu.enqueue_dma source(%dma_start3A_374 : memref<8x128xf32, #tpu.memory_space<hbm>>) target(%dma_start3A_372 : memref<8x128xf32, #tpu.memory_space<vmem>>) target_semaphore(%dma_start3A_369 : memref<!tpu.dma_semaphore, #tpu.memory_space<semaphore_mem>>)
    %dma_start3A_375 = arith.constant 3 : i32
    %dma_start3A_376 = arith.constant 104 : i32
    %dma_start3A_377 = arith.constant 0 : i32
    %dma_start3A_378 = tpu.memref_slice %arg9[%dma_start3A_376, %dma_start3A_377] : memref<128x128xf32, #tpu.memory_space<vmem>> -> memref<8x128xf32, #tpu.memory_space<vmem>>
    %dma_start3A_379 = arith.constant 8 : i32
    %dma_start3A_380 = tpu.memref_slice %arg4[%dma_start3A_379, %multiple_of3A_347] : memref<32x1000000xf32, #tpu.memory_space<hbm>> -> memref<8x128xf32, #tpu.memory_space<hbm>>
    %dma_start3A_381 = tpu.memref_slice %arg12[%dma_start3A_375] : memref<4x!tpu.dma_semaphore, #tpu.memory_space<semaphore_mem>> -> memref<1x!tpu.dma_semaphore, #tpu.memory_space<semaphore_mem>>
    %dma_start3A_382 = tpu.memref_squeeze %dma_start3A_381 : memref<1x!tpu.dma_semaphore, #tpu.memory_space<semaphore_mem>> -> memref<!tpu.dma_semaphore, #tpu.memory_space<semaphore_mem>>
    %dma_start3A_383 = arith.constant 104 : i32
    %dma_start3A_384 = arith.constant 0 : i32
    %dma_start3A_385 = tpu.memref_slice %arg9[%dma_start3A_383, %dma_start3A_384] : memref<128x128xf32, #tpu.memory_space<vmem>> -> memref<8x128xf32, #tpu.memory_space<vmem>>
    %dma_start3A_386 = arith.constant 8 : i32
    %dma_start3A_387 = tpu.memref_slice %arg4[%dma_start3A_386, %multiple_of3A_347] : memref<32x1000000xf32, #tpu.memory_space<hbm>> -> memref<8x128xf32, #tpu.memory_space<hbm>>
    tpu.enqueue_dma source(%dma_start3A_387 : memref<8x128xf32, #tpu.memory_space<hbm>>) target(%dma_start3A_385 : memref<8x128xf32, #tpu.memory_space<vmem>>) target_semaphore(%dma_start3A_382 : memref<!tpu.dma_semaphore, #tpu.memory_space<semaphore_mem>>)
    %dma_start3A_388 = arith.constant 3 : i32
    %dma_start3A_389 = arith.constant 104 : i32
    %dma_start3A_390 = arith.constant 0 : i32
    %dma_start3A_391 = tpu.memref_slice %arg10[%dma_start3A_389, %dma_start3A_390] : memref<128x128xf32, #tpu.memory_space<vmem>> -> memref<8x128xf32, #tpu.memory_space<vmem>>
    %dma_start3A_392 = arith.constant 8 : i32
    %dma_start3A_393 = tpu.memref_slice %arg5[%dma_start3A_392, %multiple_of3A_348] : memref<32x1000000xf32, #tpu.memory_space<hbm>> -> memref<8x128xf32, #tpu.memory_space<hbm>>
    %dma_start3A_394 = tpu.memref_slice %arg13[%dma_start3A_388] : memref<4x!tpu.dma_semaphore, #tpu.memory_space<semaphore_mem>> -> memref<1x!tpu.dma_semaphore, #tpu.memory_space<semaphore_mem>>
    %dma_start3A_395 = tpu.memref_squeeze %dma_start3A_394 : memref<1x!tpu.dma_semaphore, #tpu.memory_space<semaphore_mem>> -> memref<!tpu.dma_semaphore, #tpu.memory_space<semaphore_mem>>
    %dma_start3A_396 = arith.constant 104 : i32
    %dma_start3A_397 = arith.constant 0 : i32
    %dma_start3A_398 = tpu.memref_slice %arg10[%dma_start3A_396, %dma_start3A_397] : memref<128x128xf32, #tpu.memory_space<vmem>> -> memref<8x128xf32, #tpu.memory_space<vmem>>
    %dma_start3A_399 = arith.constant 8 : i32
    %dma_start3A_400 = tpu.memref_slice %arg5[%dma_start3A_399, %multiple_of3A_348] : memref<32x1000000xf32, #tpu.memory_space<hbm>> -> memref<8x128xf32, #tpu.memory_space<hbm>>
    tpu.enqueue_dma source(%dma_start3A_400 : memref<8x128xf32, #tpu.memory_space<hbm>>) target(%dma_start3A_398 : memref<8x128xf32, #tpu.memory_space<vmem>>) target_semaphore(%dma_start3A_395 : memref<!tpu.dma_semaphore, #tpu.memory_space<semaphore_mem>>)
    %dma_start3A_401 = arith.constant 3 : i32
    %dma_start3A_402 = arith.constant 112 : i32
    %dma_start3A_403 = arith.constant 0 : i32
    %dma_start3A_404 = tpu.memref_slice %arg9[%dma_start3A_402, %dma_start3A_403] : memref<128x128xf32, #tpu.memory_space<vmem>> -> memref<8x128xf32, #tpu.memory_space<vmem>>
    %dma_start3A_405 = arith.constant 16 : i32
    %dma_start3A_406 = tpu.memref_slice %arg4[%dma_start3A_405, %multiple_of3A_347] : memref<32x1000000xf32, #tpu.memory_space<hbm>> -> memref<8x128xf32, #tpu.memory_space<hbm>>
    %dma_start3A_407 = tpu.memref_slice %arg12[%dma_start3A_401] : memref<4x!tpu.dma_semaphore, #tpu.memory_space<semaphore_mem>> -> memref<1x!tpu.dma_semaphore, #tpu.memory_space<semaphore_mem>>
    %dma_start3A_408 = tpu.memref_squeeze %dma_start3A_407 : memref<1x!tpu.dma_semaphore, #tpu.memory_space<semaphore_mem>> -> memref<!tpu.dma_semaphore, #tpu.memory_space<semaphore_mem>>
    %dma_start3A_409 = arith.constant 112 : i32
    %dma_start3A_410 = arith.constant 0 : i32
    %dma_start3A_411 = tpu.memref_slice %arg9[%dma_start3A_409, %dma_start3A_410] : memref<128x128xf32, #tpu.memory_space<vmem>> -> memref<8x128xf32, #tpu.memory_space<vmem>>
    %dma_start3A_412 = arith.constant 16 : i32
    %dma_start3A_413 = tpu.memref_slice %arg4[%dma_start3A_412, %multiple_of3A_347] : memref<32x1000000xf32, #tpu.memory_space<hbm>> -> memref<8x128xf32, #tpu.memory_space<hbm>>
    tpu.enqueue_dma source(%dma_start3A_413 : memref<8x128xf32, #tpu.memory_space<hbm>>) target(%dma_start3A_411 : memref<8x128xf32, #tpu.memory_space<vmem>>) target_semaphore(%dma_start3A_408 : memref<!tpu.dma_semaphore, #tpu.memory_space<semaphore_mem>>)
    %dma_start3A_414 = arith.constant 3 : i32
    %dma_start3A_415 = arith.constant 112 : i32
    %dma_start3A_416 = arith.constant 0 : i32
    %dma_start3A_417 = tpu.memref_slice %arg10[%dma_start3A_415, %dma_start3A_416] : memref<128x128xf32, #tpu.memory_space<vmem>> -> memref<8x128xf32, #tpu.memory_space<vmem>>
    %dma_start3A_418 = arith.constant 16 : i32
    %dma_start3A_419 = tpu.memref_slice %arg5[%dma_start3A_418, %multiple_of3A_348] : memref<32x1000000xf32, #tpu.memory_space<hbm>> -> memref<8x128xf32, #tpu.memory_space<hbm>>
    %dma_start3A_420 = tpu.memref_slice %arg13[%dma_start3A_414] : memref<4x!tpu.dma_semaphore, #tpu.memory_space<semaphore_mem>> -> memref<1x!tpu.dma_semaphore, #tpu.memory_space<semaphore_mem>>
    %dma_start3A_421 = tpu.memref_squeeze %dma_start3A_420 : memref<1x!tpu.dma_semaphore, #tpu.memory_space<semaphore_mem>> -> memref<!tpu.dma_semaphore, #tpu.memory_space<semaphore_mem>>
    %dma_start3A_422 = arith.constant 112 : i32
    %dma_start3A_423 = arith.constant 0 : i32
    %dma_start3A_424 = tpu.memref_slice %arg10[%dma_start3A_422, %dma_start3A_423] : memref<128x128xf32, #tpu.memory_space<vmem>> -> memref<8x128xf32, #tpu.memory_space<vmem>>
    %dma_start3A_425 = arith.constant 16 : i32
    %dma_start3A_426 = tpu.memref_slice %arg5[%dma_start3A_425, %multiple_of3A_348] : memref<32x1000000xf32, #tpu.memory_space<hbm>> -> memref<8x128xf32, #tpu.memory_space<hbm>>
    tpu.enqueue_dma source(%dma_start3A_426 : memref<8x128xf32, #tpu.memory_space<hbm>>) target(%dma_start3A_424 : memref<8x128xf32, #tpu.memory_space<vmem>>) target_semaphore(%dma_start3A_421 : memref<!tpu.dma_semaphore, #tpu.memory_space<semaphore_mem>>)
    %dma_start3A_427 = arith.constant 3 : i32
    %dma_start3A_428 = arith.constant 120 : i32
    %dma_start3A_429 = arith.constant 0 : i32
    %dma_start3A_430 = tpu.memref_slice %arg9[%dma_start3A_428, %dma_start3A_429] : memref<128x128xf32, #tpu.memory_space<vmem>> -> memref<8x128xf32, #tpu.memory_space<vmem>>
    %dma_start3A_431 = arith.constant 24 : i32
    %dma_start3A_432 = tpu.memref_slice %arg4[%dma_start3A_431, %multiple_of3A_347] : memref<32x1000000xf32, #tpu.memory_space<hbm>> -> memref<8x128xf32, #tpu.memory_space<hbm>>
    %dma_start3A_433 = tpu.memref_slice %arg12[%dma_start3A_427] : memref<4x!tpu.dma_semaphore, #tpu.memory_space<semaphore_mem>> -> memref<1x!tpu.dma_semaphore, #tpu.memory_space<semaphore_mem>>
    %dma_start3A_434 = tpu.memref_squeeze %dma_start3A_433 : memref<1x!tpu.dma_semaphore, #tpu.memory_space<semaphore_mem>> -> memref<!tpu.dma_semaphore, #tpu.memory_space<semaphore_mem>>
    %dma_start3A_435 = arith.constant 120 : i32
    %dma_start3A_436 = arith.constant 0 : i32
    %dma_start3A_437 = tpu.memref_slice %arg9[%dma_start3A_435, %dma_start3A_436] : memref<128x128xf32, #tpu.memory_space<vmem>> -> memref<8x128xf32, #tpu.memory_space<vmem>>
    %dma_start3A_438 = arith.constant 24 : i32
    %dma_start3A_439 = tpu.memref_slice %arg4[%dma_start3A_438, %multiple_of3A_347] : memref<32x1000000xf32, #tpu.memory_space<hbm>> -> memref<8x128xf32, #tpu.memory_space<hbm>>
    tpu.enqueue_dma source(%dma_start3A_439 : memref<8x128xf32, #tpu.memory_space<hbm>>) target(%dma_start3A_437 : memref<8x128xf32, #tpu.memory_space<vmem>>) target_semaphore(%dma_start3A_434 : memref<!tpu.dma_semaphore, #tpu.memory_space<semaphore_mem>>)
    %dma_start3A_440 = arith.constant 3 : i32
    %dma_start3A_441 = arith.constant 120 : i32
    %dma_start3A_442 = arith.constant 0 : i32
    %dma_start3A_443 = tpu.memref_slice %arg10[%dma_start3A_441, %dma_start3A_442] : memref<128x128xf32, #tpu.memory_space<vmem>> -> memref<8x128xf32, #tpu.memory_space<vmem>>
    %dma_start3A_444 = arith.constant 24 : i32
    %dma_start3A_445 = tpu.memref_slice %arg5[%dma_start3A_444, %multiple_of3A_348] : memref<32x1000000xf32, #tpu.memory_space<hbm>> -> memref<8x128xf32, #tpu.memory_space<hbm>>
    %dma_start3A_446 = tpu.memref_slice %arg13[%dma_start3A_440] : memref<4x!tpu.dma_semaphore, #tpu.memory_space<semaphore_mem>> -> memref<1x!tpu.dma_semaphore, #tpu.memory_space<semaphore_mem>>
    %dma_start3A_447 = tpu.memref_squeeze %dma_start3A_446 : memref<1x!tpu.dma_semaphore, #tpu.memory_space<semaphore_mem>> -> memref<!tpu.dma_semaphore, #tpu.memory_space<semaphore_mem>>
    %dma_start3A_448 = arith.constant 120 : i32
    %dma_start3A_449 = arith.constant 0 : i32
    %dma_start3A_450 = tpu.memref_slice %arg10[%dma_start3A_448, %dma_start3A_449] : memref<128x128xf32, #tpu.memory_space<vmem>> -> memref<8x128xf32, #tpu.memory_space<vmem>>
    %dma_start3A_451 = arith.constant 24 : i32
    %dma_start3A_452 = tpu.memref_slice %arg5[%dma_start3A_451, %multiple_of3A_348] : memref<32x1000000xf32, #tpu.memory_space<hbm>> -> memref<8x128xf32, #tpu.memory_space<hbm>>
    tpu.enqueue_dma source(%dma_start3A_452 : memref<8x128xf32, #tpu.memory_space<hbm>>) target(%dma_start3A_450 : memref<8x128xf32, #tpu.memory_space<vmem>>) target_semaphore(%dma_start3A_447 : memref<!tpu.dma_semaphore, #tpu.memory_space<semaphore_mem>>)
    %scan3A = arith.constant 0 : i32
    %scan3A_453 = arith.constant 0 : i32
    %scan3A_454 = arith.constant 32 : i32
    %scan3A_455 = arith.addi %scan3A_453, %scan3A_454 : i32
    %scan3A_456 = arith.constant 1 : i32
    scf.for %scan3A_577 = %scan3A_453 to %scan3A_455 step %scan3A_456  : i32 {
      %mul3A_578 = arith.constant 16 : i32
      %mul3A_579 = arith.muli %scan3A_577, %mul3A_578 : i32
      %get3A_580 = arith.index_cast %mul3A_579 : i32 to index
      %get3A_581 = tpu.vector_load %arg7[%get3A_580] {strides = array<i32>} : memref<512xi32, #tpu.memory_space<vmem>>, vector<16xi32>,
      %mul3A_582 = arith.constant 16 : i32
      %mul3A_583 = arith.muli %scan3A_577, %mul3A_582 : i32
      %get3A_584 = arith.index_cast %mul3A_583 : i32 to index
      %get3A_585 = tpu.vector_load %arg8[%get3A_584] {strides = array<i32>} : memref<512xi32, #tpu.memory_space<vmem>>, vector<16xi32>,
      %shift_right_arithmetic3A_586 = arith.constant 7 : i32
      %shift_right_arithmetic3A_587 = vector.broadcast %shift_right_arithmetic3A_586 : i32 to vector<16xi32>
      %shift_right_arithmetic3A_588 = arith.shrsi %get3A_581, %shift_right_arithmetic3A_587 : vector<16xi32>
      %mul3A_589 = arith.constant 128 : i32
      %mul3A_590 = vector.broadcast %mul3A_589 : i32 to vector<16xi32>
      %mul3A_591 = arith.muli %shift_right_arithmetic3A_588, %mul3A_590 : vector<16xi32>
      %shift_right_arithmetic3A_592 = arith.constant 7 : i32
      %shift_right_arithmetic3A_593 = vector.broadcast %shift_right_arithmetic3A_592 : i32 to vector<16xi32>
      %shift_right_arithmetic3A_594 = arith.shrsi %get3A_585, %shift_right_arithmetic3A_593 : vector<16xi32>
      %mul3A_595 = arith.constant 128 : i32
      %mul3A_596 = vector.broadcast %mul3A_595 : i32 to vector<16xi32>
      %mul3A_597 = arith.muli %shift_right_arithmetic3A_594, %mul3A_596 : vector<16xi32>
      %sub3A = arith.subi %get3A_581, %mul3A_591 : vector<16xi32>
      %sub3A_598 = arith.subi %get3A_585, %mul3A_597 : vector<16xi32>
      %add3A_599 = arith.constant 1 : i32
      %add3A_600 = arith.addi %scan3A_577, %add3A_599 : i32
      %min3A = arith.constant 31 : i32
      %min3A_601 = arith.minsi %add3A_600, %min3A : i32
      %mul3A_602 = arith.constant 16 : i32
      %mul3A_603 = arith.muli %min3A_601, %mul3A_602 : i32
      %get3A_604 = arith.index_cast %mul3A_603 : i32 to index
      %get3A_605 = tpu.vector_load %arg7[%get3A_604] {strides = array<i32>} : memref<512xi32, #tpu.memory_space<vmem>>, vector<16xi32>,
      %mul3A_606 = arith.constant 16 : i32
      %mul3A_607 = arith.muli %min3A_601, %mul3A_606 : i32
      %get3A_608 = arith.index_cast %mul3A_607 : i32 to index
      %get3A_609 = tpu.vector_load %arg8[%get3A_608] {strides = array<i32>} : memref<512xi32, #tpu.memory_space<vmem>>, vector<16xi32>,
      %shift_right_arithmetic3A_610 = arith.constant 7 : i32
      %shift_right_arithmetic3A_611 = vector.broadcast %shift_right_arithmetic3A_610 : i32 to vector<16xi32>
      %shift_right_arithmetic3A_612 = arith.shrsi %get3A_605, %shift_right_arithmetic3A_611 : vector<16xi32>
      %mul3A_613 = arith.constant 128 : i32
      %mul3A_614 = vector.broadcast %mul3A_613 : i32 to vector<16xi32>
      %mul3A_615 = arith.muli %shift_right_arithmetic3A_612, %mul3A_614 : vector<16xi32>
      %shift_right_arithmetic3A_616 = arith.constant 7 : i32
      %shift_right_arithmetic3A_617 = vector.broadcast %shift_right_arithmetic3A_616 : i32 to vector<16xi32>
      %shift_right_arithmetic3A_618 = arith.shrsi %get3A_609, %shift_right_arithmetic3A_617 : vector<16xi32>
      %mul3A_619 = arith.constant 128 : i32
      %mul3A_620 = vector.broadcast %mul3A_619 : i32 to vector<16xi32>
      %mul3A_621 = arith.muli %shift_right_arithmetic3A_618, %mul3A_620 : vector<16xi32>
      %broadcast_in_dim3A = arith.constant 0.000000e+00 : f32
      %broadcast_in_dim3A_622 = vector.broadcast %broadcast_in_dim3A : f32 to vector<16xf32>
      %dma_wait3A_623 = arith.constant 0 : i32
      %dma_wait3A_624 = arith.constant 0 : i32
      %dma_wait3A_625 = arith.constant 0 : i32
      %dma_wait3A_626 = tpu.memref_slice %arg9[%dma_wait3A_624, %dma_wait3A_625] : memref<128x128xf32, #tpu.memory_space<vmem>> -> memref<32x128xf32, #tpu.memory_space<vmem>>
      %dma_wait3A_627 = arith.constant 0 : i32
      %dma_wait3A_628 = arith.constant 0 : i32
      %dma_wait3A_629 = tpu.memref_slice %arg4[%dma_wait3A_627, %dma_wait3A_628] : memref<32x1000000xf32, #tpu.memory_space<hbm>> -> memref<32x128xf32, #tpu.memory_space<hbm>>
      %dma_wait3A_630 = tpu.memref_slice %arg12[%dma_wait3A_623] : memref<4x!tpu.dma_semaphore, #tpu.memory_space<semaphore_mem>> -> memref<1x!tpu.dma_semaphore, #tpu.memory_space<semaphore_mem>>
      %dma_wait3A_631 = tpu.memref_squeeze %dma_wait3A_630 : memref<1x!tpu.dma_semaphore, #tpu.memory_space<semaphore_mem>> -> memref<!tpu.dma_semaphore, #tpu.memory_space<semaphore_mem>>
      %dma_wait3A_632 = arith.constant 0 : i32
      %dma_wait3A_633 = arith.constant 0 : i32
      %dma_wait3A_634 = tpu.memref_slice %arg9[%dma_wait3A_632, %dma_wait3A_633] : memref<128x128xf32, #tpu.memory_space<vmem>> -> memref<32x128xf32, #tpu.memory_space<vmem>>
      %dma_wait3A_635 = arith.constant 0 : i32
      %dma_wait3A_636 = arith.constant 0 : i32
      %dma_wait3A_637 = tpu.memref_slice %arg4[%dma_wait3A_635, %dma_wait3A_636] : memref<32x1000000xf32, #tpu.memory_space<hbm>> -> memref<32x128xf32, #tpu.memory_space<hbm>>
      tpu.wait_dma2 semaphore(%dma_wait3A_631 : memref<!tpu.dma_semaphore, #tpu.memory_space<semaphore_mem>>) src(%dma_wait3A_637 : memref<32x128xf32, #tpu.memory_space<hbm>>) dst(%dma_wait3A_634 : memref<32x128xf32, #tpu.memory_space<vmem>>)
      %dma_wait3A_638 = arith.constant 0 : i32
      %dma_wait3A_639 = arith.constant 0 : i32
      %dma_wait3A_640 = arith.constant 0 : i32
      %dma_wait3A_641 = tpu.memref_slice %arg10[%dma_wait3A_639, %dma_wait3A_640] : memref<128x128xf32, #tpu.memory_space<vmem>> -> memref<32x128xf32, #tpu.memory_space<vmem>>
      %dma_wait3A_642 = arith.constant 0 : i32
      %dma_wait3A_643 = arith.constant 0 : i32
      %dma_wait3A_644 = tpu.memref_slice %arg5[%dma_wait3A_642, %dma_wait3A_643] : memref<32x1000000xf32, #tpu.memory_space<hbm>> -> memref<32x128xf32, #tpu.memory_space<hbm>>
      %dma_wait3A_645 = tpu.memref_slice %arg13[%dma_wait3A_638] : memref<4x!tpu.dma_semaphore, #tpu.memory_space<semaphore_mem>> -> memref<1x!tpu.dma_semaphore, #tpu.memory_space<semaphore_mem>>
      %dma_wait3A_646 = tpu.memref_squeeze %dma_wait3A_645 : memref<1x!tpu.dma_semaphore, #tpu.memory_space<semaphore_mem>> -> memref<!tpu.dma_semaphore, #tpu.memory_space<semaphore_mem>>
      %dma_wait3A_647 = arith.constant 0 : i32
      %dma_wait3A_648 = arith.constant 0 : i32
      %dma_wait3A_649 = tpu.memref_slice %arg10[%dma_wait3A_647, %dma_wait3A_648] : memref<128x128xf32, #tpu.memory_space<vmem>> -> memref<32x128xf32, #tpu.memory_space<vmem>>
      %dma_wait3A_650 = arith.constant 0 : i32
      %dma_wait3A_651 = arith.constant 0 : i32
      %dma_wait3A_652 = tpu.memref_slice %arg5[%dma_wait3A_650, %dma_wait3A_651] : memref<32x1000000xf32, #tpu.memory_space<hbm>> -> memref<32x128xf32, #tpu.memory_space<hbm>>
      tpu.wait_dma2 semaphore(%dma_wait3A_646 : memref<!tpu.dma_semaphore, #tpu.memory_space<semaphore_mem>>) src(%dma_wait3A_652 : memref<32x128xf32, #tpu.memory_space<hbm>>) dst(%dma_wait3A_649 : memref<32x128xf32, #tpu.memory_space<vmem>>)
      %broadcast_in_dim3A_653 = arith.constant 0 : i32
      %broadcast_in_dim3A_654 = vector.broadcast %broadcast_in_dim3A_653 : i32 to vector<16xi32>
      %add3A_655 = arith.addi %broadcast_in_dim3A_654, %iota3A : vector<16xi32>
      %broadcast_in_dim3A_656 = arith.constant 1 : i32
      %broadcast_in_dim3A_657 = vector.broadcast %broadcast_in_dim3A_656 : i32 to vector<16xi32>
      %slice3A_658 = vector.extract_strided_slice %sub3A {offsets = [0], sizes = [1], strides = [1]} : vector<16xi32> to vector<1xi32>
      %squeeze3A_659 = vector.extract %slice3A_658[0] : i32 from vector<1xi32>
      %mul3A_660 = vector.broadcast %squeeze3A_659 : i32 to vector<16xi32>
      %mul3A_661 = arith.muli %broadcast_in_dim3A_657, %mul3A_660 : vector<16xi32>
      %broadcast_in_dim3A_662 = arith.constant 1 : i32
      %broadcast_in_dim3A_663 = vector.broadcast %broadcast_in_dim3A_662 : i32 to vector<16xi32>
      %slice3A_664 = vector.extract_strided_slice %sub3A_598 {offsets = [0], sizes = [1], strides = [1]} : vector<16xi32> to vector<1xi32>
      %squeeze3A_665 = vector.extract %slice3A_664[0] : i32 from vector<1xi32>
      %mul3A_666 = vector.broadcast %squeeze3A_665 : i32 to vector<16xi32>
      %mul3A_667 = arith.muli %broadcast_in_dim3A_663, %mul3A_666 : vector<16xi32>
      %gather3A = tpu.vector_load_idx %arg9[%add3A_655, %mul3A_661] : memref<128x128xf32, #tpu.memory_space<vmem>>[vector<16xi32>, vector<16xi32>], vector<16xf32>,
      %add3A_668 = arith.constant 16 : i32
      %add3A_669 = vector.broadcast %add3A_668 : i32 to vector<16xi32>
      %add3A_670 = arith.addi %add3A_655, %add3A_669 : vector<16xi32>
      %gather3A_671 = tpu.vector_load_idx %arg9[%add3A_670, %mul3A_661] : memref<128x128xf32, #tpu.memory_space<vmem>>[vector<16xi32>, vector<16xi32>], vector<16xf32>,
      %gather3A_672 = tpu.vector_load_idx %arg10[%add3A_655, %mul3A_667] : memref<128x128xf32, #tpu.memory_space<vmem>>[vector<16xi32>, vector<16xi32>], vector<16xf32>,
      %add3A_673 = arith.constant 16 : i32
      %add3A_674 = vector.broadcast %add3A_673 : i32 to vector<16xi32>
      %add3A_675 = arith.addi %add3A_655, %add3A_674 : vector<16xi32>
      %gather3A_676 = tpu.vector_load_idx %arg10[%add3A_675, %mul3A_667] : memref<128x128xf32, #tpu.memory_space<vmem>>[vector<16xi32>, vector<16xi32>], vector<16xf32>,
      %mul3A_677 = arith.mulf %gather3A, %gather3A_672 : vector<16xf32>
      %mul3A_678 = arith.mulf %gather3A_671, %gather3A_676 : vector<16xf32>
      %add3A_679 = arith.addf %mul3A_677, %mul3A_678 : vector<16xf32>
      %reduce_sum3A = arith.constant true
      %reduce_sum3A_680 = vector.broadcast %reduce_sum3A : i1 to vector<16xi1>
      %reduce_sum3A_681 = tpu.scan <sum>, %add3A_679 masked %reduce_sum3A_680 : vector<16xf32>, vector<16xi1> -> vector<16xf32>
      %reduce_sum3A_682 = vector.extract %reduce_sum3A_681[15] : f32 from vector<16xf32>
      %eq3A = arith.constant 0 : i32
      %eq3A_683 = vector.broadcast %eq3A : i32 to vector<16xi32>
      %eq3A_684 = arith.cmpi eq, %iota3A, %eq3A_683 : vector<16xi32>
      %broadcast_in_dim3A_685 = vector.broadcast %reduce_sum3A_682 : f32 to vector<16xf32>
      %select_n3A = arith.select %eq3A_684, %broadcast_in_dim3A_685, %broadcast_in_dim3A_622 : vector<16xi1>, vector<16xf32>
      %slice3A_686 = vector.extract_strided_slice %mul3A_591 {offsets = [4], sizes = [1], strides = [1]} : vector<16xi32> to vector<1xi32>
      %squeeze3A_687 = vector.extract %slice3A_686[0] : i32 from vector<1xi32>
      %slice3A_688 = vector.extract_strided_slice %mul3A_597 {offsets = [4], sizes = [1], strides = [1]} : vector<16xi32> to vector<1xi32>
      %squeeze3A_689 = vector.extract %slice3A_688[0] : i32 from vector<1xi32>
      %multiple_of3A_690 = tpu.assume_multiple %squeeze3A_687, 128 : i32
      %multiple_of3A_691 = tpu.assume_multiple %squeeze3A_689, 128 : i32
      %dma_start3A_692 = arith.constant 0 : i32
      %dma_start3A_693 = arith.constant 0 : i32
      %dma_start3A_694 = arith.constant 0 : i32
      %dma_start3A_695 = tpu.memref_slice %arg9[%dma_start3A_693, %dma_start3A_694] : memref<128x128xf32, #tpu.memory_space<vmem>> -> memref<8x128xf32, #tpu.memory_space<vmem>>
      %dma_start3A_696 = arith.constant 0 : i32
      %dma_start3A_697 = tpu.memref_slice %arg4[%dma_start3A_696, %multiple_of3A_690] : memref<32x1000000xf32, #tpu.memory_space<hbm>> -> memref<8x128xf32, #tpu.memory_space<hbm>>
      %dma_start3A_698 = tpu.memref_slice %arg12[%dma_start3A_692] : memref<4x!tpu.dma_semaphore, #tpu.memory_space<semaphore_mem>> -> memref<1x!tpu.dma_semaphore, #tpu.memory_space<semaphore_mem>>
      %dma_start3A_699 = tpu.memref_squeeze %dma_start3A_698 : memref<1x!tpu.dma_semaphore, #tpu.memory_space<semaphore_mem>> -> memref<!tpu.dma_semaphore, #tpu.memory_space<semaphore_mem>>
      %dma_start3A_700 = arith.constant 0 : i32
      %dma_start3A_701 = arith.constant 0 : i32
      %dma_start3A_702 = tpu.memref_slice %arg9[%dma_start3A_700, %dma_start3A_701] : memref<128x128xf32, #tpu.memory_space<vmem>> -> memref<8x128xf32, #tpu.memory_space<vmem>>
      %dma_start3A_703 = arith.constant 0 : i32
      %dma_start3A_704 = tpu.memref_slice %arg4[%dma_start3A_703, %multiple_of3A_690] : memref<32x1000000xf32, #tpu.memory_space<hbm>> -> memref<8x128xf32, #tpu.memory_space<hbm>>
      tpu.enqueue_dma source(%dma_start3A_704 : memref<8x128xf32, #tpu.memory_space<hbm>>) target(%dma_start3A_702 : memref<8x128xf32, #tpu.memory_space<vmem>>) target_semaphore(%dma_start3A_699 : memref<!tpu.dma_semaphore, #tpu.memory_space<semaphore_mem>>)
      %dma_start3A_705 = arith.constant 0 : i32
      %dma_start3A_706 = arith.constant 0 : i32
      %dma_start3A_707 = arith.constant 0 : i32
      %dma_start3A_708 = tpu.memref_slice %arg10[%dma_start3A_706, %dma_start3A_707] : memref<128x128xf32, #tpu.memory_space<vmem>> -> memref<8x128xf32, #tpu.memory_space<vmem>>
      %dma_start3A_709 = arith.constant 0 : i32
      %dma_start3A_710 = tpu.memref_slice %arg5[%dma_start3A_709, %multiple_of3A_691] : memref<32x1000000xf32, #tpu.memory_space<hbm>> -> memref<8x128xf32, #tpu.memory_space<hbm>>
      %dma_start3A_711 = tpu.memref_slice %arg13[%dma_start3A_705] : memref<4x!tpu.dma_semaphore, #tpu.memory_space<semaphore_mem>> -> memref<1x!tpu.dma_semaphore, #tpu.memory_space<semaphore_mem>>
      %dma_start3A_712 = tpu.memref_squeeze %dma_start3A_711 : memref<1x!tpu.dma_semaphore, #tpu.memory_space<semaphore_mem>> -> memref<!tpu.dma_semaphore, #tpu.memory_space<semaphore_mem>>
      %dma_start3A_713 = arith.constant 0 : i32
      %dma_start3A_714 = arith.constant 0 : i32
      %dma_start3A_715 = tpu.memref_slice %arg10[%dma_start3A_713, %dma_start3A_714] : memref<128x128xf32, #tpu.memory_space<vmem>> -> memref<8x128xf32, #tpu.memory_space<vmem>>
      %dma_start3A_716 = arith.constant 0 : i32
      %dma_start3A_717 = tpu.memref_slice %arg5[%dma_start3A_716, %multiple_of3A_691] : memref<32x1000000xf32, #tpu.memory_space<hbm>> -> memref<8x128xf32, #tpu.memory_space<hbm>>
      tpu.enqueue_dma source(%dma_start3A_717 : memref<8x128xf32, #tpu.memory_space<hbm>>) target(%dma_start3A_715 : memref<8x128xf32, #tpu.memory_space<vmem>>) target_semaphore(%dma_start3A_712 : memref<!tpu.dma_semaphore, #tpu.memory_space<semaphore_mem>>)
      %dma_start3A_718 = arith.constant 0 : i32
      %dma_start3A_719 = arith.constant 8 : i32
      %dma_start3A_720 = arith.constant 0 : i32
      %dma_start3A_721 = tpu.memref_slice %arg9[%dma_start3A_719, %dma_start3A_720] : memref<128x128xf32, #tpu.memory_space<vmem>> -> memref<8x128xf32, #tpu.memory_space<vmem>>
      %dma_start3A_722 = arith.constant 8 : i32
      %dma_start3A_723 = tpu.memref_slice %arg4[%dma_start3A_722, %multiple_of3A_690] : memref<32x1000000xf32, #tpu.memory_space<hbm>> -> memref<8x128xf32, #tpu.memory_space<hbm>>
      %dma_start3A_724 = tpu.memref_slice %arg12[%dma_start3A_718] : memref<4x!tpu.dma_semaphore, #tpu.memory_space<semaphore_mem>> -> memref<1x!tpu.dma_semaphore, #tpu.memory_space<semaphore_mem>>
      %dma_start3A_725 = tpu.memref_squeeze %dma_start3A_724 : memref<1x!tpu.dma_semaphore, #tpu.memory_space<semaphore_mem>> -> memref<!tpu.dma_semaphore, #tpu.memory_space<semaphore_mem>>
      %dma_start3A_726 = arith.constant 8 : i32
      %dma_start3A_727 = arith.constant 0 : i32
      %dma_start3A_728 = tpu.memref_slice %arg9[%dma_start3A_726, %dma_start3A_727] : memref<128x128xf32, #tpu.memory_space<vmem>> -> memref<8x128xf32, #tpu.memory_space<vmem>>
      %dma_start3A_729 = arith.constant 8 : i32
      %dma_start3A_730 = tpu.memref_slice %arg4[%dma_start3A_729, %multiple_of3A_690] : memref<32x1000000xf32, #tpu.memory_space<hbm>> -> memref<8x128xf32, #tpu.memory_space<hbm>>
      tpu.enqueue_dma source(%dma_start3A_730 : memref<8x128xf32, #tpu.memory_space<hbm>>) target(%dma_start3A_728 : memref<8x128xf32, #tpu.memory_space<vmem>>) target_semaphore(%dma_start3A_725 : memref<!tpu.dma_semaphore, #tpu.memory_space<semaphore_mem>>)
      %dma_start3A_731 = arith.constant 0 : i32
      %dma_start3A_732 = arith.constant 8 : i32
      %dma_start3A_733 = arith.constant 0 : i32
      %dma_start3A_734 = tpu.memref_slice %arg10[%dma_start3A_732, %dma_start3A_733] : memref<128x128xf32, #tpu.memory_space<vmem>> -> memref<8x128xf32, #tpu.memory_space<vmem>>
      %dma_start3A_735 = arith.constant 8 : i32
      %dma_start3A_736 = tpu.memref_slice %arg5[%dma_start3A_735, %multiple_of3A_691] : memref<32x1000000xf32, #tpu.memory_space<hbm>> -> memref<8x128xf32, #tpu.memory_space<hbm>>
      %dma_start3A_737 = tpu.memref_slice %arg13[%dma_start3A_731] : memref<4x!tpu.dma_semaphore, #tpu.memory_space<semaphore_mem>> -> memref<1x!tpu.dma_semaphore, #tpu.memory_space<semaphore_mem>>
      %dma_start3A_738 = tpu.memref_squeeze %dma_start3A_737 : memref<1x!tpu.dma_semaphore, #tpu.memory_space<semaphore_mem>> -> memref<!tpu.dma_semaphore, #tpu.memory_space<semaphore_mem>>
      %dma_start3A_739 = arith.constant 8 : i32
      %dma_start3A_740 = arith.constant 0 : i32
      %dma_start3A_741 = tpu.memref_slice %arg10[%dma_start3A_739, %dma_start3A_740] : memref<128x128xf32, #tpu.memory_space<vmem>> -> memref<8x128xf32, #tpu.memory_space<vmem>>
      %dma_start3A_742 = arith.constant 8 : i32
      %dma_start3A_743 = tpu.memref_slice %arg5[%dma_start3A_742, %multiple_of3A_691] : memref<32x1000000xf32, #tpu.memory_space<hbm>> -> memref<8x128xf32, #tpu.memory_space<hbm>>
      tpu.enqueue_dma source(%dma_start3A_743 : memref<8x128xf32, #tpu.memory_space<hbm>>) target(%dma_start3A_741 : memref<8x128xf32, #tpu.memory_space<vmem>>) target_semaphore(%dma_start3A_738 : memref<!tpu.dma_semaphore, #tpu.memory_space<semaphore_mem>>)
      %dma_start3A_744 = arith.constant 0 : i32
      %dma_start3A_745 = arith.constant 16 : i32
      %dma_start3A_746 = arith.constant 0 : i32
      %dma_start3A_747 = tpu.memref_slice %arg9[%dma_start3A_745, %dma_start3A_746] : memref<128x128xf32, #tpu.memory_space<vmem>> -> memref<8x128xf32, #tpu.memory_space<vmem>>
      %dma_start3A_748 = arith.constant 16 : i32
      %dma_start3A_749 = tpu.memref_slice %arg4[%dma_start3A_748, %multiple_of3A_690] : memref<32x1000000xf32, #tpu.memory_space<hbm>> -> memref<8x128xf32, #tpu.memory_space<hbm>>
      %dma_start3A_750 = tpu.memref_slice %arg12[%dma_start3A_744] : memref<4x!tpu.dma_semaphore, #tpu.memory_space<semaphore_mem>> -> memref<1x!tpu.dma_semaphore, #tpu.memory_space<semaphore_mem>>
      %dma_start3A_751 = tpu.memref_squeeze %dma_start3A_750 : memref<1x!tpu.dma_semaphore, #tpu.memory_space<semaphore_mem>> -> memref<!tpu.dma_semaphore, #tpu.memory_space<semaphore_mem>>
      %dma_start3A_752 = arith.constant 16 : i32
      %dma_start3A_753 = arith.constant 0 : i32
      %dma_start3A_754 = tpu.memref_slice %arg9[%dma_start3A_752, %dma_start3A_753] : memref<128x128xf32, #tpu.memory_space<vmem>> -> memref<8x128xf32, #tpu.memory_space<vmem>>
      %dma_start3A_755 = arith.constant 16 : i32
      %dma_start3A_756 = tpu.memref_slice %arg4[%dma_start3A_755, %multiple_of3A_690] : memref<32x1000000xf32, #tpu.memory_space<hbm>> -> memref<8x128xf32, #tpu.memory_space<hbm>>
      tpu.enqueue_dma source(%dma_start3A_756 : memref<8x128xf32, #tpu.memory_space<hbm>>) target(%dma_start3A_754 : memref<8x128xf32, #tpu.memory_space<vmem>>) target_semaphore(%dma_start3A_751 : memref<!tpu.dma_semaphore, #tpu.memory_space<semaphore_mem>>)
      %dma_start3A_757 = arith.constant 0 : i32
      %dma_start3A_758 = arith.constant 16 : i32
      %dma_start3A_759 = arith.constant 0 : i32
      %dma_start3A_760 = tpu.memref_slice %arg10[%dma_start3A_758, %dma_start3A_759] : memref<128x128xf32, #tpu.memory_space<vmem>> -> memref<8x128xf32, #tpu.memory_space<vmem>>
      %dma_start3A_761 = arith.constant 16 : i32
      %dma_start3A_762 = tpu.memref_slice %arg5[%dma_start3A_761, %multiple_of3A_691] : memref<32x1000000xf32, #tpu.memory_space<hbm>> -> memref<8x128xf32, #tpu.memory_space<hbm>>
      %dma_start3A_763 = tpu.memref_slice %arg13[%dma_start3A_757] : memref<4x!tpu.dma_semaphore, #tpu.memory_space<semaphore_mem>> -> memref<1x!tpu.dma_semaphore, #tpu.memory_space<semaphore_mem>>
      %dma_start3A_764 = tpu.memref_squeeze %dma_start3A_763 : memref<1x!tpu.dma_semaphore, #tpu.memory_space<semaphore_mem>> -> memref<!tpu.dma_semaphore, #tpu.memory_space<semaphore_mem>>
      %dma_start3A_765 = arith.constant 16 : i32
      %dma_start3A_766 = arith.constant 0 : i32
      %dma_start3A_767 = tpu.memref_slice %arg10[%dma_start3A_765, %dma_start3A_766] : memref<128x128xf32, #tpu.memory_space<vmem>> -> memref<8x128xf32, #tpu.memory_space<vmem>>
      %dma_start3A_768 = arith.constant 16 : i32
      %dma_start3A_769 = tpu.memref_slice %arg5[%dma_start3A_768, %multiple_of3A_691] : memref<32x1000000xf32, #tpu.memory_space<hbm>> -> memref<8x128xf32, #tpu.memory_space<hbm>>
      tpu.enqueue_dma source(%dma_start3A_769 : memref<8x128xf32, #tpu.memory_space<hbm>>) target(%dma_start3A_767 : memref<8x128xf32, #tpu.memory_space<vmem>>) target_semaphore(%dma_start3A_764 : memref<!tpu.dma_semaphore, #tpu.memory_space<semaphore_mem>>)
      %dma_start3A_770 = arith.constant 0 : i32
      %dma_start3A_771 = arith.constant 24 : i32
      %dma_start3A_772 = arith.constant 0 : i32
      %dma_start3A_773 = tpu.memref_slice %arg9[%dma_start3A_771, %dma_start3A_772] : memref<128x128xf32, #tpu.memory_space<vmem>> -> memref<8x128xf32, #tpu.memory_space<vmem>>
      %dma_start3A_774 = arith.constant 24 : i32
      %dma_start3A_775 = tpu.memref_slice %arg4[%dma_start3A_774, %multiple_of3A_690] : memref<32x1000000xf32, #tpu.memory_space<hbm>> -> memref<8x128xf32, #tpu.memory_space<hbm>>
      %dma_start3A_776 = tpu.memref_slice %arg12[%dma_start3A_770] : memref<4x!tpu.dma_semaphore, #tpu.memory_space<semaphore_mem>> -> memref<1x!tpu.dma_semaphore, #tpu.memory_space<semaphore_mem>>
      %dma_start3A_777 = tpu.memref_squeeze %dma_start3A_776 : memref<1x!tpu.dma_semaphore, #tpu.memory_space<semaphore_mem>> -> memref<!tpu.dma_semaphore, #tpu.memory_space<semaphore_mem>>
      %dma_start3A_778 = arith.constant 24 : i32
      %dma_start3A_779 = arith.constant 0 : i32
      %dma_start3A_780 = tpu.memref_slice %arg9[%dma_start3A_778, %dma_start3A_779] : memref<128x128xf32, #tpu.memory_space<vmem>> -> memref<8x128xf32, #tpu.memory_space<vmem>>
      %dma_start3A_781 = arith.constant 24 : i32
      %dma_start3A_782 = tpu.memref_slice %arg4[%dma_start3A_781, %multiple_of3A_690] : memref<32x1000000xf32, #tpu.memory_space<hbm>> -> memref<8x128xf32, #tpu.memory_space<hbm>>
      tpu.enqueue_dma source(%dma_start3A_782 : memref<8x128xf32, #tpu.memory_space<hbm>>) target(%dma_start3A_780 : memref<8x128xf32, #tpu.memory_space<vmem>>) target_semaphore(%dma_start3A_777 : memref<!tpu.dma_semaphore, #tpu.memory_space<semaphore_mem>>)
      %dma_start3A_783 = arith.constant 0 : i32
      %dma_start3A_784 = arith.constant 24 : i32
      %dma_start3A_785 = arith.constant 0 : i32
      %dma_start3A_786 = tpu.memref_slice %arg10[%dma_start3A_784, %dma_start3A_785] : memref<128x128xf32, #tpu.memory_space<vmem>> -> memref<8x128xf32, #tpu.memory_space<vmem>>
      %dma_start3A_787 = arith.constant 24 : i32
      %dma_start3A_788 = tpu.memref_slice %arg5[%dma_start3A_787, %multiple_of3A_691] : memref<32x1000000xf32, #tpu.memory_space<hbm>> -> memref<8x128xf32, #tpu.memory_space<hbm>>
      %dma_start3A_789 = tpu.memref_slice %arg13[%dma_start3A_783] : memref<4x!tpu.dma_semaphore, #tpu.memory_space<semaphore_mem>> -> memref<1x!tpu.dma_semaphore, #tpu.memory_space<semaphore_mem>>
      %dma_start3A_790 = tpu.memref_squeeze %dma_start3A_789 : memref<1x!tpu.dma_semaphore, #tpu.memory_space<semaphore_mem>> -> memref<!tpu.dma_semaphore, #tpu.memory_space<semaphore_mem>>
      %dma_start3A_791 = arith.constant 24 : i32
      %dma_start3A_792 = arith.constant 0 : i32
      %dma_start3A_793 = tpu.memref_slice %arg10[%dma_start3A_791, %dma_start3A_792] : memref<128x128xf32, #tpu.memory_space<vmem>> -> memref<8x128xf32, #tpu.memory_space<vmem>>
      %dma_start3A_794 = arith.constant 24 : i32
      %dma_start3A_795 = tpu.memref_slice %arg5[%dma_start3A_794, %multiple_of3A_691] : memref<32x1000000xf32, #tpu.memory_space<hbm>> -> memref<8x128xf32, #tpu.memory_space<hbm>>
      tpu.enqueue_dma source(%dma_start3A_795 : memref<8x128xf32, #tpu.memory_space<hbm>>) target(%dma_start3A_793 : memref<8x128xf32, #tpu.memory_space<vmem>>) target_semaphore(%dma_start3A_790 : memref<!tpu.dma_semaphore, #tpu.memory_space<semaphore_mem>>)
      %dma_wait3A_796 = arith.constant 1 : i32
      %dma_wait3A_797 = arith.constant 32 : i32
      %dma_wait3A_798 = arith.constant 0 : i32
      %dma_wait3A_799 = tpu.memref_slice %arg9[%dma_wait3A_797, %dma_wait3A_798] : memref<128x128xf32, #tpu.memory_space<vmem>> -> memref<32x128xf32, #tpu.memory_space<vmem>>
      %dma_wait3A_800 = arith.constant 0 : i32
      %dma_wait3A_801 = arith.constant 0 : i32
      %dma_wait3A_802 = tpu.memref_slice %arg4[%dma_wait3A_800, %dma_wait3A_801] : memref<32x1000000xf32, #tpu.memory_space<hbm>> -> memref<32x128xf32, #tpu.memory_space<hbm>>
      %dma_wait3A_803 = tpu.memref_slice %arg12[%dma_wait3A_796] : memref<4x!tpu.dma_semaphore, #tpu.memory_space<semaphore_mem>> -> memref<1x!tpu.dma_semaphore, #tpu.memory_space<semaphore_mem>>
      %dma_wait3A_804 = tpu.memref_squeeze %dma_wait3A_803 : memref<1x!tpu.dma_semaphore, #tpu.memory_space<semaphore_mem>> -> memref<!tpu.dma_semaphore, #tpu.memory_space<semaphore_mem>>
      %dma_wait3A_805 = arith.constant 32 : i32
      %dma_wait3A_806 = arith.constant 0 : i32
      %dma_wait3A_807 = tpu.memref_slice %arg9[%dma_wait3A_805, %dma_wait3A_806] : memref<128x128xf32, #tpu.memory_space<vmem>> -> memref<32x128xf32, #tpu.memory_space<vmem>>
      %dma_wait3A_808 = arith.constant 0 : i32
      %dma_wait3A_809 = arith.constant 0 : i32
      %dma_wait3A_810 = tpu.memref_slice %arg4[%dma_wait3A_808, %dma_wait3A_809] : memref<32x1000000xf32, #tpu.memory_space<hbm>> -> memref<32x128xf32, #tpu.memory_space<hbm>>
      tpu.wait_dma2 semaphore(%dma_wait3A_804 : memref<!tpu.dma_semaphore, #tpu.memory_space<semaphore_mem>>) src(%dma_wait3A_810 : memref<32x128xf32, #tpu.memory_space<hbm>>) dst(%dma_wait3A_807 : memref<32x128xf32, #tpu.memory_space<vmem>>)
      %dma_wait3A_811 = arith.constant 1 : i32
      %dma_wait3A_812 = arith.constant 32 : i32
      %dma_wait3A_813 = arith.constant 0 : i32
      %dma_wait3A_814 = tpu.memref_slice %arg10[%dma_wait3A_812, %dma_wait3A_813] : memref<128x128xf32, #tpu.memory_space<vmem>> -> memref<32x128xf32, #tpu.memory_space<vmem>>
      %dma_wait3A_815 = arith.constant 0 : i32
      %dma_wait3A_816 = arith.constant 0 : i32
      %dma_wait3A_817 = tpu.memref_slice %arg5[%dma_wait3A_815, %dma_wait3A_816] : memref<32x1000000xf32, #tpu.memory_space<hbm>> -> memref<32x128xf32, #tpu.memory_space<hbm>>
      %dma_wait3A_818 = tpu.memref_slice %arg13[%dma_wait3A_811] : memref<4x!tpu.dma_semaphore, #tpu.memory_space<semaphore_mem>> -> memref<1x!tpu.dma_semaphore, #tpu.memory_space<semaphore_mem>>
      %dma_wait3A_819 = tpu.memref_squeeze %dma_wait3A_818 : memref<1x!tpu.dma_semaphore, #tpu.memory_space<semaphore_mem>> -> memref<!tpu.dma_semaphore, #tpu.memory_space<semaphore_mem>>
      %dma_wait3A_820 = arith.constant 32 : i32
      %dma_wait3A_821 = arith.constant 0 : i32
      %dma_wait3A_822 = tpu.memref_slice %arg10[%dma_wait3A_820, %dma_wait3A_821] : memref<128x128xf32, #tpu.memory_space<vmem>> -> memref<32x128xf32, #tpu.memory_space<vmem>>
      %dma_wait3A_823 = arith.constant 0 : i32
      %dma_wait3A_824 = arith.constant 0 : i32
      %dma_wait3A_825 = tpu.memref_slice %arg5[%dma_wait3A_823, %dma_wait3A_824] : memref<32x1000000xf32, #tpu.memory_space<hbm>> -> memref<32x128xf32, #tpu.memory_space<hbm>>
      tpu.wait_dma2 semaphore(%dma_wait3A_819 : memref<!tpu.dma_semaphore, #tpu.memory_space<semaphore_mem>>) src(%dma_wait3A_825 : memref<32x128xf32, #tpu.memory_space<hbm>>) dst(%dma_wait3A_822 : memref<32x128xf32, #tpu.memory_space<vmem>>)
      %broadcast_in_dim3A_826 = arith.constant 32 : i32
      %broadcast_in_dim3A_827 = vector.broadcast %broadcast_in_dim3A_826 : i32 to vector<16xi32>
      %add3A_828 = arith.addi %broadcast_in_dim3A_827, %iota3A : vector<16xi32>
      %broadcast_in_dim3A_829 = arith.constant 1 : i32
      %broadcast_in_dim3A_830 = vector.broadcast %broadcast_in_dim3A_829 : i32 to vector<16xi32>
      %slice3A_831 = vector.extract_strided_slice %sub3A {offsets = [1], sizes = [1], strides = [1]} : vector<16xi32> to vector<1xi32>
      %squeeze3A_832 = vector.extract %slice3A_831[0] : i32 from vector<1xi32>
      %mul3A_833 = vector.broadcast %squeeze3A_832 : i32 to vector<16xi32>
      %mul3A_834 = arith.muli %broadcast_in_dim3A_830, %mul3A_833 : vector<16xi32>
      %broadcast_in_dim3A_835 = arith.constant 1 : i32
      %broadcast_in_dim3A_836 = vector.broadcast %broadcast_in_dim3A_835 : i32 to vector<16xi32>
      %slice3A_837 = vector.extract_strided_slice %sub3A_598 {offsets = [1], sizes = [1], strides = [1]} : vector<16xi32> to vector<1xi32>
      %squeeze3A_838 = vector.extract %slice3A_837[0] : i32 from vector<1xi32>
      %mul3A_839 = vector.broadcast %squeeze3A_838 : i32 to vector<16xi32>
      %mul3A_840 = arith.muli %broadcast_in_dim3A_836, %mul3A_839 : vector<16xi32>
      %gather3A_841 = tpu.vector_load_idx %arg9[%add3A_828, %mul3A_834] : memref<128x128xf32, #tpu.memory_space<vmem>>[vector<16xi32>, vector<16xi32>], vector<16xf32>,
      %add3A_842 = arith.constant 16 : i32
      %add3A_843 = vector.broadcast %add3A_842 : i32 to vector<16xi32>
      %add3A_844 = arith.addi %add3A_828, %add3A_843 : vector<16xi32>
      %gather3A_845 = tpu.vector_load_idx %arg9[%add3A_844, %mul3A_834] : memref<128x128xf32, #tpu.memory_space<vmem>>[vector<16xi32>, vector<16xi32>], vector<16xf32>,
      %gather3A_846 = tpu.vector_load_idx %arg10[%add3A_828, %mul3A_840] : memref<128x128xf32, #tpu.memory_space<vmem>>[vector<16xi32>, vector<16xi32>], vector<16xf32>,
      %add3A_847 = arith.constant 16 : i32
      %add3A_848 = vector.broadcast %add3A_847 : i32 to vector<16xi32>
      %add3A_849 = arith.addi %add3A_828, %add3A_848 : vector<16xi32>
      %gather3A_850 = tpu.vector_load_idx %arg10[%add3A_849, %mul3A_840] : memref<128x128xf32, #tpu.memory_space<vmem>>[vector<16xi32>, vector<16xi32>], vector<16xf32>,
      %mul3A_851 = arith.mulf %gather3A_841, %gather3A_846 : vector<16xf32>
      %mul3A_852 = arith.mulf %gather3A_845, %gather3A_850 : vector<16xf32>
      %add3A_853 = arith.addf %mul3A_851, %mul3A_852 : vector<16xf32>
      %reduce_sum3A_854 = arith.constant true
      %reduce_sum3A_855 = vector.broadcast %reduce_sum3A_854 : i1 to vector<16xi1>
      %reduce_sum3A_856 = tpu.scan <sum>, %add3A_853 masked %reduce_sum3A_855 : vector<16xf32>, vector<16xi1> -> vector<16xf32>
      %reduce_sum3A_857 = vector.extract %reduce_sum3A_856[15] : f32 from vector<16xf32>
      %eq3A_858 = arith.constant 1 : i32
      %eq3A_859 = vector.broadcast %eq3A_858 : i32 to vector<16xi32>
      %eq3A_860 = arith.cmpi eq, %iota3A, %eq3A_859 : vector<16xi32>
      %broadcast_in_dim3A_861 = vector.broadcast %reduce_sum3A_857 : f32 to vector<16xf32>
      %select_n3A_862 = arith.select %eq3A_860, %broadcast_in_dim3A_861, %select_n3A : vector<16xi1>, vector<16xf32>
      %slice3A_863 = vector.extract_strided_slice %mul3A_591 {offsets = [5], sizes = [1], strides = [1]} : vector<16xi32> to vector<1xi32>
      %squeeze3A_864 = vector.extract %slice3A_863[0] : i32 from vector<1xi32>
      %slice3A_865 = vector.extract_strided_slice %mul3A_597 {offsets = [5], sizes = [1], strides = [1]} : vector<16xi32> to vector<1xi32>
      %squeeze3A_866 = vector.extract %slice3A_865[0] : i32 from vector<1xi32>
      %multiple_of3A_867 = tpu.assume_multiple %squeeze3A_864, 128 : i32
      %multiple_of3A_868 = tpu.assume_multiple %squeeze3A_866, 128 : i32
      %dma_start3A_869 = arith.constant 1 : i32
      %dma_start3A_870 = arith.constant 32 : i32
      %dma_start3A_871 = arith.constant 0 : i32
      %dma_start3A_872 = tpu.memref_slice %arg9[%dma_start3A_870, %dma_start3A_871] : memref<128x128xf32, #tpu.memory_space<vmem>> -> memref<8x128xf32, #tpu.memory_space<vmem>>
      %dma_start3A_873 = arith.constant 0 : i32
      %dma_start3A_874 = tpu.memref_slice %arg4[%dma_start3A_873, %multiple_of3A_867] : memref<32x1000000xf32, #tpu.memory_space<hbm>> -> memref<8x128xf32, #tpu.memory_space<hbm>>
      %dma_start3A_875 = tpu.memref_slice %arg12[%dma_start3A_869] : memref<4x!tpu.dma_semaphore, #tpu.memory_space<semaphore_mem>> -> memref<1x!tpu.dma_semaphore, #tpu.memory_space<semaphore_mem>>
      %dma_start3A_876 = tpu.memref_squeeze %dma_start3A_875 : memref<1x!tpu.dma_semaphore, #tpu.memory_space<semaphore_mem>> -> memref<!tpu.dma_semaphore, #tpu.memory_space<semaphore_mem>>
      %dma_start3A_877 = arith.constant 32 : i32
      %dma_start3A_878 = arith.constant 0 : i32
      %dma_start3A_879 = tpu.memref_slice %arg9[%dma_start3A_877, %dma_start3A_878] : memref<128x128xf32, #tpu.memory_space<vmem>> -> memref<8x128xf32, #tpu.memory_space<vmem>>
      %dma_start3A_880 = arith.constant 0 : i32
      %dma_start3A_881 = tpu.memref_slice %arg4[%dma_start3A_880, %multiple_of3A_867] : memref<32x1000000xf32, #tpu.memory_space<hbm>> -> memref<8x128xf32, #tpu.memory_space<hbm>>
      tpu.enqueue_dma source(%dma_start3A_881 : memref<8x128xf32, #tpu.memory_space<hbm>>) target(%dma_start3A_879 : memref<8x128xf32, #tpu.memory_space<vmem>>) target_semaphore(%dma_start3A_876 : memref<!tpu.dma_semaphore, #tpu.memory_space<semaphore_mem>>)
      %dma_start3A_882 = arith.constant 1 : i32
      %dma_start3A_883 = arith.constant 32 : i32
      %dma_start3A_884 = arith.constant 0 : i32
      %dma_start3A_885 = tpu.memref_slice %arg10[%dma_start3A_883, %dma_start3A_884] : memref<128x128xf32, #tpu.memory_space<vmem>> -> memref<8x128xf32, #tpu.memory_space<vmem>>
      %dma_start3A_886 = arith.constant 0 : i32
      %dma_start3A_887 = tpu.memref_slice %arg5[%dma_start3A_886, %multiple_of3A_868] : memref<32x1000000xf32, #tpu.memory_space<hbm>> -> memref<8x128xf32, #tpu.memory_space<hbm>>
      %dma_start3A_888 = tpu.memref_slice %arg13[%dma_start3A_882] : memref<4x!tpu.dma_semaphore, #tpu.memory_space<semaphore_mem>> -> memref<1x!tpu.dma_semaphore, #tpu.memory_space<semaphore_mem>>
      %dma_start3A_889 = tpu.memref_squeeze %dma_start3A_888 : memref<1x!tpu.dma_semaphore, #tpu.memory_space<semaphore_mem>> -> memref<!tpu.dma_semaphore, #tpu.memory_space<semaphore_mem>>
      %dma_start3A_890 = arith.constant 32 : i32
      %dma_start3A_891 = arith.constant 0 : i32
      %dma_start3A_892 = tpu.memref_slice %arg10[%dma_start3A_890, %dma_start3A_891] : memref<128x128xf32, #tpu.memory_space<vmem>> -> memref<8x128xf32, #tpu.memory_space<vmem>>
      %dma_start3A_893 = arith.constant 0 : i32
      %dma_start3A_894 = tpu.memref_slice %arg5[%dma_start3A_893, %multiple_of3A_868] : memref<32x1000000xf32, #tpu.memory_space<hbm>> -> memref<8x128xf32, #tpu.memory_space<hbm>>
      tpu.enqueue_dma source(%dma_start3A_894 : memref<8x128xf32, #tpu.memory_space<hbm>>) target(%dma_start3A_892 : memref<8x128xf32, #tpu.memory_space<vmem>>) target_semaphore(%dma_start3A_889 : memref<!tpu.dma_semaphore, #tpu.memory_space<semaphore_mem>>)
      %dma_start3A_895 = arith.constant 1 : i32
      %dma_start3A_896 = arith.constant 40 : i32
      %dma_start3A_897 = arith.constant 0 : i32
      %dma_start3A_898 = tpu.memref_slice %arg9[%dma_start3A_896, %dma_start3A_897] : memref<128x128xf32, #tpu.memory_space<vmem>> -> memref<8x128xf32, #tpu.memory_space<vmem>>
      %dma_start3A_899 = arith.constant 8 : i32
      %dma_start3A_900 = tpu.memref_slice %arg4[%dma_start3A_899, %multiple_of3A_867] : memref<32x1000000xf32, #tpu.memory_space<hbm>> -> memref<8x128xf32, #tpu.memory_space<hbm>>
      %dma_start3A_901 = tpu.memref_slice %arg12[%dma_start3A_895] : memref<4x!tpu.dma_semaphore, #tpu.memory_space<semaphore_mem>> -> memref<1x!tpu.dma_semaphore, #tpu.memory_space<semaphore_mem>>
      %dma_start3A_902 = tpu.memref_squeeze %dma_start3A_901 : memref<1x!tpu.dma_semaphore, #tpu.memory_space<semaphore_mem>> -> memref<!tpu.dma_semaphore, #tpu.memory_space<semaphore_mem>>
      %dma_start3A_903 = arith.constant 40 : i32
      %dma_start3A_904 = arith.constant 0 : i32
      %dma_start3A_905 = tpu.memref_slice %arg9[%dma_start3A_903, %dma_start3A_904] : memref<128x128xf32, #tpu.memory_space<vmem>> -> memref<8x128xf32, #tpu.memory_space<vmem>>
      %dma_start3A_906 = arith.constant 8 : i32
      %dma_start3A_907 = tpu.memref_slice %arg4[%dma_start3A_906, %multiple_of3A_867] : memref<32x1000000xf32, #tpu.memory_space<hbm>> -> memref<8x128xf32, #tpu.memory_space<hbm>>
      tpu.enqueue_dma source(%dma_start3A_907 : memref<8x128xf32, #tpu.memory_space<hbm>>) target(%dma_start3A_905 : memref<8x128xf32, #tpu.memory_space<vmem>>) target_semaphore(%dma_start3A_902 : memref<!tpu.dma_semaphore, #tpu.memory_space<semaphore_mem>>)
      %dma_start3A_908 = arith.constant 1 : i32
      %dma_start3A_909 = arith.constant 40 : i32
      %dma_start3A_910 = arith.constant 0 : i32
      %dma_start3A_911 = tpu.memref_slice %arg10[%dma_start3A_909, %dma_start3A_910] : memref<128x128xf32, #tpu.memory_space<vmem>> -> memref<8x128xf32, #tpu.memory_space<vmem>>
      %dma_start3A_912 = arith.constant 8 : i32
      %dma_start3A_913 = tpu.memref_slice %arg5[%dma_start3A_912, %multiple_of3A_868] : memref<32x1000000xf32, #tpu.memory_space<hbm>> -> memref<8x128xf32, #tpu.memory_space<hbm>>
      %dma_start3A_914 = tpu.memref_slice %arg13[%dma_start3A_908] : memref<4x!tpu.dma_semaphore, #tpu.memory_space<semaphore_mem>> -> memref<1x!tpu.dma_semaphore, #tpu.memory_space<semaphore_mem>>
      %dma_start3A_915 = tpu.memref_squeeze %dma_start3A_914 : memref<1x!tpu.dma_semaphore, #tpu.memory_space<semaphore_mem>> -> memref<!tpu.dma_semaphore, #tpu.memory_space<semaphore_mem>>
      %dma_start3A_916 = arith.constant 40 : i32
      %dma_start3A_917 = arith.constant 0 : i32
      %dma_start3A_918 = tpu.memref_slice %arg10[%dma_start3A_916, %dma_start3A_917] : memref<128x128xf32, #tpu.memory_space<vmem>> -> memref<8x128xf32, #tpu.memory_space<vmem>>
      %dma_start3A_919 = arith.constant 8 : i32
      %dma_start3A_920 = tpu.memref_slice %arg5[%dma_start3A_919, %multiple_of3A_868] : memref<32x1000000xf32, #tpu.memory_space<hbm>> -> memref<8x128xf32, #tpu.memory_space<hbm>>
      tpu.enqueue_dma source(%dma_start3A_920 : memref<8x128xf32, #tpu.memory_space<hbm>>) target(%dma_start3A_918 : memref<8x128xf32, #tpu.memory_space<vmem>>) target_semaphore(%dma_start3A_915 : memref<!tpu.dma_semaphore, #tpu.memory_space<semaphore_mem>>)
      %dma_start3A_921 = arith.constant 1 : i32
      %dma_start3A_922 = arith.constant 48 : i32
      %dma_start3A_923 = arith.constant 0 : i32
      %dma_start3A_924 = tpu.memref_slice %arg9[%dma_start3A_922, %dma_start3A_923] : memref<128x128xf32, #tpu.memory_space<vmem>> -> memref<8x128xf32, #tpu.memory_space<vmem>>
      %dma_start3A_925 = arith.constant 16 : i32
      %dma_start3A_926 = tpu.memref_slice %arg4[%dma_start3A_925, %multiple_of3A_867] : memref<32x1000000xf32, #tpu.memory_space<hbm>> -> memref<8x128xf32, #tpu.memory_space<hbm>>
      %dma_start3A_927 = tpu.memref_slice %arg12[%dma_start3A_921] : memref<4x!tpu.dma_semaphore, #tpu.memory_space<semaphore_mem>> -> memref<1x!tpu.dma_semaphore, #tpu.memory_space<semaphore_mem>>
      %dma_start3A_928 = tpu.memref_squeeze %dma_start3A_927 : memref<1x!tpu.dma_semaphore, #tpu.memory_space<semaphore_mem>> -> memref<!tpu.dma_semaphore, #tpu.memory_space<semaphore_mem>>
      %dma_start3A_929 = arith.constant 48 : i32
      %dma_start3A_930 = arith.constant 0 : i32
      %dma_start3A_931 = tpu.memref_slice %arg9[%dma_start3A_929, %dma_start3A_930] : memref<128x128xf32, #tpu.memory_space<vmem>> -> memref<8x128xf32, #tpu.memory_space<vmem>>
      %dma_start3A_932 = arith.constant 16 : i32
      %dma_start3A_933 = tpu.memref_slice %arg4[%dma_start3A_932, %multiple_of3A_867] : memref<32x1000000xf32, #tpu.memory_space<hbm>> -> memref<8x128xf32, #tpu.memory_space<hbm>>
      tpu.enqueue_dma source(%dma_start3A_933 : memref<8x128xf32, #tpu.memory_space<hbm>>) target(%dma_start3A_931 : memref<8x128xf32, #tpu.memory_space<vmem>>) target_semaphore(%dma_start3A_928 : memref<!tpu.dma_semaphore, #tpu.memory_space<semaphore_mem>>)
      %dma_start3A_934 = arith.constant 1 : i32
      %dma_start3A_935 = arith.constant 48 : i32
      %dma_start3A_936 = arith.constant 0 : i32
      %dma_start3A_937 = tpu.memref_slice %arg10[%dma_start3A_935, %dma_start3A_936] : memref<128x128xf32, #tpu.memory_space<vmem>> -> memref<8x128xf32, #tpu.memory_space<vmem>>
      %dma_start3A_938 = arith.constant 16 : i32
      %dma_start3A_939 = tpu.memref_slice %arg5[%dma_start3A_938, %multiple_of3A_868] : memref<32x1000000xf32, #tpu.memory_space<hbm>> -> memref<8x128xf32, #tpu.memory_space<hbm>>
      %dma_start3A_940 = tpu.memref_slice %arg13[%dma_start3A_934] : memref<4x!tpu.dma_semaphore, #tpu.memory_space<semaphore_mem>> -> memref<1x!tpu.dma_semaphore, #tpu.memory_space<semaphore_mem>>
      %dma_start3A_941 = tpu.memref_squeeze %dma_start3A_940 : memref<1x!tpu.dma_semaphore, #tpu.memory_space<semaphore_mem>> -> memref<!tpu.dma_semaphore, #tpu.memory_space<semaphore_mem>>
      %dma_start3A_942 = arith.constant 48 : i32
      %dma_start3A_943 = arith.constant 0 : i32
      %dma_start3A_944 = tpu.memref_slice %arg10[%dma_start3A_942, %dma_start3A_943] : memref<128x128xf32, #tpu.memory_space<vmem>> -> memref<8x128xf32, #tpu.memory_space<vmem>>
      %dma_start3A_945 = arith.constant 16 : i32
      %dma_start3A_946 = tpu.memref_slice %arg5[%dma_start3A_945, %multiple_of3A_868] : memref<32x1000000xf32, #tpu.memory_space<hbm>> -> memref<8x128xf32, #tpu.memory_space<hbm>>
      tpu.enqueue_dma source(%dma_start3A_946 : memref<8x128xf32, #tpu.memory_space<hbm>>) target(%dma_start3A_944 : memref<8x128xf32, #tpu.memory_space<vmem>>) target_semaphore(%dma_start3A_941 : memref<!tpu.dma_semaphore, #tpu.memory_space<semaphore_mem>>)
      %dma_start3A_947 = arith.constant 1 : i32
      %dma_start3A_948 = arith.constant 56 : i32
      %dma_start3A_949 = arith.constant 0 : i32
      %dma_start3A_950 = tpu.memref_slice %arg9[%dma_start3A_948, %dma_start3A_949] : memref<128x128xf32, #tpu.memory_space<vmem>> -> memref<8x128xf32, #tpu.memory_space<vmem>>
      %dma_start3A_951 = arith.constant 24 : i32
      %dma_start3A_952 = tpu.memref_slice %arg4[%dma_start3A_951, %multiple_of3A_867] : memref<32x1000000xf32, #tpu.memory_space<hbm>> -> memref<8x128xf32, #tpu.memory_space<hbm>>
      %dma_start3A_953 = tpu.memref_slice %arg12[%dma_start3A_947] : memref<4x!tpu.dma_semaphore, #tpu.memory_space<semaphore_mem>> -> memref<1x!tpu.dma_semaphore, #tpu.memory_space<semaphore_mem>>
      %dma_start3A_954 = tpu.memref_squeeze %dma_start3A_953 : memref<1x!tpu.dma_semaphore, #tpu.memory_space<semaphore_mem>> -> memref<!tpu.dma_semaphore, #tpu.memory_space<semaphore_mem>>
      %dma_start3A_955 = arith.constant 56 : i32
      %dma_start3A_956 = arith.constant 0 : i32
      %dma_start3A_957 = tpu.memref_slice %arg9[%dma_start3A_955, %dma_start3A_956] : memref<128x128xf32, #tpu.memory_space<vmem>> -> memref<8x128xf32, #tpu.memory_space<vmem>>
      %dma_start3A_958 = arith.constant 24 : i32
      %dma_start3A_959 = tpu.memref_slice %arg4[%dma_start3A_958, %multiple_of3A_867] : memref<32x1000000xf32, #tpu.memory_space<hbm>> -> memref<8x128xf32, #tpu.memory_space<hbm>>
      tpu.enqueue_dma source(%dma_start3A_959 : memref<8x128xf32, #tpu.memory_space<hbm>>) target(%dma_start3A_957 : memref<8x128xf32, #tpu.memory_space<vmem>>) target_semaphore(%dma_start3A_954 : memref<!tpu.dma_semaphore, #tpu.memory_space<semaphore_mem>>)
      %dma_start3A_960 = arith.constant 1 : i32
      %dma_start3A_961 = arith.constant 56 : i32
      %dma_start3A_962 = arith.constant 0 : i32
      %dma_start3A_963 = tpu.memref_slice %arg10[%dma_start3A_961, %dma_start3A_962] : memref<128x128xf32, #tpu.memory_space<vmem>> -> memref<8x128xf32, #tpu.memory_space<vmem>>
      %dma_start3A_964 = arith.constant 24 : i32
      %dma_start3A_965 = tpu.memref_slice %arg5[%dma_start3A_964, %multiple_of3A_868] : memref<32x1000000xf32, #tpu.memory_space<hbm>> -> memref<8x128xf32, #tpu.memory_space<hbm>>
      %dma_start3A_966 = tpu.memref_slice %arg13[%dma_start3A_960] : memref<4x!tpu.dma_semaphore, #tpu.memory_space<semaphore_mem>> -> memref<1x!tpu.dma_semaphore, #tpu.memory_space<semaphore_mem>>
      %dma_start3A_967 = tpu.memref_squeeze %dma_start3A_966 : memref<1x!tpu.dma_semaphore, #tpu.memory_space<semaphore_mem>> -> memref<!tpu.dma_semaphore, #tpu.memory_space<semaphore_mem>>
      %dma_start3A_968 = arith.constant 56 : i32
      %dma_start3A_969 = arith.constant 0 : i32
      %dma_start3A_970 = tpu.memref_slice %arg10[%dma_start3A_968, %dma_start3A_969] : memref<128x128xf32, #tpu.memory_space<vmem>> -> memref<8x128xf32, #tpu.memory_space<vmem>>
      %dma_start3A_971 = arith.constant 24 : i32
      %dma_start3A_972 = tpu.memref_slice %arg5[%dma_start3A_971, %multiple_of3A_868] : memref<32x1000000xf32, #tpu.memory_space<hbm>> -> memref<8x128xf32, #tpu.memory_space<hbm>>
      tpu.enqueue_dma source(%dma_start3A_972 : memref<8x128xf32, #tpu.memory_space<hbm>>) target(%dma_start3A_970 : memref<8x128xf32, #tpu.memory_space<vmem>>) target_semaphore(%dma_start3A_967 : memref<!tpu.dma_semaphore, #tpu.memory_space<semaphore_mem>>)
      %dma_wait3A_973 = arith.constant 2 : i32
      %dma_wait3A_974 = arith.constant 64 : i32
      %dma_wait3A_975 = arith.constant 0 : i32
      %dma_wait3A_976 = tpu.memref_slice %arg9[%dma_wait3A_974, %dma_wait3A_975] : memref<128x128xf32, #tpu.memory_space<vmem>> -> memref<32x128xf32, #tpu.memory_space<vmem>>
      %dma_wait3A_977 = arith.constant 0 : i32
      %dma_wait3A_978 = arith.constant 0 : i32
      %dma_wait3A_979 = tpu.memref_slice %arg4[%dma_wait3A_977, %dma_wait3A_978] : memref<32x1000000xf32, #tpu.memory_space<hbm>> -> memref<32x128xf32, #tpu.memory_space<hbm>>
      %dma_wait3A_980 = tpu.memref_slice %arg12[%dma_wait3A_973] : memref<4x!tpu.dma_semaphore, #tpu.memory_space<semaphore_mem>> -> memref<1x!tpu.dma_semaphore, #tpu.memory_space<semaphore_mem>>
      %dma_wait3A_981 = tpu.memref_squeeze %dma_wait3A_980 : memref<1x!tpu.dma_semaphore, #tpu.memory_space<semaphore_mem>> -> memref<!tpu.dma_semaphore, #tpu.memory_space<semaphore_mem>>
      %dma_wait3A_982 = arith.constant 64 : i32
      %dma_wait3A_983 = arith.constant 0 : i32
      %dma_wait3A_984 = tpu.memref_slice %arg9[%dma_wait3A_982, %dma_wait3A_983] : memref<128x128xf32, #tpu.memory_space<vmem>> -> memref<32x128xf32, #tpu.memory_space<vmem>>
      %dma_wait3A_985 = arith.constant 0 : i32
      %dma_wait3A_986 = arith.constant 0 : i32
      %dma_wait3A_987 = tpu.memref_slice %arg4[%dma_wait3A_985, %dma_wait3A_986] : memref<32x1000000xf32, #tpu.memory_space<hbm>> -> memref<32x128xf32, #tpu.memory_space<hbm>>
      tpu.wait_dma2 semaphore(%dma_wait3A_981 : memref<!tpu.dma_semaphore, #tpu.memory_space<semaphore_mem>>) src(%dma_wait3A_987 : memref<32x128xf32, #tpu.memory_space<hbm>>) dst(%dma_wait3A_984 : memref<32x128xf32, #tpu.memory_space<vmem>>)
      %dma_wait3A_988 = arith.constant 2 : i32
      %dma_wait3A_989 = arith.constant 64 : i32
      %dma_wait3A_990 = arith.constant 0 : i32
      %dma_wait3A_991 = tpu.memref_slice %arg10[%dma_wait3A_989, %dma_wait3A_990] : memref<128x128xf32, #tpu.memory_space<vmem>> -> memref<32x128xf32, #tpu.memory_space<vmem>>
      %dma_wait3A_992 = arith.constant 0 : i32
      %dma_wait3A_993 = arith.constant 0 : i32
      %dma_wait3A_994 = tpu.memref_slice %arg5[%dma_wait3A_992, %dma_wait3A_993] : memref<32x1000000xf32, #tpu.memory_space<hbm>> -> memref<32x128xf32, #tpu.memory_space<hbm>>
      %dma_wait3A_995 = tpu.memref_slice %arg13[%dma_wait3A_988] : memref<4x!tpu.dma_semaphore, #tpu.memory_space<semaphore_mem>> -> memref<1x!tpu.dma_semaphore, #tpu.memory_space<semaphore_mem>>
      %dma_wait3A_996 = tpu.memref_squeeze %dma_wait3A_995 : memref<1x!tpu.dma_semaphore, #tpu.memory_space<semaphore_mem>> -> memref<!tpu.dma_semaphore, #tpu.memory_space<semaphore_mem>>
      %dma_wait3A_997 = arith.constant 64 : i32
      %dma_wait3A_998 = arith.constant 0 : i32
      %dma_wait3A_999 = tpu.memref_slice %arg10[%dma_wait3A_997, %dma_wait3A_998] : memref<128x128xf32, #tpu.memory_space<vmem>> -> memref<32x128xf32, #tpu.memory_space<vmem>>
      %dma_wait3A_1000 = arith.constant 0 : i32
      %dma_wait3A_1001 = arith.constant 0 : i32
      %dma_wait3A_1002 = tpu.memref_slice %arg5[%dma_wait3A_1000, %dma_wait3A_1001] : memref<32x1000000xf32, #tpu.memory_space<hbm>> -> memref<32x128xf32, #tpu.memory_space<hbm>>
      tpu.wait_dma2 semaphore(%dma_wait3A_996 : memref<!tpu.dma_semaphore, #tpu.memory_space<semaphore_mem>>) src(%dma_wait3A_1002 : memref<32x128xf32, #tpu.memory_space<hbm>>) dst(%dma_wait3A_999 : memref<32x128xf32, #tpu.memory_space<vmem>>)
      %broadcast_in_dim3A_1003 = arith.constant 64 : i32
      %broadcast_in_dim3A_1004 = vector.broadcast %broadcast_in_dim3A_1003 : i32 to vector<16xi32>
      %add3A_1005 = arith.addi %broadcast_in_dim3A_1004, %iota3A : vector<16xi32>
      %broadcast_in_dim3A_1006 = arith.constant 1 : i32
      %broadcast_in_dim3A_1007 = vector.broadcast %broadcast_in_dim3A_1006 : i32 to vector<16xi32>
      %slice3A_1008 = vector.extract_strided_slice %sub3A {offsets = [2], sizes = [1], strides = [1]} : vector<16xi32> to vector<1xi32>
      %squeeze3A_1009 = vector.extract %slice3A_1008[0] : i32 from vector<1xi32>
      %mul3A_1010 = vector.broadcast %squeeze3A_1009 : i32 to vector<16xi32>
      %mul3A_1011 = arith.muli %broadcast_in_dim3A_1007, %mul3A_1010 : vector<16xi32>
      %broadcast_in_dim3A_1012 = arith.constant 1 : i32
      %broadcast_in_dim3A_1013 = vector.broadcast %broadcast_in_dim3A_1012 : i32 to vector<16xi32>
      %slice3A_1014 = vector.extract_strided_slice %sub3A_598 {offsets = [2], sizes = [1], strides = [1]} : vector<16xi32> to vector<1xi32>
      %squeeze3A_1015 = vector.extract %slice3A_1014[0] : i32 from vector<1xi32>
      %mul3A_1016 = vector.broadcast %squeeze3A_1015 : i32 to vector<16xi32>
      %mul3A_1017 = arith.muli %broadcast_in_dim3A_1013, %mul3A_1016 : vector<16xi32>
      %gather3A_1018 = tpu.vector_load_idx %arg9[%add3A_1005, %mul3A_1011] : memref<128x128xf32, #tpu.memory_space<vmem>>[vector<16xi32>, vector<16xi32>], vector<16xf32>,
      %add3A_1019 = arith.constant 16 : i32
      %add3A_1020 = vector.broadcast %add3A_1019 : i32 to vector<16xi32>
      %add3A_1021 = arith.addi %add3A_1005, %add3A_1020 : vector<16xi32>
      %gather3A_1022 = tpu.vector_load_idx %arg9[%add3A_1021, %mul3A_1011] : memref<128x128xf32, #tpu.memory_space<vmem>>[vector<16xi32>, vector<16xi32>], vector<16xf32>,
      %gather3A_1023 = tpu.vector_load_idx %arg10[%add3A_1005, %mul3A_1017] : memref<128x128xf32, #tpu.memory_space<vmem>>[vector<16xi32>, vector<16xi32>], vector<16xf32>,
      %add3A_1024 = arith.constant 16 : i32
      %add3A_1025 = vector.broadcast %add3A_1024 : i32 to vector<16xi32>
      %add3A_1026 = arith.addi %add3A_1005, %add3A_1025 : vector<16xi32>
      %gather3A_1027 = tpu.vector_load_idx %arg10[%add3A_1026, %mul3A_1017] : memref<128x128xf32, #tpu.memory_space<vmem>>[vector<16xi32>, vector<16xi32>], vector<16xf32>,
      %mul3A_1028 = arith.mulf %gather3A_1018, %gather3A_1023 : vector<16xf32>
      %mul3A_1029 = arith.mulf %gather3A_1022, %gather3A_1027 : vector<16xf32>
      %add3A_1030 = arith.addf %mul3A_1028, %mul3A_1029 : vector<16xf32>
      %reduce_sum3A_1031 = arith.constant true
      %reduce_sum3A_1032 = vector.broadcast %reduce_sum3A_1031 : i1 to vector<16xi1>
      %reduce_sum3A_1033 = tpu.scan <sum>, %add3A_1030 masked %reduce_sum3A_1032 : vector<16xf32>, vector<16xi1> -> vector<16xf32>
      %reduce_sum3A_1034 = vector.extract %reduce_sum3A_1033[15] : f32 from vector<16xf32>
      %eq3A_1035 = arith.constant 2 : i32
      %eq3A_1036 = vector.broadcast %eq3A_1035 : i32 to vector<16xi32>
      %eq3A_1037 = arith.cmpi eq, %iota3A, %eq3A_1036 : vector<16xi32>
      %broadcast_in_dim3A_1038 = vector.broadcast %reduce_sum3A_1034 : f32 to vector<16xf32>
      %select_n3A_1039 = arith.select %eq3A_1037, %broadcast_in_dim3A_1038, %select_n3A_862 : vector<16xi1>, vector<16xf32>
      %slice3A_1040 = vector.extract_strided_slice %mul3A_591 {offsets = [6], sizes = [1], strides = [1]} : vector<16xi32> to vector<1xi32>
      %squeeze3A_1041 = vector.extract %slice3A_1040[0] : i32 from vector<1xi32>
      %slice3A_1042 = vector.extract_strided_slice %mul3A_597 {offsets = [6], sizes = [1], strides = [1]} : vector<16xi32> to vector<1xi32>
      %squeeze3A_1043 = vector.extract %slice3A_1042[0] : i32 from vector<1xi32>
      %multiple_of3A_1044 = tpu.assume_multiple %squeeze3A_1041, 128 : i32
      %multiple_of3A_1045 = tpu.assume_multiple %squeeze3A_1043, 128 : i32
      %dma_start3A_1046 = arith.constant 2 : i32
      %dma_start3A_1047 = arith.constant 64 : i32
      %dma_start3A_1048 = arith.constant 0 : i32
      %dma_start3A_1049 = tpu.memref_slice %arg9[%dma_start3A_1047, %dma_start3A_1048] : memref<128x128xf32, #tpu.memory_space<vmem>> -> memref<8x128xf32, #tpu.memory_space<vmem>>
      %dma_start3A_1050 = arith.constant 0 : i32
      %dma_start3A_1051 = tpu.memref_slice %arg4[%dma_start3A_1050, %multiple_of3A_1044] : memref<32x1000000xf32, #tpu.memory_space<hbm>> -> memref<8x128xf32, #tpu.memory_space<hbm>>
      %dma_start3A_1052 = tpu.memref_slice %arg12[%dma_start3A_1046] : memref<4x!tpu.dma_semaphore, #tpu.memory_space<semaphore_mem>> -> memref<1x!tpu.dma_semaphore, #tpu.memory_space<semaphore_mem>>
      %dma_start3A_1053 = tpu.memref_squeeze %dma_start3A_1052 : memref<1x!tpu.dma_semaphore, #tpu.memory_space<semaphore_mem>> -> memref<!tpu.dma_semaphore, #tpu.memory_space<semaphore_mem>>
      %dma_start3A_1054 = arith.constant 64 : i32
      %dma_start3A_1055 = arith.constant 0 : i32
      %dma_start3A_1056 = tpu.memref_slice %arg9[%dma_start3A_1054, %dma_start3A_1055] : memref<128x128xf32, #tpu.memory_space<vmem>> -> memref<8x128xf32, #tpu.memory_space<vmem>>
      %dma_start3A_1057 = arith.constant 0 : i32
      %dma_start3A_1058 = tpu.memref_slice %arg4[%dma_start3A_1057, %multiple_of3A_1044] : memref<32x1000000xf32, #tpu.memory_space<hbm>> -> memref<8x128xf32, #tpu.memory_space<hbm>>
      tpu.enqueue_dma source(%dma_start3A_1058 : memref<8x128xf32, #tpu.memory_space<hbm>>) target(%dma_start3A_1056 : memref<8x128xf32, #tpu.memory_space<vmem>>) target_semaphore(%dma_start3A_1053 : memref<!tpu.dma_semaphore, #tpu.memory_space<semaphore_mem>>)
      %dma_start3A_1059 = arith.constant 2 : i32
      %dma_start3A_1060 = arith.constant 64 : i32
      %dma_start3A_1061 = arith.constant 0 : i32
      %dma_start3A_1062 = tpu.memref_slice %arg10[%dma_start3A_1060, %dma_start3A_1061] : memref<128x128xf32, #tpu.memory_space<vmem>> -> memref<8x128xf32, #tpu.memory_space<vmem>>
      %dma_start3A_1063 = arith.constant 0 : i32
      %dma_start3A_1064 = tpu.memref_slice %arg5[%dma_start3A_1063, %multiple_of3A_1045] : memref<32x1000000xf32, #tpu.memory_space<hbm>> -> memref<8x128xf32, #tpu.memory_space<hbm>>
      %dma_start3A_1065 = tpu.memref_slice %arg13[%dma_start3A_1059] : memref<4x!tpu.dma_semaphore, #tpu.memory_space<semaphore_mem>> -> memref<1x!tpu.dma_semaphore, #tpu.memory_space<semaphore_mem>>
      %dma_start3A_1066 = tpu.memref_squeeze %dma_start3A_1065 : memref<1x!tpu.dma_semaphore, #tpu.memory_space<semaphore_mem>> -> memref<!tpu.dma_semaphore, #tpu.memory_space<semaphore_mem>>
      %dma_start3A_1067 = arith.constant 64 : i32
      %dma_start3A_1068 = arith.constant 0 : i32
      %dma_start3A_1069 = tpu.memref_slice %arg10[%dma_start3A_1067, %dma_start3A_1068] : memref<128x128xf32, #tpu.memory_space<vmem>> -> memref<8x128xf32, #tpu.memory_space<vmem>>
      %dma_start3A_1070 = arith.constant 0 : i32
      %dma_start3A_1071 = tpu.memref_slice %arg5[%dma_start3A_1070, %multiple_of3A_1045] : memref<32x1000000xf32, #tpu.memory_space<hbm>> -> memref<8x128xf32, #tpu.memory_space<hbm>>
      tpu.enqueue_dma source(%dma_start3A_1071 : memref<8x128xf32, #tpu.memory_space<hbm>>) target(%dma_start3A_1069 : memref<8x128xf32, #tpu.memory_space<vmem>>) target_semaphore(%dma_start3A_1066 : memref<!tpu.dma_semaphore, #tpu.memory_space<semaphore_mem>>)
      %dma_start3A_1072 = arith.constant 2 : i32
      %dma_start3A_1073 = arith.constant 72 : i32
      %dma_start3A_1074 = arith.constant 0 : i32
      %dma_start3A_1075 = tpu.memref_slice %arg9[%dma_start3A_1073, %dma_start3A_1074] : memref<128x128xf32, #tpu.memory_space<vmem>> -> memref<8x128xf32, #tpu.memory_space<vmem>>
      %dma_start3A_1076 = arith.constant 8 : i32
      %dma_start3A_1077 = tpu.memref_slice %arg4[%dma_start3A_1076, %multiple_of3A_1044] : memref<32x1000000xf32, #tpu.memory_space<hbm>> -> memref<8x128xf32, #tpu.memory_space<hbm>>
      %dma_start3A_1078 = tpu.memref_slice %arg12[%dma_start3A_1072] : memref<4x!tpu.dma_semaphore, #tpu.memory_space<semaphore_mem>> -> memref<1x!tpu.dma_semaphore, #tpu.memory_space<semaphore_mem>>
      %dma_start3A_1079 = tpu.memref_squeeze %dma_start3A_1078 : memref<1x!tpu.dma_semaphore, #tpu.memory_space<semaphore_mem>> -> memref<!tpu.dma_semaphore, #tpu.memory_space<semaphore_mem>>
      %dma_start3A_1080 = arith.constant 72 : i32
      %dma_start3A_1081 = arith.constant 0 : i32
      %dma_start3A_1082 = tpu.memref_slice %arg9[%dma_start3A_1080, %dma_start3A_1081] : memref<128x128xf32, #tpu.memory_space<vmem>> -> memref<8x128xf32, #tpu.memory_space<vmem>>
      %dma_start3A_1083 = arith.constant 8 : i32
      %dma_start3A_1084 = tpu.memref_slice %arg4[%dma_start3A_1083, %multiple_of3A_1044] : memref<32x1000000xf32, #tpu.memory_space<hbm>> -> memref<8x128xf32, #tpu.memory_space<hbm>>
      tpu.enqueue_dma source(%dma_start3A_1084 : memref<8x128xf32, #tpu.memory_space<hbm>>) target(%dma_start3A_1082 : memref<8x128xf32, #tpu.memory_space<vmem>>) target_semaphore(%dma_start3A_1079 : memref<!tpu.dma_semaphore, #tpu.memory_space<semaphore_mem>>)
      %dma_start3A_1085 = arith.constant 2 : i32
      %dma_start3A_1086 = arith.constant 72 : i32
      %dma_start3A_1087 = arith.constant 0 : i32
      %dma_start3A_1088 = tpu.memref_slice %arg10[%dma_start3A_1086, %dma_start3A_1087] : memref<128x128xf32, #tpu.memory_space<vmem>> -> memref<8x128xf32, #tpu.memory_space<vmem>>
      %dma_start3A_1089 = arith.constant 8 : i32
      %dma_start3A_1090 = tpu.memref_slice %arg5[%dma_start3A_1089, %multiple_of3A_1045] : memref<32x1000000xf32, #tpu.memory_space<hbm>> -> memref<8x128xf32, #tpu.memory_space<hbm>>
      %dma_start3A_1091 = tpu.memref_slice %arg13[%dma_start3A_1085] : memref<4x!tpu.dma_semaphore, #tpu.memory_space<semaphore_mem>> -> memref<1x!tpu.dma_semaphore, #tpu.memory_space<semaphore_mem>>
      %dma_start3A_1092 = tpu.memref_squeeze %dma_start3A_1091 : memref<1x!tpu.dma_semaphore, #tpu.memory_space<semaphore_mem>> -> memref<!tpu.dma_semaphore, #tpu.memory_space<semaphore_mem>>
      %dma_start3A_1093 = arith.constant 72 : i32
      %dma_start3A_1094 = arith.constant 0 : i32
      %dma_start3A_1095 = tpu.memref_slice %arg10[%dma_start3A_1093, %dma_start3A_1094] : memref<128x128xf32, #tpu.memory_space<vmem>> -> memref<8x128xf32, #tpu.memory_space<vmem>>
      %dma_start3A_1096 = arith.constant 8 : i32
      %dma_start3A_1097 = tpu.memref_slice %arg5[%dma_start3A_1096, %multiple_of3A_1045] : memref<32x1000000xf32, #tpu.memory_space<hbm>> -> memref<8x128xf32, #tpu.memory_space<hbm>>
      tpu.enqueue_dma source(%dma_start3A_1097 : memref<8x128xf32, #tpu.memory_space<hbm>>) target(%dma_start3A_1095 : memref<8x128xf32, #tpu.memory_space<vmem>>) target_semaphore(%dma_start3A_1092 : memref<!tpu.dma_semaphore, #tpu.memory_space<semaphore_mem>>)
      %dma_start3A_1098 = arith.constant 2 : i32
      %dma_start3A_1099 = arith.constant 80 : i32
      %dma_start3A_1100 = arith.constant 0 : i32
      %dma_start3A_1101 = tpu.memref_slice %arg9[%dma_start3A_1099, %dma_start3A_1100] : memref<128x128xf32, #tpu.memory_space<vmem>> -> memref<8x128xf32, #tpu.memory_space<vmem>>
      %dma_start3A_1102 = arith.constant 16 : i32
      %dma_start3A_1103 = tpu.memref_slice %arg4[%dma_start3A_1102, %multiple_of3A_1044] : memref<32x1000000xf32, #tpu.memory_space<hbm>> -> memref<8x128xf32, #tpu.memory_space<hbm>>
      %dma_start3A_1104 = tpu.memref_slice %arg12[%dma_start3A_1098] : memref<4x!tpu.dma_semaphore, #tpu.memory_space<semaphore_mem>> -> memref<1x!tpu.dma_semaphore, #tpu.memory_space<semaphore_mem>>
      %dma_start3A_1105 = tpu.memref_squeeze %dma_start3A_1104 : memref<1x!tpu.dma_semaphore, #tpu.memory_space<semaphore_mem>> -> memref<!tpu.dma_semaphore, #tpu.memory_space<semaphore_mem>>
      %dma_start3A_1106 = arith.constant 80 : i32
      %dma_start3A_1107 = arith.constant 0 : i32
      %dma_start3A_1108 = tpu.memref_slice %arg9[%dma_start3A_1106, %dma_start3A_1107] : memref<128x128xf32, #tpu.memory_space<vmem>> -> memref<8x128xf32, #tpu.memory_space<vmem>>
      %dma_start3A_1109 = arith.constant 16 : i32
      %dma_start3A_1110 = tpu.memref_slice %arg4[%dma_start3A_1109, %multiple_of3A_1044] : memref<32x1000000xf32, #tpu.memory_space<hbm>> -> memref<8x128xf32, #tpu.memory_space<hbm>>
      tpu.enqueue_dma source(%dma_start3A_1110 : memref<8x128xf32, #tpu.memory_space<hbm>>) target(%dma_start3A_1108 : memref<8x128xf32, #tpu.memory_space<vmem>>) target_semaphore(%dma_start3A_1105 : memref<!tpu.dma_semaphore, #tpu.memory_space<semaphore_mem>>)
      %dma_start3A_1111 = arith.constant 2 : i32
      %dma_start3A_1112 = arith.constant 80 : i32
      %dma_start3A_1113 = arith.constant 0 : i32
      %dma_start3A_1114 = tpu.memref_slice %arg10[%dma_start3A_1112, %dma_start3A_1113] : memref<128x128xf32, #tpu.memory_space<vmem>> -> memref<8x128xf32, #tpu.memory_space<vmem>>
      %dma_start3A_1115 = arith.constant 16 : i32
      %dma_start3A_1116 = tpu.memref_slice %arg5[%dma_start3A_1115, %multiple_of3A_1045] : memref<32x1000000xf32, #tpu.memory_space<hbm>> -> memref<8x128xf32, #tpu.memory_space<hbm>>
      %dma_start3A_1117 = tpu.memref_slice %arg13[%dma_start3A_1111] : memref<4x!tpu.dma_semaphore, #tpu.memory_space<semaphore_mem>> -> memref<1x!tpu.dma_semaphore, #tpu.memory_space<semaphore_mem>>
      %dma_start3A_1118 = tpu.memref_squeeze %dma_start3A_1117 : memref<1x!tpu.dma_semaphore, #tpu.memory_space<semaphore_mem>> -> memref<!tpu.dma_semaphore, #tpu.memory_space<semaphore_mem>>
      %dma_start3A_1119 = arith.constant 80 : i32
      %dma_start3A_1120 = arith.constant 0 : i32
      %dma_start3A_1121 = tpu.memref_slice %arg10[%dma_start3A_1119, %dma_start3A_1120] : memref<128x128xf32, #tpu.memory_space<vmem>> -> memref<8x128xf32, #tpu.memory_space<vmem>>
      %dma_start3A_1122 = arith.constant 16 : i32
      %dma_start3A_1123 = tpu.memref_slice %arg5[%dma_start3A_1122, %multiple_of3A_1045] : memref<32x1000000xf32, #tpu.memory_space<hbm>> -> memref<8x128xf32, #tpu.memory_space<hbm>>
      tpu.enqueue_dma source(%dma_start3A_1123 : memref<8x128xf32, #tpu.memory_space<hbm>>) target(%dma_start3A_1121 : memref<8x128xf32, #tpu.memory_space<vmem>>) target_semaphore(%dma_start3A_1118 : memref<!tpu.dma_semaphore, #tpu.memory_space<semaphore_mem>>)
      %dma_start3A_1124 = arith.constant 2 : i32
      %dma_start3A_1125 = arith.constant 88 : i32
      %dma_start3A_1126 = arith.constant 0 : i32
      %dma_start3A_1127 = tpu.memref_slice %arg9[%dma_start3A_1125, %dma_start3A_1126] : memref<128x128xf32, #tpu.memory_space<vmem>> -> memref<8x128xf32, #tpu.memory_space<vmem>>
      %dma_start3A_1128 = arith.constant 24 : i32
      %dma_start3A_1129 = tpu.memref_slice %arg4[%dma_start3A_1128, %multiple_of3A_1044] : memref<32x1000000xf32, #tpu.memory_space<hbm>> -> memref<8x128xf32, #tpu.memory_space<hbm>>
      %dma_start3A_1130 = tpu.memref_slice %arg12[%dma_start3A_1124] : memref<4x!tpu.dma_semaphore, #tpu.memory_space<semaphore_mem>> -> memref<1x!tpu.dma_semaphore, #tpu.memory_space<semaphore_mem>>
      %dma_start3A_1131 = tpu.memref_squeeze %dma_start3A_1130 : memref<1x!tpu.dma_semaphore, #tpu.memory_space<semaphore_mem>> -> memref<!tpu.dma_semaphore, #tpu.memory_space<semaphore_mem>>
      %dma_start3A_1132 = arith.constant 88 : i32
      %dma_start3A_1133 = arith.constant 0 : i32
      %dma_start3A_1134 = tpu.memref_slice %arg9[%dma_start3A_1132, %dma_start3A_1133] : memref<128x128xf32, #tpu.memory_space<vmem>> -> memref<8x128xf32, #tpu.memory_space<vmem>>
      %dma_start3A_1135 = arith.constant 24 : i32
      %dma_start3A_1136 = tpu.memref_slice %arg4[%dma_start3A_1135, %multiple_of3A_1044] : memref<32x1000000xf32, #tpu.memory_space<hbm>> -> memref<8x128xf32, #tpu.memory_space<hbm>>
      tpu.enqueue_dma source(%dma_start3A_1136 : memref<8x128xf32, #tpu.memory_space<hbm>>) target(%dma_start3A_1134 : memref<8x128xf32, #tpu.memory_space<vmem>>) target_semaphore(%dma_start3A_1131 : memref<!tpu.dma_semaphore, #tpu.memory_space<semaphore_mem>>)
      %dma_start3A_1137 = arith.constant 2 : i32
      %dma_start3A_1138 = arith.constant 88 : i32
      %dma_start3A_1139 = arith.constant 0 : i32
      %dma_start3A_1140 = tpu.memref_slice %arg10[%dma_start3A_1138, %dma_start3A_1139] : memref<128x128xf32, #tpu.memory_space<vmem>> -> memref<8x128xf32, #tpu.memory_space<vmem>>
      %dma_start3A_1141 = arith.constant 24 : i32
      %dma_start3A_1142 = tpu.memref_slice %arg5[%dma_start3A_1141, %multiple_of3A_1045] : memref<32x1000000xf32, #tpu.memory_space<hbm>> -> memref<8x128xf32, #tpu.memory_space<hbm>>
      %dma_start3A_1143 = tpu.memref_slice %arg13[%dma_start3A_1137] : memref<4x!tpu.dma_semaphore, #tpu.memory_space<semaphore_mem>> -> memref<1x!tpu.dma_semaphore, #tpu.memory_space<semaphore_mem>>
      %dma_start3A_1144 = tpu.memref_squeeze %dma_start3A_1143 : memref<1x!tpu.dma_semaphore, #tpu.memory_space<semaphore_mem>> -> memref<!tpu.dma_semaphore, #tpu.memory_space<semaphore_mem>>
      %dma_start3A_1145 = arith.constant 88 : i32
      %dma_start3A_1146 = arith.constant 0 : i32
      %dma_start3A_1147 = tpu.memref_slice %arg10[%dma_start3A_1145, %dma_start3A_1146] : memref<128x128xf32, #tpu.memory_space<vmem>> -> memref<8x128xf32, #tpu.memory_space<vmem>>
      %dma_start3A_1148 = arith.constant 24 : i32
      %dma_start3A_1149 = tpu.memref_slice %arg5[%dma_start3A_1148, %multiple_of3A_1045] : memref<32x1000000xf32, #tpu.memory_space<hbm>> -> memref<8x128xf32, #tpu.memory_space<hbm>>
      tpu.enqueue_dma source(%dma_start3A_1149 : memref<8x128xf32, #tpu.memory_space<hbm>>) target(%dma_start3A_1147 : memref<8x128xf32, #tpu.memory_space<vmem>>) target_semaphore(%dma_start3A_1144 : memref<!tpu.dma_semaphore, #tpu.memory_space<semaphore_mem>>)
      %dma_wait3A_1150 = arith.constant 3 : i32
      %dma_wait3A_1151 = arith.constant 96 : i32
      %dma_wait3A_1152 = arith.constant 0 : i32
      %dma_wait3A_1153 = tpu.memref_slice %arg9[%dma_wait3A_1151, %dma_wait3A_1152] : memref<128x128xf32, #tpu.memory_space<vmem>> -> memref<32x128xf32, #tpu.memory_space<vmem>>
      %dma_wait3A_1154 = arith.constant 0 : i32
      %dma_wait3A_1155 = arith.constant 0 : i32
      %dma_wait3A_1156 = tpu.memref_slice %arg4[%dma_wait3A_1154, %dma_wait3A_1155] : memref<32x1000000xf32, #tpu.memory_space<hbm>> -> memref<32x128xf32, #tpu.memory_space<hbm>>
      %dma_wait3A_1157 = tpu.memref_slice %arg12[%dma_wait3A_1150] : memref<4x!tpu.dma_semaphore, #tpu.memory_space<semaphore_mem>> -> memref<1x!tpu.dma_semaphore, #tpu.memory_space<semaphore_mem>>
      %dma_wait3A_1158 = tpu.memref_squeeze %dma_wait3A_1157 : memref<1x!tpu.dma_semaphore, #tpu.memory_space<semaphore_mem>> -> memref<!tpu.dma_semaphore, #tpu.memory_space<semaphore_mem>>
      %dma_wait3A_1159 = arith.constant 96 : i32
      %dma_wait3A_1160 = arith.constant 0 : i32
      %dma_wait3A_1161 = tpu.memref_slice %arg9[%dma_wait3A_1159, %dma_wait3A_1160] : memref<128x128xf32, #tpu.memory_space<vmem>> -> memref<32x128xf32, #tpu.memory_space<vmem>>
      %dma_wait3A_1162 = arith.constant 0 : i32
      %dma_wait3A_1163 = arith.constant 0 : i32
      %dma_wait3A_1164 = tpu.memref_slice %arg4[%dma_wait3A_1162, %dma_wait3A_1163] : memref<32x1000000xf32, #tpu.memory_space<hbm>> -> memref<32x128xf32, #tpu.memory_space<hbm>>
      tpu.wait_dma2 semaphore(%dma_wait3A_1158 : memref<!tpu.dma_semaphore, #tpu.memory_space<semaphore_mem>>) src(%dma_wait3A_1164 : memref<32x128xf32, #tpu.memory_space<hbm>>) dst(%dma_wait3A_1161 : memref<32x128xf32, #tpu.memory_space<vmem>>)
      %dma_wait3A_1165 = arith.constant 3 : i32
      %dma_wait3A_1166 = arith.constant 96 : i32
      %dma_wait3A_1167 = arith.constant 0 : i32
      %dma_wait3A_1168 = tpu.memref_slice %arg10[%dma_wait3A_1166, %dma_wait3A_1167] : memref<128x128xf32, #tpu.memory_space<vmem>> -> memref<32x128xf32, #tpu.memory_space<vmem>>
      %dma_wait3A_1169 = arith.constant 0 : i32
      %dma_wait3A_1170 = arith.constant 0 : i32
      %dma_wait3A_1171 = tpu.memref_slice %arg5[%dma_wait3A_1169, %dma_wait3A_1170] : memref<32x1000000xf32, #tpu.memory_space<hbm>> -> memref<32x128xf32, #tpu.memory_space<hbm>>
      %dma_wait3A_1172 = tpu.memref_slice %arg13[%dma_wait3A_1165] : memref<4x!tpu.dma_semaphore, #tpu.memory_space<semaphore_mem>> -> memref<1x!tpu.dma_semaphore, #tpu.memory_space<semaphore_mem>>
      %dma_wait3A_1173 = tpu.memref_squeeze %dma_wait3A_1172 : memref<1x!tpu.dma_semaphore, #tpu.memory_space<semaphore_mem>> -> memref<!tpu.dma_semaphore, #tpu.memory_space<semaphore_mem>>
      %dma_wait3A_1174 = arith.constant 96 : i32
      %dma_wait3A_1175 = arith.constant 0 : i32
      %dma_wait3A_1176 = tpu.memref_slice %arg10[%dma_wait3A_1174, %dma_wait3A_1175] : memref<128x128xf32, #tpu.memory_space<vmem>> -> memref<32x128xf32, #tpu.memory_space<vmem>>
      %dma_wait3A_1177 = arith.constant 0 : i32
      %dma_wait3A_1178 = arith.constant 0 : i32
      %dma_wait3A_1179 = tpu.memref_slice %arg5[%dma_wait3A_1177, %dma_wait3A_1178] : memref<32x1000000xf32, #tpu.memory_space<hbm>> -> memref<32x128xf32, #tpu.memory_space<hbm>>
      tpu.wait_dma2 semaphore(%dma_wait3A_1173 : memref<!tpu.dma_semaphore, #tpu.memory_space<semaphore_mem>>) src(%dma_wait3A_1179 : memref<32x128xf32, #tpu.memory_space<hbm>>) dst(%dma_wait3A_1176 : memref<32x128xf32, #tpu.memory_space<vmem>>)
      %broadcast_in_dim3A_1180 = arith.constant 96 : i32
      %broadcast_in_dim3A_1181 = vector.broadcast %broadcast_in_dim3A_1180 : i32 to vector<16xi32>
      %add3A_1182 = arith.addi %broadcast_in_dim3A_1181, %iota3A : vector<16xi32>
      %broadcast_in_dim3A_1183 = arith.constant 1 : i32
      %broadcast_in_dim3A_1184 = vector.broadcast %broadcast_in_dim3A_1183 : i32 to vector<16xi32>
      %slice3A_1185 = vector.extract_strided_slice %sub3A {offsets = [3], sizes = [1], strides = [1]} : vector<16xi32> to vector<1xi32>
      %squeeze3A_1186 = vector.extract %slice3A_1185[0] : i32 from vector<1xi32>
      %mul3A_1187 = vector.broadcast %squeeze3A_1186 : i32 to vector<16xi32>
      %mul3A_1188 = arith.muli %broadcast_in_dim3A_1184, %mul3A_1187 : vector<16xi32>
      %broadcast_in_dim3A_1189 = arith.constant 1 : i32
      %broadcast_in_dim3A_1190 = vector.broadcast %broadcast_in_dim3A_1189 : i32 to vector<16xi32>
      %slice3A_1191 = vector.extract_strided_slice %sub3A_598 {offsets = [3], sizes = [1], strides = [1]} : vector<16xi32> to vector<1xi32>
      %squeeze3A_1192 = vector.extract %slice3A_1191[0] : i32 from vector<1xi32>
      %mul3A_1193 = vector.broadcast %squeeze3A_1192 : i32 to vector<16xi32>
      %mul3A_1194 = arith.muli %broadcast_in_dim3A_1190, %mul3A_1193 : vector<16xi32>
      %gather3A_1195 = tpu.vector_load_idx %arg9[%add3A_1182, %mul3A_1188] : memref<128x128xf32, #tpu.memory_space<vmem>>[vector<16xi32>, vector<16xi32>], vector<16xf32>,
      %add3A_1196 = arith.constant 16 : i32
      %add3A_1197 = vector.broadcast %add3A_1196 : i32 to vector<16xi32>
      %add3A_1198 = arith.addi %add3A_1182, %add3A_1197 : vector<16xi32>
      %gather3A_1199 = tpu.vector_load_idx %arg9[%add3A_1198, %mul3A_1188] : memref<128x128xf32, #tpu.memory_space<vmem>>[vector<16xi32>, vector<16xi32>], vector<16xf32>,
      %gather3A_1200 = tpu.vector_load_idx %arg10[%add3A_1182, %mul3A_1194] : memref<128x128xf32, #tpu.memory_space<vmem>>[vector<16xi32>, vector<16xi32>], vector<16xf32>,
      %add3A_1201 = arith.constant 16 : i32
      %add3A_1202 = vector.broadcast %add3A_1201 : i32 to vector<16xi32>
      %add3A_1203 = arith.addi %add3A_1182, %add3A_1202 : vector<16xi32>
      %gather3A_1204 = tpu.vector_load_idx %arg10[%add3A_1203, %mul3A_1194] : memref<128x128xf32, #tpu.memory_space<vmem>>[vector<16xi32>, vector<16xi32>], vector<16xf32>,
      %mul3A_1205 = arith.mulf %gather3A_1195, %gather3A_1200 : vector<16xf32>
      %mul3A_1206 = arith.mulf %gather3A_1199, %gather3A_1204 : vector<16xf32>
      %add3A_1207 = arith.addf %mul3A_1205, %mul3A_1206 : vector<16xf32>
      %reduce_sum3A_1208 = arith.constant true
      %reduce_sum3A_1209 = vector.broadcast %reduce_sum3A_1208 : i1 to vector<16xi1>
      %reduce_sum3A_1210 = tpu.scan <sum>, %add3A_1207 masked %reduce_sum3A_1209 : vector<16xf32>, vector<16xi1> -> vector<16xf32>
      %reduce_sum3A_1211 = vector.extract %reduce_sum3A_1210[15] : f32 from vector<16xf32>
      %eq3A_1212 = arith.constant 3 : i32
      %eq3A_1213 = vector.broadcast %eq3A_1212 : i32 to vector<16xi32>
      %eq3A_1214 = arith.cmpi eq, %iota3A, %eq3A_1213 : vector<16xi32>
      %broadcast_in_dim3A_1215 = vector.broadcast %reduce_sum3A_1211 : f32 to vector<16xf32>
      %select_n3A_1216 = arith.select %eq3A_1214, %broadcast_in_dim3A_1215, %select_n3A_1039 : vector<16xi1>, vector<16xf32>
      %slice3A_1217 = vector.extract_strided_slice %mul3A_591 {offsets = [7], sizes = [1], strides = [1]} : vector<16xi32> to vector<1xi32>
      %squeeze3A_1218 = vector.extract %slice3A_1217[0] : i32 from vector<1xi32>
      %slice3A_1219 = vector.extract_strided_slice %mul3A_597 {offsets = [7], sizes = [1], strides = [1]} : vector<16xi32> to vector<1xi32>
      %squeeze3A_1220 = vector.extract %slice3A_1219[0] : i32 from vector<1xi32>
      %multiple_of3A_1221 = tpu.assume_multiple %squeeze3A_1218, 128 : i32
      %multiple_of3A_1222 = tpu.assume_multiple %squeeze3A_1220, 128 : i32
      %dma_start3A_1223 = arith.constant 3 : i32
      %dma_start3A_1224 = arith.constant 96 : i32
      %dma_start3A_1225 = arith.constant 0 : i32
      %dma_start3A_1226 = tpu.memref_slice %arg9[%dma_start3A_1224, %dma_start3A_1225] : memref<128x128xf32, #tpu.memory_space<vmem>> -> memref<8x128xf32, #tpu.memory_space<vmem>>
      %dma_start3A_1227 = arith.constant 0 : i32
      %dma_start3A_1228 = tpu.memref_slice %arg4[%dma_start3A_1227, %multiple_of3A_1221] : memref<32x1000000xf32, #tpu.memory_space<hbm>> -> memref<8x128xf32, #tpu.memory_space<hbm>>
      %dma_start3A_1229 = tpu.memref_slice %arg12[%dma_start3A_1223] : memref<4x!tpu.dma_semaphore, #tpu.memory_space<semaphore_mem>> -> memref<1x!tpu.dma_semaphore, #tpu.memory_space<semaphore_mem>>
      %dma_start3A_1230 = tpu.memref_squeeze %dma_start3A_1229 : memref<1x!tpu.dma_semaphore, #tpu.memory_space<semaphore_mem>> -> memref<!tpu.dma_semaphore, #tpu.memory_space<semaphore_mem>>
      %dma_start3A_1231 = arith.constant 96 : i32
      %dma_start3A_1232 = arith.constant 0 : i32
      %dma_start3A_1233 = tpu.memref_slice %arg9[%dma_start3A_1231, %dma_start3A_1232] : memref<128x128xf32, #tpu.memory_space<vmem>> -> memref<8x128xf32, #tpu.memory_space<vmem>>
      %dma_start3A_1234 = arith.constant 0 : i32
      %dma_start3A_1235 = tpu.memref_slice %arg4[%dma_start3A_1234, %multiple_of3A_1221] : memref<32x1000000xf32, #tpu.memory_space<hbm>> -> memref<8x128xf32, #tpu.memory_space<hbm>>
      tpu.enqueue_dma source(%dma_start3A_1235 : memref<8x128xf32, #tpu.memory_space<hbm>>) target(%dma_start3A_1233 : memref<8x128xf32, #tpu.memory_space<vmem>>) target_semaphore(%dma_start3A_1230 : memref<!tpu.dma_semaphore, #tpu.memory_space<semaphore_mem>>)
      %dma_start3A_1236 = arith.constant 3 : i32
      %dma_start3A_1237 = arith.constant 96 : i32
      %dma_start3A_1238 = arith.constant 0 : i32
      %dma_start3A_1239 = tpu.memref_slice %arg10[%dma_start3A_1237, %dma_start3A_1238] : memref<128x128xf32, #tpu.memory_space<vmem>> -> memref<8x128xf32, #tpu.memory_space<vmem>>
      %dma_start3A_1240 = arith.constant 0 : i32
      %dma_start3A_1241 = tpu.memref_slice %arg5[%dma_start3A_1240, %multiple_of3A_1222] : memref<32x1000000xf32, #tpu.memory_space<hbm>> -> memref<8x128xf32, #tpu.memory_space<hbm>>
      %dma_start3A_1242 = tpu.memref_slice %arg13[%dma_start3A_1236] : memref<4x!tpu.dma_semaphore, #tpu.memory_space<semaphore_mem>> -> memref<1x!tpu.dma_semaphore, #tpu.memory_space<semaphore_mem>>
      %dma_start3A_1243 = tpu.memref_squeeze %dma_start3A_1242 : memref<1x!tpu.dma_semaphore, #tpu.memory_space<semaphore_mem>> -> memref<!tpu.dma_semaphore, #tpu.memory_space<semaphore_mem>>
      %dma_start3A_1244 = arith.constant 96 : i32
      %dma_start3A_1245 = arith.constant 0 : i32
      %dma_start3A_1246 = tpu.memref_slice %arg10[%dma_start3A_1244, %dma_start3A_1245] : memref<128x128xf32, #tpu.memory_space<vmem>> -> memref<8x128xf32, #tpu.memory_space<vmem>>
      %dma_start3A_1247 = arith.constant 0 : i32
      %dma_start3A_1248 = tpu.memref_slice %arg5[%dma_start3A_1247, %multiple_of3A_1222] : memref<32x1000000xf32, #tpu.memory_space<hbm>> -> memref<8x128xf32, #tpu.memory_space<hbm>>
      tpu.enqueue_dma source(%dma_start3A_1248 : memref<8x128xf32, #tpu.memory_space<hbm>>) target(%dma_start3A_1246 : memref<8x128xf32, #tpu.memory_space<vmem>>) target_semaphore(%dma_start3A_1243 : memref<!tpu.dma_semaphore, #tpu.memory_space<semaphore_mem>>)
      %dma_start3A_1249 = arith.constant 3 : i32
      %dma_start3A_1250 = arith.constant 104 : i32
      %dma_start3A_1251 = arith.constant 0 : i32
      %dma_start3A_1252 = tpu.memref_slice %arg9[%dma_start3A_1250, %dma_start3A_1251] : memref<128x128xf32, #tpu.memory_space<vmem>> -> memref<8x128xf32, #tpu.memory_space<vmem>>
      %dma_start3A_1253 = arith.constant 8 : i32
      %dma_start3A_1254 = tpu.memref_slice %arg4[%dma_start3A_1253, %multiple_of3A_1221] : memref<32x1000000xf32, #tpu.memory_space<hbm>> -> memref<8x128xf32, #tpu.memory_space<hbm>>
      %dma_start3A_1255 = tpu.memref_slice %arg12[%dma_start3A_1249] : memref<4x!tpu.dma_semaphore, #tpu.memory_space<semaphore_mem>> -> memref<1x!tpu.dma_semaphore, #tpu.memory_space<semaphore_mem>>
      %dma_start3A_1256 = tpu.memref_squeeze %dma_start3A_1255 : memref<1x!tpu.dma_semaphore, #tpu.memory_space<semaphore_mem>> -> memref<!tpu.dma_semaphore, #tpu.memory_space<semaphore_mem>>
      %dma_start3A_1257 = arith.constant 104 : i32
      %dma_start3A_1258 = arith.constant 0 : i32
      %dma_start3A_1259 = tpu.memref_slice %arg9[%dma_start3A_1257, %dma_start3A_1258] : memref<128x128xf32, #tpu.memory_space<vmem>> -> memref<8x128xf32, #tpu.memory_space<vmem>>
      %dma_start3A_1260 = arith.constant 8 : i32
      %dma_start3A_1261 = tpu.memref_slice %arg4[%dma_start3A_1260, %multiple_of3A_1221] : memref<32x1000000xf32, #tpu.memory_space<hbm>> -> memref<8x128xf32, #tpu.memory_space<hbm>>
      tpu.enqueue_dma source(%dma_start3A_1261 : memref<8x128xf32, #tpu.memory_space<hbm>>) target(%dma_start3A_1259 : memref<8x128xf32, #tpu.memory_space<vmem>>) target_semaphore(%dma_start3A_1256 : memref<!tpu.dma_semaphore, #tpu.memory_space<semaphore_mem>>)
      %dma_start3A_1262 = arith.constant 3 : i32
      %dma_start3A_1263 = arith.constant 104 : i32
      %dma_start3A_1264 = arith.constant 0 : i32
      %dma_start3A_1265 = tpu.memref_slice %arg10[%dma_start3A_1263, %dma_start3A_1264] : memref<128x128xf32, #tpu.memory_space<vmem>> -> memref<8x128xf32, #tpu.memory_space<vmem>>
      %dma_start3A_1266 = arith.constant 8 : i32
      %dma_start3A_1267 = tpu.memref_slice %arg5[%dma_start3A_1266, %multiple_of3A_1222] : memref<32x1000000xf32, #tpu.memory_space<hbm>> -> memref<8x128xf32, #tpu.memory_space<hbm>>
      %dma_start3A_1268 = tpu.memref_slice %arg13[%dma_start3A_1262] : memref<4x!tpu.dma_semaphore, #tpu.memory_space<semaphore_mem>> -> memref<1x!tpu.dma_semaphore, #tpu.memory_space<semaphore_mem>>
      %dma_start3A_1269 = tpu.memref_squeeze %dma_start3A_1268 : memref<1x!tpu.dma_semaphore, #tpu.memory_space<semaphore_mem>> -> memref<!tpu.dma_semaphore, #tpu.memory_space<semaphore_mem>>
      %dma_start3A_1270 = arith.constant 104 : i32
      %dma_start3A_1271 = arith.constant 0 : i32
      %dma_start3A_1272 = tpu.memref_slice %arg10[%dma_start3A_1270, %dma_start3A_1271] : memref<128x128xf32, #tpu.memory_space<vmem>> -> memref<8x128xf32, #tpu.memory_space<vmem>>
      %dma_start3A_1273 = arith.constant 8 : i32
      %dma_start3A_1274 = tpu.memref_slice %arg5[%dma_start3A_1273, %multiple_of3A_1222] : memref<32x1000000xf32, #tpu.memory_space<hbm>> -> memref<8x128xf32, #tpu.memory_space<hbm>>
      tpu.enqueue_dma source(%dma_start3A_1274 : memref<8x128xf32, #tpu.memory_space<hbm>>) target(%dma_start3A_1272 : memref<8x128xf32, #tpu.memory_space<vmem>>) target_semaphore(%dma_start3A_1269 : memref<!tpu.dma_semaphore, #tpu.memory_space<semaphore_mem>>)
      %dma_start3A_1275 = arith.constant 3 : i32
      %dma_start3A_1276 = arith.constant 112 : i32
      %dma_start3A_1277 = arith.constant 0 : i32
      %dma_start3A_1278 = tpu.memref_slice %arg9[%dma_start3A_1276, %dma_start3A_1277] : memref<128x128xf32, #tpu.memory_space<vmem>> -> memref<8x128xf32, #tpu.memory_space<vmem>>
      %dma_start3A_1279 = arith.constant 16 : i32
      %dma_start3A_1280 = tpu.memref_slice %arg4[%dma_start3A_1279, %multiple_of3A_1221] : memref<32x1000000xf32, #tpu.memory_space<hbm>> -> memref<8x128xf32, #tpu.memory_space<hbm>>
      %dma_start3A_1281 = tpu.memref_slice %arg12[%dma_start3A_1275] : memref<4x!tpu.dma_semaphore, #tpu.memory_space<semaphore_mem>> -> memref<1x!tpu.dma_semaphore, #tpu.memory_space<semaphore_mem>>
      %dma_start3A_1282 = tpu.memref_squeeze %dma_start3A_1281 : memref<1x!tpu.dma_semaphore, #tpu.memory_space<semaphore_mem>> -> memref<!tpu.dma_semaphore, #tpu.memory_space<semaphore_mem>>
      %dma_start3A_1283 = arith.constant 112 : i32
      %dma_start3A_1284 = arith.constant 0 : i32
      %dma_start3A_1285 = tpu.memref_slice %arg9[%dma_start3A_1283, %dma_start3A_1284] : memref<128x128xf32, #tpu.memory_space<vmem>> -> memref<8x128xf32, #tpu.memory_space<vmem>>
      %dma_start3A_1286 = arith.constant 16 : i32
      %dma_start3A_1287 = tpu.memref_slice %arg4[%dma_start3A_1286, %multiple_of3A_1221] : memref<32x1000000xf32, #tpu.memory_space<hbm>> -> memref<8x128xf32, #tpu.memory_space<hbm>>
      tpu.enqueue_dma source(%dma_start3A_1287 : memref<8x128xf32, #tpu.memory_space<hbm>>) target(%dma_start3A_1285 : memref<8x128xf32, #tpu.memory_space<vmem>>) target_semaphore(%dma_start3A_1282 : memref<!tpu.dma_semaphore, #tpu.memory_space<semaphore_mem>>)
      %dma_start3A_1288 = arith.constant 3 : i32
      %dma_start3A_1289 = arith.constant 112 : i32
      %dma_start3A_1290 = arith.constant 0 : i32
      %dma_start3A_1291 = tpu.memref_slice %arg10[%dma_start3A_1289, %dma_start3A_1290] : memref<128x128xf32, #tpu.memory_space<vmem>> -> memref<8x128xf32, #tpu.memory_space<vmem>>
      %dma_start3A_1292 = arith.constant 16 : i32
      %dma_start3A_1293 = tpu.memref_slice %arg5[%dma_start3A_1292, %multiple_of3A_1222] : memref<32x1000000xf32, #tpu.memory_space<hbm>> -> memref<8x128xf32, #tpu.memory_space<hbm>>
      %dma_start3A_1294 = tpu.memref_slice %arg13[%dma_start3A_1288] : memref<4x!tpu.dma_semaphore, #tpu.memory_space<semaphore_mem>> -> memref<1x!tpu.dma_semaphore, #tpu.memory_space<semaphore_mem>>
      %dma_start3A_1295 = tpu.memref_squeeze %dma_start3A_1294 : memref<1x!tpu.dma_semaphore, #tpu.memory_space<semaphore_mem>> -> memref<!tpu.dma_semaphore, #tpu.memory_space<semaphore_mem>>
      %dma_start3A_1296 = arith.constant 112 : i32
      %dma_start3A_1297 = arith.constant 0 : i32
      %dma_start3A_1298 = tpu.memref_slice %arg10[%dma_start3A_1296, %dma_start3A_1297] : memref<128x128xf32, #tpu.memory_space<vmem>> -> memref<8x128xf32, #tpu.memory_space<vmem>>
      %dma_start3A_1299 = arith.constant 16 : i32
      %dma_start3A_1300 = tpu.memref_slice %arg5[%dma_start3A_1299, %multiple_of3A_1222] : memref<32x1000000xf32, #tpu.memory_space<hbm>> -> memref<8x128xf32, #tpu.memory_space<hbm>>
      tpu.enqueue_dma source(%dma_start3A_1300 : memref<8x128xf32, #tpu.memory_space<hbm>>) target(%dma_start3A_1298 : memref<8x128xf32, #tpu.memory_space<vmem>>) target_semaphore(%dma_start3A_1295 : memref<!tpu.dma_semaphore, #tpu.memory_space<semaphore_mem>>)
      %dma_start3A_1301 = arith.constant 3 : i32
      %dma_start3A_1302 = arith.constant 120 : i32
      %dma_start3A_1303 = arith.constant 0 : i32
      %dma_start3A_1304 = tpu.memref_slice %arg9[%dma_start3A_1302, %dma_start3A_1303] : memref<128x128xf32, #tpu.memory_space<vmem>> -> memref<8x128xf32, #tpu.memory_space<vmem>>
      %dma_start3A_1305 = arith.constant 24 : i32
      %dma_start3A_1306 = tpu.memref_slice %arg4[%dma_start3A_1305, %multiple_of3A_1221] : memref<32x1000000xf32, #tpu.memory_space<hbm>> -> memref<8x128xf32, #tpu.memory_space<hbm>>
      %dma_start3A_1307 = tpu.memref_slice %arg12[%dma_start3A_1301] : memref<4x!tpu.dma_semaphore, #tpu.memory_space<semaphore_mem>> -> memref<1x!tpu.dma_semaphore, #tpu.memory_space<semaphore_mem>>
      %dma_start3A_1308 = tpu.memref_squeeze %dma_start3A_1307 : memref<1x!tpu.dma_semaphore, #tpu.memory_space<semaphore_mem>> -> memref<!tpu.dma_semaphore, #tpu.memory_space<semaphore_mem>>
      %dma_start3A_1309 = arith.constant 120 : i32
      %dma_start3A_1310 = arith.constant 0 : i32
      %dma_start3A_1311 = tpu.memref_slice %arg9[%dma_start3A_1309, %dma_start3A_1310] : memref<128x128xf32, #tpu.memory_space<vmem>> -> memref<8x128xf32, #tpu.memory_space<vmem>>
      %dma_start3A_1312 = arith.constant 24 : i32
      %dma_start3A_1313 = tpu.memref_slice %arg4[%dma_start3A_1312, %multiple_of3A_1221] : memref<32x1000000xf32, #tpu.memory_space<hbm>> -> memref<8x128xf32, #tpu.memory_space<hbm>>
      tpu.enqueue_dma source(%dma_start3A_1313 : memref<8x128xf32, #tpu.memory_space<hbm>>) target(%dma_start3A_1311 : memref<8x128xf32, #tpu.memory_space<vmem>>) target_semaphore(%dma_start3A_1308 : memref<!tpu.dma_semaphore, #tpu.memory_space<semaphore_mem>>)
      %dma_start3A_1314 = arith.constant 3 : i32
      %dma_start3A_1315 = arith.constant 120 : i32
      %dma_start3A_1316 = arith.constant 0 : i32
      %dma_start3A_1317 = tpu.memref_slice %arg10[%dma_start3A_1315, %dma_start3A_1316] : memref<128x128xf32, #tpu.memory_space<vmem>> -> memref<8x128xf32, #tpu.memory_space<vmem>>
      %dma_start3A_1318 = arith.constant 24 : i32
      %dma_start3A_1319 = tpu.memref_slice %arg5[%dma_start3A_1318, %multiple_of3A_1222] : memref<32x1000000xf32, #tpu.memory_space<hbm>> -> memref<8x128xf32, #tpu.memory_space<hbm>>
      %dma_start3A_1320 = tpu.memref_slice %arg13[%dma_start3A_1314] : memref<4x!tpu.dma_semaphore, #tpu.memory_space<semaphore_mem>> -> memref<1x!tpu.dma_semaphore, #tpu.memory_space<semaphore_mem>>
      %dma_start3A_1321 = tpu.memref_squeeze %dma_start3A_1320 : memref<1x!tpu.dma_semaphore, #tpu.memory_space<semaphore_mem>> -> memref<!tpu.dma_semaphore, #tpu.memory_space<semaphore_mem>>
      %dma_start3A_1322 = arith.constant 120 : i32
      %dma_start3A_1323 = arith.constant 0 : i32
      %dma_start3A_1324 = tpu.memref_slice %arg10[%dma_start3A_1322, %dma_start3A_1323] : memref<128x128xf32, #tpu.memory_space<vmem>> -> memref<8x128xf32, #tpu.memory_space<vmem>>
      %dma_start3A_1325 = arith.constant 24 : i32
      %dma_start3A_1326 = tpu.memref_slice %arg5[%dma_start3A_1325, %multiple_of3A_1222] : memref<32x1000000xf32, #tpu.memory_space<hbm>> -> memref<8x128xf32, #tpu.memory_space<hbm>>
      tpu.enqueue_dma source(%dma_start3A_1326 : memref<8x128xf32, #tpu.memory_space<hbm>>) target(%dma_start3A_1324 : memref<8x128xf32, #tpu.memory_space<vmem>>) target_semaphore(%dma_start3A_1321 : memref<!tpu.dma_semaphore, #tpu.memory_space<semaphore_mem>>)
      %dma_wait3A_1327 = arith.constant 0 : i32
      %dma_wait3A_1328 = arith.constant 0 : i32
      %dma_wait3A_1329 = arith.constant 0 : i32
      %dma_wait3A_1330 = tpu.memref_slice %arg9[%dma_wait3A_1328, %dma_wait3A_1329] : memref<128x128xf32, #tpu.memory_space<vmem>> -> memref<32x128xf32, #tpu.memory_space<vmem>>
      %dma_wait3A_1331 = arith.constant 0 : i32
      %dma_wait3A_1332 = arith.constant 0 : i32
      %dma_wait3A_1333 = tpu.memref_slice %arg4[%dma_wait3A_1331, %dma_wait3A_1332] : memref<32x1000000xf32, #tpu.memory_space<hbm>> -> memref<32x128xf32, #tpu.memory_space<hbm>>
      %dma_wait3A_1334 = tpu.memref_slice %arg12[%dma_wait3A_1327] : memref<4x!tpu.dma_semaphore, #tpu.memory_space<semaphore_mem>> -> memref<1x!tpu.dma_semaphore, #tpu.memory_space<semaphore_mem>>
      %dma_wait3A_1335 = tpu.memref_squeeze %dma_wait3A_1334 : memref<1x!tpu.dma_semaphore, #tpu.memory_space<semaphore_mem>> -> memref<!tpu.dma_semaphore, #tpu.memory_space<semaphore_mem>>
      %dma_wait3A_1336 = arith.constant 0 : i32
      %dma_wait3A_1337 = arith.constant 0 : i32
      %dma_wait3A_1338 = tpu.memref_slice %arg9[%dma_wait3A_1336, %dma_wait3A_1337] : memref<128x128xf32, #tpu.memory_space<vmem>> -> memref<32x128xf32, #tpu.memory_space<vmem>>
      %dma_wait3A_1339 = arith.constant 0 : i32
      %dma_wait3A_1340 = arith.constant 0 : i32
      %dma_wait3A_1341 = tpu.memref_slice %arg4[%dma_wait3A_1339, %dma_wait3A_1340] : memref<32x1000000xf32, #tpu.memory_space<hbm>> -> memref<32x128xf32, #tpu.memory_space<hbm>>
      tpu.wait_dma2 semaphore(%dma_wait3A_1335 : memref<!tpu.dma_semaphore, #tpu.memory_space<semaphore_mem>>) src(%dma_wait3A_1341 : memref<32x128xf32, #tpu.memory_space<hbm>>) dst(%dma_wait3A_1338 : memref<32x128xf32, #tpu.memory_space<vmem>>)
      %dma_wait3A_1342 = arith.constant 0 : i32
      %dma_wait3A_1343 = arith.constant 0 : i32
      %dma_wait3A_1344 = arith.constant 0 : i32
      %dma_wait3A_1345 = tpu.memref_slice %arg10[%dma_wait3A_1343, %dma_wait3A_1344] : memref<128x128xf32, #tpu.memory_space<vmem>> -> memref<32x128xf32, #tpu.memory_space<vmem>>
      %dma_wait3A_1346 = arith.constant 0 : i32
      %dma_wait3A_1347 = arith.constant 0 : i32
      %dma_wait3A_1348 = tpu.memref_slice %arg5[%dma_wait3A_1346, %dma_wait3A_1347] : memref<32x1000000xf32, #tpu.memory_space<hbm>> -> memref<32x128xf32, #tpu.memory_space<hbm>>
      %dma_wait3A_1349 = tpu.memref_slice %arg13[%dma_wait3A_1342] : memref<4x!tpu.dma_semaphore, #tpu.memory_space<semaphore_mem>> -> memref<1x!tpu.dma_semaphore, #tpu.memory_space<semaphore_mem>>
      %dma_wait3A_1350 = tpu.memref_squeeze %dma_wait3A_1349 : memref<1x!tpu.dma_semaphore, #tpu.memory_space<semaphore_mem>> -> memref<!tpu.dma_semaphore, #tpu.memory_space<semaphore_mem>>
      %dma_wait3A_1351 = arith.constant 0 : i32
      %dma_wait3A_1352 = arith.constant 0 : i32
      %dma_wait3A_1353 = tpu.memref_slice %arg10[%dma_wait3A_1351, %dma_wait3A_1352] : memref<128x128xf32, #tpu.memory_space<vmem>> -> memref<32x128xf32, #tpu.memory_space<vmem>>
      %dma_wait3A_1354 = arith.constant 0 : i32
      %dma_wait3A_1355 = arith.constant 0 : i32
      %dma_wait3A_1356 = tpu.memref_slice %arg5[%dma_wait3A_1354, %dma_wait3A_1355] : memref<32x1000000xf32, #tpu.memory_space<hbm>> -> memref<32x128xf32, #tpu.memory_space<hbm>>
      tpu.wait_dma2 semaphore(%dma_wait3A_1350 : memref<!tpu.dma_semaphore, #tpu.memory_space<semaphore_mem>>) src(%dma_wait3A_1356 : memref<32x128xf32, #tpu.memory_space<hbm>>) dst(%dma_wait3A_1353 : memref<32x128xf32, #tpu.memory_space<vmem>>)
      %broadcast_in_dim3A_1357 = arith.constant 0 : i32
      %broadcast_in_dim3A_1358 = vector.broadcast %broadcast_in_dim3A_1357 : i32 to vector<16xi32>
      %add3A_1359 = arith.addi %broadcast_in_dim3A_1358, %iota3A : vector<16xi32>
      %broadcast_in_dim3A_1360 = arith.constant 1 : i32
      %broadcast_in_dim3A_1361 = vector.broadcast %broadcast_in_dim3A_1360 : i32 to vector<16xi32>
      %slice3A_1362 = vector.extract_strided_slice %sub3A {offsets = [4], sizes = [1], strides = [1]} : vector<16xi32> to vector<1xi32>
      %squeeze3A_1363 = vector.extract %slice3A_1362[0] : i32 from vector<1xi32>
      %mul3A_1364 = vector.broadcast %squeeze3A_1363 : i32 to vector<16xi32>
      %mul3A_1365 = arith.muli %broadcast_in_dim3A_1361, %mul3A_1364 : vector<16xi32>
      %broadcast_in_dim3A_1366 = arith.constant 1 : i32
      %broadcast_in_dim3A_1367 = vector.broadcast %broadcast_in_dim3A_1366 : i32 to vector<16xi32>
      %slice3A_1368 = vector.extract_strided_slice %sub3A_598 {offsets = [4], sizes = [1], strides = [1]} : vector<16xi32> to vector<1xi32>
      %squeeze3A_1369 = vector.extract %slice3A_1368[0] : i32 from vector<1xi32>
      %mul3A_1370 = vector.broadcast %squeeze3A_1369 : i32 to vector<16xi32>
      %mul3A_1371 = arith.muli %broadcast_in_dim3A_1367, %mul3A_1370 : vector<16xi32>
      %gather3A_1372 = tpu.vector_load_idx %arg9[%add3A_1359, %mul3A_1365] : memref<128x128xf32, #tpu.memory_space<vmem>>[vector<16xi32>, vector<16xi32>], vector<16xf32>,
      %add3A_1373 = arith.constant 16 : i32
      %add3A_1374 = vector.broadcast %add3A_1373 : i32 to vector<16xi32>
      %add3A_1375 = arith.addi %add3A_1359, %add3A_1374 : vector<16xi32>
      %gather3A_1376 = tpu.vector_load_idx %arg9[%add3A_1375, %mul3A_1365] : memref<128x128xf32, #tpu.memory_space<vmem>>[vector<16xi32>, vector<16xi32>], vector<16xf32>,
      %gather3A_1377 = tpu.vector_load_idx %arg10[%add3A_1359, %mul3A_1371] : memref<128x128xf32, #tpu.memory_space<vmem>>[vector<16xi32>, vector<16xi32>], vector<16xf32>,
      %add3A_1378 = arith.constant 16 : i32
      %add3A_1379 = vector.broadcast %add3A_1378 : i32 to vector<16xi32>
      %add3A_1380 = arith.addi %add3A_1359, %add3A_1379 : vector<16xi32>
      %gather3A_1381 = tpu.vector_load_idx %arg10[%add3A_1380, %mul3A_1371] : memref<128x128xf32, #tpu.memory_space<vmem>>[vector<16xi32>, vector<16xi32>], vector<16xf32>,
      %mul3A_1382 = arith.mulf %gather3A_1372, %gather3A_1377 : vector<16xf32>
      %mul3A_1383 = arith.mulf %gather3A_1376, %gather3A_1381 : vector<16xf32>
      %add3A_1384 = arith.addf %mul3A_1382, %mul3A_1383 : vector<16xf32>
      %reduce_sum3A_1385 = arith.constant true
      %reduce_sum3A_1386 = vector.broadcast %reduce_sum3A_1385 : i1 to vector<16xi1>
      %reduce_sum3A_1387 = tpu.scan <sum>, %add3A_1384 masked %reduce_sum3A_1386 : vector<16xf32>, vector<16xi1> -> vector<16xf32>
      %reduce_sum3A_1388 = vector.extract %reduce_sum3A_1387[15] : f32 from vector<16xf32>
      %eq3A_1389 = arith.constant 4 : i32
      %eq3A_1390 = vector.broadcast %eq3A_1389 : i32 to vector<16xi32>
      %eq3A_1391 = arith.cmpi eq, %iota3A, %eq3A_1390 : vector<16xi32>
      %broadcast_in_dim3A_1392 = vector.broadcast %reduce_sum3A_1388 : f32 to vector<16xf32>
      %select_n3A_1393 = arith.select %eq3A_1391, %broadcast_in_dim3A_1392, %select_n3A_1216 : vector<16xi1>, vector<16xf32>
      %slice3A_1394 = vector.extract_strided_slice %mul3A_615 {offsets = [0], sizes = [1], strides = [1]} : vector<16xi32> to vector<1xi32>
      %squeeze3A_1395 = vector.extract %slice3A_1394[0] : i32 from vector<1xi32>
      %slice3A_1396 = vector.extract_strided_slice %mul3A_621 {offsets = [0], sizes = [1], strides = [1]} : vector<16xi32> to vector<1xi32>
      %squeeze3A_1397 = vector.extract %slice3A_1396[0] : i32 from vector<1xi32>
      %multiple_of3A_1398 = tpu.assume_multiple %squeeze3A_1395, 128 : i32
      %multiple_of3A_1399 = tpu.assume_multiple %squeeze3A_1397, 128 : i32
      %dma_start3A_1400 = arith.constant 0 : i32
      %dma_start3A_1401 = arith.constant 0 : i32
      %dma_start3A_1402 = arith.constant 0 : i32
      %dma_start3A_1403 = tpu.memref_slice %arg9[%dma_start3A_1401, %dma_start3A_1402] : memref<128x128xf32, #tpu.memory_space<vmem>> -> memref<8x128xf32, #tpu.memory_space<vmem>>
      %dma_start3A_1404 = arith.constant 0 : i32
      %dma_start3A_1405 = tpu.memref_slice %arg4[%dma_start3A_1404, %multiple_of3A_1398] : memref<32x1000000xf32, #tpu.memory_space<hbm>> -> memref<8x128xf32, #tpu.memory_space<hbm>>
      %dma_start3A_1406 = tpu.memref_slice %arg12[%dma_start3A_1400] : memref<4x!tpu.dma_semaphore, #tpu.memory_space<semaphore_mem>> -> memref<1x!tpu.dma_semaphore, #tpu.memory_space<semaphore_mem>>
      %dma_start3A_1407 = tpu.memref_squeeze %dma_start3A_1406 : memref<1x!tpu.dma_semaphore, #tpu.memory_space<semaphore_mem>> -> memref<!tpu.dma_semaphore, #tpu.memory_space<semaphore_mem>>
      %dma_start3A_1408 = arith.constant 0 : i32
      %dma_start3A_1409 = arith.constant 0 : i32
      %dma_start3A_1410 = tpu.memref_slice %arg9[%dma_start3A_1408, %dma_start3A_1409] : memref<128x128xf32, #tpu.memory_space<vmem>> -> memref<8x128xf32, #tpu.memory_space<vmem>>
      %dma_start3A_1411 = arith.constant 0 : i32
      %dma_start3A_1412 = tpu.memref_slice %arg4[%dma_start3A_1411, %multiple_of3A_1398] : memref<32x1000000xf32, #tpu.memory_space<hbm>> -> memref<8x128xf32, #tpu.memory_space<hbm>>
      tpu.enqueue_dma source(%dma_start3A_1412 : memref<8x128xf32, #tpu.memory_space<hbm>>) target(%dma_start3A_1410 : memref<8x128xf32, #tpu.memory_space<vmem>>) target_semaphore(%dma_start3A_1407 : memref<!tpu.dma_semaphore, #tpu.memory_space<semaphore_mem>>)
      %dma_start3A_1413 = arith.constant 0 : i32
      %dma_start3A_1414 = arith.constant 0 : i32
      %dma_start3A_1415 = arith.constant 0 : i32
      %dma_start3A_1416 = tpu.memref_slice %arg10[%dma_start3A_1414, %dma_start3A_1415] : memref<128x128xf32, #tpu.memory_space<vmem>> -> memref<8x128xf32, #tpu.memory_space<vmem>>
      %dma_start3A_1417 = arith.constant 0 : i32
      %dma_start3A_1418 = tpu.memref_slice %arg5[%dma_start3A_1417, %multiple_of3A_1399] : memref<32x1000000xf32, #tpu.memory_space<hbm>> -> memref<8x128xf32, #tpu.memory_space<hbm>>
      %dma_start3A_1419 = tpu.memref_slice %arg13[%dma_start3A_1413] : memref<4x!tpu.dma_semaphore, #tpu.memory_space<semaphore_mem>> -> memref<1x!tpu.dma_semaphore, #tpu.memory_space<semaphore_mem>>
      %dma_start3A_1420 = tpu.memref_squeeze %dma_start3A_1419 : memref<1x!tpu.dma_semaphore, #tpu.memory_space<semaphore_mem>> -> memref<!tpu.dma_semaphore, #tpu.memory_space<semaphore_mem>>
      %dma_start3A_1421 = arith.constant 0 : i32
      %dma_start3A_1422 = arith.constant 0 : i32
      %dma_start3A_1423 = tpu.memref_slice %arg10[%dma_start3A_1421, %dma_start3A_1422] : memref<128x128xf32, #tpu.memory_space<vmem>> -> memref<8x128xf32, #tpu.memory_space<vmem>>
      %dma_start3A_1424 = arith.constant 0 : i32
      %dma_start3A_1425 = tpu.memref_slice %arg5[%dma_start3A_1424, %multiple_of3A_1399] : memref<32x1000000xf32, #tpu.memory_space<hbm>> -> memref<8x128xf32, #tpu.memory_space<hbm>>
      tpu.enqueue_dma source(%dma_start3A_1425 : memref<8x128xf32, #tpu.memory_space<hbm>>) target(%dma_start3A_1423 : memref<8x128xf32, #tpu.memory_space<vmem>>) target_semaphore(%dma_start3A_1420 : memref<!tpu.dma_semaphore, #tpu.memory_space<semaphore_mem>>)
      %dma_start3A_1426 = arith.constant 0 : i32
      %dma_start3A_1427 = arith.constant 8 : i32
      %dma_start3A_1428 = arith.constant 0 : i32
      %dma_start3A_1429 = tpu.memref_slice %arg9[%dma_start3A_1427, %dma_start3A_1428] : memref<128x128xf32, #tpu.memory_space<vmem>> -> memref<8x128xf32, #tpu.memory_space<vmem>>
      %dma_start3A_1430 = arith.constant 8 : i32
      %dma_start3A_1431 = tpu.memref_slice %arg4[%dma_start3A_1430, %multiple_of3A_1398] : memref<32x1000000xf32, #tpu.memory_space<hbm>> -> memref<8x128xf32, #tpu.memory_space<hbm>>
      %dma_start3A_1432 = tpu.memref_slice %arg12[%dma_start3A_1426] : memref<4x!tpu.dma_semaphore, #tpu.memory_space<semaphore_mem>> -> memref<1x!tpu.dma_semaphore, #tpu.memory_space<semaphore_mem>>
      %dma_start3A_1433 = tpu.memref_squeeze %dma_start3A_1432 : memref<1x!tpu.dma_semaphore, #tpu.memory_space<semaphore_mem>> -> memref<!tpu.dma_semaphore, #tpu.memory_space<semaphore_mem>>
      %dma_start3A_1434 = arith.constant 8 : i32
      %dma_start3A_1435 = arith.constant 0 : i32
      %dma_start3A_1436 = tpu.memref_slice %arg9[%dma_start3A_1434, %dma_start3A_1435] : memref<128x128xf32, #tpu.memory_space<vmem>> -> memref<8x128xf32, #tpu.memory_space<vmem>>
      %dma_start3A_1437 = arith.constant 8 : i32
      %dma_start3A_1438 = tpu.memref_slice %arg4[%dma_start3A_1437, %multiple_of3A_1398] : memref<32x1000000xf32, #tpu.memory_space<hbm>> -> memref<8x128xf32, #tpu.memory_space<hbm>>
      tpu.enqueue_dma source(%dma_start3A_1438 : memref<8x128xf32, #tpu.memory_space<hbm>>) target(%dma_start3A_1436 : memref<8x128xf32, #tpu.memory_space<vmem>>) target_semaphore(%dma_start3A_1433 : memref<!tpu.dma_semaphore, #tpu.memory_space<semaphore_mem>>)
      %dma_start3A_1439 = arith.constant 0 : i32
      %dma_start3A_1440 = arith.constant 8 : i32
      %dma_start3A_1441 = arith.constant 0 : i32
      %dma_start3A_1442 = tpu.memref_slice %arg10[%dma_start3A_1440, %dma_start3A_1441] : memref<128x128xf32, #tpu.memory_space<vmem>> -> memref<8x128xf32, #tpu.memory_space<vmem>>
      %dma_start3A_1443 = arith.constant 8 : i32
      %dma_start3A_1444 = tpu.memref_slice %arg5[%dma_start3A_1443, %multiple_of3A_1399] : memref<32x1000000xf32, #tpu.memory_space<hbm>> -> memref<8x128xf32, #tpu.memory_space<hbm>>
      %dma_start3A_1445 = tpu.memref_slice %arg13[%dma_start3A_1439] : memref<4x!tpu.dma_semaphore, #tpu.memory_space<semaphore_mem>> -> memref<1x!tpu.dma_semaphore, #tpu.memory_space<semaphore_mem>>
      %dma_start3A_1446 = tpu.memref_squeeze %dma_start3A_1445 : memref<1x!tpu.dma_semaphore, #tpu.memory_space<semaphore_mem>> -> memref<!tpu.dma_semaphore, #tpu.memory_space<semaphore_mem>>
      %dma_start3A_1447 = arith.constant 8 : i32
      %dma_start3A_1448 = arith.constant 0 : i32
      %dma_start3A_1449 = tpu.memref_slice %arg10[%dma_start3A_1447, %dma_start3A_1448] : memref<128x128xf32, #tpu.memory_space<vmem>> -> memref<8x128xf32, #tpu.memory_space<vmem>>
      %dma_start3A_1450 = arith.constant 8 : i32
      %dma_start3A_1451 = tpu.memref_slice %arg5[%dma_start3A_1450, %multiple_of3A_1399] : memref<32x1000000xf32, #tpu.memory_space<hbm>> -> memref<8x128xf32, #tpu.memory_space<hbm>>
      tpu.enqueue_dma source(%dma_start3A_1451 : memref<8x128xf32, #tpu.memory_space<hbm>>) target(%dma_start3A_1449 : memref<8x128xf32, #tpu.memory_space<vmem>>) target_semaphore(%dma_start3A_1446 : memref<!tpu.dma_semaphore, #tpu.memory_space<semaphore_mem>>)
      %dma_start3A_1452 = arith.constant 0 : i32
      %dma_start3A_1453 = arith.constant 16 : i32
      %dma_start3A_1454 = arith.constant 0 : i32
      %dma_start3A_1455 = tpu.memref_slice %arg9[%dma_start3A_1453, %dma_start3A_1454] : memref<128x128xf32, #tpu.memory_space<vmem>> -> memref<8x128xf32, #tpu.memory_space<vmem>>
      %dma_start3A_1456 = arith.constant 16 : i32
      %dma_start3A_1457 = tpu.memref_slice %arg4[%dma_start3A_1456, %multiple_of3A_1398] : memref<32x1000000xf32, #tpu.memory_space<hbm>> -> memref<8x128xf32, #tpu.memory_space<hbm>>
      %dma_start3A_1458 = tpu.memref_slice %arg12[%dma_start3A_1452] : memref<4x!tpu.dma_semaphore, #tpu.memory_space<semaphore_mem>> -> memref<1x!tpu.dma_semaphore, #tpu.memory_space<semaphore_mem>>
      %dma_start3A_1459 = tpu.memref_squeeze %dma_start3A_1458 : memref<1x!tpu.dma_semaphore, #tpu.memory_space<semaphore_mem>> -> memref<!tpu.dma_semaphore, #tpu.memory_space<semaphore_mem>>
      %dma_start3A_1460 = arith.constant 16 : i32
      %dma_start3A_1461 = arith.constant 0 : i32
      %dma_start3A_1462 = tpu.memref_slice %arg9[%dma_start3A_1460, %dma_start3A_1461] : memref<128x128xf32, #tpu.memory_space<vmem>> -> memref<8x128xf32, #tpu.memory_space<vmem>>
      %dma_start3A_1463 = arith.constant 16 : i32
      %dma_start3A_1464 = tpu.memref_slice %arg4[%dma_start3A_1463, %multiple_of3A_1398] : memref<32x1000000xf32, #tpu.memory_space<hbm>> -> memref<8x128xf32, #tpu.memory_space<hbm>>
      tpu.enqueue_dma source(%dma_start3A_1464 : memref<8x128xf32, #tpu.memory_space<hbm>>) target(%dma_start3A_1462 : memref<8x128xf32, #tpu.memory_space<vmem>>) target_semaphore(%dma_start3A_1459 : memref<!tpu.dma_semaphore, #tpu.memory_space<semaphore_mem>>)
      %dma_start3A_1465 = arith.constant 0 : i32
      %dma_start3A_1466 = arith.constant 16 : i32
      %dma_start3A_1467 = arith.constant 0 : i32
      %dma_start3A_1468 = tpu.memref_slice %arg10[%dma_start3A_1466, %dma_start3A_1467] : memref<128x128xf32, #tpu.memory_space<vmem>> -> memref<8x128xf32, #tpu.memory_space<vmem>>
      %dma_start3A_1469 = arith.constant 16 : i32
      %dma_start3A_1470 = tpu.memref_slice %arg5[%dma_start3A_1469, %multiple_of3A_1399] : memref<32x1000000xf32, #tpu.memory_space<hbm>> -> memref<8x128xf32, #tpu.memory_space<hbm>>
      %dma_start3A_1471 = tpu.memref_slice %arg13[%dma_start3A_1465] : memref<4x!tpu.dma_semaphore, #tpu.memory_space<semaphore_mem>> -> memref<1x!tpu.dma_semaphore, #tpu.memory_space<semaphore_mem>>
      %dma_start3A_1472 = tpu.memref_squeeze %dma_start3A_1471 : memref<1x!tpu.dma_semaphore, #tpu.memory_space<semaphore_mem>> -> memref<!tpu.dma_semaphore, #tpu.memory_space<semaphore_mem>>
      %dma_start3A_1473 = arith.constant 16 : i32
      %dma_start3A_1474 = arith.constant 0 : i32
      %dma_start3A_1475 = tpu.memref_slice %arg10[%dma_start3A_1473, %dma_start3A_1474] : memref<128x128xf32, #tpu.memory_space<vmem>> -> memref<8x128xf32, #tpu.memory_space<vmem>>
      %dma_start3A_1476 = arith.constant 16 : i32
      %dma_start3A_1477 = tpu.memref_slice %arg5[%dma_start3A_1476, %multiple_of3A_1399] : memref<32x1000000xf32, #tpu.memory_space<hbm>> -> memref<8x128xf32, #tpu.memory_space<hbm>>
      tpu.enqueue_dma source(%dma_start3A_1477 : memref<8x128xf32, #tpu.memory_space<hbm>>) target(%dma_start3A_1475 : memref<8x128xf32, #tpu.memory_space<vmem>>) target_semaphore(%dma_start3A_1472 : memref<!tpu.dma_semaphore, #tpu.memory_space<semaphore_mem>>)
      %dma_start3A_1478 = arith.constant 0 : i32
      %dma_start3A_1479 = arith.constant 24 : i32
      %dma_start3A_1480 = arith.constant 0 : i32
      %dma_start3A_1481 = tpu.memref_slice %arg9[%dma_start3A_1479, %dma_start3A_1480] : memref<128x128xf32, #tpu.memory_space<vmem>> -> memref<8x128xf32, #tpu.memory_space<vmem>>
      %dma_start3A_1482 = arith.constant 24 : i32
      %dma_start3A_1483 = tpu.memref_slice %arg4[%dma_start3A_1482, %multiple_of3A_1398] : memref<32x1000000xf32, #tpu.memory_space<hbm>> -> memref<8x128xf32, #tpu.memory_space<hbm>>
      %dma_start3A_1484 = tpu.memref_slice %arg12[%dma_start3A_1478] : memref<4x!tpu.dma_semaphore, #tpu.memory_space<semaphore_mem>> -> memref<1x!tpu.dma_semaphore, #tpu.memory_space<semaphore_mem>>
      %dma_start3A_1485 = tpu.memref_squeeze %dma_start3A_1484 : memref<1x!tpu.dma_semaphore, #tpu.memory_space<semaphore_mem>> -> memref<!tpu.dma_semaphore, #tpu.memory_space<semaphore_mem>>
      %dma_start3A_1486 = arith.constant 24 : i32
      %dma_start3A_1487 = arith.constant 0 : i32
      %dma_start3A_1488 = tpu.memref_slice %arg9[%dma_start3A_1486, %dma_start3A_1487] : memref<128x128xf32, #tpu.memory_space<vmem>> -> memref<8x128xf32, #tpu.memory_space<vmem>>
      %dma_start3A_1489 = arith.constant 24 : i32
      %dma_start3A_1490 = tpu.memref_slice %arg4[%dma_start3A_1489, %multiple_of3A_1398] : memref<32x1000000xf32, #tpu.memory_space<hbm>> -> memref<8x128xf32, #tpu.memory_space<hbm>>
      tpu.enqueue_dma source(%dma_start3A_1490 : memref<8x128xf32, #tpu.memory_space<hbm>>) target(%dma_start3A_1488 : memref<8x128xf32, #tpu.memory_space<vmem>>) target_semaphore(%dma_start3A_1485 : memref<!tpu.dma_semaphore, #tpu.memory_space<semaphore_mem>>)
      %dma_start3A_1491 = arith.constant 0 : i32
      %dma_start3A_1492 = arith.constant 24 : i32
      %dma_start3A_1493 = arith.constant 0 : i32
      %dma_start3A_1494 = tpu.memref_slice %arg10[%dma_start3A_1492, %dma_start3A_1493] : memref<128x128xf32, #tpu.memory_space<vmem>> -> memref<8x128xf32, #tpu.memory_space<vmem>>
      %dma_start3A_1495 = arith.constant 24 : i32
      %dma_start3A_1496 = tpu.memref_slice %arg5[%dma_start3A_1495, %multiple_of3A_1399] : memref<32x1000000xf32, #tpu.memory_space<hbm>> -> memref<8x128xf32, #tpu.memory_space<hbm>>
      %dma_start3A_1497 = tpu.memref_slice %arg13[%dma_start3A_1491] : memref<4x!tpu.dma_semaphore, #tpu.memory_space<semaphore_mem>> -> memref<1x!tpu.dma_semaphore, #tpu.memory_space<semaphore_mem>>
      %dma_start3A_1498 = tpu.memref_squeeze %dma_start3A_1497 : memref<1x!tpu.dma_semaphore, #tpu.memory_space<semaphore_mem>> -> memref<!tpu.dma_semaphore, #tpu.memory_space<semaphore_mem>>
      %dma_start3A_1499 = arith.constant 24 : i32
      %dma_start3A_1500 = arith.constant 0 : i32
      %dma_start3A_1501 = tpu.memref_slice %arg10[%dma_start3A_1499, %dma_start3A_1500] : memref<128x128xf32, #tpu.memory_space<vmem>> -> memref<8x128xf32, #tpu.memory_space<vmem>>
      %dma_start3A_1502 = arith.constant 24 : i32
      %dma_start3A_1503 = tpu.memref_slice %arg5[%dma_start3A_1502, %multiple_of3A_1399] : memref<32x1000000xf32, #tpu.memory_space<hbm>> -> memref<8x128xf32, #tpu.memory_space<hbm>>
      tpu.enqueue_dma source(%dma_start3A_1503 : memref<8x128xf32, #tpu.memory_space<hbm>>) target(%dma_start3A_1501 : memref<8x128xf32, #tpu.memory_space<vmem>>) target_semaphore(%dma_start3A_1498 : memref<!tpu.dma_semaphore, #tpu.memory_space<semaphore_mem>>)
      %dma_wait3A_1504 = arith.constant 1 : i32
      %dma_wait3A_1505 = arith.constant 32 : i32
      %dma_wait3A_1506 = arith.constant 0 : i32
      %dma_wait3A_1507 = tpu.memref_slice %arg9[%dma_wait3A_1505, %dma_wait3A_1506] : memref<128x128xf32, #tpu.memory_space<vmem>> -> memref<32x128xf32, #tpu.memory_space<vmem>>
      %dma_wait3A_1508 = arith.constant 0 : i32
      %dma_wait3A_1509 = arith.constant 0 : i32
      %dma_wait3A_1510 = tpu.memref_slice %arg4[%dma_wait3A_1508, %dma_wait3A_1509] : memref<32x1000000xf32, #tpu.memory_space<hbm>> -> memref<32x128xf32, #tpu.memory_space<hbm>>
      %dma_wait3A_1511 = tpu.memref_slice %arg12[%dma_wait3A_1504] : memref<4x!tpu.dma_semaphore, #tpu.memory_space<semaphore_mem>> -> memref<1x!tpu.dma_semaphore, #tpu.memory_space<semaphore_mem>>
      %dma_wait3A_1512 = tpu.memref_squeeze %dma_wait3A_1511 : memref<1x!tpu.dma_semaphore, #tpu.memory_space<semaphore_mem>> -> memref<!tpu.dma_semaphore, #tpu.memory_space<semaphore_mem>>
      %dma_wait3A_1513 = arith.constant 32 : i32
      %dma_wait3A_1514 = arith.constant 0 : i32
      %dma_wait3A_1515 = tpu.memref_slice %arg9[%dma_wait3A_1513, %dma_wait3A_1514] : memref<128x128xf32, #tpu.memory_space<vmem>> -> memref<32x128xf32, #tpu.memory_space<vmem>>
      %dma_wait3A_1516 = arith.constant 0 : i32
      %dma_wait3A_1517 = arith.constant 0 : i32
      %dma_wait3A_1518 = tpu.memref_slice %arg4[%dma_wait3A_1516, %dma_wait3A_1517] : memref<32x1000000xf32, #tpu.memory_space<hbm>> -> memref<32x128xf32, #tpu.memory_space<hbm>>
      tpu.wait_dma2 semaphore(%dma_wait3A_1512 : memref<!tpu.dma_semaphore, #tpu.memory_space<semaphore_mem>>) src(%dma_wait3A_1518 : memref<32x128xf32, #tpu.memory_space<hbm>>) dst(%dma_wait3A_1515 : memref<32x128xf32, #tpu.memory_space<vmem>>)
      %dma_wait3A_1519 = arith.constant 1 : i32
      %dma_wait3A_1520 = arith.constant 32 : i32
      %dma_wait3A_1521 = arith.constant 0 : i32
      %dma_wait3A_1522 = tpu.memref_slice %arg10[%dma_wait3A_1520, %dma_wait3A_1521] : memref<128x128xf32, #tpu.memory_space<vmem>> -> memref<32x128xf32, #tpu.memory_space<vmem>>
      %dma_wait3A_1523 = arith.constant 0 : i32
      %dma_wait3A_1524 = arith.constant 0 : i32
      %dma_wait3A_1525 = tpu.memref_slice %arg5[%dma_wait3A_1523, %dma_wait3A_1524] : memref<32x1000000xf32, #tpu.memory_space<hbm>> -> memref<32x128xf32, #tpu.memory_space<hbm>>
      %dma_wait3A_1526 = tpu.memref_slice %arg13[%dma_wait3A_1519] : memref<4x!tpu.dma_semaphore, #tpu.memory_space<semaphore_mem>> -> memref<1x!tpu.dma_semaphore, #tpu.memory_space<semaphore_mem>>
      %dma_wait3A_1527 = tpu.memref_squeeze %dma_wait3A_1526 : memref<1x!tpu.dma_semaphore, #tpu.memory_space<semaphore_mem>> -> memref<!tpu.dma_semaphore, #tpu.memory_space<semaphore_mem>>
      %dma_wait3A_1528 = arith.constant 32 : i32
      %dma_wait3A_1529 = arith.constant 0 : i32
      %dma_wait3A_1530 = tpu.memref_slice %arg10[%dma_wait3A_1528, %dma_wait3A_1529] : memref<128x128xf32, #tpu.memory_space<vmem>> -> memref<32x128xf32, #tpu.memory_space<vmem>>
      %dma_wait3A_1531 = arith.constant 0 : i32
      %dma_wait3A_1532 = arith.constant 0 : i32
      %dma_wait3A_1533 = tpu.memref_slice %arg5[%dma_wait3A_1531, %dma_wait3A_1532] : memref<32x1000000xf32, #tpu.memory_space<hbm>> -> memref<32x128xf32, #tpu.memory_space<hbm>>
      tpu.wait_dma2 semaphore(%dma_wait3A_1527 : memref<!tpu.dma_semaphore, #tpu.memory_space<semaphore_mem>>) src(%dma_wait3A_1533 : memref<32x128xf32, #tpu.memory_space<hbm>>) dst(%dma_wait3A_1530 : memref<32x128xf32, #tpu.memory_space<vmem>>)
      %broadcast_in_dim3A_1534 = arith.constant 32 : i32
      %broadcast_in_dim3A_1535 = vector.broadcast %broadcast_in_dim3A_1534 : i32 to vector<16xi32>
      %add3A_1536 = arith.addi %broadcast_in_dim3A_1535, %iota3A : vector<16xi32>
      %broadcast_in_dim3A_1537 = arith.constant 1 : i32
      %broadcast_in_dim3A_1538 = vector.broadcast %broadcast_in_dim3A_1537 : i32 to vector<16xi32>
      %slice3A_1539 = vector.extract_strided_slice %sub3A {offsets = [5], sizes = [1], strides = [1]} : vector<16xi32> to vector<1xi32>
      %squeeze3A_1540 = vector.extract %slice3A_1539[0] : i32 from vector<1xi32>
      %mul3A_1541 = vector.broadcast %squeeze3A_1540 : i32 to vector<16xi32>
      %mul3A_1542 = arith.muli %broadcast_in_dim3A_1538, %mul3A_1541 : vector<16xi32>
      %broadcast_in_dim3A_1543 = arith.constant 1 : i32
      %broadcast_in_dim3A_1544 = vector.broadcast %broadcast_in_dim3A_1543 : i32 to vector<16xi32>
      %slice3A_1545 = vector.extract_strided_slice %sub3A_598 {offsets = [5], sizes = [1], strides = [1]} : vector<16xi32> to vector<1xi32>
      %squeeze3A_1546 = vector.extract %slice3A_1545[0] : i32 from vector<1xi32>
      %mul3A_1547 = vector.broadcast %squeeze3A_1546 : i32 to vector<16xi32>
      %mul3A_1548 = arith.muli %broadcast_in_dim3A_1544, %mul3A_1547 : vector<16xi32>
      %gather3A_1549 = tpu.vector_load_idx %arg9[%add3A_1536, %mul3A_1542] : memref<128x128xf32, #tpu.memory_space<vmem>>[vector<16xi32>, vector<16xi32>], vector<16xf32>,
      %add3A_1550 = arith.constant 16 : i32
      %add3A_1551 = vector.broadcast %add3A_1550 : i32 to vector<16xi32>
      %add3A_1552 = arith.addi %add3A_1536, %add3A_1551 : vector<16xi32>
      %gather3A_1553 = tpu.vector_load_idx %arg9[%add3A_1552, %mul3A_1542] : memref<128x128xf32, #tpu.memory_space<vmem>>[vector<16xi32>, vector<16xi32>], vector<16xf32>,
      %gather3A_1554 = tpu.vector_load_idx %arg10[%add3A_1536, %mul3A_1548] : memref<128x128xf32, #tpu.memory_space<vmem>>[vector<16xi32>, vector<16xi32>], vector<16xf32>,
      %add3A_1555 = arith.constant 16 : i32
      %add3A_1556 = vector.broadcast %add3A_1555 : i32 to vector<16xi32>
      %add3A_1557 = arith.addi %add3A_1536, %add3A_1556 : vector<16xi32>
      %gather3A_1558 = tpu.vector_load_idx %arg10[%add3A_1557, %mul3A_1548] : memref<128x128xf32, #tpu.memory_space<vmem>>[vector<16xi32>, vector<16xi32>], vector<16xf32>,
      %mul3A_1559 = arith.mulf %gather3A_1549, %gather3A_1554 : vector<16xf32>
      %mul3A_1560 = arith.mulf %gather3A_1553, %gather3A_1558 : vector<16xf32>
      %add3A_1561 = arith.addf %mul3A_1559, %mul3A_1560 : vector<16xf32>
      %reduce_sum3A_1562 = arith.constant true
      %reduce_sum3A_1563 = vector.broadcast %reduce_sum3A_1562 : i1 to vector<16xi1>
      %reduce_sum3A_1564 = tpu.scan <sum>, %add3A_1561 masked %reduce_sum3A_1563 : vector<16xf32>, vector<16xi1> -> vector<16xf32>
      %reduce_sum3A_1565 = vector.extract %reduce_sum3A_1564[15] : f32 from vector<16xf32>
      %eq3A_1566 = arith.constant 5 : i32
      %eq3A_1567 = vector.broadcast %eq3A_1566 : i32 to vector<16xi32>
      %eq3A_1568 = arith.cmpi eq, %iota3A, %eq3A_1567 : vector<16xi32>
      %broadcast_in_dim3A_1569 = vector.broadcast %reduce_sum3A_1565 : f32 to vector<16xf32>
      %select_n3A_1570 = arith.select %eq3A_1568, %broadcast_in_dim3A_1569, %select_n3A_1393 : vector<16xi1>, vector<16xf32>
      %slice3A_1571 = vector.extract_strided_slice %mul3A_615 {offsets = [1], sizes = [1], strides = [1]} : vector<16xi32> to vector<1xi32>
      %squeeze3A_1572 = vector.extract %slice3A_1571[0] : i32 from vector<1xi32>
      %slice3A_1573 = vector.extract_strided_slice %mul3A_621 {offsets = [1], sizes = [1], strides = [1]} : vector<16xi32> to vector<1xi32>
      %squeeze3A_1574 = vector.extract %slice3A_1573[0] : i32 from vector<1xi32>
      %multiple_of3A_1575 = tpu.assume_multiple %squeeze3A_1572, 128 : i32
      %multiple_of3A_1576 = tpu.assume_multiple %squeeze3A_1574, 128 : i32
      %dma_start3A_1577 = arith.constant 1 : i32
      %dma_start3A_1578 = arith.constant 32 : i32
      %dma_start3A_1579 = arith.constant 0 : i32
      %dma_start3A_1580 = tpu.memref_slice %arg9[%dma_start3A_1578, %dma_start3A_1579] : memref<128x128xf32, #tpu.memory_space<vmem>> -> memref<8x128xf32, #tpu.memory_space<vmem>>
      %dma_start3A_1581 = arith.constant 0 : i32
      %dma_start3A_1582 = tpu.memref_slice %arg4[%dma_start3A_1581, %multiple_of3A_1575] : memref<32x1000000xf32, #tpu.memory_space<hbm>> -> memref<8x128xf32, #tpu.memory_space<hbm>>
      %dma_start3A_1583 = tpu.memref_slice %arg12[%dma_start3A_1577] : memref<4x!tpu.dma_semaphore, #tpu.memory_space<semaphore_mem>> -> memref<1x!tpu.dma_semaphore, #tpu.memory_space<semaphore_mem>>
      %dma_start3A_1584 = tpu.memref_squeeze %dma_start3A_1583 : memref<1x!tpu.dma_semaphore, #tpu.memory_space<semaphore_mem>> -> memref<!tpu.dma_semaphore, #tpu.memory_space<semaphore_mem>>
      %dma_start3A_1585 = arith.constant 32 : i32
      %dma_start3A_1586 = arith.constant 0 : i32
      %dma_start3A_1587 = tpu.memref_slice %arg9[%dma_start3A_1585, %dma_start3A_1586] : memref<128x128xf32, #tpu.memory_space<vmem>> -> memref<8x128xf32, #tpu.memory_space<vmem>>
      %dma_start3A_1588 = arith.constant 0 : i32
      %dma_start3A_1589 = tpu.memref_slice %arg4[%dma_start3A_1588, %multiple_of3A_1575] : memref<32x1000000xf32, #tpu.memory_space<hbm>> -> memref<8x128xf32, #tpu.memory_space<hbm>>
      tpu.enqueue_dma source(%dma_start3A_1589 : memref<8x128xf32, #tpu.memory_space<hbm>>) target(%dma_start3A_1587 : memref<8x128xf32, #tpu.memory_space<vmem>>) target_semaphore(%dma_start3A_1584 : memref<!tpu.dma_semaphore, #tpu.memory_space<semaphore_mem>>)
      %dma_start3A_1590 = arith.constant 1 : i32
      %dma_start3A_1591 = arith.constant 32 : i32
      %dma_start3A_1592 = arith.constant 0 : i32
      %dma_start3A_1593 = tpu.memref_slice %arg10[%dma_start3A_1591, %dma_start3A_1592] : memref<128x128xf32, #tpu.memory_space<vmem>> -> memref<8x128xf32, #tpu.memory_space<vmem>>
      %dma_start3A_1594 = arith.constant 0 : i32
      %dma_start3A_1595 = tpu.memref_slice %arg5[%dma_start3A_1594, %multiple_of3A_1576] : memref<32x1000000xf32, #tpu.memory_space<hbm>> -> memref<8x128xf32, #tpu.memory_space<hbm>>
      %dma_start3A_1596 = tpu.memref_slice %arg13[%dma_start3A_1590] : memref<4x!tpu.dma_semaphore, #tpu.memory_space<semaphore_mem>> -> memref<1x!tpu.dma_semaphore, #tpu.memory_space<semaphore_mem>>
      %dma_start3A_1597 = tpu.memref_squeeze %dma_start3A_1596 : memref<1x!tpu.dma_semaphore, #tpu.memory_space<semaphore_mem>> -> memref<!tpu.dma_semaphore, #tpu.memory_space<semaphore_mem>>
      %dma_start3A_1598 = arith.constant 32 : i32
      %dma_start3A_1599 = arith.constant 0 : i32
      %dma_start3A_1600 = tpu.memref_slice %arg10[%dma_start3A_1598, %dma_start3A_1599] : memref<128x128xf32, #tpu.memory_space<vmem>> -> memref<8x128xf32, #tpu.memory_space<vmem>>
      %dma_start3A_1601 = arith.constant 0 : i32
      %dma_start3A_1602 = tpu.memref_slice %arg5[%dma_start3A_1601, %multiple_of3A_1576] : memref<32x1000000xf32, #tpu.memory_space<hbm>> -> memref<8x128xf32, #tpu.memory_space<hbm>>
      tpu.enqueue_dma source(%dma_start3A_1602 : memref<8x128xf32, #tpu.memory_space<hbm>>) target(%dma_start3A_1600 : memref<8x128xf32, #tpu.memory_space<vmem>>) target_semaphore(%dma_start3A_1597 : memref<!tpu.dma_semaphore, #tpu.memory_space<semaphore_mem>>)
      %dma_start3A_1603 = arith.constant 1 : i32
      %dma_start3A_1604 = arith.constant 40 : i32
      %dma_start3A_1605 = arith.constant 0 : i32
      %dma_start3A_1606 = tpu.memref_slice %arg9[%dma_start3A_1604, %dma_start3A_1605] : memref<128x128xf32, #tpu.memory_space<vmem>> -> memref<8x128xf32, #tpu.memory_space<vmem>>
      %dma_start3A_1607 = arith.constant 8 : i32
      %dma_start3A_1608 = tpu.memref_slice %arg4[%dma_start3A_1607, %multiple_of3A_1575] : memref<32x1000000xf32, #tpu.memory_space<hbm>> -> memref<8x128xf32, #tpu.memory_space<hbm>>
      %dma_start3A_1609 = tpu.memref_slice %arg12[%dma_start3A_1603] : memref<4x!tpu.dma_semaphore, #tpu.memory_space<semaphore_mem>> -> memref<1x!tpu.dma_semaphore, #tpu.memory_space<semaphore_mem>>
      %dma_start3A_1610 = tpu.memref_squeeze %dma_start3A_1609 : memref<1x!tpu.dma_semaphore, #tpu.memory_space<semaphore_mem>> -> memref<!tpu.dma_semaphore, #tpu.memory_space<semaphore_mem>>
      %dma_start3A_1611 = arith.constant 40 : i32
      %dma_start3A_1612 = arith.constant 0 : i32
      %dma_start3A_1613 = tpu.memref_slice %arg9[%dma_start3A_1611, %dma_start3A_1612] : memref<128x128xf32, #tpu.memory_space<vmem>> -> memref<8x128xf32, #tpu.memory_space<vmem>>
      %dma_start3A_1614 = arith.constant 8 : i32
      %dma_start3A_1615 = tpu.memref_slice %arg4[%dma_start3A_1614, %multiple_of3A_1575] : memref<32x1000000xf32, #tpu.memory_space<hbm>> -> memref<8x128xf32, #tpu.memory_space<hbm>>
      tpu.enqueue_dma source(%dma_start3A_1615 : memref<8x128xf32, #tpu.memory_space<hbm>>) target(%dma_start3A_1613 : memref<8x128xf32, #tpu.memory_space<vmem>>) target_semaphore(%dma_start3A_1610 : memref<!tpu.dma_semaphore, #tpu.memory_space<semaphore_mem>>)
      %dma_start3A_1616 = arith.constant 1 : i32
      %dma_start3A_1617 = arith.constant 40 : i32
      %dma_start3A_1618 = arith.constant 0 : i32
      %dma_start3A_1619 = tpu.memref_slice %arg10[%dma_start3A_1617, %dma_start3A_1618] : memref<128x128xf32, #tpu.memory_space<vmem>> -> memref<8x128xf32, #tpu.memory_space<vmem>>
      %dma_start3A_1620 = arith.constant 8 : i32
      %dma_start3A_1621 = tpu.memref_slice %arg5[%dma_start3A_1620, %multiple_of3A_1576] : memref<32x1000000xf32, #tpu.memory_space<hbm>> -> memref<8x128xf32, #tpu.memory_space<hbm>>
      %dma_start3A_1622 = tpu.memref_slice %arg13[%dma_start3A_1616] : memref<4x!tpu.dma_semaphore, #tpu.memory_space<semaphore_mem>> -> memref<1x!tpu.dma_semaphore, #tpu.memory_space<semaphore_mem>>
      %dma_start3A_1623 = tpu.memref_squeeze %dma_start3A_1622 : memref<1x!tpu.dma_semaphore, #tpu.memory_space<semaphore_mem>> -> memref<!tpu.dma_semaphore, #tpu.memory_space<semaphore_mem>>
      %dma_start3A_1624 = arith.constant 40 : i32
      %dma_start3A_1625 = arith.constant 0 : i32
      %dma_start3A_1626 = tpu.memref_slice %arg10[%dma_start3A_1624, %dma_start3A_1625] : memref<128x128xf32, #tpu.memory_space<vmem>> -> memref<8x128xf32, #tpu.memory_space<vmem>>
      %dma_start3A_1627 = arith.constant 8 : i32
      %dma_start3A_1628 = tpu.memref_slice %arg5[%dma_start3A_1627, %multiple_of3A_1576] : memref<32x1000000xf32, #tpu.memory_space<hbm>> -> memref<8x128xf32, #tpu.memory_space<hbm>>
      tpu.enqueue_dma source(%dma_start3A_1628 : memref<8x128xf32, #tpu.memory_space<hbm>>) target(%dma_start3A_1626 : memref<8x128xf32, #tpu.memory_space<vmem>>) target_semaphore(%dma_start3A_1623 : memref<!tpu.dma_semaphore, #tpu.memory_space<semaphore_mem>>)
      %dma_start3A_1629 = arith.constant 1 : i32
      %dma_start3A_1630 = arith.constant 48 : i32
      %dma_start3A_1631 = arith.constant 0 : i32
      %dma_start3A_1632 = tpu.memref_slice %arg9[%dma_start3A_1630, %dma_start3A_1631] : memref<128x128xf32, #tpu.memory_space<vmem>> -> memref<8x128xf32, #tpu.memory_space<vmem>>
      %dma_start3A_1633 = arith.constant 16 : i32
      %dma_start3A_1634 = tpu.memref_slice %arg4[%dma_start3A_1633, %multiple_of3A_1575] : memref<32x1000000xf32, #tpu.memory_space<hbm>> -> memref<8x128xf32, #tpu.memory_space<hbm>>
      %dma_start3A_1635 = tpu.memref_slice %arg12[%dma_start3A_1629] : memref<4x!tpu.dma_semaphore, #tpu.memory_space<semaphore_mem>> -> memref<1x!tpu.dma_semaphore, #tpu.memory_space<semaphore_mem>>
      %dma_start3A_1636 = tpu.memref_squeeze %dma_start3A_1635 : memref<1x!tpu.dma_semaphore, #tpu.memory_space<semaphore_mem>> -> memref<!tpu.dma_semaphore, #tpu.memory_space<semaphore_mem>>
      %dma_start3A_1637 = arith.constant 48 : i32
      %dma_start3A_1638 = arith.constant 0 : i32
      %dma_start3A_1639 = tpu.memref_slice %arg9[%dma_start3A_1637, %dma_start3A_1638] : memref<128x128xf32, #tpu.memory_space<vmem>> -> memref<8x128xf32, #tpu.memory_space<vmem>>
      %dma_start3A_1640 = arith.constant 16 : i32
      %dma_start3A_1641 = tpu.memref_slice %arg4[%dma_start3A_1640, %multiple_of3A_1575] : memref<32x1000000xf32, #tpu.memory_space<hbm>> -> memref<8x128xf32, #tpu.memory_space<hbm>>
      tpu.enqueue_dma source(%dma_start3A_1641 : memref<8x128xf32, #tpu.memory_space<hbm>>) target(%dma_start3A_1639 : memref<8x128xf32, #tpu.memory_space<vmem>>) target_semaphore(%dma_start3A_1636 : memref<!tpu.dma_semaphore, #tpu.memory_space<semaphore_mem>>)
      %dma_start3A_1642 = arith.constant 1 : i32
      %dma_start3A_1643 = arith.constant 48 : i32
      %dma_start3A_1644 = arith.constant 0 : i32
      %dma_start3A_1645 = tpu.memref_slice %arg10[%dma_start3A_1643, %dma_start3A_1644] : memref<128x128xf32, #tpu.memory_space<vmem>> -> memref<8x128xf32, #tpu.memory_space<vmem>>
      %dma_start3A_1646 = arith.constant 16 : i32
      %dma_start3A_1647 = tpu.memref_slice %arg5[%dma_start3A_1646, %multiple_of3A_1576] : memref<32x1000000xf32, #tpu.memory_space<hbm>> -> memref<8x128xf32, #tpu.memory_space<hbm>>
      %dma_start3A_1648 = tpu.memref_slice %arg13[%dma_start3A_1642] : memref<4x!tpu.dma_semaphore, #tpu.memory_space<semaphore_mem>> -> memref<1x!tpu.dma_semaphore, #tpu.memory_space<semaphore_mem>>
      %dma_start3A_1649 = tpu.memref_squeeze %dma_start3A_1648 : memref<1x!tpu.dma_semaphore, #tpu.memory_space<semaphore_mem>> -> memref<!tpu.dma_semaphore, #tpu.memory_space<semaphore_mem>>
      %dma_start3A_1650 = arith.constant 48 : i32
      %dma_start3A_1651 = arith.constant 0 : i32
      %dma_start3A_1652 = tpu.memref_slice %arg10[%dma_start3A_1650, %dma_start3A_1651] : memref<128x128xf32, #tpu.memory_space<vmem>> -> memref<8x128xf32, #tpu.memory_space<vmem>>
      %dma_start3A_1653 = arith.constant 16 : i32
      %dma_start3A_1654 = tpu.memref_slice %arg5[%dma_start3A_1653, %multiple_of3A_1576] : memref<32x1000000xf32, #tpu.memory_space<hbm>> -> memref<8x128xf32, #tpu.memory_space<hbm>>
      tpu.enqueue_dma source(%dma_start3A_1654 : memref<8x128xf32, #tpu.memory_space<hbm>>) target(%dma_start3A_1652 : memref<8x128xf32, #tpu.memory_space<vmem>>) target_semaphore(%dma_start3A_1649 : memref<!tpu.dma_semaphore, #tpu.memory_space<semaphore_mem>>)
      %dma_start3A_1655 = arith.constant 1 : i32
      %dma_start3A_1656 = arith.constant 56 : i32
      %dma_start3A_1657 = arith.constant 0 : i32
      %dma_start3A_1658 = tpu.memref_slice %arg9[%dma_start3A_1656, %dma_start3A_1657] : memref<128x128xf32, #tpu.memory_space<vmem>> -> memref<8x128xf32, #tpu.memory_space<vmem>>
      %dma_start3A_1659 = arith.constant 24 : i32
      %dma_start3A_1660 = tpu.memref_slice %arg4[%dma_start3A_1659, %multiple_of3A_1575] : memref<32x1000000xf32, #tpu.memory_space<hbm>> -> memref<8x128xf32, #tpu.memory_space<hbm>>
      %dma_start3A_1661 = tpu.memref_slice %arg12[%dma_start3A_1655] : memref<4x!tpu.dma_semaphore, #tpu.memory_space<semaphore_mem>> -> memref<1x!tpu.dma_semaphore, #tpu.memory_space<semaphore_mem>>
      %dma_start3A_1662 = tpu.memref_squeeze %dma_start3A_1661 : memref<1x!tpu.dma_semaphore, #tpu.memory_space<semaphore_mem>> -> memref<!tpu.dma_semaphore, #tpu.memory_space<semaphore_mem>>
      %dma_start3A_1663 = arith.constant 56 : i32
      %dma_start3A_1664 = arith.constant 0 : i32
      %dma_start3A_1665 = tpu.memref_slice %arg9[%dma_start3A_1663, %dma_start3A_1664] : memref<128x128xf32, #tpu.memory_space<vmem>> -> memref<8x128xf32, #tpu.memory_space<vmem>>
      %dma_start3A_1666 = arith.constant 24 : i32
      %dma_start3A_1667 = tpu.memref_slice %arg4[%dma_start3A_1666, %multiple_of3A_1575] : memref<32x1000000xf32, #tpu.memory_space<hbm>> -> memref<8x128xf32, #tpu.memory_space<hbm>>
      tpu.enqueue_dma source(%dma_start3A_1667 : memref<8x128xf32, #tpu.memory_space<hbm>>) target(%dma_start3A_1665 : memref<8x128xf32, #tpu.memory_space<vmem>>) target_semaphore(%dma_start3A_1662 : memref<!tpu.dma_semaphore, #tpu.memory_space<semaphore_mem>>)
      %dma_start3A_1668 = arith.constant 1 : i32
      %dma_start3A_1669 = arith.constant 56 : i32
      %dma_start3A_1670 = arith.constant 0 : i32
      %dma_start3A_1671 = tpu.memref_slice %arg10[%dma_start3A_1669, %dma_start3A_1670] : memref<128x128xf32, #tpu.memory_space<vmem>> -> memref<8x128xf32, #tpu.memory_space<vmem>>
      %dma_start3A_1672 = arith.constant 24 : i32
      %dma_start3A_1673 = tpu.memref_slice %arg5[%dma_start3A_1672, %multiple_of3A_1576] : memref<32x1000000xf32, #tpu.memory_space<hbm>> -> memref<8x128xf32, #tpu.memory_space<hbm>>
      %dma_start3A_1674 = tpu.memref_slice %arg13[%dma_start3A_1668] : memref<4x!tpu.dma_semaphore, #tpu.memory_space<semaphore_mem>> -> memref<1x!tpu.dma_semaphore, #tpu.memory_space<semaphore_mem>>
      %dma_start3A_1675 = tpu.memref_squeeze %dma_start3A_1674 : memref<1x!tpu.dma_semaphore, #tpu.memory_space<semaphore_mem>> -> memref<!tpu.dma_semaphore, #tpu.memory_space<semaphore_mem>>
      %dma_start3A_1676 = arith.constant 56 : i32
      %dma_start3A_1677 = arith.constant 0 : i32
      %dma_start3A_1678 = tpu.memref_slice %arg10[%dma_start3A_1676, %dma_start3A_1677] : memref<128x128xf32, #tpu.memory_space<vmem>> -> memref<8x128xf32, #tpu.memory_space<vmem>>
      %dma_start3A_1679 = arith.constant 24 : i32
      %dma_start3A_1680 = tpu.memref_slice %arg5[%dma_start3A_1679, %multiple_of3A_1576] : memref<32x1000000xf32, #tpu.memory_space<hbm>> -> memref<8x128xf32, #tpu.memory_space<hbm>>
      tpu.enqueue_dma source(%dma_start3A_1680 : memref<8x128xf32, #tpu.memory_space<hbm>>) target(%dma_start3A_1678 : memref<8x128xf32, #tpu.memory_space<vmem>>) target_semaphore(%dma_start3A_1675 : memref<!tpu.dma_semaphore, #tpu.memory_space<semaphore_mem>>)
      %dma_wait3A_1681 = arith.constant 2 : i32
      %dma_wait3A_1682 = arith.constant 64 : i32
      %dma_wait3A_1683 = arith.constant 0 : i32
      %dma_wait3A_1684 = tpu.memref_slice %arg9[%dma_wait3A_1682, %dma_wait3A_1683] : memref<128x128xf32, #tpu.memory_space<vmem>> -> memref<32x128xf32, #tpu.memory_space<vmem>>
      %dma_wait3A_1685 = arith.constant 0 : i32
      %dma_wait3A_1686 = arith.constant 0 : i32
      %dma_wait3A_1687 = tpu.memref_slice %arg4[%dma_wait3A_1685, %dma_wait3A_1686] : memref<32x1000000xf32, #tpu.memory_space<hbm>> -> memref<32x128xf32, #tpu.memory_space<hbm>>
      %dma_wait3A_1688 = tpu.memref_slice %arg12[%dma_wait3A_1681] : memref<4x!tpu.dma_semaphore, #tpu.memory_space<semaphore_mem>> -> memref<1x!tpu.dma_semaphore, #tpu.memory_space<semaphore_mem>>
      %dma_wait3A_1689 = tpu.memref_squeeze %dma_wait3A_1688 : memref<1x!tpu.dma_semaphore, #tpu.memory_space<semaphore_mem>> -> memref<!tpu.dma_semaphore, #tpu.memory_space<semaphore_mem>>
      %dma_wait3A_1690 = arith.constant 64 : i32
      %dma_wait3A_1691 = arith.constant 0 : i32
      %dma_wait3A_1692 = tpu.memref_slice %arg9[%dma_wait3A_1690, %dma_wait3A_1691] : memref<128x128xf32, #tpu.memory_space<vmem>> -> memref<32x128xf32, #tpu.memory_space<vmem>>
      %dma_wait3A_1693 = arith.constant 0 : i32
      %dma_wait3A_1694 = arith.constant 0 : i32
      %dma_wait3A_1695 = tpu.memref_slice %arg4[%dma_wait3A_1693, %dma_wait3A_1694] : memref<32x1000000xf32, #tpu.memory_space<hbm>> -> memref<32x128xf32, #tpu.memory_space<hbm>>
      tpu.wait_dma2 semaphore(%dma_wait3A_1689 : memref<!tpu.dma_semaphore, #tpu.memory_space<semaphore_mem>>) src(%dma_wait3A_1695 : memref<32x128xf32, #tpu.memory_space<hbm>>) dst(%dma_wait3A_1692 : memref<32x128xf32, #tpu.memory_space<vmem>>)
      %dma_wait3A_1696 = arith.constant 2 : i32
      %dma_wait3A_1697 = arith.constant 64 : i32
      %dma_wait3A_1698 = arith.constant 0 : i32
      %dma_wait3A_1699 = tpu.memref_slice %arg10[%dma_wait3A_1697, %dma_wait3A_1698] : memref<128x128xf32, #tpu.memory_space<vmem>> -> memref<32x128xf32, #tpu.memory_space<vmem>>
      %dma_wait3A_1700 = arith.constant 0 : i32
      %dma_wait3A_1701 = arith.constant 0 : i32
      %dma_wait3A_1702 = tpu.memref_slice %arg5[%dma_wait3A_1700, %dma_wait3A_1701] : memref<32x1000000xf32, #tpu.memory_space<hbm>> -> memref<32x128xf32, #tpu.memory_space<hbm>>
      %dma_wait3A_1703 = tpu.memref_slice %arg13[%dma_wait3A_1696] : memref<4x!tpu.dma_semaphore, #tpu.memory_space<semaphore_mem>> -> memref<1x!tpu.dma_semaphore, #tpu.memory_space<semaphore_mem>>
      %dma_wait3A_1704 = tpu.memref_squeeze %dma_wait3A_1703 : memref<1x!tpu.dma_semaphore, #tpu.memory_space<semaphore_mem>> -> memref<!tpu.dma_semaphore, #tpu.memory_space<semaphore_mem>>
      %dma_wait3A_1705 = arith.constant 64 : i32
      %dma_wait3A_1706 = arith.constant 0 : i32
      %dma_wait3A_1707 = tpu.memref_slice %arg10[%dma_wait3A_1705, %dma_wait3A_1706] : memref<128x128xf32, #tpu.memory_space<vmem>> -> memref<32x128xf32, #tpu.memory_space<vmem>>
      %dma_wait3A_1708 = arith.constant 0 : i32
      %dma_wait3A_1709 = arith.constant 0 : i32
      %dma_wait3A_1710 = tpu.memref_slice %arg5[%dma_wait3A_1708, %dma_wait3A_1709] : memref<32x1000000xf32, #tpu.memory_space<hbm>> -> memref<32x128xf32, #tpu.memory_space<hbm>>
      tpu.wait_dma2 semaphore(%dma_wait3A_1704 : memref<!tpu.dma_semaphore, #tpu.memory_space<semaphore_mem>>) src(%dma_wait3A_1710 : memref<32x128xf32, #tpu.memory_space<hbm>>) dst(%dma_wait3A_1707 : memref<32x128xf32, #tpu.memory_space<vmem>>)
      %broadcast_in_dim3A_1711 = arith.constant 64 : i32
      %broadcast_in_dim3A_1712 = vector.broadcast %broadcast_in_dim3A_1711 : i32 to vector<16xi32>
      %add3A_1713 = arith.addi %broadcast_in_dim3A_1712, %iota3A : vector<16xi32>
      %broadcast_in_dim3A_1714 = arith.constant 1 : i32
      %broadcast_in_dim3A_1715 = vector.broadcast %broadcast_in_dim3A_1714 : i32 to vector<16xi32>
      %slice3A_1716 = vector.extract_strided_slice %sub3A {offsets = [6], sizes = [1], strides = [1]} : vector<16xi32> to vector<1xi32>
      %squeeze3A_1717 = vector.extract %slice3A_1716[0] : i32 from vector<1xi32>
      %mul3A_1718 = vector.broadcast %squeeze3A_1717 : i32 to vector<16xi32>
      %mul3A_1719 = arith.muli %broadcast_in_dim3A_1715, %mul3A_1718 : vector<16xi32>
      %broadcast_in_dim3A_1720 = arith.constant 1 : i32
      %broadcast_in_dim3A_1721 = vector.broadcast %broadcast_in_dim3A_1720 : i32 to vector<16xi32>
      %slice3A_1722 = vector.extract_strided_slice %sub3A_598 {offsets = [6], sizes = [1], strides = [1]} : vector<16xi32> to vector<1xi32>
      %squeeze3A_1723 = vector.extract %slice3A_1722[0] : i32 from vector<1xi32>
      %mul3A_1724 = vector.broadcast %squeeze3A_1723 : i32 to vector<16xi32>
      %mul3A_1725 = arith.muli %broadcast_in_dim3A_1721, %mul3A_1724 : vector<16xi32>
      %gather3A_1726 = tpu.vector_load_idx %arg9[%add3A_1713, %mul3A_1719] : memref<128x128xf32, #tpu.memory_space<vmem>>[vector<16xi32>, vector<16xi32>], vector<16xf32>,
      %add3A_1727 = arith.constant 16 : i32
      %add3A_1728 = vector.broadcast %add3A_1727 : i32 to vector<16xi32>
      %add3A_1729 = arith.addi %add3A_1713, %add3A_1728 : vector<16xi32>
      %gather3A_1730 = tpu.vector_load_idx %arg9[%add3A_1729, %mul3A_1719] : memref<128x128xf32, #tpu.memory_space<vmem>>[vector<16xi32>, vector<16xi32>], vector<16xf32>,
      %gather3A_1731 = tpu.vector_load_idx %arg10[%add3A_1713, %mul3A_1725] : memref<128x128xf32, #tpu.memory_space<vmem>>[vector<16xi32>, vector<16xi32>], vector<16xf32>,
      %add3A_1732 = arith.constant 16 : i32
      %add3A_1733 = vector.broadcast %add3A_1732 : i32 to vector<16xi32>
      %add3A_1734 = arith.addi %add3A_1713, %add3A_1733 : vector<16xi32>
      %gather3A_1735 = tpu.vector_load_idx %arg10[%add3A_1734, %mul3A_1725] : memref<128x128xf32, #tpu.memory_space<vmem>>[vector<16xi32>, vector<16xi32>], vector<16xf32>,
      %mul3A_1736 = arith.mulf %gather3A_1726, %gather3A_1731 : vector<16xf32>
      %mul3A_1737 = arith.mulf %gather3A_1730, %gather3A_1735 : vector<16xf32>
      %add3A_1738 = arith.addf %mul3A_1736, %mul3A_1737 : vector<16xf32>
      %reduce_sum3A_1739 = arith.constant true
      %reduce_sum3A_1740 = vector.broadcast %reduce_sum3A_1739 : i1 to vector<16xi1>
      %reduce_sum3A_1741 = tpu.scan <sum>, %add3A_1738 masked %reduce_sum3A_1740 : vector<16xf32>, vector<16xi1> -> vector<16xf32>
      %reduce_sum3A_1742 = vector.extract %reduce_sum3A_1741[15] : f32 from vector<16xf32>
      %eq3A_1743 = arith.constant 6 : i32
      %eq3A_1744 = vector.broadcast %eq3A_1743 : i32 to vector<16xi32>
      %eq3A_1745 = arith.cmpi eq, %iota3A, %eq3A_1744 : vector<16xi32>
      %broadcast_in_dim3A_1746 = vector.broadcast %reduce_sum3A_1742 : f32 to vector<16xf32>
      %select_n3A_1747 = arith.select %eq3A_1745, %broadcast_in_dim3A_1746, %select_n3A_1570 : vector<16xi1>, vector<16xf32>
      %slice3A_1748 = vector.extract_strided_slice %mul3A_615 {offsets = [2], sizes = [1], strides = [1]} : vector<16xi32> to vector<1xi32>
      %squeeze3A_1749 = vector.extract %slice3A_1748[0] : i32 from vector<1xi32>
      %slice3A_1750 = vector.extract_strided_slice %mul3A_621 {offsets = [2], sizes = [1], strides = [1]} : vector<16xi32> to vector<1xi32>
      %squeeze3A_1751 = vector.extract %slice3A_1750[0] : i32 from vector<1xi32>
      %multiple_of3A_1752 = tpu.assume_multiple %squeeze3A_1749, 128 : i32
      %multiple_of3A_1753 = tpu.assume_multiple %squeeze3A_1751, 128 : i32
      %dma_start3A_1754 = arith.constant 2 : i32
      %dma_start3A_1755 = arith.constant 64 : i32
      %dma_start3A_1756 = arith.constant 0 : i32
      %dma_start3A_1757 = tpu.memref_slice %arg9[%dma_start3A_1755, %dma_start3A_1756] : memref<128x128xf32, #tpu.memory_space<vmem>> -> memref<8x128xf32, #tpu.memory_space<vmem>>
      %dma_start3A_1758 = arith.constant 0 : i32
      %dma_start3A_1759 = tpu.memref_slice %arg4[%dma_start3A_1758, %multiple_of3A_1752] : memref<32x1000000xf32, #tpu.memory_space<hbm>> -> memref<8x128xf32, #tpu.memory_space<hbm>>
      %dma_start3A_1760 = tpu.memref_slice %arg12[%dma_start3A_1754] : memref<4x!tpu.dma_semaphore, #tpu.memory_space<semaphore_mem>> -> memref<1x!tpu.dma_semaphore, #tpu.memory_space<semaphore_mem>>
      %dma_start3A_1761 = tpu.memref_squeeze %dma_start3A_1760 : memref<1x!tpu.dma_semaphore, #tpu.memory_space<semaphore_mem>> -> memref<!tpu.dma_semaphore, #tpu.memory_space<semaphore_mem>>
      %dma_start3A_1762 = arith.constant 64 : i32
      %dma_start3A_1763 = arith.constant 0 : i32
      %dma_start3A_1764 = tpu.memref_slice %arg9[%dma_start3A_1762, %dma_start3A_1763] : memref<128x128xf32, #tpu.memory_space<vmem>> -> memref<8x128xf32, #tpu.memory_space<vmem>>
      %dma_start3A_1765 = arith.constant 0 : i32
      %dma_start3A_1766 = tpu.memref_slice %arg4[%dma_start3A_1765, %multiple_of3A_1752] : memref<32x1000000xf32, #tpu.memory_space<hbm>> -> memref<8x128xf32, #tpu.memory_space<hbm>>
      tpu.enqueue_dma source(%dma_start3A_1766 : memref<8x128xf32, #tpu.memory_space<hbm>>) target(%dma_start3A_1764 : memref<8x128xf32, #tpu.memory_space<vmem>>) target_semaphore(%dma_start3A_1761 : memref<!tpu.dma_semaphore, #tpu.memory_space<semaphore_mem>>)
      %dma_start3A_1767 = arith.constant 2 : i32
      %dma_start3A_1768 = arith.constant 64 : i32
      %dma_start3A_1769 = arith.constant 0 : i32
      %dma_start3A_1770 = tpu.memref_slice %arg10[%dma_start3A_1768, %dma_start3A_1769] : memref<128x128xf32, #tpu.memory_space<vmem>> -> memref<8x128xf32, #tpu.memory_space<vmem>>
      %dma_start3A_1771 = arith.constant 0 : i32
      %dma_start3A_1772 = tpu.memref_slice %arg5[%dma_start3A_1771, %multiple_of3A_1753] : memref<32x1000000xf32, #tpu.memory_space<hbm>> -> memref<8x128xf32, #tpu.memory_space<hbm>>
      %dma_start3A_1773 = tpu.memref_slice %arg13[%dma_start3A_1767] : memref<4x!tpu.dma_semaphore, #tpu.memory_space<semaphore_mem>> -> memref<1x!tpu.dma_semaphore, #tpu.memory_space<semaphore_mem>>
      %dma_start3A_1774 = tpu.memref_squeeze %dma_start3A_1773 : memref<1x!tpu.dma_semaphore, #tpu.memory_space<semaphore_mem>> -> memref<!tpu.dma_semaphore, #tpu.memory_space<semaphore_mem>>
      %dma_start3A_1775 = arith.constant 64 : i32
      %dma_start3A_1776 = arith.constant 0 : i32
      %dma_start3A_1777 = tpu.memref_slice %arg10[%dma_start3A_1775, %dma_start3A_1776] : memref<128x128xf32, #tpu.memory_space<vmem>> -> memref<8x128xf32, #tpu.memory_space<vmem>>
      %dma_start3A_1778 = arith.constant 0 : i32
      %dma_start3A_1779 = tpu.memref_slice %arg5[%dma_start3A_1778, %multiple_of3A_1753] : memref<32x1000000xf32, #tpu.memory_space<hbm>> -> memref<8x128xf32, #tpu.memory_space<hbm>>
      tpu.enqueue_dma source(%dma_start3A_1779 : memref<8x128xf32, #tpu.memory_space<hbm>>) target(%dma_start3A_1777 : memref<8x128xf32, #tpu.memory_space<vmem>>) target_semaphore(%dma_start3A_1774 : memref<!tpu.dma_semaphore, #tpu.memory_space<semaphore_mem>>)
      %dma_start3A_1780 = arith.constant 2 : i32
      %dma_start3A_1781 = arith.constant 72 : i32
      %dma_start3A_1782 = arith.constant 0 : i32
      %dma_start3A_1783 = tpu.memref_slice %arg9[%dma_start3A_1781, %dma_start3A_1782] : memref<128x128xf32, #tpu.memory_space<vmem>> -> memref<8x128xf32, #tpu.memory_space<vmem>>
      %dma_start3A_1784 = arith.constant 8 : i32
      %dma_start3A_1785 = tpu.memref_slice %arg4[%dma_start3A_1784, %multiple_of3A_1752] : memref<32x1000000xf32, #tpu.memory_space<hbm>> -> memref<8x128xf32, #tpu.memory_space<hbm>>
      %dma_start3A_1786 = tpu.memref_slice %arg12[%dma_start3A_1780] : memref<4x!tpu.dma_semaphore, #tpu.memory_space<semaphore_mem>> -> memref<1x!tpu.dma_semaphore, #tpu.memory_space<semaphore_mem>>
      %dma_start3A_1787 = tpu.memref_squeeze %dma_start3A_1786 : memref<1x!tpu.dma_semaphore, #tpu.memory_space<semaphore_mem>> -> memref<!tpu.dma_semaphore, #tpu.memory_space<semaphore_mem>>
      %dma_start3A_1788 = arith.constant 72 : i32
      %dma_start3A_1789 = arith.constant 0 : i32
      %dma_start3A_1790 = tpu.memref_slice %arg9[%dma_start3A_1788, %dma_start3A_1789] : memref<128x128xf32, #tpu.memory_space<vmem>> -> memref<8x128xf32, #tpu.memory_space<vmem>>
      %dma_start3A_1791 = arith.constant 8 : i32
      %dma_start3A_1792 = tpu.memref_slice %arg4[%dma_start3A_1791, %multiple_of3A_1752] : memref<32x1000000xf32, #tpu.memory_space<hbm>> -> memref<8x128xf32, #tpu.memory_space<hbm>>
      tpu.enqueue_dma source(%dma_start3A_1792 : memref<8x128xf32, #tpu.memory_space<hbm>>) target(%dma_start3A_1790 : memref<8x128xf32, #tpu.memory_space<vmem>>) target_semaphore(%dma_start3A_1787 : memref<!tpu.dma_semaphore, #tpu.memory_space<semaphore_mem>>)
      %dma_start3A_1793 = arith.constant 2 : i32
      %dma_start3A_1794 = arith.constant 72 : i32
      %dma_start3A_1795 = arith.constant 0 : i32
      %dma_start3A_1796 = tpu.memref_slice %arg10[%dma_start3A_1794, %dma_start3A_1795] : memref<128x128xf32, #tpu.memory_space<vmem>> -> memref<8x128xf32, #tpu.memory_space<vmem>>
      %dma_start3A_1797 = arith.constant 8 : i32
      %dma_start3A_1798 = tpu.memref_slice %arg5[%dma_start3A_1797, %multiple_of3A_1753] : memref<32x1000000xf32, #tpu.memory_space<hbm>> -> memref<8x128xf32, #tpu.memory_space<hbm>>
      %dma_start3A_1799 = tpu.memref_slice %arg13[%dma_start3A_1793] : memref<4x!tpu.dma_semaphore, #tpu.memory_space<semaphore_mem>> -> memref<1x!tpu.dma_semaphore, #tpu.memory_space<semaphore_mem>>
      %dma_start3A_1800 = tpu.memref_squeeze %dma_start3A_1799 : memref<1x!tpu.dma_semaphore, #tpu.memory_space<semaphore_mem>> -> memref<!tpu.dma_semaphore, #tpu.memory_space<semaphore_mem>>
      %dma_start3A_1801 = arith.constant 72 : i32
      %dma_start3A_1802 = arith.constant 0 : i32
      %dma_start3A_1803 = tpu.memref_slice %arg10[%dma_start3A_1801, %dma_start3A_1802] : memref<128x128xf32, #tpu.memory_space<vmem>> -> memref<8x128xf32, #tpu.memory_space<vmem>>
      %dma_start3A_1804 = arith.constant 8 : i32
      %dma_start3A_1805 = tpu.memref_slice %arg5[%dma_start3A_1804, %multiple_of3A_1753] : memref<32x1000000xf32, #tpu.memory_space<hbm>> -> memref<8x128xf32, #tpu.memory_space<hbm>>
      tpu.enqueue_dma source(%dma_start3A_1805 : memref<8x128xf32, #tpu.memory_space<hbm>>) target(%dma_start3A_1803 : memref<8x128xf32, #tpu.memory_space<vmem>>) target_semaphore(%dma_start3A_1800 : memref<!tpu.dma_semaphore, #tpu.memory_space<semaphore_mem>>)
      %dma_start3A_1806 = arith.constant 2 : i32
      %dma_start3A_1807 = arith.constant 80 : i32
      %dma_start3A_1808 = arith.constant 0 : i32
      %dma_start3A_1809 = tpu.memref_slice %arg9[%dma_start3A_1807, %dma_start3A_1808] : memref<128x128xf32, #tpu.memory_space<vmem>> -> memref<8x128xf32, #tpu.memory_space<vmem>>
      %dma_start3A_1810 = arith.constant 16 : i32
      %dma_start3A_1811 = tpu.memref_slice %arg4[%dma_start3A_1810, %multiple_of3A_1752] : memref<32x1000000xf32, #tpu.memory_space<hbm>> -> memref<8x128xf32, #tpu.memory_space<hbm>>
      %dma_start3A_1812 = tpu.memref_slice %arg12[%dma_start3A_1806] : memref<4x!tpu.dma_semaphore, #tpu.memory_space<semaphore_mem>> -> memref<1x!tpu.dma_semaphore, #tpu.memory_space<semaphore_mem>>
      %dma_start3A_1813 = tpu.memref_squeeze %dma_start3A_1812 : memref<1x!tpu.dma_semaphore, #tpu.memory_space<semaphore_mem>> -> memref<!tpu.dma_semaphore, #tpu.memory_space<semaphore_mem>>
      %dma_start3A_1814 = arith.constant 80 : i32
      %dma_start3A_1815 = arith.constant 0 : i32
      %dma_start3A_1816 = tpu.memref_slice %arg9[%dma_start3A_1814, %dma_start3A_1815] : memref<128x128xf32, #tpu.memory_space<vmem>> -> memref<8x128xf32, #tpu.memory_space<vmem>>
      %dma_start3A_1817 = arith.constant 16 : i32
      %dma_start3A_1818 = tpu.memref_slice %arg4[%dma_start3A_1817, %multiple_of3A_1752] : memref<32x1000000xf32, #tpu.memory_space<hbm>> -> memref<8x128xf32, #tpu.memory_space<hbm>>
      tpu.enqueue_dma source(%dma_start3A_1818 : memref<8x128xf32, #tpu.memory_space<hbm>>) target(%dma_start3A_1816 : memref<8x128xf32, #tpu.memory_space<vmem>>) target_semaphore(%dma_start3A_1813 : memref<!tpu.dma_semaphore, #tpu.memory_space<semaphore_mem>>)
      %dma_start3A_1819 = arith.constant 2 : i32
      %dma_start3A_1820 = arith.constant 80 : i32
      %dma_start3A_1821 = arith.constant 0 : i32
      %dma_start3A_1822 = tpu.memref_slice %arg10[%dma_start3A_1820, %dma_start3A_1821] : memref<128x128xf32, #tpu.memory_space<vmem>> -> memref<8x128xf32, #tpu.memory_space<vmem>>
      %dma_start3A_1823 = arith.constant 16 : i32
      %dma_start3A_1824 = tpu.memref_slice %arg5[%dma_start3A_1823, %multiple_of3A_1753] : memref<32x1000000xf32, #tpu.memory_space<hbm>> -> memref<8x128xf32, #tpu.memory_space<hbm>>
      %dma_start3A_1825 = tpu.memref_slice %arg13[%dma_start3A_1819] : memref<4x!tpu.dma_semaphore, #tpu.memory_space<semaphore_mem>> -> memref<1x!tpu.dma_semaphore, #tpu.memory_space<semaphore_mem>>
      %dma_start3A_1826 = tpu.memref_squeeze %dma_start3A_1825 : memref<1x!tpu.dma_semaphore, #tpu.memory_space<semaphore_mem>> -> memref<!tpu.dma_semaphore, #tpu.memory_space<semaphore_mem>>
      %dma_start3A_1827 = arith.constant 80 : i32
      %dma_start3A_1828 = arith.constant 0 : i32
      %dma_start3A_1829 = tpu.memref_slice %arg10[%dma_start3A_1827, %dma_start3A_1828] : memref<128x128xf32, #tpu.memory_space<vmem>> -> memref<8x128xf32, #tpu.memory_space<vmem>>
      %dma_start3A_1830 = arith.constant 16 : i32
      %dma_start3A_1831 = tpu.memref_slice %arg5[%dma_start3A_1830, %multiple_of3A_1753] : memref<32x1000000xf32, #tpu.memory_space<hbm>> -> memref<8x128xf32, #tpu.memory_space<hbm>>
      tpu.enqueue_dma source(%dma_start3A_1831 : memref<8x128xf32, #tpu.memory_space<hbm>>) target(%dma_start3A_1829 : memref<8x128xf32, #tpu.memory_space<vmem>>) target_semaphore(%dma_start3A_1826 : memref<!tpu.dma_semaphore, #tpu.memory_space<semaphore_mem>>)
      %dma_start3A_1832 = arith.constant 2 : i32
      %dma_start3A_1833 = arith.constant 88 : i32
      %dma_start3A_1834 = arith.constant 0 : i32
      %dma_start3A_1835 = tpu.memref_slice %arg9[%dma_start3A_1833, %dma_start3A_1834] : memref<128x128xf32, #tpu.memory_space<vmem>> -> memref<8x128xf32, #tpu.memory_space<vmem>>
      %dma_start3A_1836 = arith.constant 24 : i32
      %dma_start3A_1837 = tpu.memref_slice %arg4[%dma_start3A_1836, %multiple_of3A_1752] : memref<32x1000000xf32, #tpu.memory_space<hbm>> -> memref<8x128xf32, #tpu.memory_space<hbm>>
      %dma_start3A_1838 = tpu.memref_slice %arg12[%dma_start3A_1832] : memref<4x!tpu.dma_semaphore, #tpu.memory_space<semaphore_mem>> -> memref<1x!tpu.dma_semaphore, #tpu.memory_space<semaphore_mem>>
      %dma_start3A_1839 = tpu.memref_squeeze %dma_start3A_1838 : memref<1x!tpu.dma_semaphore, #tpu.memory_space<semaphore_mem>> -> memref<!tpu.dma_semaphore, #tpu.memory_space<semaphore_mem>>
      %dma_start3A_1840 = arith.constant 88 : i32
      %dma_start3A_1841 = arith.constant 0 : i32
      %dma_start3A_1842 = tpu.memref_slice %arg9[%dma_start3A_1840, %dma_start3A_1841] : memref<128x128xf32, #tpu.memory_space<vmem>> -> memref<8x128xf32, #tpu.memory_space<vmem>>
      %dma_start3A_1843 = arith.constant 24 : i32
      %dma_start3A_1844 = tpu.memref_slice %arg4[%dma_start3A_1843, %multiple_of3A_1752] : memref<32x1000000xf32, #tpu.memory_space<hbm>> -> memref<8x128xf32, #tpu.memory_space<hbm>>
      tpu.enqueue_dma source(%dma_start3A_1844 : memref<8x128xf32, #tpu.memory_space<hbm>>) target(%dma_start3A_1842 : memref<8x128xf32, #tpu.memory_space<vmem>>) target_semaphore(%dma_start3A_1839 : memref<!tpu.dma_semaphore, #tpu.memory_space<semaphore_mem>>)
      %dma_start3A_1845 = arith.constant 2 : i32
      %dma_start3A_1846 = arith.constant 88 : i32
      %dma_start3A_1847 = arith.constant 0 : i32
      %dma_start3A_1848 = tpu.memref_slice %arg10[%dma_start3A_1846, %dma_start3A_1847] : memref<128x128xf32, #tpu.memory_space<vmem>> -> memref<8x128xf32, #tpu.memory_space<vmem>>
      %dma_start3A_1849 = arith.constant 24 : i32
      %dma_start3A_1850 = tpu.memref_slice %arg5[%dma_start3A_1849, %multiple_of3A_1753] : memref<32x1000000xf32, #tpu.memory_space<hbm>> -> memref<8x128xf32, #tpu.memory_space<hbm>>
      %dma_start3A_1851 = tpu.memref_slice %arg13[%dma_start3A_1845] : memref<4x!tpu.dma_semaphore, #tpu.memory_space<semaphore_mem>> -> memref<1x!tpu.dma_semaphore, #tpu.memory_space<semaphore_mem>>
      %dma_start3A_1852 = tpu.memref_squeeze %dma_start3A_1851 : memref<1x!tpu.dma_semaphore, #tpu.memory_space<semaphore_mem>> -> memref<!tpu.dma_semaphore, #tpu.memory_space<semaphore_mem>>
      %dma_start3A_1853 = arith.constant 88 : i32
      %dma_start3A_1854 = arith.constant 0 : i32
      %dma_start3A_1855 = tpu.memref_slice %arg10[%dma_start3A_1853, %dma_start3A_1854] : memref<128x128xf32, #tpu.memory_space<vmem>> -> memref<8x128xf32, #tpu.memory_space<vmem>>
      %dma_start3A_1856 = arith.constant 24 : i32
      %dma_start3A_1857 = tpu.memref_slice %arg5[%dma_start3A_1856, %multiple_of3A_1753] : memref<32x1000000xf32, #tpu.memory_space<hbm>> -> memref<8x128xf32, #tpu.memory_space<hbm>>
      tpu.enqueue_dma source(%dma_start3A_1857 : memref<8x128xf32, #tpu.memory_space<hbm>>) target(%dma_start3A_1855 : memref<8x128xf32, #tpu.memory_space<vmem>>) target_semaphore(%dma_start3A_1852 : memref<!tpu.dma_semaphore, #tpu.memory_space<semaphore_mem>>)
      %dma_wait3A_1858 = arith.constant 3 : i32
      %dma_wait3A_1859 = arith.constant 96 : i32
      %dma_wait3A_1860 = arith.constant 0 : i32
      %dma_wait3A_1861 = tpu.memref_slice %arg9[%dma_wait3A_1859, %dma_wait3A_1860] : memref<128x128xf32, #tpu.memory_space<vmem>> -> memref<32x128xf32, #tpu.memory_space<vmem>>
      %dma_wait3A_1862 = arith.constant 0 : i32
      %dma_wait3A_1863 = arith.constant 0 : i32
      %dma_wait3A_1864 = tpu.memref_slice %arg4[%dma_wait3A_1862, %dma_wait3A_1863] : memref<32x1000000xf32, #tpu.memory_space<hbm>> -> memref<32x128xf32, #tpu.memory_space<hbm>>
      %dma_wait3A_1865 = tpu.memref_slice %arg12[%dma_wait3A_1858] : memref<4x!tpu.dma_semaphore, #tpu.memory_space<semaphore_mem>> -> memref<1x!tpu.dma_semaphore, #tpu.memory_space<semaphore_mem>>
      %dma_wait3A_1866 = tpu.memref_squeeze %dma_wait3A_1865 : memref<1x!tpu.dma_semaphore, #tpu.memory_space<semaphore_mem>> -> memref<!tpu.dma_semaphore, #tpu.memory_space<semaphore_mem>>
      %dma_wait3A_1867 = arith.constant 96 : i32
      %dma_wait3A_1868 = arith.constant 0 : i32
      %dma_wait3A_1869 = tpu.memref_slice %arg9[%dma_wait3A_1867, %dma_wait3A_1868] : memref<128x128xf32, #tpu.memory_space<vmem>> -> memref<32x128xf32, #tpu.memory_space<vmem>>
      %dma_wait3A_1870 = arith.constant 0 : i32
      %dma_wait3A_1871 = arith.constant 0 : i32
      %dma_wait3A_1872 = tpu.memref_slice %arg4[%dma_wait3A_1870, %dma_wait3A_1871] : memref<32x1000000xf32, #tpu.memory_space<hbm>> -> memref<32x128xf32, #tpu.memory_space<hbm>>
      tpu.wait_dma2 semaphore(%dma_wait3A_1866 : memref<!tpu.dma_semaphore, #tpu.memory_space<semaphore_mem>>) src(%dma_wait3A_1872 : memref<32x128xf32, #tpu.memory_space<hbm>>) dst(%dma_wait3A_1869 : memref<32x128xf32, #tpu.memory_space<vmem>>)
      %dma_wait3A_1873 = arith.constant 3 : i32
      %dma_wait3A_1874 = arith.constant 96 : i32
      %dma_wait3A_1875 = arith.constant 0 : i32
      %dma_wait3A_1876 = tpu.memref_slice %arg10[%dma_wait3A_1874, %dma_wait3A_1875] : memref<128x128xf32, #tpu.memory_space<vmem>> -> memref<32x128xf32, #tpu.memory_space<vmem>>
      %dma_wait3A_1877 = arith.constant 0 : i32
      %dma_wait3A_1878 = arith.constant 0 : i32
      %dma_wait3A_1879 = tpu.memref_slice %arg5[%dma_wait3A_1877, %dma_wait3A_1878] : memref<32x1000000xf32, #tpu.memory_space<hbm>> -> memref<32x128xf32, #tpu.memory_space<hbm>>
      %dma_wait3A_1880 = tpu.memref_slice %arg13[%dma_wait3A_1873] : memref<4x!tpu.dma_semaphore, #tpu.memory_space<semaphore_mem>> -> memref<1x!tpu.dma_semaphore, #tpu.memory_space<semaphore_mem>>
      %dma_wait3A_1881 = tpu.memref_squeeze %dma_wait3A_1880 : memref<1x!tpu.dma_semaphore, #tpu.memory_space<semaphore_mem>> -> memref<!tpu.dma_semaphore, #tpu.memory_space<semaphore_mem>>
      %dma_wait3A_1882 = arith.constant 96 : i32
      %dma_wait3A_1883 = arith.constant 0 : i32
      %dma_wait3A_1884 = tpu.memref_slice %arg10[%dma_wait3A_1882, %dma_wait3A_1883] : memref<128x128xf32, #tpu.memory_space<vmem>> -> memref<32x128xf32, #tpu.memory_space<vmem>>
      %dma_wait3A_1885 = arith.constant 0 : i32
      %dma_wait3A_1886 = arith.constant 0 : i32
      %dma_wait3A_1887 = tpu.memref_slice %arg5[%dma_wait3A_1885, %dma_wait3A_1886] : memref<32x1000000xf32, #tpu.memory_space<hbm>> -> memref<32x128xf32, #tpu.memory_space<hbm>>
      tpu.wait_dma2 semaphore(%dma_wait3A_1881 : memref<!tpu.dma_semaphore, #tpu.memory_space<semaphore_mem>>) src(%dma_wait3A_1887 : memref<32x128xf32, #tpu.memory_space<hbm>>) dst(%dma_wait3A_1884 : memref<32x128xf32, #tpu.memory_space<vmem>>)
      %broadcast_in_dim3A_1888 = arith.constant 96 : i32
      %broadcast_in_dim3A_1889 = vector.broadcast %broadcast_in_dim3A_1888 : i32 to vector<16xi32>
      %add3A_1890 = arith.addi %broadcast_in_dim3A_1889, %iota3A : vector<16xi32>
      %broadcast_in_dim3A_1891 = arith.constant 1 : i32
      %broadcast_in_dim3A_1892 = vector.broadcast %broadcast_in_dim3A_1891 : i32 to vector<16xi32>
      %slice3A_1893 = vector.extract_strided_slice %sub3A {offsets = [7], sizes = [1], strides = [1]} : vector<16xi32> to vector<1xi32>
      %squeeze3A_1894 = vector.extract %slice3A_1893[0] : i32 from vector<1xi32>
      %mul3A_1895 = vector.broadcast %squeeze3A_1894 : i32 to vector<16xi32>
      %mul3A_1896 = arith.muli %broadcast_in_dim3A_1892, %mul3A_1895 : vector<16xi32>
      %broadcast_in_dim3A_1897 = arith.constant 1 : i32
      %broadcast_in_dim3A_1898 = vector.broadcast %broadcast_in_dim3A_1897 : i32 to vector<16xi32>
      %slice3A_1899 = vector.extract_strided_slice %sub3A_598 {offsets = [7], sizes = [1], strides = [1]} : vector<16xi32> to vector<1xi32>
      %squeeze3A_1900 = vector.extract %slice3A_1899[0] : i32 from vector<1xi32>
      %mul3A_1901 = vector.broadcast %squeeze3A_1900 : i32 to vector<16xi32>
      %mul3A_1902 = arith.muli %broadcast_in_dim3A_1898, %mul3A_1901 : vector<16xi32>
      %gather3A_1903 = tpu.vector_load_idx %arg9[%add3A_1890, %mul3A_1896] : memref<128x128xf32, #tpu.memory_space<vmem>>[vector<16xi32>, vector<16xi32>], vector<16xf32>,
      %add3A_1904 = arith.constant 16 : i32
      %add3A_1905 = vector.broadcast %add3A_1904 : i32 to vector<16xi32>
      %add3A_1906 = arith.addi %add3A_1890, %add3A_1905 : vector<16xi32>
      %gather3A_1907 = tpu.vector_load_idx %arg9[%add3A_1906, %mul3A_1896] : memref<128x128xf32, #tpu.memory_space<vmem>>[vector<16xi32>, vector<16xi32>], vector<16xf32>,
      %gather3A_1908 = tpu.vector_load_idx %arg10[%add3A_1890, %mul3A_1902] : memref<128x128xf32, #tpu.memory_space<vmem>>[vector<16xi32>, vector<16xi32>], vector<16xf32>,
      %add3A_1909 = arith.constant 16 : i32
      %add3A_1910 = vector.broadcast %add3A_1909 : i32 to vector<16xi32>
      %add3A_1911 = arith.addi %add3A_1890, %add3A_1910 : vector<16xi32>
      %gather3A_1912 = tpu.vector_load_idx %arg10[%add3A_1911, %mul3A_1902] : memref<128x128xf32, #tpu.memory_space<vmem>>[vector<16xi32>, vector<16xi32>], vector<16xf32>,
      %mul3A_1913 = arith.mulf %gather3A_1903, %gather3A_1908 : vector<16xf32>
      %mul3A_1914 = arith.mulf %gather3A_1907, %gather3A_1912 : vector<16xf32>
      %add3A_1915 = arith.addf %mul3A_1913, %mul3A_1914 : vector<16xf32>
      %reduce_sum3A_1916 = arith.constant true
      %reduce_sum3A_1917 = vector.broadcast %reduce_sum3A_1916 : i1 to vector<16xi1>
      %reduce_sum3A_1918 = tpu.scan <sum>, %add3A_1915 masked %reduce_sum3A_1917 : vector<16xf32>, vector<16xi1> -> vector<16xf32>
      %reduce_sum3A_1919 = vector.extract %reduce_sum3A_1918[15] : f32 from vector<16xf32>
      %eq3A_1920 = arith.constant 7 : i32
      %eq3A_1921 = vector.broadcast %eq3A_1920 : i32 to vector<16xi32>
      %eq3A_1922 = arith.cmpi eq, %iota3A, %eq3A_1921 : vector<16xi32>
      %broadcast_in_dim3A_1923 = vector.broadcast %reduce_sum3A_1919 : f32 to vector<16xf32>
      %select_n3A_1924 = arith.select %eq3A_1922, %broadcast_in_dim3A_1923, %select_n3A_1747 : vector<16xi1>, vector<16xf32>
      %slice3A_1925 = vector.extract_strided_slice %mul3A_615 {offsets = [3], sizes = [1], strides = [1]} : vector<16xi32> to vector<1xi32>
      %squeeze3A_1926 = vector.extract %slice3A_1925[0] : i32 from vector<1xi32>
      %slice3A_1927 = vector.extract_strided_slice %mul3A_621 {offsets = [3], sizes = [1], strides = [1]} : vector<16xi32> to vector<1xi32>
      %squeeze3A_1928 = vector.extract %slice3A_1927[0] : i32 from vector<1xi32>
      %multiple_of3A_1929 = tpu.assume_multiple %squeeze3A_1926, 128 : i32
      %multiple_of3A_1930 = tpu.assume_multiple %squeeze3A_1928, 128 : i32
      %dma_start3A_1931 = arith.constant 3 : i32
      %dma_start3A_1932 = arith.constant 96 : i32
      %dma_start3A_1933 = arith.constant 0 : i32
      %dma_start3A_1934 = tpu.memref_slice %arg9[%dma_start3A_1932, %dma_start3A_1933] : memref<128x128xf32, #tpu.memory_space<vmem>> -> memref<8x128xf32, #tpu.memory_space<vmem>>
      %dma_start3A_1935 = arith.constant 0 : i32
      %dma_start3A_1936 = tpu.memref_slice %arg4[%dma_start3A_1935, %multiple_of3A_1929] : memref<32x1000000xf32, #tpu.memory_space<hbm>> -> memref<8x128xf32, #tpu.memory_space<hbm>>
      %dma_start3A_1937 = tpu.memref_slice %arg12[%dma_start3A_1931] : memref<4x!tpu.dma_semaphore, #tpu.memory_space<semaphore_mem>> -> memref<1x!tpu.dma_semaphore, #tpu.memory_space<semaphore_mem>>
      %dma_start3A_1938 = tpu.memref_squeeze %dma_start3A_1937 : memref<1x!tpu.dma_semaphore, #tpu.memory_space<semaphore_mem>> -> memref<!tpu.dma_semaphore, #tpu.memory_space<semaphore_mem>>
      %dma_start3A_1939 = arith.constant 96 : i32
      %dma_start3A_1940 = arith.constant 0 : i32
      %dma_start3A_1941 = tpu.memref_slice %arg9[%dma_start3A_1939, %dma_start3A_1940] : memref<128x128xf32, #tpu.memory_space<vmem>> -> memref<8x128xf32, #tpu.memory_space<vmem>>
      %dma_start3A_1942 = arith.constant 0 : i32
      %dma_start3A_1943 = tpu.memref_slice %arg4[%dma_start3A_1942, %multiple_of3A_1929] : memref<32x1000000xf32, #tpu.memory_space<hbm>> -> memref<8x128xf32, #tpu.memory_space<hbm>>
      tpu.enqueue_dma source(%dma_start3A_1943 : memref<8x128xf32, #tpu.memory_space<hbm>>) target(%dma_start3A_1941 : memref<8x128xf32, #tpu.memory_space<vmem>>) target_semaphore(%dma_start3A_1938 : memref<!tpu.dma_semaphore, #tpu.memory_space<semaphore_mem>>)
      %dma_start3A_1944 = arith.constant 3 : i32
      %dma_start3A_1945 = arith.constant 96 : i32
      %dma_start3A_1946 = arith.constant 0 : i32
      %dma_start3A_1947 = tpu.memref_slice %arg10[%dma_start3A_1945, %dma_start3A_1946] : memref<128x128xf32, #tpu.memory_space<vmem>> -> memref<8x128xf32, #tpu.memory_space<vmem>>
      %dma_start3A_1948 = arith.constant 0 : i32
      %dma_start3A_1949 = tpu.memref_slice %arg5[%dma_start3A_1948, %multiple_of3A_1930] : memref<32x1000000xf32, #tpu.memory_space<hbm>> -> memref<8x128xf32, #tpu.memory_space<hbm>>
      %dma_start3A_1950 = tpu.memref_slice %arg13[%dma_start3A_1944] : memref<4x!tpu.dma_semaphore, #tpu.memory_space<semaphore_mem>> -> memref<1x!tpu.dma_semaphore, #tpu.memory_space<semaphore_mem>>
      %dma_start3A_1951 = tpu.memref_squeeze %dma_start3A_1950 : memref<1x!tpu.dma_semaphore, #tpu.memory_space<semaphore_mem>> -> memref<!tpu.dma_semaphore, #tpu.memory_space<semaphore_mem>>
      %dma_start3A_1952 = arith.constant 96 : i32
      %dma_start3A_1953 = arith.constant 0 : i32
      %dma_start3A_1954 = tpu.memref_slice %arg10[%dma_start3A_1952, %dma_start3A_1953] : memref<128x128xf32, #tpu.memory_space<vmem>> -> memref<8x128xf32, #tpu.memory_space<vmem>>
      %dma_start3A_1955 = arith.constant 0 : i32
      %dma_start3A_1956 = tpu.memref_slice %arg5[%dma_start3A_1955, %multiple_of3A_1930] : memref<32x1000000xf32, #tpu.memory_space<hbm>> -> memref<8x128xf32, #tpu.memory_space<hbm>>
      tpu.enqueue_dma source(%dma_start3A_1956 : memref<8x128xf32, #tpu.memory_space<hbm>>) target(%dma_start3A_1954 : memref<8x128xf32, #tpu.memory_space<vmem>>) target_semaphore(%dma_start3A_1951 : memref<!tpu.dma_semaphore, #tpu.memory_space<semaphore_mem>>)
      %dma_start3A_1957 = arith.constant 3 : i32
      %dma_start3A_1958 = arith.constant 104 : i32
      %dma_start3A_1959 = arith.constant 0 : i32
      %dma_start3A_1960 = tpu.memref_slice %arg9[%dma_start3A_1958, %dma_start3A_1959] : memref<128x128xf32, #tpu.memory_space<vmem>> -> memref<8x128xf32, #tpu.memory_space<vmem>>
      %dma_start3A_1961 = arith.constant 8 : i32
      %dma_start3A_1962 = tpu.memref_slice %arg4[%dma_start3A_1961, %multiple_of3A_1929] : memref<32x1000000xf32, #tpu.memory_space<hbm>> -> memref<8x128xf32, #tpu.memory_space<hbm>>
      %dma_start3A_1963 = tpu.memref_slice %arg12[%dma_start3A_1957] : memref<4x!tpu.dma_semaphore, #tpu.memory_space<semaphore_mem>> -> memref<1x!tpu.dma_semaphore, #tpu.memory_space<semaphore_mem>>
      %dma_start3A_1964 = tpu.memref_squeeze %dma_start3A_1963 : memref<1x!tpu.dma_semaphore, #tpu.memory_space<semaphore_mem>> -> memref<!tpu.dma_semaphore, #tpu.memory_space<semaphore_mem>>
      %dma_start3A_1965 = arith.constant 104 : i32
      %dma_start3A_1966 = arith.constant 0 : i32
      %dma_start3A_1967 = tpu.memref_slice %arg9[%dma_start3A_1965, %dma_start3A_1966] : memref<128x128xf32, #tpu.memory_space<vmem>> -> memref<8x128xf32, #tpu.memory_space<vmem>>
      %dma_start3A_1968 = arith.constant 8 : i32
      %dma_start3A_1969 = tpu.memref_slice %arg4[%dma_start3A_1968, %multiple_of3A_1929] : memref<32x1000000xf32, #tpu.memory_space<hbm>> -> memref<8x128xf32, #tpu.memory_space<hbm>>
      tpu.enqueue_dma source(%dma_start3A_1969 : memref<8x128xf32, #tpu.memory_space<hbm>>) target(%dma_start3A_1967 : memref<8x128xf32, #tpu.memory_space<vmem>>) target_semaphore(%dma_start3A_1964 : memref<!tpu.dma_semaphore, #tpu.memory_space<semaphore_mem>>)
      %dma_start3A_1970 = arith.constant 3 : i32
      %dma_start3A_1971 = arith.constant 104 : i32
      %dma_start3A_1972 = arith.constant 0 : i32
      %dma_start3A_1973 = tpu.memref_slice %arg10[%dma_start3A_1971, %dma_start3A_1972] : memref<128x128xf32, #tpu.memory_space<vmem>> -> memref<8x128xf32, #tpu.memory_space<vmem>>
      %dma_start3A_1974 = arith.constant 8 : i32
      %dma_start3A_1975 = tpu.memref_slice %arg5[%dma_start3A_1974, %multiple_of3A_1930] : memref<32x1000000xf32, #tpu.memory_space<hbm>> -> memref<8x128xf32, #tpu.memory_space<hbm>>
      %dma_start3A_1976 = tpu.memref_slice %arg13[%dma_start3A_1970] : memref<4x!tpu.dma_semaphore, #tpu.memory_space<semaphore_mem>> -> memref<1x!tpu.dma_semaphore, #tpu.memory_space<semaphore_mem>>
      %dma_start3A_1977 = tpu.memref_squeeze %dma_start3A_1976 : memref<1x!tpu.dma_semaphore, #tpu.memory_space<semaphore_mem>> -> memref<!tpu.dma_semaphore, #tpu.memory_space<semaphore_mem>>
      %dma_start3A_1978 = arith.constant 104 : i32
      %dma_start3A_1979 = arith.constant 0 : i32
      %dma_start3A_1980 = tpu.memref_slice %arg10[%dma_start3A_1978, %dma_start3A_1979] : memref<128x128xf32, #tpu.memory_space<vmem>> -> memref<8x128xf32, #tpu.memory_space<vmem>>
      %dma_start3A_1981 = arith.constant 8 : i32
      %dma_start3A_1982 = tpu.memref_slice %arg5[%dma_start3A_1981, %multiple_of3A_1930] : memref<32x1000000xf32, #tpu.memory_space<hbm>> -> memref<8x128xf32, #tpu.memory_space<hbm>>
      tpu.enqueue_dma source(%dma_start3A_1982 : memref<8x128xf32, #tpu.memory_space<hbm>>) target(%dma_start3A_1980 : memref<8x128xf32, #tpu.memory_space<vmem>>) target_semaphore(%dma_start3A_1977 : memref<!tpu.dma_semaphore, #tpu.memory_space<semaphore_mem>>)
      %dma_start3A_1983 = arith.constant 3 : i32
      %dma_start3A_1984 = arith.constant 112 : i32
      %dma_start3A_1985 = arith.constant 0 : i32
      %dma_start3A_1986 = tpu.memref_slice %arg9[%dma_start3A_1984, %dma_start3A_1985] : memref<128x128xf32, #tpu.memory_space<vmem>> -> memref<8x128xf32, #tpu.memory_space<vmem>>
      %dma_start3A_1987 = arith.constant 16 : i32
      %dma_start3A_1988 = tpu.memref_slice %arg4[%dma_start3A_1987, %multiple_of3A_1929] : memref<32x1000000xf32, #tpu.memory_space<hbm>> -> memref<8x128xf32, #tpu.memory_space<hbm>>
      %dma_start3A_1989 = tpu.memref_slice %arg12[%dma_start3A_1983] : memref<4x!tpu.dma_semaphore, #tpu.memory_space<semaphore_mem>> -> memref<1x!tpu.dma_semaphore, #tpu.memory_space<semaphore_mem>>
      %dma_start3A_1990 = tpu.memref_squeeze %dma_start3A_1989 : memref<1x!tpu.dma_semaphore, #tpu.memory_space<semaphore_mem>> -> memref<!tpu.dma_semaphore, #tpu.memory_space<semaphore_mem>>
      %dma_start3A_1991 = arith.constant 112 : i32
      %dma_start3A_1992 = arith.constant 0 : i32
      %dma_start3A_1993 = tpu.memref_slice %arg9[%dma_start3A_1991, %dma_start3A_1992] : memref<128x128xf32, #tpu.memory_space<vmem>> -> memref<8x128xf32, #tpu.memory_space<vmem>>
      %dma_start3A_1994 = arith.constant 16 : i32
      %dma_start3A_1995 = tpu.memref_slice %arg4[%dma_start3A_1994, %multiple_of3A_1929] : memref<32x1000000xf32, #tpu.memory_space<hbm>> -> memref<8x128xf32, #tpu.memory_space<hbm>>
      tpu.enqueue_dma source(%dma_start3A_1995 : memref<8x128xf32, #tpu.memory_space<hbm>>) target(%dma_start3A_1993 : memref<8x128xf32, #tpu.memory_space<vmem>>) target_semaphore(%dma_start3A_1990 : memref<!tpu.dma_semaphore, #tpu.memory_space<semaphore_mem>>)
      %dma_start3A_1996 = arith.constant 3 : i32
      %dma_start3A_1997 = arith.constant 112 : i32
      %dma_start3A_1998 = arith.constant 0 : i32
      %dma_start3A_1999 = tpu.memref_slice %arg10[%dma_start3A_1997, %dma_start3A_1998] : memref<128x128xf32, #tpu.memory_space<vmem>> -> memref<8x128xf32, #tpu.memory_space<vmem>>
      %dma_start3A_2000 = arith.constant 16 : i32
      %dma_start3A_2001 = tpu.memref_slice %arg5[%dma_start3A_2000, %multiple_of3A_1930] : memref<32x1000000xf32, #tpu.memory_space<hbm>> -> memref<8x128xf32, #tpu.memory_space<hbm>>
      %dma_start3A_2002 = tpu.memref_slice %arg13[%dma_start3A_1996] : memref<4x!tpu.dma_semaphore, #tpu.memory_space<semaphore_mem>> -> memref<1x!tpu.dma_semaphore, #tpu.memory_space<semaphore_mem>>
      %dma_start3A_2003 = tpu.memref_squeeze %dma_start3A_2002 : memref<1x!tpu.dma_semaphore, #tpu.memory_space<semaphore_mem>> -> memref<!tpu.dma_semaphore, #tpu.memory_space<semaphore_mem>>
      %dma_start3A_2004 = arith.constant 112 : i32
      %dma_start3A_2005 = arith.constant 0 : i32
      %dma_start3A_2006 = tpu.memref_slice %arg10[%dma_start3A_2004, %dma_start3A_2005] : memref<128x128xf32, #tpu.memory_space<vmem>> -> memref<8x128xf32, #tpu.memory_space<vmem>>
      %dma_start3A_2007 = arith.constant 16 : i32
      %dma_start3A_2008 = tpu.memref_slice %arg5[%dma_start3A_2007, %multiple_of3A_1930] : memref<32x1000000xf32, #tpu.memory_space<hbm>> -> memref<8x128xf32, #tpu.memory_space<hbm>>
      tpu.enqueue_dma source(%dma_start3A_2008 : memref<8x128xf32, #tpu.memory_space<hbm>>) target(%dma_start3A_2006 : memref<8x128xf32, #tpu.memory_space<vmem>>) target_semaphore(%dma_start3A_2003 : memref<!tpu.dma_semaphore, #tpu.memory_space<semaphore_mem>>)
      %dma_start3A_2009 = arith.constant 3 : i32
      %dma_start3A_2010 = arith.constant 120 : i32
      %dma_start3A_2011 = arith.constant 0 : i32
      %dma_start3A_2012 = tpu.memref_slice %arg9[%dma_start3A_2010, %dma_start3A_2011] : memref<128x128xf32, #tpu.memory_space<vmem>> -> memref<8x128xf32, #tpu.memory_space<vmem>>
      %dma_start3A_2013 = arith.constant 24 : i32
      %dma_start3A_2014 = tpu.memref_slice %arg4[%dma_start3A_2013, %multiple_of3A_1929] : memref<32x1000000xf32, #tpu.memory_space<hbm>> -> memref<8x128xf32, #tpu.memory_space<hbm>>
      %dma_start3A_2015 = tpu.memref_slice %arg12[%dma_start3A_2009] : memref<4x!tpu.dma_semaphore, #tpu.memory_space<semaphore_mem>> -> memref<1x!tpu.dma_semaphore, #tpu.memory_space<semaphore_mem>>
      %dma_start3A_2016 = tpu.memref_squeeze %dma_start3A_2015 : memref<1x!tpu.dma_semaphore, #tpu.memory_space<semaphore_mem>> -> memref<!tpu.dma_semaphore, #tpu.memory_space<semaphore_mem>>
      %dma_start3A_2017 = arith.constant 120 : i32
      %dma_start3A_2018 = arith.constant 0 : i32
      %dma_start3A_2019 = tpu.memref_slice %arg9[%dma_start3A_2017, %dma_start3A_2018] : memref<128x128xf32, #tpu.memory_space<vmem>> -> memref<8x128xf32, #tpu.memory_space<vmem>>
      %dma_start3A_2020 = arith.constant 24 : i32
      %dma_start3A_2021 = tpu.memref_slice %arg4[%dma_start3A_2020, %multiple_of3A_1929] : memref<32x1000000xf32, #tpu.memory_space<hbm>> -> memref<8x128xf32, #tpu.memory_space<hbm>>
      tpu.enqueue_dma source(%dma_start3A_2021 : memref<8x128xf32, #tpu.memory_space<hbm>>) target(%dma_start3A_2019 : memref<8x128xf32, #tpu.memory_space<vmem>>) target_semaphore(%dma_start3A_2016 : memref<!tpu.dma_semaphore, #tpu.memory_space<semaphore_mem>>)
      %dma_start3A_2022 = arith.constant 3 : i32
      %dma_start3A_2023 = arith.constant 120 : i32
      %dma_start3A_2024 = arith.constant 0 : i32
      %dma_start3A_2025 = tpu.memref_slice %arg10[%dma_start3A_2023, %dma_start3A_2024] : memref<128x128xf32, #tpu.memory_space<vmem>> -> memref<8x128xf32, #tpu.memory_space<vmem>>
      %dma_start3A_2026 = arith.constant 24 : i32
      %dma_start3A_2027 = tpu.memref_slice %arg5[%dma_start3A_2026, %multiple_of3A_1930] : memref<32x1000000xf32, #tpu.memory_space<hbm>> -> memref<8x128xf32, #tpu.memory_space<hbm>>
      %dma_start3A_2028 = tpu.memref_slice %arg13[%dma_start3A_2022] : memref<4x!tpu.dma_semaphore, #tpu.memory_space<semaphore_mem>> -> memref<1x!tpu.dma_semaphore, #tpu.memory_space<semaphore_mem>>
      %dma_start3A_2029 = tpu.memref_squeeze %dma_start3A_2028 : memref<1x!tpu.dma_semaphore, #tpu.memory_space<semaphore_mem>> -> memref<!tpu.dma_semaphore, #tpu.memory_space<semaphore_mem>>
      %dma_start3A_2030 = arith.constant 120 : i32
      %dma_start3A_2031 = arith.constant 0 : i32
      %dma_start3A_2032 = tpu.memref_slice %arg10[%dma_start3A_2030, %dma_start3A_2031] : memref<128x128xf32, #tpu.memory_space<vmem>> -> memref<8x128xf32, #tpu.memory_space<vmem>>
      %dma_start3A_2033 = arith.constant 24 : i32
      %dma_start3A_2034 = tpu.memref_slice %arg5[%dma_start3A_2033, %multiple_of3A_1930] : memref<32x1000000xf32, #tpu.memory_space<hbm>> -> memref<8x128xf32, #tpu.memory_space<hbm>>
      tpu.enqueue_dma source(%dma_start3A_2034 : memref<8x128xf32, #tpu.memory_space<hbm>>) target(%dma_start3A_2032 : memref<8x128xf32, #tpu.memory_space<vmem>>) target_semaphore(%dma_start3A_2029 : memref<!tpu.dma_semaphore, #tpu.memory_space<semaphore_mem>>)
      %dma_wait3A_2035 = arith.constant 0 : i32
      %dma_wait3A_2036 = arith.constant 0 : i32
      %dma_wait3A_2037 = arith.constant 0 : i32
      %dma_wait3A_2038 = tpu.memref_slice %arg9[%dma_wait3A_2036, %dma_wait3A_2037] : memref<128x128xf32, #tpu.memory_space<vmem>> -> memref<32x128xf32, #tpu.memory_space<vmem>>
      %dma_wait3A_2039 = arith.constant 0 : i32
      %dma_wait3A_2040 = arith.constant 0 : i32
      %dma_wait3A_2041 = tpu.memref_slice %arg4[%dma_wait3A_2039, %dma_wait3A_2040] : memref<32x1000000xf32, #tpu.memory_space<hbm>> -> memref<32x128xf32, #tpu.memory_space<hbm>>
      %dma_wait3A_2042 = tpu.memref_slice %arg12[%dma_wait3A_2035] : memref<4x!tpu.dma_semaphore, #tpu.memory_space<semaphore_mem>> -> memref<1x!tpu.dma_semaphore, #tpu.memory_space<semaphore_mem>>
      %dma_wait3A_2043 = tpu.memref_squeeze %dma_wait3A_2042 : memref<1x!tpu.dma_semaphore, #tpu.memory_space<semaphore_mem>> -> memref<!tpu.dma_semaphore, #tpu.memory_space<semaphore_mem>>
      %dma_wait3A_2044 = arith.constant 0 : i32
      %dma_wait3A_2045 = arith.constant 0 : i32
      %dma_wait3A_2046 = tpu.memref_slice %arg9[%dma_wait3A_2044, %dma_wait3A_2045] : memref<128x128xf32, #tpu.memory_space<vmem>> -> memref<32x128xf32, #tpu.memory_space<vmem>>
      %dma_wait3A_2047 = arith.constant 0 : i32
      %dma_wait3A_2048 = arith.constant 0 : i32
      %dma_wait3A_2049 = tpu.memref_slice %arg4[%dma_wait3A_2047, %dma_wait3A_2048] : memref<32x1000000xf32, #tpu.memory_space<hbm>> -> memref<32x128xf32, #tpu.memory_space<hbm>>
      tpu.wait_dma2 semaphore(%dma_wait3A_2043 : memref<!tpu.dma_semaphore, #tpu.memory_space<semaphore_mem>>) src(%dma_wait3A_2049 : memref<32x128xf32, #tpu.memory_space<hbm>>) dst(%dma_wait3A_2046 : memref<32x128xf32, #tpu.memory_space<vmem>>)
      %dma_wait3A_2050 = arith.constant 0 : i32
      %dma_wait3A_2051 = arith.constant 0 : i32
      %dma_wait3A_2052 = arith.constant 0 : i32
      %dma_wait3A_2053 = tpu.memref_slice %arg10[%dma_wait3A_2051, %dma_wait3A_2052] : memref<128x128xf32, #tpu.memory_space<vmem>> -> memref<32x128xf32, #tpu.memory_space<vmem>>
      %dma_wait3A_2054 = arith.constant 0 : i32
      %dma_wait3A_2055 = arith.constant 0 : i32
      %dma_wait3A_2056 = tpu.memref_slice %arg5[%dma_wait3A_2054, %dma_wait3A_2055] : memref<32x1000000xf32, #tpu.memory_space<hbm>> -> memref<32x128xf32, #tpu.memory_space<hbm>>
      %dma_wait3A_2057 = tpu.memref_slice %arg13[%dma_wait3A_2050] : memref<4x!tpu.dma_semaphore, #tpu.memory_space<semaphore_mem>> -> memref<1x!tpu.dma_semaphore, #tpu.memory_space<semaphore_mem>>
      %dma_wait3A_2058 = tpu.memref_squeeze %dma_wait3A_2057 : memref<1x!tpu.dma_semaphore, #tpu.memory_space<semaphore_mem>> -> memref<!tpu.dma_semaphore, #tpu.memory_space<semaphore_mem>>
      %dma_wait3A_2059 = arith.constant 0 : i32
      %dma_wait3A_2060 = arith.constant 0 : i32
      %dma_wait3A_2061 = tpu.memref_slice %arg10[%dma_wait3A_2059, %dma_wait3A_2060] : memref<128x128xf32, #tpu.memory_space<vmem>> -> memref<32x128xf32, #tpu.memory_space<vmem>>
      %dma_wait3A_2062 = arith.constant 0 : i32
      %dma_wait3A_2063 = arith.constant 0 : i32
      %dma_wait3A_2064 = tpu.memref_slice %arg5[%dma_wait3A_2062, %dma_wait3A_2063] : memref<32x1000000xf32, #tpu.memory_space<hbm>> -> memref<32x128xf32, #tpu.memory_space<hbm>>
      tpu.wait_dma2 semaphore(%dma_wait3A_2058 : memref<!tpu.dma_semaphore, #tpu.memory_space<semaphore_mem>>) src(%dma_wait3A_2064 : memref<32x128xf32, #tpu.memory_space<hbm>>) dst(%dma_wait3A_2061 : memref<32x128xf32, #tpu.memory_space<vmem>>)
      %broadcast_in_dim3A_2065 = arith.constant 0 : i32
      %broadcast_in_dim3A_2066 = vector.broadcast %broadcast_in_dim3A_2065 : i32 to vector<16xi32>
      %add3A_2067 = arith.addi %broadcast_in_dim3A_2066, %iota3A : vector<16xi32>
      %broadcast_in_dim3A_2068 = arith.constant 1 : i32
      %broadcast_in_dim3A_2069 = vector.broadcast %broadcast_in_dim3A_2068 : i32 to vector<16xi32>
      %slice3A_2070 = vector.extract_strided_slice %sub3A {offsets = [8], sizes = [1], strides = [1]} : vector<16xi32> to vector<1xi32>
      %squeeze3A_2071 = vector.extract %slice3A_2070[0] : i32 from vector<1xi32>
      %mul3A_2072 = vector.broadcast %squeeze3A_2071 : i32 to vector<16xi32>
      %mul3A_2073 = arith.muli %broadcast_in_dim3A_2069, %mul3A_2072 : vector<16xi32>
      %broadcast_in_dim3A_2074 = arith.constant 1 : i32
      %broadcast_in_dim3A_2075 = vector.broadcast %broadcast_in_dim3A_2074 : i32 to vector<16xi32>
      %slice3A_2076 = vector.extract_strided_slice %sub3A_598 {offsets = [8], sizes = [1], strides = [1]} : vector<16xi32> to vector<1xi32>
      %squeeze3A_2077 = vector.extract %slice3A_2076[0] : i32 from vector<1xi32>
      %mul3A_2078 = vector.broadcast %squeeze3A_2077 : i32 to vector<16xi32>
      %mul3A_2079 = arith.muli %broadcast_in_dim3A_2075, %mul3A_2078 : vector<16xi32>
      %gather3A_2080 = tpu.vector_load_idx %arg9[%add3A_2067, %mul3A_2073] : memref<128x128xf32, #tpu.memory_space<vmem>>[vector<16xi32>, vector<16xi32>], vector<16xf32>,
      %add3A_2081 = arith.constant 16 : i32
      %add3A_2082 = vector.broadcast %add3A_2081 : i32 to vector<16xi32>
      %add3A_2083 = arith.addi %add3A_2067, %add3A_2082 : vector<16xi32>
      %gather3A_2084 = tpu.vector_load_idx %arg9[%add3A_2083, %mul3A_2073] : memref<128x128xf32, #tpu.memory_space<vmem>>[vector<16xi32>, vector<16xi32>], vector<16xf32>,
      %gather3A_2085 = tpu.vector_load_idx %arg10[%add3A_2067, %mul3A_2079] : memref<128x128xf32, #tpu.memory_space<vmem>>[vector<16xi32>, vector<16xi32>], vector<16xf32>,
      %add3A_2086 = arith.constant 16 : i32
      %add3A_2087 = vector.broadcast %add3A_2086 : i32 to vector<16xi32>
      %add3A_2088 = arith.addi %add3A_2067, %add3A_2087 : vector<16xi32>
      %gather3A_2089 = tpu.vector_load_idx %arg10[%add3A_2088, %mul3A_2079] : memref<128x128xf32, #tpu.memory_space<vmem>>[vector<16xi32>, vector<16xi32>], vector<16xf32>,
      %mul3A_2090 = arith.mulf %gather3A_2080, %gather3A_2085 : vector<16xf32>
      %mul3A_2091 = arith.mulf %gather3A_2084, %gather3A_2089 : vector<16xf32>
      %add3A_2092 = arith.addf %mul3A_2090, %mul3A_2091 : vector<16xf32>
      %reduce_sum3A_2093 = arith.constant true
      %reduce_sum3A_2094 = vector.broadcast %reduce_sum3A_2093 : i1 to vector<16xi1>
      %reduce_sum3A_2095 = tpu.scan <sum>, %add3A_2092 masked %reduce_sum3A_2094 : vector<16xf32>, vector<16xi1> -> vector<16xf32>
      %reduce_sum3A_2096 = vector.extract %reduce_sum3A_2095[15] : f32 from vector<16xf32>
      %eq3A_2097 = arith.constant 8 : i32
      %eq3A_2098 = vector.broadcast %eq3A_2097 : i32 to vector<16xi32>
      %eq3A_2099 = arith.cmpi eq, %iota3A, %eq3A_2098 : vector<16xi32>
      %broadcast_in_dim3A_2100 = vector.broadcast %reduce_sum3A_2096 : f32 to vector<16xf32>
      %select_n3A_2101 = arith.select %eq3A_2099, %broadcast_in_dim3A_2100, %select_n3A_1924 : vector<16xi1>, vector<16xf32>
      %slice3A_2102 = vector.extract_strided_slice %mul3A_615 {offsets = [4], sizes = [1], strides = [1]} : vector<16xi32> to vector<1xi32>
      %squeeze3A_2103 = vector.extract %slice3A_2102[0] : i32 from vector<1xi32>
      %slice3A_2104 = vector.extract_strided_slice %mul3A_621 {offsets = [4], sizes = [1], strides = [1]} : vector<16xi32> to vector<1xi32>
      %squeeze3A_2105 = vector.extract %slice3A_2104[0] : i32 from vector<1xi32>
      %multiple_of3A_2106 = tpu.assume_multiple %squeeze3A_2103, 128 : i32
      %multiple_of3A_2107 = tpu.assume_multiple %squeeze3A_2105, 128 : i32
      %dma_start3A_2108 = arith.constant 0 : i32
      %dma_start3A_2109 = arith.constant 0 : i32
      %dma_start3A_2110 = arith.constant 0 : i32
      %dma_start3A_2111 = tpu.memref_slice %arg9[%dma_start3A_2109, %dma_start3A_2110] : memref<128x128xf32, #tpu.memory_space<vmem>> -> memref<8x128xf32, #tpu.memory_space<vmem>>
      %dma_start3A_2112 = arith.constant 0 : i32
      %dma_start3A_2113 = tpu.memref_slice %arg4[%dma_start3A_2112, %multiple_of3A_2106] : memref<32x1000000xf32, #tpu.memory_space<hbm>> -> memref<8x128xf32, #tpu.memory_space<hbm>>
      %dma_start3A_2114 = tpu.memref_slice %arg12[%dma_start3A_2108] : memref<4x!tpu.dma_semaphore, #tpu.memory_space<semaphore_mem>> -> memref<1x!tpu.dma_semaphore, #tpu.memory_space<semaphore_mem>>
      %dma_start3A_2115 = tpu.memref_squeeze %dma_start3A_2114 : memref<1x!tpu.dma_semaphore, #tpu.memory_space<semaphore_mem>> -> memref<!tpu.dma_semaphore, #tpu.memory_space<semaphore_mem>>
      %dma_start3A_2116 = arith.constant 0 : i32
      %dma_start3A_2117 = arith.constant 0 : i32
      %dma_start3A_2118 = tpu.memref_slice %arg9[%dma_start3A_2116, %dma_start3A_2117] : memref<128x128xf32, #tpu.memory_space<vmem>> -> memref<8x128xf32, #tpu.memory_space<vmem>>
      %dma_start3A_2119 = arith.constant 0 : i32
      %dma_start3A_2120 = tpu.memref_slice %arg4[%dma_start3A_2119, %multiple_of3A_2106] : memref<32x1000000xf32, #tpu.memory_space<hbm>> -> memref<8x128xf32, #tpu.memory_space<hbm>>
      tpu.enqueue_dma source(%dma_start3A_2120 : memref<8x128xf32, #tpu.memory_space<hbm>>) target(%dma_start3A_2118 : memref<8x128xf32, #tpu.memory_space<vmem>>) target_semaphore(%dma_start3A_2115 : memref<!tpu.dma_semaphore, #tpu.memory_space<semaphore_mem>>)
      %dma_start3A_2121 = arith.constant 0 : i32
      %dma_start3A_2122 = arith.constant 0 : i32
      %dma_start3A_2123 = arith.constant 0 : i32
      %dma_start3A_2124 = tpu.memref_slice %arg10[%dma_start3A_2122, %dma_start3A_2123] : memref<128x128xf32, #tpu.memory_space<vmem>> -> memref<8x128xf32, #tpu.memory_space<vmem>>
      %dma_start3A_2125 = arith.constant 0 : i32
      %dma_start3A_2126 = tpu.memref_slice %arg5[%dma_start3A_2125, %multiple_of3A_2107] : memref<32x1000000xf32, #tpu.memory_space<hbm>> -> memref<8x128xf32, #tpu.memory_space<hbm>>
      %dma_start3A_2127 = tpu.memref_slice %arg13[%dma_start3A_2121] : memref<4x!tpu.dma_semaphore, #tpu.memory_space<semaphore_mem>> -> memref<1x!tpu.dma_semaphore, #tpu.memory_space<semaphore_mem>>
      %dma_start3A_2128 = tpu.memref_squeeze %dma_start3A_2127 : memref<1x!tpu.dma_semaphore, #tpu.memory_space<semaphore_mem>> -> memref<!tpu.dma_semaphore, #tpu.memory_space<semaphore_mem>>
      %dma_start3A_2129 = arith.constant 0 : i32
      %dma_start3A_2130 = arith.constant 0 : i32
      %dma_start3A_2131 = tpu.memref_slice %arg10[%dma_start3A_2129, %dma_start3A_2130] : memref<128x128xf32, #tpu.memory_space<vmem>> -> memref<8x128xf32, #tpu.memory_space<vmem>>
      %dma_start3A_2132 = arith.constant 0 : i32
      %dma_start3A_2133 = tpu.memref_slice %arg5[%dma_start3A_2132, %multiple_of3A_2107] : memref<32x1000000xf32, #tpu.memory_space<hbm>> -> memref<8x128xf32, #tpu.memory_space<hbm>>
      tpu.enqueue_dma source(%dma_start3A_2133 : memref<8x128xf32, #tpu.memory_space<hbm>>) target(%dma_start3A_2131 : memref<8x128xf32, #tpu.memory_space<vmem>>) target_semaphore(%dma_start3A_2128 : memref<!tpu.dma_semaphore, #tpu.memory_space<semaphore_mem>>)
      %dma_start3A_2134 = arith.constant 0 : i32
      %dma_start3A_2135 = arith.constant 8 : i32
      %dma_start3A_2136 = arith.constant 0 : i32
      %dma_start3A_2137 = tpu.memref_slice %arg9[%dma_start3A_2135, %dma_start3A_2136] : memref<128x128xf32, #tpu.memory_space<vmem>> -> memref<8x128xf32, #tpu.memory_space<vmem>>
      %dma_start3A_2138 = arith.constant 8 : i32
      %dma_start3A_2139 = tpu.memref_slice %arg4[%dma_start3A_2138, %multiple_of3A_2106] : memref<32x1000000xf32, #tpu.memory_space<hbm>> -> memref<8x128xf32, #tpu.memory_space<hbm>>
      %dma_start3A_2140 = tpu.memref_slice %arg12[%dma_start3A_2134] : memref<4x!tpu.dma_semaphore, #tpu.memory_space<semaphore_mem>> -> memref<1x!tpu.dma_semaphore, #tpu.memory_space<semaphore_mem>>
      %dma_start3A_2141 = tpu.memref_squeeze %dma_start3A_2140 : memref<1x!tpu.dma_semaphore, #tpu.memory_space<semaphore_mem>> -> memref<!tpu.dma_semaphore, #tpu.memory_space<semaphore_mem>>
      %dma_start3A_2142 = arith.constant 8 : i32
      %dma_start3A_2143 = arith.constant 0 : i32
      %dma_start3A_2144 = tpu.memref_slice %arg9[%dma_start3A_2142, %dma_start3A_2143] : memref<128x128xf32, #tpu.memory_space<vmem>> -> memref<8x128xf32, #tpu.memory_space<vmem>>
      %dma_start3A_2145 = arith.constant 8 : i32
      %dma_start3A_2146 = tpu.memref_slice %arg4[%dma_start3A_2145, %multiple_of3A_2106] : memref<32x1000000xf32, #tpu.memory_space<hbm>> -> memref<8x128xf32, #tpu.memory_space<hbm>>
      tpu.enqueue_dma source(%dma_start3A_2146 : memref<8x128xf32, #tpu.memory_space<hbm>>) target(%dma_start3A_2144 : memref<8x128xf32, #tpu.memory_space<vmem>>) target_semaphore(%dma_start3A_2141 : memref<!tpu.dma_semaphore, #tpu.memory_space<semaphore_mem>>)
      %dma_start3A_2147 = arith.constant 0 : i32
      %dma_start3A_2148 = arith.constant 8 : i32
      %dma_start3A_2149 = arith.constant 0 : i32
      %dma_start3A_2150 = tpu.memref_slice %arg10[%dma_start3A_2148, %dma_start3A_2149] : memref<128x128xf32, #tpu.memory_space<vmem>> -> memref<8x128xf32, #tpu.memory_space<vmem>>
      %dma_start3A_2151 = arith.constant 8 : i32
      %dma_start3A_2152 = tpu.memref_slice %arg5[%dma_start3A_2151, %multiple_of3A_2107] : memref<32x1000000xf32, #tpu.memory_space<hbm>> -> memref<8x128xf32, #tpu.memory_space<hbm>>
      %dma_start3A_2153 = tpu.memref_slice %arg13[%dma_start3A_2147] : memref<4x!tpu.dma_semaphore, #tpu.memory_space<semaphore_mem>> -> memref<1x!tpu.dma_semaphore, #tpu.memory_space<semaphore_mem>>
      %dma_start3A_2154 = tpu.memref_squeeze %dma_start3A_2153 : memref<1x!tpu.dma_semaphore, #tpu.memory_space<semaphore_mem>> -> memref<!tpu.dma_semaphore, #tpu.memory_space<semaphore_mem>>
      %dma_start3A_2155 = arith.constant 8 : i32
      %dma_start3A_2156 = arith.constant 0 : i32
      %dma_start3A_2157 = tpu.memref_slice %arg10[%dma_start3A_2155, %dma_start3A_2156] : memref<128x128xf32, #tpu.memory_space<vmem>> -> memref<8x128xf32, #tpu.memory_space<vmem>>
      %dma_start3A_2158 = arith.constant 8 : i32
      %dma_start3A_2159 = tpu.memref_slice %arg5[%dma_start3A_2158, %multiple_of3A_2107] : memref<32x1000000xf32, #tpu.memory_space<hbm>> -> memref<8x128xf32, #tpu.memory_space<hbm>>
      tpu.enqueue_dma source(%dma_start3A_2159 : memref<8x128xf32, #tpu.memory_space<hbm>>) target(%dma_start3A_2157 : memref<8x128xf32, #tpu.memory_space<vmem>>) target_semaphore(%dma_start3A_2154 : memref<!tpu.dma_semaphore, #tpu.memory_space<semaphore_mem>>)
      %dma_start3A_2160 = arith.constant 0 : i32
      %dma_start3A_2161 = arith.constant 16 : i32
      %dma_start3A_2162 = arith.constant 0 : i32
      %dma_start3A_2163 = tpu.memref_slice %arg9[%dma_start3A_2161, %dma_start3A_2162] : memref<128x128xf32, #tpu.memory_space<vmem>> -> memref<8x128xf32, #tpu.memory_space<vmem>>
      %dma_start3A_2164 = arith.constant 16 : i32
      %dma_start3A_2165 = tpu.memref_slice %arg4[%dma_start3A_2164, %multiple_of3A_2106] : memref<32x1000000xf32, #tpu.memory_space<hbm>> -> memref<8x128xf32, #tpu.memory_space<hbm>>
      %dma_start3A_2166 = tpu.memref_slice %arg12[%dma_start3A_2160] : memref<4x!tpu.dma_semaphore, #tpu.memory_space<semaphore_mem>> -> memref<1x!tpu.dma_semaphore, #tpu.memory_space<semaphore_mem>>
      %dma_start3A_2167 = tpu.memref_squeeze %dma_start3A_2166 : memref<1x!tpu.dma_semaphore, #tpu.memory_space<semaphore_mem>> -> memref<!tpu.dma_semaphore, #tpu.memory_space<semaphore_mem>>
      %dma_start3A_2168 = arith.constant 16 : i32
      %dma_start3A_2169 = arith.constant 0 : i32
      %dma_start3A_2170 = tpu.memref_slice %arg9[%dma_start3A_2168, %dma_start3A_2169] : memref<128x128xf32, #tpu.memory_space<vmem>> -> memref<8x128xf32, #tpu.memory_space<vmem>>
      %dma_start3A_2171 = arith.constant 16 : i32
      %dma_start3A_2172 = tpu.memref_slice %arg4[%dma_start3A_2171, %multiple_of3A_2106] : memref<32x1000000xf32, #tpu.memory_space<hbm>> -> memref<8x128xf32, #tpu.memory_space<hbm>>
      tpu.enqueue_dma source(%dma_start3A_2172 : memref<8x128xf32, #tpu.memory_space<hbm>>) target(%dma_start3A_2170 : memref<8x128xf32, #tpu.memory_space<vmem>>) target_semaphore(%dma_start3A_2167 : memref<!tpu.dma_semaphore, #tpu.memory_space<semaphore_mem>>)
      %dma_start3A_2173 = arith.constant 0 : i32
      %dma_start3A_2174 = arith.constant 16 : i32
      %dma_start3A_2175 = arith.constant 0 : i32
      %dma_start3A_2176 = tpu.memref_slice %arg10[%dma_start3A_2174, %dma_start3A_2175] : memref<128x128xf32, #tpu.memory_space<vmem>> -> memref<8x128xf32, #tpu.memory_space<vmem>>
      %dma_start3A_2177 = arith.constant 16 : i32
      %dma_start3A_2178 = tpu.memref_slice %arg5[%dma_start3A_2177, %multiple_of3A_2107] : memref<32x1000000xf32, #tpu.memory_space<hbm>> -> memref<8x128xf32, #tpu.memory_space<hbm>>
      %dma_start3A_2179 = tpu.memref_slice %arg13[%dma_start3A_2173] : memref<4x!tpu.dma_semaphore, #tpu.memory_space<semaphore_mem>> -> memref<1x!tpu.dma_semaphore, #tpu.memory_space<semaphore_mem>>
      %dma_start3A_2180 = tpu.memref_squeeze %dma_start3A_2179 : memref<1x!tpu.dma_semaphore, #tpu.memory_space<semaphore_mem>> -> memref<!tpu.dma_semaphore, #tpu.memory_space<semaphore_mem>>
      %dma_start3A_2181 = arith.constant 16 : i32
      %dma_start3A_2182 = arith.constant 0 : i32
      %dma_start3A_2183 = tpu.memref_slice %arg10[%dma_start3A_2181, %dma_start3A_2182] : memref<128x128xf32, #tpu.memory_space<vmem>> -> memref<8x128xf32, #tpu.memory_space<vmem>>
      %dma_start3A_2184 = arith.constant 16 : i32
      %dma_start3A_2185 = tpu.memref_slice %arg5[%dma_start3A_2184, %multiple_of3A_2107] : memref<32x1000000xf32, #tpu.memory_space<hbm>> -> memref<8x128xf32, #tpu.memory_space<hbm>>
      tpu.enqueue_dma source(%dma_start3A_2185 : memref<8x128xf32, #tpu.memory_space<hbm>>) target(%dma_start3A_2183 : memref<8x128xf32, #tpu.memory_space<vmem>>) target_semaphore(%dma_start3A_2180 : memref<!tpu.dma_semaphore, #tpu.memory_space<semaphore_mem>>)
      %dma_start3A_2186 = arith.constant 0 : i32
      %dma_start3A_2187 = arith.constant 24 : i32
      %dma_start3A_2188 = arith.constant 0 : i32
      %dma_start3A_2189 = tpu.memref_slice %arg9[%dma_start3A_2187, %dma_start3A_2188] : memref<128x128xf32, #tpu.memory_space<vmem>> -> memref<8x128xf32, #tpu.memory_space<vmem>>
      %dma_start3A_2190 = arith.constant 24 : i32
      %dma_start3A_2191 = tpu.memref_slice %arg4[%dma_start3A_2190, %multiple_of3A_2106] : memref<32x1000000xf32, #tpu.memory_space<hbm>> -> memref<8x128xf32, #tpu.memory_space<hbm>>
      %dma_start3A_2192 = tpu.memref_slice %arg12[%dma_start3A_2186] : memref<4x!tpu.dma_semaphore, #tpu.memory_space<semaphore_mem>> -> memref<1x!tpu.dma_semaphore, #tpu.memory_space<semaphore_mem>>
      %dma_start3A_2193 = tpu.memref_squeeze %dma_start3A_2192 : memref<1x!tpu.dma_semaphore, #tpu.memory_space<semaphore_mem>> -> memref<!tpu.dma_semaphore, #tpu.memory_space<semaphore_mem>>
      %dma_start3A_2194 = arith.constant 24 : i32
      %dma_start3A_2195 = arith.constant 0 : i32
      %dma_start3A_2196 = tpu.memref_slice %arg9[%dma_start3A_2194, %dma_start3A_2195] : memref<128x128xf32, #tpu.memory_space<vmem>> -> memref<8x128xf32, #tpu.memory_space<vmem>>
      %dma_start3A_2197 = arith.constant 24 : i32
      %dma_start3A_2198 = tpu.memref_slice %arg4[%dma_start3A_2197, %multiple_of3A_2106] : memref<32x1000000xf32, #tpu.memory_space<hbm>> -> memref<8x128xf32, #tpu.memory_space<hbm>>
      tpu.enqueue_dma source(%dma_start3A_2198 : memref<8x128xf32, #tpu.memory_space<hbm>>) target(%dma_start3A_2196 : memref<8x128xf32, #tpu.memory_space<vmem>>) target_semaphore(%dma_start3A_2193 : memref<!tpu.dma_semaphore, #tpu.memory_space<semaphore_mem>>)
      %dma_start3A_2199 = arith.constant 0 : i32
      %dma_start3A_2200 = arith.constant 24 : i32
      %dma_start3A_2201 = arith.constant 0 : i32
      %dma_start3A_2202 = tpu.memref_slice %arg10[%dma_start3A_2200, %dma_start3A_2201] : memref<128x128xf32, #tpu.memory_space<vmem>> -> memref<8x128xf32, #tpu.memory_space<vmem>>
      %dma_start3A_2203 = arith.constant 24 : i32
      %dma_start3A_2204 = tpu.memref_slice %arg5[%dma_start3A_2203, %multiple_of3A_2107] : memref<32x1000000xf32, #tpu.memory_space<hbm>> -> memref<8x128xf32, #tpu.memory_space<hbm>>
      %dma_start3A_2205 = tpu.memref_slice %arg13[%dma_start3A_2199] : memref<4x!tpu.dma_semaphore, #tpu.memory_space<semaphore_mem>> -> memref<1x!tpu.dma_semaphore, #tpu.memory_space<semaphore_mem>>
      %dma_start3A_2206 = tpu.memref_squeeze %dma_start3A_2205 : memref<1x!tpu.dma_semaphore, #tpu.memory_space<semaphore_mem>> -> memref<!tpu.dma_semaphore, #tpu.memory_space<semaphore_mem>>
      %dma_start3A_2207 = arith.constant 24 : i32
      %dma_start3A_2208 = arith.constant 0 : i32
      %dma_start3A_2209 = tpu.memref_slice %arg10[%dma_start3A_2207, %dma_start3A_2208] : memref<128x128xf32, #tpu.memory_space<vmem>> -> memref<8x128xf32, #tpu.memory_space<vmem>>
      %dma_start3A_2210 = arith.constant 24 : i32
      %dma_start3A_2211 = tpu.memref_slice %arg5[%dma_start3A_2210, %multiple_of3A_2107] : memref<32x1000000xf32, #tpu.memory_space<hbm>> -> memref<8x128xf32, #tpu.memory_space<hbm>>
      tpu.enqueue_dma source(%dma_start3A_2211 : memref<8x128xf32, #tpu.memory_space<hbm>>) target(%dma_start3A_2209 : memref<8x128xf32, #tpu.memory_space<vmem>>) target_semaphore(%dma_start3A_2206 : memref<!tpu.dma_semaphore, #tpu.memory_space<semaphore_mem>>)
      %dma_wait3A_2212 = arith.constant 1 : i32
      %dma_wait3A_2213 = arith.constant 32 : i32
      %dma_wait3A_2214 = arith.constant 0 : i32
      %dma_wait3A_2215 = tpu.memref_slice %arg9[%dma_wait3A_2213, %dma_wait3A_2214] : memref<128x128xf32, #tpu.memory_space<vmem>> -> memref<32x128xf32, #tpu.memory_space<vmem>>
      %dma_wait3A_2216 = arith.constant 0 : i32
      %dma_wait3A_2217 = arith.constant 0 : i32
      %dma_wait3A_2218 = tpu.memref_slice %arg4[%dma_wait3A_2216, %dma_wait3A_2217] : memref<32x1000000xf32, #tpu.memory_space<hbm>> -> memref<32x128xf32, #tpu.memory_space<hbm>>
      %dma_wait3A_2219 = tpu.memref_slice %arg12[%dma_wait3A_2212] : memref<4x!tpu.dma_semaphore, #tpu.memory_space<semaphore_mem>> -> memref<1x!tpu.dma_semaphore, #tpu.memory_space<semaphore_mem>>
      %dma_wait3A_2220 = tpu.memref_squeeze %dma_wait3A_2219 : memref<1x!tpu.dma_semaphore, #tpu.memory_space<semaphore_mem>> -> memref<!tpu.dma_semaphore, #tpu.memory_space<semaphore_mem>>
      %dma_wait3A_2221 = arith.constant 32 : i32
      %dma_wait3A_2222 = arith.constant 0 : i32
      %dma_wait3A_2223 = tpu.memref_slice %arg9[%dma_wait3A_2221, %dma_wait3A_2222] : memref<128x128xf32, #tpu.memory_space<vmem>> -> memref<32x128xf32, #tpu.memory_space<vmem>>
      %dma_wait3A_2224 = arith.constant 0 : i32
      %dma_wait3A_2225 = arith.constant 0 : i32
      %dma_wait3A_2226 = tpu.memref_slice %arg4[%dma_wait3A_2224, %dma_wait3A_2225] : memref<32x1000000xf32, #tpu.memory_space<hbm>> -> memref<32x128xf32, #tpu.memory_space<hbm>>
      tpu.wait_dma2 semaphore(%dma_wait3A_2220 : memref<!tpu.dma_semaphore, #tpu.memory_space<semaphore_mem>>) src(%dma_wait3A_2226 : memref<32x128xf32, #tpu.memory_space<hbm>>) dst(%dma_wait3A_2223 : memref<32x128xf32, #tpu.memory_space<vmem>>)
      %dma_wait3A_2227 = arith.constant 1 : i32
      %dma_wait3A_2228 = arith.constant 32 : i32
      %dma_wait3A_2229 = arith.constant 0 : i32
      %dma_wait3A_2230 = tpu.memref_slice %arg10[%dma_wait3A_2228, %dma_wait3A_2229] : memref<128x128xf32, #tpu.memory_space<vmem>> -> memref<32x128xf32, #tpu.memory_space<vmem>>
      %dma_wait3A_2231 = arith.constant 0 : i32
      %dma_wait3A_2232 = arith.constant 0 : i32
      %dma_wait3A_2233 = tpu.memref_slice %arg5[%dma_wait3A_2231, %dma_wait3A_2232] : memref<32x1000000xf32, #tpu.memory_space<hbm>> -> memref<32x128xf32, #tpu.memory_space<hbm>>
      %dma_wait3A_2234 = tpu.memref_slice %arg13[%dma_wait3A_2227] : memref<4x!tpu.dma_semaphore, #tpu.memory_space<semaphore_mem>> -> memref<1x!tpu.dma_semaphore, #tpu.memory_space<semaphore_mem>>
      %dma_wait3A_2235 = tpu.memref_squeeze %dma_wait3A_2234 : memref<1x!tpu.dma_semaphore, #tpu.memory_space<semaphore_mem>> -> memref<!tpu.dma_semaphore, #tpu.memory_space<semaphore_mem>>
      %dma_wait3A_2236 = arith.constant 32 : i32
      %dma_wait3A_2237 = arith.constant 0 : i32
      %dma_wait3A_2238 = tpu.memref_slice %arg10[%dma_wait3A_2236, %dma_wait3A_2237] : memref<128x128xf32, #tpu.memory_space<vmem>> -> memref<32x128xf32, #tpu.memory_space<vmem>>
      %dma_wait3A_2239 = arith.constant 0 : i32
      %dma_wait3A_2240 = arith.constant 0 : i32
      %dma_wait3A_2241 = tpu.memref_slice %arg5[%dma_wait3A_2239, %dma_wait3A_2240] : memref<32x1000000xf32, #tpu.memory_space<hbm>> -> memref<32x128xf32, #tpu.memory_space<hbm>>
      tpu.wait_dma2 semaphore(%dma_wait3A_2235 : memref<!tpu.dma_semaphore, #tpu.memory_space<semaphore_mem>>) src(%dma_wait3A_2241 : memref<32x128xf32, #tpu.memory_space<hbm>>) dst(%dma_wait3A_2238 : memref<32x128xf32, #tpu.memory_space<vmem>>)
      %broadcast_in_dim3A_2242 = arith.constant 32 : i32
      %broadcast_in_dim3A_2243 = vector.broadcast %broadcast_in_dim3A_2242 : i32 to vector<16xi32>
      %add3A_2244 = arith.addi %broadcast_in_dim3A_2243, %iota3A : vector<16xi32>
      %broadcast_in_dim3A_2245 = arith.constant 1 : i32
      %broadcast_in_dim3A_2246 = vector.broadcast %broadcast_in_dim3A_2245 : i32 to vector<16xi32>
      %slice3A_2247 = vector.extract_strided_slice %sub3A {offsets = [9], sizes = [1], strides = [1]} : vector<16xi32> to vector<1xi32>
      %squeeze3A_2248 = vector.extract %slice3A_2247[0] : i32 from vector<1xi32>
      %mul3A_2249 = vector.broadcast %squeeze3A_2248 : i32 to vector<16xi32>
      %mul3A_2250 = arith.muli %broadcast_in_dim3A_2246, %mul3A_2249 : vector<16xi32>
      %broadcast_in_dim3A_2251 = arith.constant 1 : i32
      %broadcast_in_dim3A_2252 = vector.broadcast %broadcast_in_dim3A_2251 : i32 to vector<16xi32>
      %slice3A_2253 = vector.extract_strided_slice %sub3A_598 {offsets = [9], sizes = [1], strides = [1]} : vector<16xi32> to vector<1xi32>
      %squeeze3A_2254 = vector.extract %slice3A_2253[0] : i32 from vector<1xi32>
      %mul3A_2255 = vector.broadcast %squeeze3A_2254 : i32 to vector<16xi32>
      %mul3A_2256 = arith.muli %broadcast_in_dim3A_2252, %mul3A_2255 : vector<16xi32>
      %gather3A_2257 = tpu.vector_load_idx %arg9[%add3A_2244, %mul3A_2250] : memref<128x128xf32, #tpu.memory_space<vmem>>[vector<16xi32>, vector<16xi32>], vector<16xf32>,
      %add3A_2258 = arith.constant 16 : i32
      %add3A_2259 = vector.broadcast %add3A_2258 : i32 to vector<16xi32>
      %add3A_2260 = arith.addi %add3A_2244, %add3A_2259 : vector<16xi32>
      %gather3A_2261 = tpu.vector_load_idx %arg9[%add3A_2260, %mul3A_2250] : memref<128x128xf32, #tpu.memory_space<vmem>>[vector<16xi32>, vector<16xi32>], vector<16xf32>,
      %gather3A_2262 = tpu.vector_load_idx %arg10[%add3A_2244, %mul3A_2256] : memref<128x128xf32, #tpu.memory_space<vmem>>[vector<16xi32>, vector<16xi32>], vector<16xf32>,
      %add3A_2263 = arith.constant 16 : i32
      %add3A_2264 = vector.broadcast %add3A_2263 : i32 to vector<16xi32>
      %add3A_2265 = arith.addi %add3A_2244, %add3A_2264 : vector<16xi32>
      %gather3A_2266 = tpu.vector_load_idx %arg10[%add3A_2265, %mul3A_2256] : memref<128x128xf32, #tpu.memory_space<vmem>>[vector<16xi32>, vector<16xi32>], vector<16xf32>,
      %mul3A_2267 = arith.mulf %gather3A_2257, %gather3A_2262 : vector<16xf32>
      %mul3A_2268 = arith.mulf %gather3A_2261, %gather3A_2266 : vector<16xf32>
      %add3A_2269 = arith.addf %mul3A_2267, %mul3A_2268 : vector<16xf32>
      %reduce_sum3A_2270 = arith.constant true
      %reduce_sum3A_2271 = vector.broadcast %reduce_sum3A_2270 : i1 to vector<16xi1>
      %reduce_sum3A_2272 = tpu.scan <sum>, %add3A_2269 masked %reduce_sum3A_2271 : vector<16xf32>, vector<16xi1> -> vector<16xf32>
      %reduce_sum3A_2273 = vector.extract %reduce_sum3A_2272[15] : f32 from vector<16xf32>
      %eq3A_2274 = arith.constant 9 : i32
      %eq3A_2275 = vector.broadcast %eq3A_2274 : i32 to vector<16xi32>
      %eq3A_2276 = arith.cmpi eq, %iota3A, %eq3A_2275 : vector<16xi32>
      %broadcast_in_dim3A_2277 = vector.broadcast %reduce_sum3A_2273 : f32 to vector<16xf32>
      %select_n3A_2278 = arith.select %eq3A_2276, %broadcast_in_dim3A_2277, %select_n3A_2101 : vector<16xi1>, vector<16xf32>
      %slice3A_2279 = vector.extract_strided_slice %mul3A_615 {offsets = [5], sizes = [1], strides = [1]} : vector<16xi32> to vector<1xi32>
      %squeeze3A_2280 = vector.extract %slice3A_2279[0] : i32 from vector<1xi32>
      %slice3A_2281 = vector.extract_strided_slice %mul3A_621 {offsets = [5], sizes = [1], strides = [1]} : vector<16xi32> to vector<1xi32>
      %squeeze3A_2282 = vector.extract %slice3A_2281[0] : i32 from vector<1xi32>
      %multiple_of3A_2283 = tpu.assume_multiple %squeeze3A_2280, 128 : i32
      %multiple_of3A_2284 = tpu.assume_multiple %squeeze3A_2282, 128 : i32
      %dma_start3A_2285 = arith.constant 1 : i32
      %dma_start3A_2286 = arith.constant 32 : i32
      %dma_start3A_2287 = arith.constant 0 : i32
      %dma_start3A_2288 = tpu.memref_slice %arg9[%dma_start3A_2286, %dma_start3A_2287] : memref<128x128xf32, #tpu.memory_space<vmem>> -> memref<8x128xf32, #tpu.memory_space<vmem>>
      %dma_start3A_2289 = arith.constant 0 : i32
      %dma_start3A_2290 = tpu.memref_slice %arg4[%dma_start3A_2289, %multiple_of3A_2283] : memref<32x1000000xf32, #tpu.memory_space<hbm>> -> memref<8x128xf32, #tpu.memory_space<hbm>>
      %dma_start3A_2291 = tpu.memref_slice %arg12[%dma_start3A_2285] : memref<4x!tpu.dma_semaphore, #tpu.memory_space<semaphore_mem>> -> memref<1x!tpu.dma_semaphore, #tpu.memory_space<semaphore_mem>>
      %dma_start3A_2292 = tpu.memref_squeeze %dma_start3A_2291 : memref<1x!tpu.dma_semaphore, #tpu.memory_space<semaphore_mem>> -> memref<!tpu.dma_semaphore, #tpu.memory_space<semaphore_mem>>
      %dma_start3A_2293 = arith.constant 32 : i32
      %dma_start3A_2294 = arith.constant 0 : i32
      %dma_start3A_2295 = tpu.memref_slice %arg9[%dma_start3A_2293, %dma_start3A_2294] : memref<128x128xf32, #tpu.memory_space<vmem>> -> memref<8x128xf32, #tpu.memory_space<vmem>>
      %dma_start3A_2296 = arith.constant 0 : i32
      %dma_start3A_2297 = tpu.memref_slice %arg4[%dma_start3A_2296, %multiple_of3A_2283] : memref<32x1000000xf32, #tpu.memory_space<hbm>> -> memref<8x128xf32, #tpu.memory_space<hbm>>
      tpu.enqueue_dma source(%dma_start3A_2297 : memref<8x128xf32, #tpu.memory_space<hbm>>) target(%dma_start3A_2295 : memref<8x128xf32, #tpu.memory_space<vmem>>) target_semaphore(%dma_start3A_2292 : memref<!tpu.dma_semaphore, #tpu.memory_space<semaphore_mem>>)
      %dma_start3A_2298 = arith.constant 1 : i32
      %dma_start3A_2299 = arith.constant 32 : i32
      %dma_start3A_2300 = arith.constant 0 : i32
      %dma_start3A_2301 = tpu.memref_slice %arg10[%dma_start3A_2299, %dma_start3A_2300] : memref<128x128xf32, #tpu.memory_space<vmem>> -> memref<8x128xf32, #tpu.memory_space<vmem>>
      %dma_start3A_2302 = arith.constant 0 : i32
      %dma_start3A_2303 = tpu.memref_slice %arg5[%dma_start3A_2302, %multiple_of3A_2284] : memref<32x1000000xf32, #tpu.memory_space<hbm>> -> memref<8x128xf32, #tpu.memory_space<hbm>>
      %dma_start3A_2304 = tpu.memref_slice %arg13[%dma_start3A_2298] : memref<4x!tpu.dma_semaphore, #tpu.memory_space<semaphore_mem>> -> memref<1x!tpu.dma_semaphore, #tpu.memory_space<semaphore_mem>>
      %dma_start3A_2305 = tpu.memref_squeeze %dma_start3A_2304 : memref<1x!tpu.dma_semaphore, #tpu.memory_space<semaphore_mem>> -> memref<!tpu.dma_semaphore, #tpu.memory_space<semaphore_mem>>
      %dma_start3A_2306 = arith.constant 32 : i32
      %dma_start3A_2307 = arith.constant 0 : i32
      %dma_start3A_2308 = tpu.memref_slice %arg10[%dma_start3A_2306, %dma_start3A_2307] : memref<128x128xf32, #tpu.memory_space<vmem>> -> memref<8x128xf32, #tpu.memory_space<vmem>>
      %dma_start3A_2309 = arith.constant 0 : i32
      %dma_start3A_2310 = tpu.memref_slice %arg5[%dma_start3A_2309, %multiple_of3A_2284] : memref<32x1000000xf32, #tpu.memory_space<hbm>> -> memref<8x128xf32, #tpu.memory_space<hbm>>
      tpu.enqueue_dma source(%dma_start3A_2310 : memref<8x128xf32, #tpu.memory_space<hbm>>) target(%dma_start3A_2308 : memref<8x128xf32, #tpu.memory_space<vmem>>) target_semaphore(%dma_start3A_2305 : memref<!tpu.dma_semaphore, #tpu.memory_space<semaphore_mem>>)
      %dma_start3A_2311 = arith.constant 1 : i32
      %dma_start3A_2312 = arith.constant 40 : i32
      %dma_start3A_2313 = arith.constant 0 : i32
      %dma_start3A_2314 = tpu.memref_slice %arg9[%dma_start3A_2312, %dma_start3A_2313] : memref<128x128xf32, #tpu.memory_space<vmem>> -> memref<8x128xf32, #tpu.memory_space<vmem>>
      %dma_start3A_2315 = arith.constant 8 : i32
      %dma_start3A_2316 = tpu.memref_slice %arg4[%dma_start3A_2315, %multiple_of3A_2283] : memref<32x1000000xf32, #tpu.memory_space<hbm>> -> memref<8x128xf32, #tpu.memory_space<hbm>>
      %dma_start3A_2317 = tpu.memref_slice %arg12[%dma_start3A_2311] : memref<4x!tpu.dma_semaphore, #tpu.memory_space<semaphore_mem>> -> memref<1x!tpu.dma_semaphore, #tpu.memory_space<semaphore_mem>>
      %dma_start3A_2318 = tpu.memref_squeeze %dma_start3A_2317 : memref<1x!tpu.dma_semaphore, #tpu.memory_space<semaphore_mem>> -> memref<!tpu.dma_semaphore, #tpu.memory_space<semaphore_mem>>
      %dma_start3A_2319 = arith.constant 40 : i32
      %dma_start3A_2320 = arith.constant 0 : i32
      %dma_start3A_2321 = tpu.memref_slice %arg9[%dma_start3A_2319, %dma_start3A_2320] : memref<128x128xf32, #tpu.memory_space<vmem>> -> memref<8x128xf32, #tpu.memory_space<vmem>>
      %dma_start3A_2322 = arith.constant 8 : i32
      %dma_start3A_2323 = tpu.memref_slice %arg4[%dma_start3A_2322, %multiple_of3A_2283] : memref<32x1000000xf32, #tpu.memory_space<hbm>> -> memref<8x128xf32, #tpu.memory_space<hbm>>
      tpu.enqueue_dma source(%dma_start3A_2323 : memref<8x128xf32, #tpu.memory_space<hbm>>) target(%dma_start3A_2321 : memref<8x128xf32, #tpu.memory_space<vmem>>) target_semaphore(%dma_start3A_2318 : memref<!tpu.dma_semaphore, #tpu.memory_space<semaphore_mem>>)
      %dma_start3A_2324 = arith.constant 1 : i32
      %dma_start3A_2325 = arith.constant 40 : i32
      %dma_start3A_2326 = arith.constant 0 : i32
      %dma_start3A_2327 = tpu.memref_slice %arg10[%dma_start3A_2325, %dma_start3A_2326] : memref<128x128xf32, #tpu.memory_space<vmem>> -> memref<8x128xf32, #tpu.memory_space<vmem>>
      %dma_start3A_2328 = arith.constant 8 : i32
      %dma_start3A_2329 = tpu.memref_slice %arg5[%dma_start3A_2328, %multiple_of3A_2284] : memref<32x1000000xf32, #tpu.memory_space<hbm>> -> memref<8x128xf32, #tpu.memory_space<hbm>>
      %dma_start3A_2330 = tpu.memref_slice %arg13[%dma_start3A_2324] : memref<4x!tpu.dma_semaphore, #tpu.memory_space<semaphore_mem>> -> memref<1x!tpu.dma_semaphore, #tpu.memory_space<semaphore_mem>>
      %dma_start3A_2331 = tpu.memref_squeeze %dma_start3A_2330 : memref<1x!tpu.dma_semaphore, #tpu.memory_space<semaphore_mem>> -> memref<!tpu.dma_semaphore, #tpu.memory_space<semaphore_mem>>
      %dma_start3A_2332 = arith.constant 40 : i32
      %dma_start3A_2333 = arith.constant 0 : i32
      %dma_start3A_2334 = tpu.memref_slice %arg10[%dma_start3A_2332, %dma_start3A_2333] : memref<128x128xf32, #tpu.memory_space<vmem>> -> memref<8x128xf32, #tpu.memory_space<vmem>>
      %dma_start3A_2335 = arith.constant 8 : i32
      %dma_start3A_2336 = tpu.memref_slice %arg5[%dma_start3A_2335, %multiple_of3A_2284] : memref<32x1000000xf32, #tpu.memory_space<hbm>> -> memref<8x128xf32, #tpu.memory_space<hbm>>
      tpu.enqueue_dma source(%dma_start3A_2336 : memref<8x128xf32, #tpu.memory_space<hbm>>) target(%dma_start3A_2334 : memref<8x128xf32, #tpu.memory_space<vmem>>) target_semaphore(%dma_start3A_2331 : memref<!tpu.dma_semaphore, #tpu.memory_space<semaphore_mem>>)
      %dma_start3A_2337 = arith.constant 1 : i32
      %dma_start3A_2338 = arith.constant 48 : i32
      %dma_start3A_2339 = arith.constant 0 : i32
      %dma_start3A_2340 = tpu.memref_slice %arg9[%dma_start3A_2338, %dma_start3A_2339] : memref<128x128xf32, #tpu.memory_space<vmem>> -> memref<8x128xf32, #tpu.memory_space<vmem>>
      %dma_start3A_2341 = arith.constant 16 : i32
      %dma_start3A_2342 = tpu.memref_slice %arg4[%dma_start3A_2341, %multiple_of3A_2283] : memref<32x1000000xf32, #tpu.memory_space<hbm>> -> memref<8x128xf32, #tpu.memory_space<hbm>>
      %dma_start3A_2343 = tpu.memref_slice %arg12[%dma_start3A_2337] : memref<4x!tpu.dma_semaphore, #tpu.memory_space<semaphore_mem>> -> memref<1x!tpu.dma_semaphore, #tpu.memory_space<semaphore_mem>>
      %dma_start3A_2344 = tpu.memref_squeeze %dma_start3A_2343 : memref<1x!tpu.dma_semaphore, #tpu.memory_space<semaphore_mem>> -> memref<!tpu.dma_semaphore, #tpu.memory_space<semaphore_mem>>
      %dma_start3A_2345 = arith.constant 48 : i32
      %dma_start3A_2346 = arith.constant 0 : i32
      %dma_start3A_2347 = tpu.memref_slice %arg9[%dma_start3A_2345, %dma_start3A_2346] : memref<128x128xf32, #tpu.memory_space<vmem>> -> memref<8x128xf32, #tpu.memory_space<vmem>>
      %dma_start3A_2348 = arith.constant 16 : i32
      %dma_start3A_2349 = tpu.memref_slice %arg4[%dma_start3A_2348, %multiple_of3A_2283] : memref<32x1000000xf32, #tpu.memory_space<hbm>> -> memref<8x128xf32, #tpu.memory_space<hbm>>
      tpu.enqueue_dma source(%dma_start3A_2349 : memref<8x128xf32, #tpu.memory_space<hbm>>) target(%dma_start3A_2347 : memref<8x128xf32, #tpu.memory_space<vmem>>) target_semaphore(%dma_start3A_2344 : memref<!tpu.dma_semaphore, #tpu.memory_space<semaphore_mem>>)
      %dma_start3A_2350 = arith.constant 1 : i32
      %dma_start3A_2351 = arith.constant 48 : i32
      %dma_start3A_2352 = arith.constant 0 : i32
      %dma_start3A_2353 = tpu.memref_slice %arg10[%dma_start3A_2351, %dma_start3A_2352] : memref<128x128xf32, #tpu.memory_space<vmem>> -> memref<8x128xf32, #tpu.memory_space<vmem>>
      %dma_start3A_2354 = arith.constant 16 : i32
      %dma_start3A_2355 = tpu.memref_slice %arg5[%dma_start3A_2354, %multiple_of3A_2284] : memref<32x1000000xf32, #tpu.memory_space<hbm>> -> memref<8x128xf32, #tpu.memory_space<hbm>>
      %dma_start3A_2356 = tpu.memref_slice %arg13[%dma_start3A_2350] : memref<4x!tpu.dma_semaphore, #tpu.memory_space<semaphore_mem>> -> memref<1x!tpu.dma_semaphore, #tpu.memory_space<semaphore_mem>>
      %dma_start3A_2357 = tpu.memref_squeeze %dma_start3A_2356 : memref<1x!tpu.dma_semaphore, #tpu.memory_space<semaphore_mem>> -> memref<!tpu.dma_semaphore, #tpu.memory_space<semaphore_mem>>
      %dma_start3A_2358 = arith.constant 48 : i32
      %dma_start3A_2359 = arith.constant 0 : i32
      %dma_start3A_2360 = tpu.memref_slice %arg10[%dma_start3A_2358, %dma_start3A_2359] : memref<128x128xf32, #tpu.memory_space<vmem>> -> memref<8x128xf32, #tpu.memory_space<vmem>>
      %dma_start3A_2361 = arith.constant 16 : i32
      %dma_start3A_2362 = tpu.memref_slice %arg5[%dma_start3A_2361, %multiple_of3A_2284] : memref<32x1000000xf32, #tpu.memory_space<hbm>> -> memref<8x128xf32, #tpu.memory_space<hbm>>
      tpu.enqueue_dma source(%dma_start3A_2362 : memref<8x128xf32, #tpu.memory_space<hbm>>) target(%dma_start3A_2360 : memref<8x128xf32, #tpu.memory_space<vmem>>) target_semaphore(%dma_start3A_2357 : memref<!tpu.dma_semaphore, #tpu.memory_space<semaphore_mem>>)
      %dma_start3A_2363 = arith.constant 1 : i32
      %dma_start3A_2364 = arith.constant 56 : i32
      %dma_start3A_2365 = arith.constant 0 : i32
      %dma_start3A_2366 = tpu.memref_slice %arg9[%dma_start3A_2364, %dma_start3A_2365] : memref<128x128xf32, #tpu.memory_space<vmem>> -> memref<8x128xf32, #tpu.memory_space<vmem>>
      %dma_start3A_2367 = arith.constant 24 : i32
      %dma_start3A_2368 = tpu.memref_slice %arg4[%dma_start3A_2367, %multiple_of3A_2283] : memref<32x1000000xf32, #tpu.memory_space<hbm>> -> memref<8x128xf32, #tpu.memory_space<hbm>>
      %dma_start3A_2369 = tpu.memref_slice %arg12[%dma_start3A_2363] : memref<4x!tpu.dma_semaphore, #tpu.memory_space<semaphore_mem>> -> memref<1x!tpu.dma_semaphore, #tpu.memory_space<semaphore_mem>>
      %dma_start3A_2370 = tpu.memref_squeeze %dma_start3A_2369 : memref<1x!tpu.dma_semaphore, #tpu.memory_space<semaphore_mem>> -> memref<!tpu.dma_semaphore, #tpu.memory_space<semaphore_mem>>
      %dma_start3A_2371 = arith.constant 56 : i32
      %dma_start3A_2372 = arith.constant 0 : i32
      %dma_start3A_2373 = tpu.memref_slice %arg9[%dma_start3A_2371, %dma_start3A_2372] : memref<128x128xf32, #tpu.memory_space<vmem>> -> memref<8x128xf32, #tpu.memory_space<vmem>>
      %dma_start3A_2374 = arith.constant 24 : i32
      %dma_start3A_2375 = tpu.memref_slice %arg4[%dma_start3A_2374, %multiple_of3A_2283] : memref<32x1000000xf32, #tpu.memory_space<hbm>> -> memref<8x128xf32, #tpu.memory_space<hbm>>
      tpu.enqueue_dma source(%dma_start3A_2375 : memref<8x128xf32, #tpu.memory_space<hbm>>) target(%dma_start3A_2373 : memref<8x128xf32, #tpu.memory_space<vmem>>) target_semaphore(%dma_start3A_2370 : memref<!tpu.dma_semaphore, #tpu.memory_space<semaphore_mem>>)
      %dma_start3A_2376 = arith.constant 1 : i32
      %dma_start3A_2377 = arith.constant 56 : i32
      %dma_start3A_2378 = arith.constant 0 : i32
      %dma_start3A_2379 = tpu.memref_slice %arg10[%dma_start3A_2377, %dma_start3A_2378] : memref<128x128xf32, #tpu.memory_space<vmem>> -> memref<8x128xf32, #tpu.memory_space<vmem>>
      %dma_start3A_2380 = arith.constant 24 : i32
      %dma_start3A_2381 = tpu.memref_slice %arg5[%dma_start3A_2380, %multiple_of3A_2284] : memref<32x1000000xf32, #tpu.memory_space<hbm>> -> memref<8x128xf32, #tpu.memory_space<hbm>>
      %dma_start3A_2382 = tpu.memref_slice %arg13[%dma_start3A_2376] : memref<4x!tpu.dma_semaphore, #tpu.memory_space<semaphore_mem>> -> memref<1x!tpu.dma_semaphore, #tpu.memory_space<semaphore_mem>>
      %dma_start3A_2383 = tpu.memref_squeeze %dma_start3A_2382 : memref<1x!tpu.dma_semaphore, #tpu.memory_space<semaphore_mem>> -> memref<!tpu.dma_semaphore, #tpu.memory_space<semaphore_mem>>
      %dma_start3A_2384 = arith.constant 56 : i32
      %dma_start3A_2385 = arith.constant 0 : i32
      %dma_start3A_2386 = tpu.memref_slice %arg10[%dma_start3A_2384, %dma_start3A_2385] : memref<128x128xf32, #tpu.memory_space<vmem>> -> memref<8x128xf32, #tpu.memory_space<vmem>>
      %dma_start3A_2387 = arith.constant 24 : i32
      %dma_start3A_2388 = tpu.memref_slice %arg5[%dma_start3A_2387, %multiple_of3A_2284] : memref<32x1000000xf32, #tpu.memory_space<hbm>> -> memref<8x128xf32, #tpu.memory_space<hbm>>
      tpu.enqueue_dma source(%dma_start3A_2388 : memref<8x128xf32, #tpu.memory_space<hbm>>) target(%dma_start3A_2386 : memref<8x128xf32, #tpu.memory_space<vmem>>) target_semaphore(%dma_start3A_2383 : memref<!tpu.dma_semaphore, #tpu.memory_space<semaphore_mem>>)
      %dma_wait3A_2389 = arith.constant 2 : i32
      %dma_wait3A_2390 = arith.constant 64 : i32
      %dma_wait3A_2391 = arith.constant 0 : i32
      %dma_wait3A_2392 = tpu.memref_slice %arg9[%dma_wait3A_2390, %dma_wait3A_2391] : memref<128x128xf32, #tpu.memory_space<vmem>> -> memref<32x128xf32, #tpu.memory_space<vmem>>
      %dma_wait3A_2393 = arith.constant 0 : i32
      %dma_wait3A_2394 = arith.constant 0 : i32
      %dma_wait3A_2395 = tpu.memref_slice %arg4[%dma_wait3A_2393, %dma_wait3A_2394] : memref<32x1000000xf32, #tpu.memory_space<hbm>> -> memref<32x128xf32, #tpu.memory_space<hbm>>
      %dma_wait3A_2396 = tpu.memref_slice %arg12[%dma_wait3A_2389] : memref<4x!tpu.dma_semaphore, #tpu.memory_space<semaphore_mem>> -> memref<1x!tpu.dma_semaphore, #tpu.memory_space<semaphore_mem>>
      %dma_wait3A_2397 = tpu.memref_squeeze %dma_wait3A_2396 : memref<1x!tpu.dma_semaphore, #tpu.memory_space<semaphore_mem>> -> memref<!tpu.dma_semaphore, #tpu.memory_space<semaphore_mem>>
      %dma_wait3A_2398 = arith.constant 64 : i32
      %dma_wait3A_2399 = arith.constant 0 : i32
      %dma_wait3A_2400 = tpu.memref_slice %arg9[%dma_wait3A_2398, %dma_wait3A_2399] : memref<128x128xf32, #tpu.memory_space<vmem>> -> memref<32x128xf32, #tpu.memory_space<vmem>>
      %dma_wait3A_2401 = arith.constant 0 : i32
      %dma_wait3A_2402 = arith.constant 0 : i32
      %dma_wait3A_2403 = tpu.memref_slice %arg4[%dma_wait3A_2401, %dma_wait3A_2402] : memref<32x1000000xf32, #tpu.memory_space<hbm>> -> memref<32x128xf32, #tpu.memory_space<hbm>>
      tpu.wait_dma2 semaphore(%dma_wait3A_2397 : memref<!tpu.dma_semaphore, #tpu.memory_space<semaphore_mem>>) src(%dma_wait3A_2403 : memref<32x128xf32, #tpu.memory_space<hbm>>) dst(%dma_wait3A_2400 : memref<32x128xf32, #tpu.memory_space<vmem>>)
      %dma_wait3A_2404 = arith.constant 2 : i32
      %dma_wait3A_2405 = arith.constant 64 : i32
      %dma_wait3A_2406 = arith.constant 0 : i32
      %dma_wait3A_2407 = tpu.memref_slice %arg10[%dma_wait3A_2405, %dma_wait3A_2406] : memref<128x128xf32, #tpu.memory_space<vmem>> -> memref<32x128xf32, #tpu.memory_space<vmem>>
      %dma_wait3A_2408 = arith.constant 0 : i32
      %dma_wait3A_2409 = arith.constant 0 : i32
      %dma_wait3A_2410 = tpu.memref_slice %arg5[%dma_wait3A_2408, %dma_wait3A_2409] : memref<32x1000000xf32, #tpu.memory_space<hbm>> -> memref<32x128xf32, #tpu.memory_space<hbm>>
      %dma_wait3A_2411 = tpu.memref_slice %arg13[%dma_wait3A_2404] : memref<4x!tpu.dma_semaphore, #tpu.memory_space<semaphore_mem>> -> memref<1x!tpu.dma_semaphore, #tpu.memory_space<semaphore_mem>>
      %dma_wait3A_2412 = tpu.memref_squeeze %dma_wait3A_2411 : memref<1x!tpu.dma_semaphore, #tpu.memory_space<semaphore_mem>> -> memref<!tpu.dma_semaphore, #tpu.memory_space<semaphore_mem>>
      %dma_wait3A_2413 = arith.constant 64 : i32
      %dma_wait3A_2414 = arith.constant 0 : i32
      %dma_wait3A_2415 = tpu.memref_slice %arg10[%dma_wait3A_2413, %dma_wait3A_2414] : memref<128x128xf32, #tpu.memory_space<vmem>> -> memref<32x128xf32, #tpu.memory_space<vmem>>
      %dma_wait3A_2416 = arith.constant 0 : i32
      %dma_wait3A_2417 = arith.constant 0 : i32
      %dma_wait3A_2418 = tpu.memref_slice %arg5[%dma_wait3A_2416, %dma_wait3A_2417] : memref<32x1000000xf32, #tpu.memory_space<hbm>> -> memref<32x128xf32, #tpu.memory_space<hbm>>
      tpu.wait_dma2 semaphore(%dma_wait3A_2412 : memref<!tpu.dma_semaphore, #tpu.memory_space<semaphore_mem>>) src(%dma_wait3A_2418 : memref<32x128xf32, #tpu.memory_space<hbm>>) dst(%dma_wait3A_2415 : memref<32x128xf32, #tpu.memory_space<vmem>>)
      %broadcast_in_dim3A_2419 = arith.constant 64 : i32
      %broadcast_in_dim3A_2420 = vector.broadcast %broadcast_in_dim3A_2419 : i32 to vector<16xi32>
      %add3A_2421 = arith.addi %broadcast_in_dim3A_2420, %iota3A : vector<16xi32>
      %broadcast_in_dim3A_2422 = arith.constant 1 : i32
      %broadcast_in_dim3A_2423 = vector.broadcast %broadcast_in_dim3A_2422 : i32 to vector<16xi32>
      %slice3A_2424 = vector.extract_strided_slice %sub3A {offsets = [10], sizes = [1], strides = [1]} : vector<16xi32> to vector<1xi32>
      %squeeze3A_2425 = vector.extract %slice3A_2424[0] : i32 from vector<1xi32>
      %mul3A_2426 = vector.broadcast %squeeze3A_2425 : i32 to vector<16xi32>
      %mul3A_2427 = arith.muli %broadcast_in_dim3A_2423, %mul3A_2426 : vector<16xi32>
      %broadcast_in_dim3A_2428 = arith.constant 1 : i32
      %broadcast_in_dim3A_2429 = vector.broadcast %broadcast_in_dim3A_2428 : i32 to vector<16xi32>
      %slice3A_2430 = vector.extract_strided_slice %sub3A_598 {offsets = [10], sizes = [1], strides = [1]} : vector<16xi32> to vector<1xi32>
      %squeeze3A_2431 = vector.extract %slice3A_2430[0] : i32 from vector<1xi32>
      %mul3A_2432 = vector.broadcast %squeeze3A_2431 : i32 to vector<16xi32>
      %mul3A_2433 = arith.muli %broadcast_in_dim3A_2429, %mul3A_2432 : vector<16xi32>
      %gather3A_2434 = tpu.vector_load_idx %arg9[%add3A_2421, %mul3A_2427] : memref<128x128xf32, #tpu.memory_space<vmem>>[vector<16xi32>, vector<16xi32>], vector<16xf32>,
      %add3A_2435 = arith.constant 16 : i32
      %add3A_2436 = vector.broadcast %add3A_2435 : i32 to vector<16xi32>
      %add3A_2437 = arith.addi %add3A_2421, %add3A_2436 : vector<16xi32>
      %gather3A_2438 = tpu.vector_load_idx %arg9[%add3A_2437, %mul3A_2427] : memref<128x128xf32, #tpu.memory_space<vmem>>[vector<16xi32>, vector<16xi32>], vector<16xf32>,
      %gather3A_2439 = tpu.vector_load_idx %arg10[%add3A_2421, %mul3A_2433] : memref<128x128xf32, #tpu.memory_space<vmem>>[vector<16xi32>, vector<16xi32>], vector<16xf32>,
      %add3A_2440 = arith.constant 16 : i32
      %add3A_2441 = vector.broadcast %add3A_2440 : i32 to vector<16xi32>
      %add3A_2442 = arith.addi %add3A_2421, %add3A_2441 : vector<16xi32>
      %gather3A_2443 = tpu.vector_load_idx %arg10[%add3A_2442, %mul3A_2433] : memref<128x128xf32, #tpu.memory_space<vmem>>[vector<16xi32>, vector<16xi32>], vector<16xf32>,
      %mul3A_2444 = arith.mulf %gather3A_2434, %gather3A_2439 : vector<16xf32>
      %mul3A_2445 = arith.mulf %gather3A_2438, %gather3A_2443 : vector<16xf32>
      %add3A_2446 = arith.addf %mul3A_2444, %mul3A_2445 : vector<16xf32>
      %reduce_sum3A_2447 = arith.constant true
      %reduce_sum3A_2448 = vector.broadcast %reduce_sum3A_2447 : i1 to vector<16xi1>
      %reduce_sum3A_2449 = tpu.scan <sum>, %add3A_2446 masked %reduce_sum3A_2448 : vector<16xf32>, vector<16xi1> -> vector<16xf32>
      %reduce_sum3A_2450 = vector.extract %reduce_sum3A_2449[15] : f32 from vector<16xf32>
      %eq3A_2451 = arith.constant 10 : i32
      %eq3A_2452 = vector.broadcast %eq3A_2451 : i32 to vector<16xi32>
      %eq3A_2453 = arith.cmpi eq, %iota3A, %eq3A_2452 : vector<16xi32>
      %broadcast_in_dim3A_2454 = vector.broadcast %reduce_sum3A_2450 : f32 to vector<16xf32>
      %select_n3A_2455 = arith.select %eq3A_2453, %broadcast_in_dim3A_2454, %select_n3A_2278 : vector<16xi1>, vector<16xf32>
      %slice3A_2456 = vector.extract_strided_slice %mul3A_615 {offsets = [6], sizes = [1], strides = [1]} : vector<16xi32> to vector<1xi32>
      %squeeze3A_2457 = vector.extract %slice3A_2456[0] : i32 from vector<1xi32>
      %slice3A_2458 = vector.extract_strided_slice %mul3A_621 {offsets = [6], sizes = [1], strides = [1]} : vector<16xi32> to vector<1xi32>
      %squeeze3A_2459 = vector.extract %slice3A_2458[0] : i32 from vector<1xi32>
      %multiple_of3A_2460 = tpu.assume_multiple %squeeze3A_2457, 128 : i32
      %multiple_of3A_2461 = tpu.assume_multiple %squeeze3A_2459, 128 : i32
      %dma_start3A_2462 = arith.constant 2 : i32
      %dma_start3A_2463 = arith.constant 64 : i32
      %dma_start3A_2464 = arith.constant 0 : i32
      %dma_start3A_2465 = tpu.memref_slice %arg9[%dma_start3A_2463, %dma_start3A_2464] : memref<128x128xf32, #tpu.memory_space<vmem>> -> memref<8x128xf32, #tpu.memory_space<vmem>>
      %dma_start3A_2466 = arith.constant 0 : i32
      %dma_start3A_2467 = tpu.memref_slice %arg4[%dma_start3A_2466, %multiple_of3A_2460] : memref<32x1000000xf32, #tpu.memory_space<hbm>> -> memref<8x128xf32, #tpu.memory_space<hbm>>
      %dma_start3A_2468 = tpu.memref_slice %arg12[%dma_start3A_2462] : memref<4x!tpu.dma_semaphore, #tpu.memory_space<semaphore_mem>> -> memref<1x!tpu.dma_semaphore, #tpu.memory_space<semaphore_mem>>
      %dma_start3A_2469 = tpu.memref_squeeze %dma_start3A_2468 : memref<1x!tpu.dma_semaphore, #tpu.memory_space<semaphore_mem>> -> memref<!tpu.dma_semaphore, #tpu.memory_space<semaphore_mem>>
      %dma_start3A_2470 = arith.constant 64 : i32
      %dma_start3A_2471 = arith.constant 0 : i32
      %dma_start3A_2472 = tpu.memref_slice %arg9[%dma_start3A_2470, %dma_start3A_2471] : memref<128x128xf32, #tpu.memory_space<vmem>> -> memref<8x128xf32, #tpu.memory_space<vmem>>
      %dma_start3A_2473 = arith.constant 0 : i32
      %dma_start3A_2474 = tpu.memref_slice %arg4[%dma_start3A_2473, %multiple_of3A_2460] : memref<32x1000000xf32, #tpu.memory_space<hbm>> -> memref<8x128xf32, #tpu.memory_space<hbm>>
      tpu.enqueue_dma source(%dma_start3A_2474 : memref<8x128xf32, #tpu.memory_space<hbm>>) target(%dma_start3A_2472 : memref<8x128xf32, #tpu.memory_space<vmem>>) target_semaphore(%dma_start3A_2469 : memref<!tpu.dma_semaphore, #tpu.memory_space<semaphore_mem>>)
      %dma_start3A_2475 = arith.constant 2 : i32
      %dma_start3A_2476 = arith.constant 64 : i32
      %dma_start3A_2477 = arith.constant 0 : i32
      %dma_start3A_2478 = tpu.memref_slice %arg10[%dma_start3A_2476, %dma_start3A_2477] : memref<128x128xf32, #tpu.memory_space<vmem>> -> memref<8x128xf32, #tpu.memory_space<vmem>>
      %dma_start3A_2479 = arith.constant 0 : i32
      %dma_start3A_2480 = tpu.memref_slice %arg5[%dma_start3A_2479, %multiple_of3A_2461] : memref<32x1000000xf32, #tpu.memory_space<hbm>> -> memref<8x128xf32, #tpu.memory_space<hbm>>
      %dma_start3A_2481 = tpu.memref_slice %arg13[%dma_start3A_2475] : memref<4x!tpu.dma_semaphore, #tpu.memory_space<semaphore_mem>> -> memref<1x!tpu.dma_semaphore, #tpu.memory_space<semaphore_mem>>
      %dma_start3A_2482 = tpu.memref_squeeze %dma_start3A_2481 : memref<1x!tpu.dma_semaphore, #tpu.memory_space<semaphore_mem>> -> memref<!tpu.dma_semaphore, #tpu.memory_space<semaphore_mem>>
      %dma_start3A_2483 = arith.constant 64 : i32
      %dma_start3A_2484 = arith.constant 0 : i32
      %dma_start3A_2485 = tpu.memref_slice %arg10[%dma_start3A_2483, %dma_start3A_2484] : memref<128x128xf32, #tpu.memory_space<vmem>> -> memref<8x128xf32, #tpu.memory_space<vmem>>
      %dma_start3A_2486 = arith.constant 0 : i32
      %dma_start3A_2487 = tpu.memref_slice %arg5[%dma_start3A_2486, %multiple_of3A_2461] : memref<32x1000000xf32, #tpu.memory_space<hbm>> -> memref<8x128xf32, #tpu.memory_space<hbm>>
      tpu.enqueue_dma source(%dma_start3A_2487 : memref<8x128xf32, #tpu.memory_space<hbm>>) target(%dma_start3A_2485 : memref<8x128xf32, #tpu.memory_space<vmem>>) target_semaphore(%dma_start3A_2482 : memref<!tpu.dma_semaphore, #tpu.memory_space<semaphore_mem>>)
      %dma_start3A_2488 = arith.constant 2 : i32
      %dma_start3A_2489 = arith.constant 72 : i32
      %dma_start3A_2490 = arith.constant 0 : i32
      %dma_start3A_2491 = tpu.memref_slice %arg9[%dma_start3A_2489, %dma_start3A_2490] : memref<128x128xf32, #tpu.memory_space<vmem>> -> memref<8x128xf32, #tpu.memory_space<vmem>>
      %dma_start3A_2492 = arith.constant 8 : i32
      %dma_start3A_2493 = tpu.memref_slice %arg4[%dma_start3A_2492, %multiple_of3A_2460] : memref<32x1000000xf32, #tpu.memory_space<hbm>> -> memref<8x128xf32, #tpu.memory_space<hbm>>
      %dma_start3A_2494 = tpu.memref_slice %arg12[%dma_start3A_2488] : memref<4x!tpu.dma_semaphore, #tpu.memory_space<semaphore_mem>> -> memref<1x!tpu.dma_semaphore, #tpu.memory_space<semaphore_mem>>
      %dma_start3A_2495 = tpu.memref_squeeze %dma_start3A_2494 : memref<1x!tpu.dma_semaphore, #tpu.memory_space<semaphore_mem>> -> memref<!tpu.dma_semaphore, #tpu.memory_space<semaphore_mem>>
      %dma_start3A_2496 = arith.constant 72 : i32
      %dma_start3A_2497 = arith.constant 0 : i32
      %dma_start3A_2498 = tpu.memref_slice %arg9[%dma_start3A_2496, %dma_start3A_2497] : memref<128x128xf32, #tpu.memory_space<vmem>> -> memref<8x128xf32, #tpu.memory_space<vmem>>
      %dma_start3A_2499 = arith.constant 8 : i32
      %dma_start3A_2500 = tpu.memref_slice %arg4[%dma_start3A_2499, %multiple_of3A_2460] : memref<32x1000000xf32, #tpu.memory_space<hbm>> -> memref<8x128xf32, #tpu.memory_space<hbm>>
      tpu.enqueue_dma source(%dma_start3A_2500 : memref<8x128xf32, #tpu.memory_space<hbm>>) target(%dma_start3A_2498 : memref<8x128xf32, #tpu.memory_space<vmem>>) target_semaphore(%dma_start3A_2495 : memref<!tpu.dma_semaphore, #tpu.memory_space<semaphore_mem>>)
      %dma_start3A_2501 = arith.constant 2 : i32
      %dma_start3A_2502 = arith.constant 72 : i32
      %dma_start3A_2503 = arith.constant 0 : i32
      %dma_start3A_2504 = tpu.memref_slice %arg10[%dma_start3A_2502, %dma_start3A_2503] : memref<128x128xf32, #tpu.memory_space<vmem>> -> memref<8x128xf32, #tpu.memory_space<vmem>>
      %dma_start3A_2505 = arith.constant 8 : i32
      %dma_start3A_2506 = tpu.memref_slice %arg5[%dma_start3A_2505, %multiple_of3A_2461] : memref<32x1000000xf32, #tpu.memory_space<hbm>> -> memref<8x128xf32, #tpu.memory_space<hbm>>
      %dma_start3A_2507 = tpu.memref_slice %arg13[%dma_start3A_2501] : memref<4x!tpu.dma_semaphore, #tpu.memory_space<semaphore_mem>> -> memref<1x!tpu.dma_semaphore, #tpu.memory_space<semaphore_mem>>
      %dma_start3A_2508 = tpu.memref_squeeze %dma_start3A_2507 : memref<1x!tpu.dma_semaphore, #tpu.memory_space<semaphore_mem>> -> memref<!tpu.dma_semaphore, #tpu.memory_space<semaphore_mem>>
      %dma_start3A_2509 = arith.constant 72 : i32
      %dma_start3A_2510 = arith.constant 0 : i32
      %dma_start3A_2511 = tpu.memref_slice %arg10[%dma_start3A_2509, %dma_start3A_2510] : memref<128x128xf32, #tpu.memory_space<vmem>> -> memref<8x128xf32, #tpu.memory_space<vmem>>
      %dma_start3A_2512 = arith.constant 8 : i32
      %dma_start3A_2513 = tpu.memref_slice %arg5[%dma_start3A_2512, %multiple_of3A_2461] : memref<32x1000000xf32, #tpu.memory_space<hbm>> -> memref<8x128xf32, #tpu.memory_space<hbm>>
      tpu.enqueue_dma source(%dma_start3A_2513 : memref<8x128xf32, #tpu.memory_space<hbm>>) target(%dma_start3A_2511 : memref<8x128xf32, #tpu.memory_space<vmem>>) target_semaphore(%dma_start3A_2508 : memref<!tpu.dma_semaphore, #tpu.memory_space<semaphore_mem>>)
      %dma_start3A_2514 = arith.constant 2 : i32
      %dma_start3A_2515 = arith.constant 80 : i32
      %dma_start3A_2516 = arith.constant 0 : i32
      %dma_start3A_2517 = tpu.memref_slice %arg9[%dma_start3A_2515, %dma_start3A_2516] : memref<128x128xf32, #tpu.memory_space<vmem>> -> memref<8x128xf32, #tpu.memory_space<vmem>>
      %dma_start3A_2518 = arith.constant 16 : i32
      %dma_start3A_2519 = tpu.memref_slice %arg4[%dma_start3A_2518, %multiple_of3A_2460] : memref<32x1000000xf32, #tpu.memory_space<hbm>> -> memref<8x128xf32, #tpu.memory_space<hbm>>
      %dma_start3A_2520 = tpu.memref_slice %arg12[%dma_start3A_2514] : memref<4x!tpu.dma_semaphore, #tpu.memory_space<semaphore_mem>> -> memref<1x!tpu.dma_semaphore, #tpu.memory_space<semaphore_mem>>
      %dma_start3A_2521 = tpu.memref_squeeze %dma_start3A_2520 : memref<1x!tpu.dma_semaphore, #tpu.memory_space<semaphore_mem>> -> memref<!tpu.dma_semaphore, #tpu.memory_space<semaphore_mem>>
      %dma_start3A_2522 = arith.constant 80 : i32
      %dma_start3A_2523 = arith.constant 0 : i32
      %dma_start3A_2524 = tpu.memref_slice %arg9[%dma_start3A_2522, %dma_start3A_2523] : memref<128x128xf32, #tpu.memory_space<vmem>> -> memref<8x128xf32, #tpu.memory_space<vmem>>
      %dma_start3A_2525 = arith.constant 16 : i32
      %dma_start3A_2526 = tpu.memref_slice %arg4[%dma_start3A_2525, %multiple_of3A_2460] : memref<32x1000000xf32, #tpu.memory_space<hbm>> -> memref<8x128xf32, #tpu.memory_space<hbm>>
      tpu.enqueue_dma source(%dma_start3A_2526 : memref<8x128xf32, #tpu.memory_space<hbm>>) target(%dma_start3A_2524 : memref<8x128xf32, #tpu.memory_space<vmem>>) target_semaphore(%dma_start3A_2521 : memref<!tpu.dma_semaphore, #tpu.memory_space<semaphore_mem>>)
      %dma_start3A_2527 = arith.constant 2 : i32
      %dma_start3A_2528 = arith.constant 80 : i32
      %dma_start3A_2529 = arith.constant 0 : i32
      %dma_start3A_2530 = tpu.memref_slice %arg10[%dma_start3A_2528, %dma_start3A_2529] : memref<128x128xf32, #tpu.memory_space<vmem>> -> memref<8x128xf32, #tpu.memory_space<vmem>>
      %dma_start3A_2531 = arith.constant 16 : i32
      %dma_start3A_2532 = tpu.memref_slice %arg5[%dma_start3A_2531, %multiple_of3A_2461] : memref<32x1000000xf32, #tpu.memory_space<hbm>> -> memref<8x128xf32, #tpu.memory_space<hbm>>
      %dma_start3A_2533 = tpu.memref_slice %arg13[%dma_start3A_2527] : memref<4x!tpu.dma_semaphore, #tpu.memory_space<semaphore_mem>> -> memref<1x!tpu.dma_semaphore, #tpu.memory_space<semaphore_mem>>
      %dma_start3A_2534 = tpu.memref_squeeze %dma_start3A_2533 : memref<1x!tpu.dma_semaphore, #tpu.memory_space<semaphore_mem>> -> memref<!tpu.dma_semaphore, #tpu.memory_space<semaphore_mem>>
      %dma_start3A_2535 = arith.constant 80 : i32
      %dma_start3A_2536 = arith.constant 0 : i32
      %dma_start3A_2537 = tpu.memref_slice %arg10[%dma_start3A_2535, %dma_start3A_2536] : memref<128x128xf32, #tpu.memory_space<vmem>> -> memref<8x128xf32, #tpu.memory_space<vmem>>
      %dma_start3A_2538 = arith.constant 16 : i32
      %dma_start3A_2539 = tpu.memref_slice %arg5[%dma_start3A_2538, %multiple_of3A_2461] : memref<32x1000000xf32, #tpu.memory_space<hbm>> -> memref<8x128xf32, #tpu.memory_space<hbm>>
      tpu.enqueue_dma source(%dma_start3A_2539 : memref<8x128xf32, #tpu.memory_space<hbm>>) target(%dma_start3A_2537 : memref<8x128xf32, #tpu.memory_space<vmem>>) target_semaphore(%dma_start3A_2534 : memref<!tpu.dma_semaphore, #tpu.memory_space<semaphore_mem>>)
      %dma_start3A_2540 = arith.constant 2 : i32
      %dma_start3A_2541 = arith.constant 88 : i32
      %dma_start3A_2542 = arith.constant 0 : i32
      %dma_start3A_2543 = tpu.memref_slice %arg9[%dma_start3A_2541, %dma_start3A_2542] : memref<128x128xf32, #tpu.memory_space<vmem>> -> memref<8x128xf32, #tpu.memory_space<vmem>>
      %dma_start3A_2544 = arith.constant 24 : i32
      %dma_start3A_2545 = tpu.memref_slice %arg4[%dma_start3A_2544, %multiple_of3A_2460] : memref<32x1000000xf32, #tpu.memory_space<hbm>> -> memref<8x128xf32, #tpu.memory_space<hbm>>
      %dma_start3A_2546 = tpu.memref_slice %arg12[%dma_start3A_2540] : memref<4x!tpu.dma_semaphore, #tpu.memory_space<semaphore_mem>> -> memref<1x!tpu.dma_semaphore, #tpu.memory_space<semaphore_mem>>
      %dma_start3A_2547 = tpu.memref_squeeze %dma_start3A_2546 : memref<1x!tpu.dma_semaphore, #tpu.memory_space<semaphore_mem>> -> memref<!tpu.dma_semaphore, #tpu.memory_space<semaphore_mem>>
      %dma_start3A_2548 = arith.constant 88 : i32
      %dma_start3A_2549 = arith.constant 0 : i32
      %dma_start3A_2550 = tpu.memref_slice %arg9[%dma_start3A_2548, %dma_start3A_2549] : memref<128x128xf32, #tpu.memory_space<vmem>> -> memref<8x128xf32, #tpu.memory_space<vmem>>
      %dma_start3A_2551 = arith.constant 24 : i32
      %dma_start3A_2552 = tpu.memref_slice %arg4[%dma_start3A_2551, %multiple_of3A_2460] : memref<32x1000000xf32, #tpu.memory_space<hbm>> -> memref<8x128xf32, #tpu.memory_space<hbm>>
      tpu.enqueue_dma source(%dma_start3A_2552 : memref<8x128xf32, #tpu.memory_space<hbm>>) target(%dma_start3A_2550 : memref<8x128xf32, #tpu.memory_space<vmem>>) target_semaphore(%dma_start3A_2547 : memref<!tpu.dma_semaphore, #tpu.memory_space<semaphore_mem>>)
      %dma_start3A_2553 = arith.constant 2 : i32
      %dma_start3A_2554 = arith.constant 88 : i32
      %dma_start3A_2555 = arith.constant 0 : i32
      %dma_start3A_2556 = tpu.memref_slice %arg10[%dma_start3A_2554, %dma_start3A_2555] : memref<128x128xf32, #tpu.memory_space<vmem>> -> memref<8x128xf32, #tpu.memory_space<vmem>>
      %dma_start3A_2557 = arith.constant 24 : i32
      %dma_start3A_2558 = tpu.memref_slice %arg5[%dma_start3A_2557, %multiple_of3A_2461] : memref<32x1000000xf32, #tpu.memory_space<hbm>> -> memref<8x128xf32, #tpu.memory_space<hbm>>
      %dma_start3A_2559 = tpu.memref_slice %arg13[%dma_start3A_2553] : memref<4x!tpu.dma_semaphore, #tpu.memory_space<semaphore_mem>> -> memref<1x!tpu.dma_semaphore, #tpu.memory_space<semaphore_mem>>
      %dma_start3A_2560 = tpu.memref_squeeze %dma_start3A_2559 : memref<1x!tpu.dma_semaphore, #tpu.memory_space<semaphore_mem>> -> memref<!tpu.dma_semaphore, #tpu.memory_space<semaphore_mem>>
      %dma_start3A_2561 = arith.constant 88 : i32
      %dma_start3A_2562 = arith.constant 0 : i32
      %dma_start3A_2563 = tpu.memref_slice %arg10[%dma_start3A_2561, %dma_start3A_2562] : memref<128x128xf32, #tpu.memory_space<vmem>> -> memref<8x128xf32, #tpu.memory_space<vmem>>
      %dma_start3A_2564 = arith.constant 24 : i32
      %dma_start3A_2565 = tpu.memref_slice %arg5[%dma_start3A_2564, %multiple_of3A_2461] : memref<32x1000000xf32, #tpu.memory_space<hbm>> -> memref<8x128xf32, #tpu.memory_space<hbm>>
      tpu.enqueue_dma source(%dma_start3A_2565 : memref<8x128xf32, #tpu.memory_space<hbm>>) target(%dma_start3A_2563 : memref<8x128xf32, #tpu.memory_space<vmem>>) target_semaphore(%dma_start3A_2560 : memref<!tpu.dma_semaphore, #tpu.memory_space<semaphore_mem>>)
      %dma_wait3A_2566 = arith.constant 3 : i32
      %dma_wait3A_2567 = arith.constant 96 : i32
      %dma_wait3A_2568 = arith.constant 0 : i32
      %dma_wait3A_2569 = tpu.memref_slice %arg9[%dma_wait3A_2567, %dma_wait3A_2568] : memref<128x128xf32, #tpu.memory_space<vmem>> -> memref<32x128xf32, #tpu.memory_space<vmem>>
      %dma_wait3A_2570 = arith.constant 0 : i32
      %dma_wait3A_2571 = arith.constant 0 : i32
      %dma_wait3A_2572 = tpu.memref_slice %arg4[%dma_wait3A_2570, %dma_wait3A_2571] : memref<32x1000000xf32, #tpu.memory_space<hbm>> -> memref<32x128xf32, #tpu.memory_space<hbm>>
      %dma_wait3A_2573 = tpu.memref_slice %arg12[%dma_wait3A_2566] : memref<4x!tpu.dma_semaphore, #tpu.memory_space<semaphore_mem>> -> memref<1x!tpu.dma_semaphore, #tpu.memory_space<semaphore_mem>>
      %dma_wait3A_2574 = tpu.memref_squeeze %dma_wait3A_2573 : memref<1x!tpu.dma_semaphore, #tpu.memory_space<semaphore_mem>> -> memref<!tpu.dma_semaphore, #tpu.memory_space<semaphore_mem>>
      %dma_wait3A_2575 = arith.constant 96 : i32
      %dma_wait3A_2576 = arith.constant 0 : i32
      %dma_wait3A_2577 = tpu.memref_slice %arg9[%dma_wait3A_2575, %dma_wait3A_2576] : memref<128x128xf32, #tpu.memory_space<vmem>> -> memref<32x128xf32, #tpu.memory_space<vmem>>
      %dma_wait3A_2578 = arith.constant 0 : i32
      %dma_wait3A_2579 = arith.constant 0 : i32
      %dma_wait3A_2580 = tpu.memref_slice %arg4[%dma_wait3A_2578, %dma_wait3A_2579] : memref<32x1000000xf32, #tpu.memory_space<hbm>> -> memref<32x128xf32, #tpu.memory_space<hbm>>
      tpu.wait_dma2 semaphore(%dma_wait3A_2574 : memref<!tpu.dma_semaphore, #tpu.memory_space<semaphore_mem>>) src(%dma_wait3A_2580 : memref<32x128xf32, #tpu.memory_space<hbm>>) dst(%dma_wait3A_2577 : memref<32x128xf32, #tpu.memory_space<vmem>>)
      %dma_wait3A_2581 = arith.constant 3 : i32
      %dma_wait3A_2582 = arith.constant 96 : i32
      %dma_wait3A_2583 = arith.constant 0 : i32
      %dma_wait3A_2584 = tpu.memref_slice %arg10[%dma_wait3A_2582, %dma_wait3A_2583] : memref<128x128xf32, #tpu.memory_space<vmem>> -> memref<32x128xf32, #tpu.memory_space<vmem>>
      %dma_wait3A_2585 = arith.constant 0 : i32
      %dma_wait3A_2586 = arith.constant 0 : i32
      %dma_wait3A_2587 = tpu.memref_slice %arg5[%dma_wait3A_2585, %dma_wait3A_2586] : memref<32x1000000xf32, #tpu.memory_space<hbm>> -> memref<32x128xf32, #tpu.memory_space<hbm>>
      %dma_wait3A_2588 = tpu.memref_slice %arg13[%dma_wait3A_2581] : memref<4x!tpu.dma_semaphore, #tpu.memory_space<semaphore_mem>> -> memref<1x!tpu.dma_semaphore, #tpu.memory_space<semaphore_mem>>
      %dma_wait3A_2589 = tpu.memref_squeeze %dma_wait3A_2588 : memref<1x!tpu.dma_semaphore, #tpu.memory_space<semaphore_mem>> -> memref<!tpu.dma_semaphore, #tpu.memory_space<semaphore_mem>>
      %dma_wait3A_2590 = arith.constant 96 : i32
      %dma_wait3A_2591 = arith.constant 0 : i32
      %dma_wait3A_2592 = tpu.memref_slice %arg10[%dma_wait3A_2590, %dma_wait3A_2591] : memref<128x128xf32, #tpu.memory_space<vmem>> -> memref<32x128xf32, #tpu.memory_space<vmem>>
      %dma_wait3A_2593 = arith.constant 0 : i32
      %dma_wait3A_2594 = arith.constant 0 : i32
      %dma_wait3A_2595 = tpu.memref_slice %arg5[%dma_wait3A_2593, %dma_wait3A_2594] : memref<32x1000000xf32, #tpu.memory_space<hbm>> -> memref<32x128xf32, #tpu.memory_space<hbm>>
      tpu.wait_dma2 semaphore(%dma_wait3A_2589 : memref<!tpu.dma_semaphore, #tpu.memory_space<semaphore_mem>>) src(%dma_wait3A_2595 : memref<32x128xf32, #tpu.memory_space<hbm>>) dst(%dma_wait3A_2592 : memref<32x128xf32, #tpu.memory_space<vmem>>)
      %broadcast_in_dim3A_2596 = arith.constant 96 : i32
      %broadcast_in_dim3A_2597 = vector.broadcast %broadcast_in_dim3A_2596 : i32 to vector<16xi32>
      %add3A_2598 = arith.addi %broadcast_in_dim3A_2597, %iota3A : vector<16xi32>
      %broadcast_in_dim3A_2599 = arith.constant 1 : i32
      %broadcast_in_dim3A_2600 = vector.broadcast %broadcast_in_dim3A_2599 : i32 to vector<16xi32>
      %slice3A_2601 = vector.extract_strided_slice %sub3A {offsets = [11], sizes = [1], strides = [1]} : vector<16xi32> to vector<1xi32>
      %squeeze3A_2602 = vector.extract %slice3A_2601[0] : i32 from vector<1xi32>
      %mul3A_2603 = vector.broadcast %squeeze3A_2602 : i32 to vector<16xi32>
      %mul3A_2604 = arith.muli %broadcast_in_dim3A_2600, %mul3A_2603 : vector<16xi32>
      %broadcast_in_dim3A_2605 = arith.constant 1 : i32
      %broadcast_in_dim3A_2606 = vector.broadcast %broadcast_in_dim3A_2605 : i32 to vector<16xi32>
      %slice3A_2607 = vector.extract_strided_slice %sub3A_598 {offsets = [11], sizes = [1], strides = [1]} : vector<16xi32> to vector<1xi32>
      %squeeze3A_2608 = vector.extract %slice3A_2607[0] : i32 from vector<1xi32>
      %mul3A_2609 = vector.broadcast %squeeze3A_2608 : i32 to vector<16xi32>
      %mul3A_2610 = arith.muli %broadcast_in_dim3A_2606, %mul3A_2609 : vector<16xi32>
      %gather3A_2611 = tpu.vector_load_idx %arg9[%add3A_2598, %mul3A_2604] : memref<128x128xf32, #tpu.memory_space<vmem>>[vector<16xi32>, vector<16xi32>], vector<16xf32>,
      %add3A_2612 = arith.constant 16 : i32
      %add3A_2613 = vector.broadcast %add3A_2612 : i32 to vector<16xi32>
      %add3A_2614 = arith.addi %add3A_2598, %add3A_2613 : vector<16xi32>
      %gather3A_2615 = tpu.vector_load_idx %arg9[%add3A_2614, %mul3A_2604] : memref<128x128xf32, #tpu.memory_space<vmem>>[vector<16xi32>, vector<16xi32>], vector<16xf32>,
      %gather3A_2616 = tpu.vector_load_idx %arg10[%add3A_2598, %mul3A_2610] : memref<128x128xf32, #tpu.memory_space<vmem>>[vector<16xi32>, vector<16xi32>], vector<16xf32>,
      %add3A_2617 = arith.constant 16 : i32
      %add3A_2618 = vector.broadcast %add3A_2617 : i32 to vector<16xi32>
      %add3A_2619 = arith.addi %add3A_2598, %add3A_2618 : vector<16xi32>
      %gather3A_2620 = tpu.vector_load_idx %arg10[%add3A_2619, %mul3A_2610] : memref<128x128xf32, #tpu.memory_space<vmem>>[vector<16xi32>, vector<16xi32>], vector<16xf32>,
      %mul3A_2621 = arith.mulf %gather3A_2611, %gather3A_2616 : vector<16xf32>
      %mul3A_2622 = arith.mulf %gather3A_2615, %gather3A_2620 : vector<16xf32>
      %add3A_2623 = arith.addf %mul3A_2621, %mul3A_2622 : vector<16xf32>
      %reduce_sum3A_2624 = arith.constant true
      %reduce_sum3A_2625 = vector.broadcast %reduce_sum3A_2624 : i1 to vector<16xi1>
      %reduce_sum3A_2626 = tpu.scan <sum>, %add3A_2623 masked %reduce_sum3A_2625 : vector<16xf32>, vector<16xi1> -> vector<16xf32>
      %reduce_sum3A_2627 = vector.extract %reduce_sum3A_2626[15] : f32 from vector<16xf32>
      %eq3A_2628 = arith.constant 11 : i32
      %eq3A_2629 = vector.broadcast %eq3A_2628 : i32 to vector<16xi32>
      %eq3A_2630 = arith.cmpi eq, %iota3A, %eq3A_2629 : vector<16xi32>
      %broadcast_in_dim3A_2631 = vector.broadcast %reduce_sum3A_2627 : f32 to vector<16xf32>
      %select_n3A_2632 = arith.select %eq3A_2630, %broadcast_in_dim3A_2631, %select_n3A_2455 : vector<16xi1>, vector<16xf32>
      %slice3A_2633 = vector.extract_strided_slice %mul3A_615 {offsets = [7], sizes = [1], strides = [1]} : vector<16xi32> to vector<1xi32>
      %squeeze3A_2634 = vector.extract %slice3A_2633[0] : i32 from vector<1xi32>
      %slice3A_2635 = vector.extract_strided_slice %mul3A_621 {offsets = [7], sizes = [1], strides = [1]} : vector<16xi32> to vector<1xi32>
      %squeeze3A_2636 = vector.extract %slice3A_2635[0] : i32 from vector<1xi32>
      %multiple_of3A_2637 = tpu.assume_multiple %squeeze3A_2634, 128 : i32
      %multiple_of3A_2638 = tpu.assume_multiple %squeeze3A_2636, 128 : i32
      %dma_start3A_2639 = arith.constant 3 : i32
      %dma_start3A_2640 = arith.constant 96 : i32
      %dma_start3A_2641 = arith.constant 0 : i32
      %dma_start3A_2642 = tpu.memref_slice %arg9[%dma_start3A_2640, %dma_start3A_2641] : memref<128x128xf32, #tpu.memory_space<vmem>> -> memref<8x128xf32, #tpu.memory_space<vmem>>
      %dma_start3A_2643 = arith.constant 0 : i32
      %dma_start3A_2644 = tpu.memref_slice %arg4[%dma_start3A_2643, %multiple_of3A_2637] : memref<32x1000000xf32, #tpu.memory_space<hbm>> -> memref<8x128xf32, #tpu.memory_space<hbm>>
      %dma_start3A_2645 = tpu.memref_slice %arg12[%dma_start3A_2639] : memref<4x!tpu.dma_semaphore, #tpu.memory_space<semaphore_mem>> -> memref<1x!tpu.dma_semaphore, #tpu.memory_space<semaphore_mem>>
      %dma_start3A_2646 = tpu.memref_squeeze %dma_start3A_2645 : memref<1x!tpu.dma_semaphore, #tpu.memory_space<semaphore_mem>> -> memref<!tpu.dma_semaphore, #tpu.memory_space<semaphore_mem>>
      %dma_start3A_2647 = arith.constant 96 : i32
      %dma_start3A_2648 = arith.constant 0 : i32
      %dma_start3A_2649 = tpu.memref_slice %arg9[%dma_start3A_2647, %dma_start3A_2648] : memref<128x128xf32, #tpu.memory_space<vmem>> -> memref<8x128xf32, #tpu.memory_space<vmem>>
      %dma_start3A_2650 = arith.constant 0 : i32
      %dma_start3A_2651 = tpu.memref_slice %arg4[%dma_start3A_2650, %multiple_of3A_2637] : memref<32x1000000xf32, #tpu.memory_space<hbm>> -> memref<8x128xf32, #tpu.memory_space<hbm>>
      tpu.enqueue_dma source(%dma_start3A_2651 : memref<8x128xf32, #tpu.memory_space<hbm>>) target(%dma_start3A_2649 : memref<8x128xf32, #tpu.memory_space<vmem>>) target_semaphore(%dma_start3A_2646 : memref<!tpu.dma_semaphore, #tpu.memory_space<semaphore_mem>>)
      %dma_start3A_2652 = arith.constant 3 : i32
      %dma_start3A_2653 = arith.constant 96 : i32
      %dma_start3A_2654 = arith.constant 0 : i32
      %dma_start3A_2655 = tpu.memref_slice %arg10[%dma_start3A_2653, %dma_start3A_2654] : memref<128x128xf32, #tpu.memory_space<vmem>> -> memref<8x128xf32, #tpu.memory_space<vmem>>
      %dma_start3A_2656 = arith.constant 0 : i32
      %dma_start3A_2657 = tpu.memref_slice %arg5[%dma_start3A_2656, %multiple_of3A_2638] : memref<32x1000000xf32, #tpu.memory_space<hbm>> -> memref<8x128xf32, #tpu.memory_space<hbm>>
      %dma_start3A_2658 = tpu.memref_slice %arg13[%dma_start3A_2652] : memref<4x!tpu.dma_semaphore, #tpu.memory_space<semaphore_mem>> -> memref<1x!tpu.dma_semaphore, #tpu.memory_space<semaphore_mem>>
      %dma_start3A_2659 = tpu.memref_squeeze %dma_start3A_2658 : memref<1x!tpu.dma_semaphore, #tpu.memory_space<semaphore_mem>> -> memref<!tpu.dma_semaphore, #tpu.memory_space<semaphore_mem>>
      %dma_start3A_2660 = arith.constant 96 : i32
      %dma_start3A_2661 = arith.constant 0 : i32
      %dma_start3A_2662 = tpu.memref_slice %arg10[%dma_start3A_2660, %dma_start3A_2661] : memref<128x128xf32, #tpu.memory_space<vmem>> -> memref<8x128xf32, #tpu.memory_space<vmem>>
      %dma_start3A_2663 = arith.constant 0 : i32
      %dma_start3A_2664 = tpu.memref_slice %arg5[%dma_start3A_2663, %multiple_of3A_2638] : memref<32x1000000xf32, #tpu.memory_space<hbm>> -> memref<8x128xf32, #tpu.memory_space<hbm>>
      tpu.enqueue_dma source(%dma_start3A_2664 : memref<8x128xf32, #tpu.memory_space<hbm>>) target(%dma_start3A_2662 : memref<8x128xf32, #tpu.memory_space<vmem>>) target_semaphore(%dma_start3A_2659 : memref<!tpu.dma_semaphore, #tpu.memory_space<semaphore_mem>>)
      %dma_start3A_2665 = arith.constant 3 : i32
      %dma_start3A_2666 = arith.constant 104 : i32
      %dma_start3A_2667 = arith.constant 0 : i32
      %dma_start3A_2668 = tpu.memref_slice %arg9[%dma_start3A_2666, %dma_start3A_2667] : memref<128x128xf32, #tpu.memory_space<vmem>> -> memref<8x128xf32, #tpu.memory_space<vmem>>
      %dma_start3A_2669 = arith.constant 8 : i32
      %dma_start3A_2670 = tpu.memref_slice %arg4[%dma_start3A_2669, %multiple_of3A_2637] : memref<32x1000000xf32, #tpu.memory_space<hbm>> -> memref<8x128xf32, #tpu.memory_space<hbm>>
      %dma_start3A_2671 = tpu.memref_slice %arg12[%dma_start3A_2665] : memref<4x!tpu.dma_semaphore, #tpu.memory_space<semaphore_mem>> -> memref<1x!tpu.dma_semaphore, #tpu.memory_space<semaphore_mem>>
      %dma_start3A_2672 = tpu.memref_squeeze %dma_start3A_2671 : memref<1x!tpu.dma_semaphore, #tpu.memory_space<semaphore_mem>> -> memref<!tpu.dma_semaphore, #tpu.memory_space<semaphore_mem>>
      %dma_start3A_2673 = arith.constant 104 : i32
      %dma_start3A_2674 = arith.constant 0 : i32
      %dma_start3A_2675 = tpu.memref_slice %arg9[%dma_start3A_2673, %dma_start3A_2674] : memref<128x128xf32, #tpu.memory_space<vmem>> -> memref<8x128xf32, #tpu.memory_space<vmem>>
      %dma_start3A_2676 = arith.constant 8 : i32
      %dma_start3A_2677 = tpu.memref_slice %arg4[%dma_start3A_2676, %multiple_of3A_2637] : memref<32x1000000xf32, #tpu.memory_space<hbm>> -> memref<8x128xf32, #tpu.memory_space<hbm>>
      tpu.enqueue_dma source(%dma_start3A_2677 : memref<8x128xf32, #tpu.memory_space<hbm>>) target(%dma_start3A_2675 : memref<8x128xf32, #tpu.memory_space<vmem>>) target_semaphore(%dma_start3A_2672 : memref<!tpu.dma_semaphore, #tpu.memory_space<semaphore_mem>>)
      %dma_start3A_2678 = arith.constant 3 : i32
      %dma_start3A_2679 = arith.constant 104 : i32
      %dma_start3A_2680 = arith.constant 0 : i32
      %dma_start3A_2681 = tpu.memref_slice %arg10[%dma_start3A_2679, %dma_start3A_2680] : memref<128x128xf32, #tpu.memory_space<vmem>> -> memref<8x128xf32, #tpu.memory_space<vmem>>
      %dma_start3A_2682 = arith.constant 8 : i32
      %dma_start3A_2683 = tpu.memref_slice %arg5[%dma_start3A_2682, %multiple_of3A_2638] : memref<32x1000000xf32, #tpu.memory_space<hbm>> -> memref<8x128xf32, #tpu.memory_space<hbm>>
      %dma_start3A_2684 = tpu.memref_slice %arg13[%dma_start3A_2678] : memref<4x!tpu.dma_semaphore, #tpu.memory_space<semaphore_mem>> -> memref<1x!tpu.dma_semaphore, #tpu.memory_space<semaphore_mem>>
      %dma_start3A_2685 = tpu.memref_squeeze %dma_start3A_2684 : memref<1x!tpu.dma_semaphore, #tpu.memory_space<semaphore_mem>> -> memref<!tpu.dma_semaphore, #tpu.memory_space<semaphore_mem>>
      %dma_start3A_2686 = arith.constant 104 : i32
      %dma_start3A_2687 = arith.constant 0 : i32
      %dma_start3A_2688 = tpu.memref_slice %arg10[%dma_start3A_2686, %dma_start3A_2687] : memref<128x128xf32, #tpu.memory_space<vmem>> -> memref<8x128xf32, #tpu.memory_space<vmem>>
      %dma_start3A_2689 = arith.constant 8 : i32
      %dma_start3A_2690 = tpu.memref_slice %arg5[%dma_start3A_2689, %multiple_of3A_2638] : memref<32x1000000xf32, #tpu.memory_space<hbm>> -> memref<8x128xf32, #tpu.memory_space<hbm>>
      tpu.enqueue_dma source(%dma_start3A_2690 : memref<8x128xf32, #tpu.memory_space<hbm>>) target(%dma_start3A_2688 : memref<8x128xf32, #tpu.memory_space<vmem>>) target_semaphore(%dma_start3A_2685 : memref<!tpu.dma_semaphore, #tpu.memory_space<semaphore_mem>>)
      %dma_start3A_2691 = arith.constant 3 : i32
      %dma_start3A_2692 = arith.constant 112 : i32
      %dma_start3A_2693 = arith.constant 0 : i32
      %dma_start3A_2694 = tpu.memref_slice %arg9[%dma_start3A_2692, %dma_start3A_2693] : memref<128x128xf32, #tpu.memory_space<vmem>> -> memref<8x128xf32, #tpu.memory_space<vmem>>
      %dma_start3A_2695 = arith.constant 16 : i32
      %dma_start3A_2696 = tpu.memref_slice %arg4[%dma_start3A_2695, %multiple_of3A_2637] : memref<32x1000000xf32, #tpu.memory_space<hbm>> -> memref<8x128xf32, #tpu.memory_space<hbm>>
      %dma_start3A_2697 = tpu.memref_slice %arg12[%dma_start3A_2691] : memref<4x!tpu.dma_semaphore, #tpu.memory_space<semaphore_mem>> -> memref<1x!tpu.dma_semaphore, #tpu.memory_space<semaphore_mem>>
      %dma_start3A_2698 = tpu.memref_squeeze %dma_start3A_2697 : memref<1x!tpu.dma_semaphore, #tpu.memory_space<semaphore_mem>> -> memref<!tpu.dma_semaphore, #tpu.memory_space<semaphore_mem>>
      %dma_start3A_2699 = arith.constant 112 : i32
      %dma_start3A_2700 = arith.constant 0 : i32
      %dma_start3A_2701 = tpu.memref_slice %arg9[%dma_start3A_2699, %dma_start3A_2700] : memref<128x128xf32, #tpu.memory_space<vmem>> -> memref<8x128xf32, #tpu.memory_space<vmem>>
      %dma_start3A_2702 = arith.constant 16 : i32
      %dma_start3A_2703 = tpu.memref_slice %arg4[%dma_start3A_2702, %multiple_of3A_2637] : memref<32x1000000xf32, #tpu.memory_space<hbm>> -> memref<8x128xf32, #tpu.memory_space<hbm>>
      tpu.enqueue_dma source(%dma_start3A_2703 : memref<8x128xf32, #tpu.memory_space<hbm>>) target(%dma_start3A_2701 : memref<8x128xf32, #tpu.memory_space<vmem>>) target_semaphore(%dma_start3A_2698 : memref<!tpu.dma_semaphore, #tpu.memory_space<semaphore_mem>>)
      %dma_start3A_2704 = arith.constant 3 : i32
      %dma_start3A_2705 = arith.constant 112 : i32
      %dma_start3A_2706 = arith.constant 0 : i32
      %dma_start3A_2707 = tpu.memref_slice %arg10[%dma_start3A_2705, %dma_start3A_2706] : memref<128x128xf32, #tpu.memory_space<vmem>> -> memref<8x128xf32, #tpu.memory_space<vmem>>
      %dma_start3A_2708 = arith.constant 16 : i32
      %dma_start3A_2709 = tpu.memref_slice %arg5[%dma_start3A_2708, %multiple_of3A_2638] : memref<32x1000000xf32, #tpu.memory_space<hbm>> -> memref<8x128xf32, #tpu.memory_space<hbm>>
      %dma_start3A_2710 = tpu.memref_slice %arg13[%dma_start3A_2704] : memref<4x!tpu.dma_semaphore, #tpu.memory_space<semaphore_mem>> -> memref<1x!tpu.dma_semaphore, #tpu.memory_space<semaphore_mem>>
      %dma_start3A_2711 = tpu.memref_squeeze %dma_start3A_2710 : memref<1x!tpu.dma_semaphore, #tpu.memory_space<semaphore_mem>> -> memref<!tpu.dma_semaphore, #tpu.memory_space<semaphore_mem>>
      %dma_start3A_2712 = arith.constant 112 : i32
      %dma_start3A_2713 = arith.constant 0 : i32
      %dma_start3A_2714 = tpu.memref_slice %arg10[%dma_start3A_2712, %dma_start3A_2713] : memref<128x128xf32, #tpu.memory_space<vmem>> -> memref<8x128xf32, #tpu.memory_space<vmem>>
      %dma_start3A_2715 = arith.constant 16 : i32
      %dma_start3A_2716 = tpu.memref_slice %arg5[%dma_start3A_2715, %multiple_of3A_2638] : memref<32x1000000xf32, #tpu.memory_space<hbm>> -> memref<8x128xf32, #tpu.memory_space<hbm>>
      tpu.enqueue_dma source(%dma_start3A_2716 : memref<8x128xf32, #tpu.memory_space<hbm>>) target(%dma_start3A_2714 : memref<8x128xf32, #tpu.memory_space<vmem>>) target_semaphore(%dma_start3A_2711 : memref<!tpu.dma_semaphore, #tpu.memory_space<semaphore_mem>>)
      %dma_start3A_2717 = arith.constant 3 : i32
      %dma_start3A_2718 = arith.constant 120 : i32
      %dma_start3A_2719 = arith.constant 0 : i32
      %dma_start3A_2720 = tpu.memref_slice %arg9[%dma_start3A_2718, %dma_start3A_2719] : memref<128x128xf32, #tpu.memory_space<vmem>> -> memref<8x128xf32, #tpu.memory_space<vmem>>
      %dma_start3A_2721 = arith.constant 24 : i32
      %dma_start3A_2722 = tpu.memref_slice %arg4[%dma_start3A_2721, %multiple_of3A_2637] : memref<32x1000000xf32, #tpu.memory_space<hbm>> -> memref<8x128xf32, #tpu.memory_space<hbm>>
      %dma_start3A_2723 = tpu.memref_slice %arg12[%dma_start3A_2717] : memref<4x!tpu.dma_semaphore, #tpu.memory_space<semaphore_mem>> -> memref<1x!tpu.dma_semaphore, #tpu.memory_space<semaphore_mem>>
      %dma_start3A_2724 = tpu.memref_squeeze %dma_start3A_2723 : memref<1x!tpu.dma_semaphore, #tpu.memory_space<semaphore_mem>> -> memref<!tpu.dma_semaphore, #tpu.memory_space<semaphore_mem>>
      %dma_start3A_2725 = arith.constant 120 : i32
      %dma_start3A_2726 = arith.constant 0 : i32
      %dma_start3A_2727 = tpu.memref_slice %arg9[%dma_start3A_2725, %dma_start3A_2726] : memref<128x128xf32, #tpu.memory_space<vmem>> -> memref<8x128xf32, #tpu.memory_space<vmem>>
      %dma_start3A_2728 = arith.constant 24 : i32
      %dma_start3A_2729 = tpu.memref_slice %arg4[%dma_start3A_2728, %multiple_of3A_2637] : memref<32x1000000xf32, #tpu.memory_space<hbm>> -> memref<8x128xf32, #tpu.memory_space<hbm>>
      tpu.enqueue_dma source(%dma_start3A_2729 : memref<8x128xf32, #tpu.memory_space<hbm>>) target(%dma_start3A_2727 : memref<8x128xf32, #tpu.memory_space<vmem>>) target_semaphore(%dma_start3A_2724 : memref<!tpu.dma_semaphore, #tpu.memory_space<semaphore_mem>>)
      %dma_start3A_2730 = arith.constant 3 : i32
      %dma_start3A_2731 = arith.constant 120 : i32
      %dma_start3A_2732 = arith.constant 0 : i32
      %dma_start3A_2733 = tpu.memref_slice %arg10[%dma_start3A_2731, %dma_start3A_2732] : memref<128x128xf32, #tpu.memory_space<vmem>> -> memref<8x128xf32, #tpu.memory_space<vmem>>
      %dma_start3A_2734 = arith.constant 24 : i32
      %dma_start3A_2735 = tpu.memref_slice %arg5[%dma_start3A_2734, %multiple_of3A_2638] : memref<32x1000000xf32, #tpu.memory_space<hbm>> -> memref<8x128xf32, #tpu.memory_space<hbm>>
      %dma_start3A_2736 = tpu.memref_slice %arg13[%dma_start3A_2730] : memref<4x!tpu.dma_semaphore, #tpu.memory_space<semaphore_mem>> -> memref<1x!tpu.dma_semaphore, #tpu.memory_space<semaphore_mem>>
      %dma_start3A_2737 = tpu.memref_squeeze %dma_start3A_2736 : memref<1x!tpu.dma_semaphore, #tpu.memory_space<semaphore_mem>> -> memref<!tpu.dma_semaphore, #tpu.memory_space<semaphore_mem>>
      %dma_start3A_2738 = arith.constant 120 : i32
      %dma_start3A_2739 = arith.constant 0 : i32
      %dma_start3A_2740 = tpu.memref_slice %arg10[%dma_start3A_2738, %dma_start3A_2739] : memref<128x128xf32, #tpu.memory_space<vmem>> -> memref<8x128xf32, #tpu.memory_space<vmem>>
      %dma_start3A_2741 = arith.constant 24 : i32
      %dma_start3A_2742 = tpu.memref_slice %arg5[%dma_start3A_2741, %multiple_of3A_2638] : memref<32x1000000xf32, #tpu.memory_space<hbm>> -> memref<8x128xf32, #tpu.memory_space<hbm>>
      tpu.enqueue_dma source(%dma_start3A_2742 : memref<8x128xf32, #tpu.memory_space<hbm>>) target(%dma_start3A_2740 : memref<8x128xf32, #tpu.memory_space<vmem>>) target_semaphore(%dma_start3A_2737 : memref<!tpu.dma_semaphore, #tpu.memory_space<semaphore_mem>>)
      %dma_wait3A_2743 = arith.constant 0 : i32
      %dma_wait3A_2744 = arith.constant 0 : i32
      %dma_wait3A_2745 = arith.constant 0 : i32
      %dma_wait3A_2746 = tpu.memref_slice %arg9[%dma_wait3A_2744, %dma_wait3A_2745] : memref<128x128xf32, #tpu.memory_space<vmem>> -> memref<32x128xf32, #tpu.memory_space<vmem>>
      %dma_wait3A_2747 = arith.constant 0 : i32
      %dma_wait3A_2748 = arith.constant 0 : i32
      %dma_wait3A_2749 = tpu.memref_slice %arg4[%dma_wait3A_2747, %dma_wait3A_2748] : memref<32x1000000xf32, #tpu.memory_space<hbm>> -> memref<32x128xf32, #tpu.memory_space<hbm>>
      %dma_wait3A_2750 = tpu.memref_slice %arg12[%dma_wait3A_2743] : memref<4x!tpu.dma_semaphore, #tpu.memory_space<semaphore_mem>> -> memref<1x!tpu.dma_semaphore, #tpu.memory_space<semaphore_mem>>
      %dma_wait3A_2751 = tpu.memref_squeeze %dma_wait3A_2750 : memref<1x!tpu.dma_semaphore, #tpu.memory_space<semaphore_mem>> -> memref<!tpu.dma_semaphore, #tpu.memory_space<semaphore_mem>>
      %dma_wait3A_2752 = arith.constant 0 : i32
      %dma_wait3A_2753 = arith.constant 0 : i32
      %dma_wait3A_2754 = tpu.memref_slice %arg9[%dma_wait3A_2752, %dma_wait3A_2753] : memref<128x128xf32, #tpu.memory_space<vmem>> -> memref<32x128xf32, #tpu.memory_space<vmem>>
      %dma_wait3A_2755 = arith.constant 0 : i32
      %dma_wait3A_2756 = arith.constant 0 : i32
      %dma_wait3A_2757 = tpu.memref_slice %arg4[%dma_wait3A_2755, %dma_wait3A_2756] : memref<32x1000000xf32, #tpu.memory_space<hbm>> -> memref<32x128xf32, #tpu.memory_space<hbm>>
      tpu.wait_dma2 semaphore(%dma_wait3A_2751 : memref<!tpu.dma_semaphore, #tpu.memory_space<semaphore_mem>>) src(%dma_wait3A_2757 : memref<32x128xf32, #tpu.memory_space<hbm>>) dst(%dma_wait3A_2754 : memref<32x128xf32, #tpu.memory_space<vmem>>)
      %dma_wait3A_2758 = arith.constant 0 : i32
      %dma_wait3A_2759 = arith.constant 0 : i32
      %dma_wait3A_2760 = arith.constant 0 : i32
      %dma_wait3A_2761 = tpu.memref_slice %arg10[%dma_wait3A_2759, %dma_wait3A_2760] : memref<128x128xf32, #tpu.memory_space<vmem>> -> memref<32x128xf32, #tpu.memory_space<vmem>>
      %dma_wait3A_2762 = arith.constant 0 : i32
      %dma_wait3A_2763 = arith.constant 0 : i32
      %dma_wait3A_2764 = tpu.memref_slice %arg5[%dma_wait3A_2762, %dma_wait3A_2763] : memref<32x1000000xf32, #tpu.memory_space<hbm>> -> memref<32x128xf32, #tpu.memory_space<hbm>>
      %dma_wait3A_2765 = tpu.memref_slice %arg13[%dma_wait3A_2758] : memref<4x!tpu.dma_semaphore, #tpu.memory_space<semaphore_mem>> -> memref<1x!tpu.dma_semaphore, #tpu.memory_space<semaphore_mem>>
      %dma_wait3A_2766 = tpu.memref_squeeze %dma_wait3A_2765 : memref<1x!tpu.dma_semaphore, #tpu.memory_space<semaphore_mem>> -> memref<!tpu.dma_semaphore, #tpu.memory_space<semaphore_mem>>
      %dma_wait3A_2767 = arith.constant 0 : i32
      %dma_wait3A_2768 = arith.constant 0 : i32
      %dma_wait3A_2769 = tpu.memref_slice %arg10[%dma_wait3A_2767, %dma_wait3A_2768] : memref<128x128xf32, #tpu.memory_space<vmem>> -> memref<32x128xf32, #tpu.memory_space<vmem>>
      %dma_wait3A_2770 = arith.constant 0 : i32
      %dma_wait3A_2771 = arith.constant 0 : i32
      %dma_wait3A_2772 = tpu.memref_slice %arg5[%dma_wait3A_2770, %dma_wait3A_2771] : memref<32x1000000xf32, #tpu.memory_space<hbm>> -> memref<32x128xf32, #tpu.memory_space<hbm>>
      tpu.wait_dma2 semaphore(%dma_wait3A_2766 : memref<!tpu.dma_semaphore, #tpu.memory_space<semaphore_mem>>) src(%dma_wait3A_2772 : memref<32x128xf32, #tpu.memory_space<hbm>>) dst(%dma_wait3A_2769 : memref<32x128xf32, #tpu.memory_space<vmem>>)
      %broadcast_in_dim3A_2773 = arith.constant 0 : i32
      %broadcast_in_dim3A_2774 = vector.broadcast %broadcast_in_dim3A_2773 : i32 to vector<16xi32>
      %add3A_2775 = arith.addi %broadcast_in_dim3A_2774, %iota3A : vector<16xi32>
      %broadcast_in_dim3A_2776 = arith.constant 1 : i32
      %broadcast_in_dim3A_2777 = vector.broadcast %broadcast_in_dim3A_2776 : i32 to vector<16xi32>
      %slice3A_2778 = vector.extract_strided_slice %sub3A {offsets = [12], sizes = [1], strides = [1]} : vector<16xi32> to vector<1xi32>
      %squeeze3A_2779 = vector.extract %slice3A_2778[0] : i32 from vector<1xi32>
      %mul3A_2780 = vector.broadcast %squeeze3A_2779 : i32 to vector<16xi32>
      %mul3A_2781 = arith.muli %broadcast_in_dim3A_2777, %mul3A_2780 : vector<16xi32>
      %broadcast_in_dim3A_2782 = arith.constant 1 : i32
      %broadcast_in_dim3A_2783 = vector.broadcast %broadcast_in_dim3A_2782 : i32 to vector<16xi32>
      %slice3A_2784 = vector.extract_strided_slice %sub3A_598 {offsets = [12], sizes = [1], strides = [1]} : vector<16xi32> to vector<1xi32>
      %squeeze3A_2785 = vector.extract %slice3A_2784[0] : i32 from vector<1xi32>
      %mul3A_2786 = vector.broadcast %squeeze3A_2785 : i32 to vector<16xi32>
      %mul3A_2787 = arith.muli %broadcast_in_dim3A_2783, %mul3A_2786 : vector<16xi32>
      %gather3A_2788 = tpu.vector_load_idx %arg9[%add3A_2775, %mul3A_2781] : memref<128x128xf32, #tpu.memory_space<vmem>>[vector<16xi32>, vector<16xi32>], vector<16xf32>,
      %add3A_2789 = arith.constant 16 : i32
      %add3A_2790 = vector.broadcast %add3A_2789 : i32 to vector<16xi32>
      %add3A_2791 = arith.addi %add3A_2775, %add3A_2790 : vector<16xi32>
      %gather3A_2792 = tpu.vector_load_idx %arg9[%add3A_2791, %mul3A_2781] : memref<128x128xf32, #tpu.memory_space<vmem>>[vector<16xi32>, vector<16xi32>], vector<16xf32>,
      %gather3A_2793 = tpu.vector_load_idx %arg10[%add3A_2775, %mul3A_2787] : memref<128x128xf32, #tpu.memory_space<vmem>>[vector<16xi32>, vector<16xi32>], vector<16xf32>,
      %add3A_2794 = arith.constant 16 : i32
      %add3A_2795 = vector.broadcast %add3A_2794 : i32 to vector<16xi32>
      %add3A_2796 = arith.addi %add3A_2775, %add3A_2795 : vector<16xi32>
      %gather3A_2797 = tpu.vector_load_idx %arg10[%add3A_2796, %mul3A_2787] : memref<128x128xf32, #tpu.memory_space<vmem>>[vector<16xi32>, vector<16xi32>], vector<16xf32>,
      %mul3A_2798 = arith.mulf %gather3A_2788, %gather3A_2793 : vector<16xf32>
      %mul3A_2799 = arith.mulf %gather3A_2792, %gather3A_2797 : vector<16xf32>
      %add3A_2800 = arith.addf %mul3A_2798, %mul3A_2799 : vector<16xf32>
      %reduce_sum3A_2801 = arith.constant true
      %reduce_sum3A_2802 = vector.broadcast %reduce_sum3A_2801 : i1 to vector<16xi1>
      %reduce_sum3A_2803 = tpu.scan <sum>, %add3A_2800 masked %reduce_sum3A_2802 : vector<16xf32>, vector<16xi1> -> vector<16xf32>
      %reduce_sum3A_2804 = vector.extract %reduce_sum3A_2803[15] : f32 from vector<16xf32>
      %eq3A_2805 = arith.constant 12 : i32
      %eq3A_2806 = vector.broadcast %eq3A_2805 : i32 to vector<16xi32>
      %eq3A_2807 = arith.cmpi eq, %iota3A, %eq3A_2806 : vector<16xi32>
      %broadcast_in_dim3A_2808 = vector.broadcast %reduce_sum3A_2804 : f32 to vector<16xf32>
      %select_n3A_2809 = arith.select %eq3A_2807, %broadcast_in_dim3A_2808, %select_n3A_2632 : vector<16xi1>, vector<16xf32>
      %slice3A_2810 = vector.extract_strided_slice %mul3A_615 {offsets = [8], sizes = [1], strides = [1]} : vector<16xi32> to vector<1xi32>
      %squeeze3A_2811 = vector.extract %slice3A_2810[0] : i32 from vector<1xi32>
      %slice3A_2812 = vector.extract_strided_slice %mul3A_621 {offsets = [8], sizes = [1], strides = [1]} : vector<16xi32> to vector<1xi32>
      %squeeze3A_2813 = vector.extract %slice3A_2812[0] : i32 from vector<1xi32>
      %multiple_of3A_2814 = tpu.assume_multiple %squeeze3A_2811, 128 : i32
      %multiple_of3A_2815 = tpu.assume_multiple %squeeze3A_2813, 128 : i32
      %dma_start3A_2816 = arith.constant 0 : i32
      %dma_start3A_2817 = arith.constant 0 : i32
      %dma_start3A_2818 = arith.constant 0 : i32
      %dma_start3A_2819 = tpu.memref_slice %arg9[%dma_start3A_2817, %dma_start3A_2818] : memref<128x128xf32, #tpu.memory_space<vmem>> -> memref<8x128xf32, #tpu.memory_space<vmem>>
      %dma_start3A_2820 = arith.constant 0 : i32
      %dma_start3A_2821 = tpu.memref_slice %arg4[%dma_start3A_2820, %multiple_of3A_2814] : memref<32x1000000xf32, #tpu.memory_space<hbm>> -> memref<8x128xf32, #tpu.memory_space<hbm>>
      %dma_start3A_2822 = tpu.memref_slice %arg12[%dma_start3A_2816] : memref<4x!tpu.dma_semaphore, #tpu.memory_space<semaphore_mem>> -> memref<1x!tpu.dma_semaphore, #tpu.memory_space<semaphore_mem>>
      %dma_start3A_2823 = tpu.memref_squeeze %dma_start3A_2822 : memref<1x!tpu.dma_semaphore, #tpu.memory_space<semaphore_mem>> -> memref<!tpu.dma_semaphore, #tpu.memory_space<semaphore_mem>>
      %dma_start3A_2824 = arith.constant 0 : i32
      %dma_start3A_2825 = arith.constant 0 : i32
      %dma_start3A_2826 = tpu.memref_slice %arg9[%dma_start3A_2824, %dma_start3A_2825] : memref<128x128xf32, #tpu.memory_space<vmem>> -> memref<8x128xf32, #tpu.memory_space<vmem>>
      %dma_start3A_2827 = arith.constant 0 : i32
      %dma_start3A_2828 = tpu.memref_slice %arg4[%dma_start3A_2827, %multiple_of3A_2814] : memref<32x1000000xf32, #tpu.memory_space<hbm>> -> memref<8x128xf32, #tpu.memory_space<hbm>>
      tpu.enqueue_dma source(%dma_start3A_2828 : memref<8x128xf32, #tpu.memory_space<hbm>>) target(%dma_start3A_2826 : memref<8x128xf32, #tpu.memory_space<vmem>>) target_semaphore(%dma_start3A_2823 : memref<!tpu.dma_semaphore, #tpu.memory_space<semaphore_mem>>)
      %dma_start3A_2829 = arith.constant 0 : i32
      %dma_start3A_2830 = arith.constant 0 : i32
      %dma_start3A_2831 = arith.constant 0 : i32
      %dma_start3A_2832 = tpu.memref_slice %arg10[%dma_start3A_2830, %dma_start3A_2831] : memref<128x128xf32, #tpu.memory_space<vmem>> -> memref<8x128xf32, #tpu.memory_space<vmem>>
      %dma_start3A_2833 = arith.constant 0 : i32
      %dma_start3A_2834 = tpu.memref_slice %arg5[%dma_start3A_2833, %multiple_of3A_2815] : memref<32x1000000xf32, #tpu.memory_space<hbm>> -> memref<8x128xf32, #tpu.memory_space<hbm>>
      %dma_start3A_2835 = tpu.memref_slice %arg13[%dma_start3A_2829] : memref<4x!tpu.dma_semaphore, #tpu.memory_space<semaphore_mem>> -> memref<1x!tpu.dma_semaphore, #tpu.memory_space<semaphore_mem>>
      %dma_start3A_2836 = tpu.memref_squeeze %dma_start3A_2835 : memref<1x!tpu.dma_semaphore, #tpu.memory_space<semaphore_mem>> -> memref<!tpu.dma_semaphore, #tpu.memory_space<semaphore_mem>>
      %dma_start3A_2837 = arith.constant 0 : i32
      %dma_start3A_2838 = arith.constant 0 : i32
      %dma_start3A_2839 = tpu.memref_slice %arg10[%dma_start3A_2837, %dma_start3A_2838] : memref<128x128xf32, #tpu.memory_space<vmem>> -> memref<8x128xf32, #tpu.memory_space<vmem>>
      %dma_start3A_2840 = arith.constant 0 : i32
      %dma_start3A_2841 = tpu.memref_slice %arg5[%dma_start3A_2840, %multiple_of3A_2815] : memref<32x1000000xf32, #tpu.memory_space<hbm>> -> memref<8x128xf32, #tpu.memory_space<hbm>>
      tpu.enqueue_dma source(%dma_start3A_2841 : memref<8x128xf32, #tpu.memory_space<hbm>>) target(%dma_start3A_2839 : memref<8x128xf32, #tpu.memory_space<vmem>>) target_semaphore(%dma_start3A_2836 : memref<!tpu.dma_semaphore, #tpu.memory_space<semaphore_mem>>)
      %dma_start3A_2842 = arith.constant 0 : i32
      %dma_start3A_2843 = arith.constant 8 : i32
      %dma_start3A_2844 = arith.constant 0 : i32
      %dma_start3A_2845 = tpu.memref_slice %arg9[%dma_start3A_2843, %dma_start3A_2844] : memref<128x128xf32, #tpu.memory_space<vmem>> -> memref<8x128xf32, #tpu.memory_space<vmem>>
      %dma_start3A_2846 = arith.constant 8 : i32
      %dma_start3A_2847 = tpu.memref_slice %arg4[%dma_start3A_2846, %multiple_of3A_2814] : memref<32x1000000xf32, #tpu.memory_space<hbm>> -> memref<8x128xf32, #tpu.memory_space<hbm>>
      %dma_start3A_2848 = tpu.memref_slice %arg12[%dma_start3A_2842] : memref<4x!tpu.dma_semaphore, #tpu.memory_space<semaphore_mem>> -> memref<1x!tpu.dma_semaphore, #tpu.memory_space<semaphore_mem>>
      %dma_start3A_2849 = tpu.memref_squeeze %dma_start3A_2848 : memref<1x!tpu.dma_semaphore, #tpu.memory_space<semaphore_mem>> -> memref<!tpu.dma_semaphore, #tpu.memory_space<semaphore_mem>>
      %dma_start3A_2850 = arith.constant 8 : i32
      %dma_start3A_2851 = arith.constant 0 : i32
      %dma_start3A_2852 = tpu.memref_slice %arg9[%dma_start3A_2850, %dma_start3A_2851] : memref<128x128xf32, #tpu.memory_space<vmem>> -> memref<8x128xf32, #tpu.memory_space<vmem>>
      %dma_start3A_2853 = arith.constant 8 : i32
      %dma_start3A_2854 = tpu.memref_slice %arg4[%dma_start3A_2853, %multiple_of3A_2814] : memref<32x1000000xf32, #tpu.memory_space<hbm>> -> memref<8x128xf32, #tpu.memory_space<hbm>>
      tpu.enqueue_dma source(%dma_start3A_2854 : memref<8x128xf32, #tpu.memory_space<hbm>>) target(%dma_start3A_2852 : memref<8x128xf32, #tpu.memory_space<vmem>>) target_semaphore(%dma_start3A_2849 : memref<!tpu.dma_semaphore, #tpu.memory_space<semaphore_mem>>)
      %dma_start3A_2855 = arith.constant 0 : i32
      %dma_start3A_2856 = arith.constant 8 : i32
      %dma_start3A_2857 = arith.constant 0 : i32
      %dma_start3A_2858 = tpu.memref_slice %arg10[%dma_start3A_2856, %dma_start3A_2857] : memref<128x128xf32, #tpu.memory_space<vmem>> -> memref<8x128xf32, #tpu.memory_space<vmem>>
      %dma_start3A_2859 = arith.constant 8 : i32
      %dma_start3A_2860 = tpu.memref_slice %arg5[%dma_start3A_2859, %multiple_of3A_2815] : memref<32x1000000xf32, #tpu.memory_space<hbm>> -> memref<8x128xf32, #tpu.memory_space<hbm>>
      %dma_start3A_2861 = tpu.memref_slice %arg13[%dma_start3A_2855] : memref<4x!tpu.dma_semaphore, #tpu.memory_space<semaphore_mem>> -> memref<1x!tpu.dma_semaphore, #tpu.memory_space<semaphore_mem>>
      %dma_start3A_2862 = tpu.memref_squeeze %dma_start3A_2861 : memref<1x!tpu.dma_semaphore, #tpu.memory_space<semaphore_mem>> -> memref<!tpu.dma_semaphore, #tpu.memory_space<semaphore_mem>>
      %dma_start3A_2863 = arith.constant 8 : i32
      %dma_start3A_2864 = arith.constant 0 : i32
      %dma_start3A_2865 = tpu.memref_slice %arg10[%dma_start3A_2863, %dma_start3A_2864] : memref<128x128xf32, #tpu.memory_space<vmem>> -> memref<8x128xf32, #tpu.memory_space<vmem>>
      %dma_start3A_2866 = arith.constant 8 : i32
      %dma_start3A_2867 = tpu.memref_slice %arg5[%dma_start3A_2866, %multiple_of3A_2815] : memref<32x1000000xf32, #tpu.memory_space<hbm>> -> memref<8x128xf32, #tpu.memory_space<hbm>>
      tpu.enqueue_dma source(%dma_start3A_2867 : memref<8x128xf32, #tpu.memory_space<hbm>>) target(%dma_start3A_2865 : memref<8x128xf32, #tpu.memory_space<vmem>>) target_semaphore(%dma_start3A_2862 : memref<!tpu.dma_semaphore, #tpu.memory_space<semaphore_mem>>)
      %dma_start3A_2868 = arith.constant 0 : i32
      %dma_start3A_2869 = arith.constant 16 : i32
      %dma_start3A_2870 = arith.constant 0 : i32
      %dma_start3A_2871 = tpu.memref_slice %arg9[%dma_start3A_2869, %dma_start3A_2870] : memref<128x128xf32, #tpu.memory_space<vmem>> -> memref<8x128xf32, #tpu.memory_space<vmem>>
      %dma_start3A_2872 = arith.constant 16 : i32
      %dma_start3A_2873 = tpu.memref_slice %arg4[%dma_start3A_2872, %multiple_of3A_2814] : memref<32x1000000xf32, #tpu.memory_space<hbm>> -> memref<8x128xf32, #tpu.memory_space<hbm>>
      %dma_start3A_2874 = tpu.memref_slice %arg12[%dma_start3A_2868] : memref<4x!tpu.dma_semaphore, #tpu.memory_space<semaphore_mem>> -> memref<1x!tpu.dma_semaphore, #tpu.memory_space<semaphore_mem>>
      %dma_start3A_2875 = tpu.memref_squeeze %dma_start3A_2874 : memref<1x!tpu.dma_semaphore, #tpu.memory_space<semaphore_mem>> -> memref<!tpu.dma_semaphore, #tpu.memory_space<semaphore_mem>>
      %dma_start3A_2876 = arith.constant 16 : i32
      %dma_start3A_2877 = arith.constant 0 : i32
      %dma_start3A_2878 = tpu.memref_slice %arg9[%dma_start3A_2876, %dma_start3A_2877] : memref<128x128xf32, #tpu.memory_space<vmem>> -> memref<8x128xf32, #tpu.memory_space<vmem>>
      %dma_start3A_2879 = arith.constant 16 : i32
      %dma_start3A_2880 = tpu.memref_slice %arg4[%dma_start3A_2879, %multiple_of3A_2814] : memref<32x1000000xf32, #tpu.memory_space<hbm>> -> memref<8x128xf32, #tpu.memory_space<hbm>>
      tpu.enqueue_dma source(%dma_start3A_2880 : memref<8x128xf32, #tpu.memory_space<hbm>>) target(%dma_start3A_2878 : memref<8x128xf32, #tpu.memory_space<vmem>>) target_semaphore(%dma_start3A_2875 : memref<!tpu.dma_semaphore, #tpu.memory_space<semaphore_mem>>)
      %dma_start3A_2881 = arith.constant 0 : i32
      %dma_start3A_2882 = arith.constant 16 : i32
      %dma_start3A_2883 = arith.constant 0 : i32
      %dma_start3A_2884 = tpu.memref_slice %arg10[%dma_start3A_2882, %dma_start3A_2883] : memref<128x128xf32, #tpu.memory_space<vmem>> -> memref<8x128xf32, #tpu.memory_space<vmem>>
      %dma_start3A_2885 = arith.constant 16 : i32
      %dma_start3A_2886 = tpu.memref_slice %arg5[%dma_start3A_2885, %multiple_of3A_2815] : memref<32x1000000xf32, #tpu.memory_space<hbm>> -> memref<8x128xf32, #tpu.memory_space<hbm>>
      %dma_start3A_2887 = tpu.memref_slice %arg13[%dma_start3A_2881] : memref<4x!tpu.dma_semaphore, #tpu.memory_space<semaphore_mem>> -> memref<1x!tpu.dma_semaphore, #tpu.memory_space<semaphore_mem>>
      %dma_start3A_2888 = tpu.memref_squeeze %dma_start3A_2887 : memref<1x!tpu.dma_semaphore, #tpu.memory_space<semaphore_mem>> -> memref<!tpu.dma_semaphore, #tpu.memory_space<semaphore_mem>>
      %dma_start3A_2889 = arith.constant 16 : i32
      %dma_start3A_2890 = arith.constant 0 : i32
      %dma_start3A_2891 = tpu.memref_slice %arg10[%dma_start3A_2889, %dma_start3A_2890] : memref<128x128xf32, #tpu.memory_space<vmem>> -> memref<8x128xf32, #tpu.memory_space<vmem>>
      %dma_start3A_2892 = arith.constant 16 : i32
      %dma_start3A_2893 = tpu.memref_slice %arg5[%dma_start3A_2892, %multiple_of3A_2815] : memref<32x1000000xf32, #tpu.memory_space<hbm>> -> memref<8x128xf32, #tpu.memory_space<hbm>>
      tpu.enqueue_dma source(%dma_start3A_2893 : memref<8x128xf32, #tpu.memory_space<hbm>>) target(%dma_start3A_2891 : memref<8x128xf32, #tpu.memory_space<vmem>>) target_semaphore(%dma_start3A_2888 : memref<!tpu.dma_semaphore, #tpu.memory_space<semaphore_mem>>)
      %dma_start3A_2894 = arith.constant 0 : i32
      %dma_start3A_2895 = arith.constant 24 : i32
      %dma_start3A_2896 = arith.constant 0 : i32
      %dma_start3A_2897 = tpu.memref_slice %arg9[%dma_start3A_2895, %dma_start3A_2896] : memref<128x128xf32, #tpu.memory_space<vmem>> -> memref<8x128xf32, #tpu.memory_space<vmem>>
      %dma_start3A_2898 = arith.constant 24 : i32
      %dma_start3A_2899 = tpu.memref_slice %arg4[%dma_start3A_2898, %multiple_of3A_2814] : memref<32x1000000xf32, #tpu.memory_space<hbm>> -> memref<8x128xf32, #tpu.memory_space<hbm>>
      %dma_start3A_2900 = tpu.memref_slice %arg12[%dma_start3A_2894] : memref<4x!tpu.dma_semaphore, #tpu.memory_space<semaphore_mem>> -> memref<1x!tpu.dma_semaphore, #tpu.memory_space<semaphore_mem>>
      %dma_start3A_2901 = tpu.memref_squeeze %dma_start3A_2900 : memref<1x!tpu.dma_semaphore, #tpu.memory_space<semaphore_mem>> -> memref<!tpu.dma_semaphore, #tpu.memory_space<semaphore_mem>>
      %dma_start3A_2902 = arith.constant 24 : i32
      %dma_start3A_2903 = arith.constant 0 : i32
      %dma_start3A_2904 = tpu.memref_slice %arg9[%dma_start3A_2902, %dma_start3A_2903] : memref<128x128xf32, #tpu.memory_space<vmem>> -> memref<8x128xf32, #tpu.memory_space<vmem>>
      %dma_start3A_2905 = arith.constant 24 : i32
      %dma_start3A_2906 = tpu.memref_slice %arg4[%dma_start3A_2905, %multiple_of3A_2814] : memref<32x1000000xf32, #tpu.memory_space<hbm>> -> memref<8x128xf32, #tpu.memory_space<hbm>>
      tpu.enqueue_dma source(%dma_start3A_2906 : memref<8x128xf32, #tpu.memory_space<hbm>>) target(%dma_start3A_2904 : memref<8x128xf32, #tpu.memory_space<vmem>>) target_semaphore(%dma_start3A_2901 : memref<!tpu.dma_semaphore, #tpu.memory_space<semaphore_mem>>)
      %dma_start3A_2907 = arith.constant 0 : i32
      %dma_start3A_2908 = arith.constant 24 : i32
      %dma_start3A_2909 = arith.constant 0 : i32
      %dma_start3A_2910 = tpu.memref_slice %arg10[%dma_start3A_2908, %dma_start3A_2909] : memref<128x128xf32, #tpu.memory_space<vmem>> -> memref<8x128xf32, #tpu.memory_space<vmem>>
      %dma_start3A_2911 = arith.constant 24 : i32
      %dma_start3A_2912 = tpu.memref_slice %arg5[%dma_start3A_2911, %multiple_of3A_2815] : memref<32x1000000xf32, #tpu.memory_space<hbm>> -> memref<8x128xf32, #tpu.memory_space<hbm>>
      %dma_start3A_2913 = tpu.memref_slice %arg13[%dma_start3A_2907] : memref<4x!tpu.dma_semaphore, #tpu.memory_space<semaphore_mem>> -> memref<1x!tpu.dma_semaphore, #tpu.memory_space<semaphore_mem>>
      %dma_start3A_2914 = tpu.memref_squeeze %dma_start3A_2913 : memref<1x!tpu.dma_semaphore, #tpu.memory_space<semaphore_mem>> -> memref<!tpu.dma_semaphore, #tpu.memory_space<semaphore_mem>>
      %dma_start3A_2915 = arith.constant 24 : i32
      %dma_start3A_2916 = arith.constant 0 : i32
      %dma_start3A_2917 = tpu.memref_slice %arg10[%dma_start3A_2915, %dma_start3A_2916] : memref<128x128xf32, #tpu.memory_space<vmem>> -> memref<8x128xf32, #tpu.memory_space<vmem>>
      %dma_start3A_2918 = arith.constant 24 : i32
      %dma_start3A_2919 = tpu.memref_slice %arg5[%dma_start3A_2918, %multiple_of3A_2815] : memref<32x1000000xf32, #tpu.memory_space<hbm>> -> memref<8x128xf32, #tpu.memory_space<hbm>>
      tpu.enqueue_dma source(%dma_start3A_2919 : memref<8x128xf32, #tpu.memory_space<hbm>>) target(%dma_start3A_2917 : memref<8x128xf32, #tpu.memory_space<vmem>>) target_semaphore(%dma_start3A_2914 : memref<!tpu.dma_semaphore, #tpu.memory_space<semaphore_mem>>)
      %dma_wait3A_2920 = arith.constant 1 : i32
      %dma_wait3A_2921 = arith.constant 32 : i32
      %dma_wait3A_2922 = arith.constant 0 : i32
      %dma_wait3A_2923 = tpu.memref_slice %arg9[%dma_wait3A_2921, %dma_wait3A_2922] : memref<128x128xf32, #tpu.memory_space<vmem>> -> memref<32x128xf32, #tpu.memory_space<vmem>>
      %dma_wait3A_2924 = arith.constant 0 : i32
      %dma_wait3A_2925 = arith.constant 0 : i32
      %dma_wait3A_2926 = tpu.memref_slice %arg4[%dma_wait3A_2924, %dma_wait3A_2925] : memref<32x1000000xf32, #tpu.memory_space<hbm>> -> memref<32x128xf32, #tpu.memory_space<hbm>>
      %dma_wait3A_2927 = tpu.memref_slice %arg12[%dma_wait3A_2920] : memref<4x!tpu.dma_semaphore, #tpu.memory_space<semaphore_mem>> -> memref<1x!tpu.dma_semaphore, #tpu.memory_space<semaphore_mem>>
      %dma_wait3A_2928 = tpu.memref_squeeze %dma_wait3A_2927 : memref<1x!tpu.dma_semaphore, #tpu.memory_space<semaphore_mem>> -> memref<!tpu.dma_semaphore, #tpu.memory_space<semaphore_mem>>
      %dma_wait3A_2929 = arith.constant 32 : i32
      %dma_wait3A_2930 = arith.constant 0 : i32
      %dma_wait3A_2931 = tpu.memref_slice %arg9[%dma_wait3A_2929, %dma_wait3A_2930] : memref<128x128xf32, #tpu.memory_space<vmem>> -> memref<32x128xf32, #tpu.memory_space<vmem>>
      %dma_wait3A_2932 = arith.constant 0 : i32
      %dma_wait3A_2933 = arith.constant 0 : i32
      %dma_wait3A_2934 = tpu.memref_slice %arg4[%dma_wait3A_2932, %dma_wait3A_2933] : memref<32x1000000xf32, #tpu.memory_space<hbm>> -> memref<32x128xf32, #tpu.memory_space<hbm>>
      tpu.wait_dma2 semaphore(%dma_wait3A_2928 : memref<!tpu.dma_semaphore, #tpu.memory_space<semaphore_mem>>) src(%dma_wait3A_2934 : memref<32x128xf32, #tpu.memory_space<hbm>>) dst(%dma_wait3A_2931 : memref<32x128xf32, #tpu.memory_space<vmem>>)
      %dma_wait3A_2935 = arith.constant 1 : i32
      %dma_wait3A_2936 = arith.constant 32 : i32
      %dma_wait3A_2937 = arith.constant 0 : i32
      %dma_wait3A_2938 = tpu.memref_slice %arg10[%dma_wait3A_2936, %dma_wait3A_2937] : memref<128x128xf32, #tpu.memory_space<vmem>> -> memref<32x128xf32, #tpu.memory_space<vmem>>
      %dma_wait3A_2939 = arith.constant 0 : i32
      %dma_wait3A_2940 = arith.constant 0 : i32
      %dma_wait3A_2941 = tpu.memref_slice %arg5[%dma_wait3A_2939, %dma_wait3A_2940] : memref<32x1000000xf32, #tpu.memory_space<hbm>> -> memref<32x128xf32, #tpu.memory_space<hbm>>
      %dma_wait3A_2942 = tpu.memref_slice %arg13[%dma_wait3A_2935] : memref<4x!tpu.dma_semaphore, #tpu.memory_space<semaphore_mem>> -> memref<1x!tpu.dma_semaphore, #tpu.memory_space<semaphore_mem>>
      %dma_wait3A_2943 = tpu.memref_squeeze %dma_wait3A_2942 : memref<1x!tpu.dma_semaphore, #tpu.memory_space<semaphore_mem>> -> memref<!tpu.dma_semaphore, #tpu.memory_space<semaphore_mem>>
      %dma_wait3A_2944 = arith.constant 32 : i32
      %dma_wait3A_2945 = arith.constant 0 : i32
      %dma_wait3A_2946 = tpu.memref_slice %arg10[%dma_wait3A_2944, %dma_wait3A_2945] : memref<128x128xf32, #tpu.memory_space<vmem>> -> memref<32x128xf32, #tpu.memory_space<vmem>>
      %dma_wait3A_2947 = arith.constant 0 : i32
      %dma_wait3A_2948 = arith.constant 0 : i32
      %dma_wait3A_2949 = tpu.memref_slice %arg5[%dma_wait3A_2947, %dma_wait3A_2948] : memref<32x1000000xf32, #tpu.memory_space<hbm>> -> memref<32x128xf32, #tpu.memory_space<hbm>>
      tpu.wait_dma2 semaphore(%dma_wait3A_2943 : memref<!tpu.dma_semaphore, #tpu.memory_space<semaphore_mem>>) src(%dma_wait3A_2949 : memref<32x128xf32, #tpu.memory_space<hbm>>) dst(%dma_wait3A_2946 : memref<32x128xf32, #tpu.memory_space<vmem>>)
      %broadcast_in_dim3A_2950 = arith.constant 32 : i32
      %broadcast_in_dim3A_2951 = vector.broadcast %broadcast_in_dim3A_2950 : i32 to vector<16xi32>
      %add3A_2952 = arith.addi %broadcast_in_dim3A_2951, %iota3A : vector<16xi32>
      %broadcast_in_dim3A_2953 = arith.constant 1 : i32
      %broadcast_in_dim3A_2954 = vector.broadcast %broadcast_in_dim3A_2953 : i32 to vector<16xi32>
      %slice3A_2955 = vector.extract_strided_slice %sub3A {offsets = [13], sizes = [1], strides = [1]} : vector<16xi32> to vector<1xi32>
      %squeeze3A_2956 = vector.extract %slice3A_2955[0] : i32 from vector<1xi32>
      %mul3A_2957 = vector.broadcast %squeeze3A_2956 : i32 to vector<16xi32>
      %mul3A_2958 = arith.muli %broadcast_in_dim3A_2954, %mul3A_2957 : vector<16xi32>
      %broadcast_in_dim3A_2959 = arith.constant 1 : i32
      %broadcast_in_dim3A_2960 = vector.broadcast %broadcast_in_dim3A_2959 : i32 to vector<16xi32>
      %slice3A_2961 = vector.extract_strided_slice %sub3A_598 {offsets = [13], sizes = [1], strides = [1]} : vector<16xi32> to vector<1xi32>
      %squeeze3A_2962 = vector.extract %slice3A_2961[0] : i32 from vector<1xi32>
      %mul3A_2963 = vector.broadcast %squeeze3A_2962 : i32 to vector<16xi32>
      %mul3A_2964 = arith.muli %broadcast_in_dim3A_2960, %mul3A_2963 : vector<16xi32>
      %gather3A_2965 = tpu.vector_load_idx %arg9[%add3A_2952, %mul3A_2958] : memref<128x128xf32, #tpu.memory_space<vmem>>[vector<16xi32>, vector<16xi32>], vector<16xf32>,
      %add3A_2966 = arith.constant 16 : i32
      %add3A_2967 = vector.broadcast %add3A_2966 : i32 to vector<16xi32>
      %add3A_2968 = arith.addi %add3A_2952, %add3A_2967 : vector<16xi32>
      %gather3A_2969 = tpu.vector_load_idx %arg9[%add3A_2968, %mul3A_2958] : memref<128x128xf32, #tpu.memory_space<vmem>>[vector<16xi32>, vector<16xi32>], vector<16xf32>,
      %gather3A_2970 = tpu.vector_load_idx %arg10[%add3A_2952, %mul3A_2964] : memref<128x128xf32, #tpu.memory_space<vmem>>[vector<16xi32>, vector<16xi32>], vector<16xf32>,
      %add3A_2971 = arith.constant 16 : i32
      %add3A_2972 = vector.broadcast %add3A_2971 : i32 to vector<16xi32>
      %add3A_2973 = arith.addi %add3A_2952, %add3A_2972 : vector<16xi32>
      %gather3A_2974 = tpu.vector_load_idx %arg10[%add3A_2973, %mul3A_2964] : memref<128x128xf32, #tpu.memory_space<vmem>>[vector<16xi32>, vector<16xi32>], vector<16xf32>,
      %mul3A_2975 = arith.mulf %gather3A_2965, %gather3A_2970 : vector<16xf32>
      %mul3A_2976 = arith.mulf %gather3A_2969, %gather3A_2974 : vector<16xf32>
      %add3A_2977 = arith.addf %mul3A_2975, %mul3A_2976 : vector<16xf32>
      %reduce_sum3A_2978 = arith.constant true
      %reduce_sum3A_2979 = vector.broadcast %reduce_sum3A_2978 : i1 to vector<16xi1>
      %reduce_sum3A_2980 = tpu.scan <sum>, %add3A_2977 masked %reduce_sum3A_2979 : vector<16xf32>, vector<16xi1> -> vector<16xf32>
      %reduce_sum3A_2981 = vector.extract %reduce_sum3A_2980[15] : f32 from vector<16xf32>
      %eq3A_2982 = arith.constant 13 : i32
      %eq3A_2983 = vector.broadcast %eq3A_2982 : i32 to vector<16xi32>
      %eq3A_2984 = arith.cmpi eq, %iota3A, %eq3A_2983 : vector<16xi32>
      %broadcast_in_dim3A_2985 = vector.broadcast %reduce_sum3A_2981 : f32 to vector<16xf32>
      %select_n3A_2986 = arith.select %eq3A_2984, %broadcast_in_dim3A_2985, %select_n3A_2809 : vector<16xi1>, vector<16xf32>
      %slice3A_2987 = vector.extract_strided_slice %mul3A_615 {offsets = [9], sizes = [1], strides = [1]} : vector<16xi32> to vector<1xi32>
      %squeeze3A_2988 = vector.extract %slice3A_2987[0] : i32 from vector<1xi32>
      %slice3A_2989 = vector.extract_strided_slice %mul3A_621 {offsets = [9], sizes = [1], strides = [1]} : vector<16xi32> to vector<1xi32>
      %squeeze3A_2990 = vector.extract %slice3A_2989[0] : i32 from vector<1xi32>
      %multiple_of3A_2991 = tpu.assume_multiple %squeeze3A_2988, 128 : i32
      %multiple_of3A_2992 = tpu.assume_multiple %squeeze3A_2990, 128 : i32
      %dma_start3A_2993 = arith.constant 1 : i32
      %dma_start3A_2994 = arith.constant 32 : i32
      %dma_start3A_2995 = arith.constant 0 : i32
      %dma_start3A_2996 = tpu.memref_slice %arg9[%dma_start3A_2994, %dma_start3A_2995] : memref<128x128xf32, #tpu.memory_space<vmem>> -> memref<8x128xf32, #tpu.memory_space<vmem>>
      %dma_start3A_2997 = arith.constant 0 : i32
      %dma_start3A_2998 = tpu.memref_slice %arg4[%dma_start3A_2997, %multiple_of3A_2991] : memref<32x1000000xf32, #tpu.memory_space<hbm>> -> memref<8x128xf32, #tpu.memory_space<hbm>>
      %dma_start3A_2999 = tpu.memref_slice %arg12[%dma_start3A_2993] : memref<4x!tpu.dma_semaphore, #tpu.memory_space<semaphore_mem>> -> memref<1x!tpu.dma_semaphore, #tpu.memory_space<semaphore_mem>>
      %dma_start3A_3000 = tpu.memref_squeeze %dma_start3A_2999 : memref<1x!tpu.dma_semaphore, #tpu.memory_space<semaphore_mem>> -> memref<!tpu.dma_semaphore, #tpu.memory_space<semaphore_mem>>
      %dma_start3A_3001 = arith.constant 32 : i32
      %dma_start3A_3002 = arith.constant 0 : i32
      %dma_start3A_3003 = tpu.memref_slice %arg9[%dma_start3A_3001, %dma_start3A_3002] : memref<128x128xf32, #tpu.memory_space<vmem>> -> memref<8x128xf32, #tpu.memory_space<vmem>>
      %dma_start3A_3004 = arith.constant 0 : i32
      %dma_start3A_3005 = tpu.memref_slice %arg4[%dma_start3A_3004, %multiple_of3A_2991] : memref<32x1000000xf32, #tpu.memory_space<hbm>> -> memref<8x128xf32, #tpu.memory_space<hbm>>
      tpu.enqueue_dma source(%dma_start3A_3005 : memref<8x128xf32, #tpu.memory_space<hbm>>) target(%dma_start3A_3003 : memref<8x128xf32, #tpu.memory_space<vmem>>) target_semaphore(%dma_start3A_3000 : memref<!tpu.dma_semaphore, #tpu.memory_space<semaphore_mem>>)
      %dma_start3A_3006 = arith.constant 1 : i32
      %dma_start3A_3007 = arith.constant 32 : i32
      %dma_start3A_3008 = arith.constant 0 : i32
      %dma_start3A_3009 = tpu.memref_slice %arg10[%dma_start3A_3007, %dma_start3A_3008] : memref<128x128xf32, #tpu.memory_space<vmem>> -> memref<8x128xf32, #tpu.memory_space<vmem>>
      %dma_start3A_3010 = arith.constant 0 : i32
      %dma_start3A_3011 = tpu.memref_slice %arg5[%dma_start3A_3010, %multiple_of3A_2992] : memref<32x1000000xf32, #tpu.memory_space<hbm>> -> memref<8x128xf32, #tpu.memory_space<hbm>>
      %dma_start3A_3012 = tpu.memref_slice %arg13[%dma_start3A_3006] : memref<4x!tpu.dma_semaphore, #tpu.memory_space<semaphore_mem>> -> memref<1x!tpu.dma_semaphore, #tpu.memory_space<semaphore_mem>>
      %dma_start3A_3013 = tpu.memref_squeeze %dma_start3A_3012 : memref<1x!tpu.dma_semaphore, #tpu.memory_space<semaphore_mem>> -> memref<!tpu.dma_semaphore, #tpu.memory_space<semaphore_mem>>
      %dma_start3A_3014 = arith.constant 32 : i32
      %dma_start3A_3015 = arith.constant 0 : i32
      %dma_start3A_3016 = tpu.memref_slice %arg10[%dma_start3A_3014, %dma_start3A_3015] : memref<128x128xf32, #tpu.memory_space<vmem>> -> memref<8x128xf32, #tpu.memory_space<vmem>>
      %dma_start3A_3017 = arith.constant 0 : i32
      %dma_start3A_3018 = tpu.memref_slice %arg5[%dma_start3A_3017, %multiple_of3A_2992] : memref<32x1000000xf32, #tpu.memory_space<hbm>> -> memref<8x128xf32, #tpu.memory_space<hbm>>
      tpu.enqueue_dma source(%dma_start3A_3018 : memref<8x128xf32, #tpu.memory_space<hbm>>) target(%dma_start3A_3016 : memref<8x128xf32, #tpu.memory_space<vmem>>) target_semaphore(%dma_start3A_3013 : memref<!tpu.dma_semaphore, #tpu.memory_space<semaphore_mem>>)
      %dma_start3A_3019 = arith.constant 1 : i32
      %dma_start3A_3020 = arith.constant 40 : i32
      %dma_start3A_3021 = arith.constant 0 : i32
      %dma_start3A_3022 = tpu.memref_slice %arg9[%dma_start3A_3020, %dma_start3A_3021] : memref<128x128xf32, #tpu.memory_space<vmem>> -> memref<8x128xf32, #tpu.memory_space<vmem>>
      %dma_start3A_3023 = arith.constant 8 : i32
      %dma_start3A_3024 = tpu.memref_slice %arg4[%dma_start3A_3023, %multiple_of3A_2991] : memref<32x1000000xf32, #tpu.memory_space<hbm>> -> memref<8x128xf32, #tpu.memory_space<hbm>>
      %dma_start3A_3025 = tpu.memref_slice %arg12[%dma_start3A_3019] : memref<4x!tpu.dma_semaphore, #tpu.memory_space<semaphore_mem>> -> memref<1x!tpu.dma_semaphore, #tpu.memory_space<semaphore_mem>>
      %dma_start3A_3026 = tpu.memref_squeeze %dma_start3A_3025 : memref<1x!tpu.dma_semaphore, #tpu.memory_space<semaphore_mem>> -> memref<!tpu.dma_semaphore, #tpu.memory_space<semaphore_mem>>
      %dma_start3A_3027 = arith.constant 40 : i32
      %dma_start3A_3028 = arith.constant 0 : i32
      %dma_start3A_3029 = tpu.memref_slice %arg9[%dma_start3A_3027, %dma_start3A_3028] : memref<128x128xf32, #tpu.memory_space<vmem>> -> memref<8x128xf32, #tpu.memory_space<vmem>>
      %dma_start3A_3030 = arith.constant 8 : i32
      %dma_start3A_3031 = tpu.memref_slice %arg4[%dma_start3A_3030, %multiple_of3A_2991] : memref<32x1000000xf32, #tpu.memory_space<hbm>> -> memref<8x128xf32, #tpu.memory_space<hbm>>
      tpu.enqueue_dma source(%dma_start3A_3031 : memref<8x128xf32, #tpu.memory_space<hbm>>) target(%dma_start3A_3029 : memref<8x128xf32, #tpu.memory_space<vmem>>) target_semaphore(%dma_start3A_3026 : memref<!tpu.dma_semaphore, #tpu.memory_space<semaphore_mem>>)
      %dma_start3A_3032 = arith.constant 1 : i32
      %dma_start3A_3033 = arith.constant 40 : i32
      %dma_start3A_3034 = arith.constant 0 : i32
      %dma_start3A_3035 = tpu.memref_slice %arg10[%dma_start3A_3033, %dma_start3A_3034] : memref<128x128xf32, #tpu.memory_space<vmem>> -> memref<8x128xf32, #tpu.memory_space<vmem>>
      %dma_start3A_3036 = arith.constant 8 : i32
      %dma_start3A_3037 = tpu.memref_slice %arg5[%dma_start3A_3036, %multiple_of3A_2992] : memref<32x1000000xf32, #tpu.memory_space<hbm>> -> memref<8x128xf32, #tpu.memory_space<hbm>>
      %dma_start3A_3038 = tpu.memref_slice %arg13[%dma_start3A_3032] : memref<4x!tpu.dma_semaphore, #tpu.memory_space<semaphore_mem>> -> memref<1x!tpu.dma_semaphore, #tpu.memory_space<semaphore_mem>>
      %dma_start3A_3039 = tpu.memref_squeeze %dma_start3A_3038 : memref<1x!tpu.dma_semaphore, #tpu.memory_space<semaphore_mem>> -> memref<!tpu.dma_semaphore, #tpu.memory_space<semaphore_mem>>
      %dma_start3A_3040 = arith.constant 40 : i32
      %dma_start3A_3041 = arith.constant 0 : i32
      %dma_start3A_3042 = tpu.memref_slice %arg10[%dma_start3A_3040, %dma_start3A_3041] : memref<128x128xf32, #tpu.memory_space<vmem>> -> memref<8x128xf32, #tpu.memory_space<vmem>>
      %dma_start3A_3043 = arith.constant 8 : i32
      %dma_start3A_3044 = tpu.memref_slice %arg5[%dma_start3A_3043, %multiple_of3A_2992] : memref<32x1000000xf32, #tpu.memory_space<hbm>> -> memref<8x128xf32, #tpu.memory_space<hbm>>
      tpu.enqueue_dma source(%dma_start3A_3044 : memref<8x128xf32, #tpu.memory_space<hbm>>) target(%dma_start3A_3042 : memref<8x128xf32, #tpu.memory_space<vmem>>) target_semaphore(%dma_start3A_3039 : memref<!tpu.dma_semaphore, #tpu.memory_space<semaphore_mem>>)
      %dma_start3A_3045 = arith.constant 1 : i32
      %dma_start3A_3046 = arith.constant 48 : i32
      %dma_start3A_3047 = arith.constant 0 : i32
      %dma_start3A_3048 = tpu.memref_slice %arg9[%dma_start3A_3046, %dma_start3A_3047] : memref<128x128xf32, #tpu.memory_space<vmem>> -> memref<8x128xf32, #tpu.memory_space<vmem>>
      %dma_start3A_3049 = arith.constant 16 : i32
      %dma_start3A_3050 = tpu.memref_slice %arg4[%dma_start3A_3049, %multiple_of3A_2991] : memref<32x1000000xf32, #tpu.memory_space<hbm>> -> memref<8x128xf32, #tpu.memory_space<hbm>>
      %dma_start3A_3051 = tpu.memref_slice %arg12[%dma_start3A_3045] : memref<4x!tpu.dma_semaphore, #tpu.memory_space<semaphore_mem>> -> memref<1x!tpu.dma_semaphore, #tpu.memory_space<semaphore_mem>>
      %dma_start3A_3052 = tpu.memref_squeeze %dma_start3A_3051 : memref<1x!tpu.dma_semaphore, #tpu.memory_space<semaphore_mem>> -> memref<!tpu.dma_semaphore, #tpu.memory_space<semaphore_mem>>
      %dma_start3A_3053 = arith.constant 48 : i32
      %dma_start3A_3054 = arith.constant 0 : i32
      %dma_start3A_3055 = tpu.memref_slice %arg9[%dma_start3A_3053, %dma_start3A_3054] : memref<128x128xf32, #tpu.memory_space<vmem>> -> memref<8x128xf32, #tpu.memory_space<vmem>>
      %dma_start3A_3056 = arith.constant 16 : i32
      %dma_start3A_3057 = tpu.memref_slice %arg4[%dma_start3A_3056, %multiple_of3A_2991] : memref<32x1000000xf32, #tpu.memory_space<hbm>> -> memref<8x128xf32, #tpu.memory_space<hbm>>
      tpu.enqueue_dma source(%dma_start3A_3057 : memref<8x128xf32, #tpu.memory_space<hbm>>) target(%dma_start3A_3055 : memref<8x128xf32, #tpu.memory_space<vmem>>) target_semaphore(%dma_start3A_3052 : memref<!tpu.dma_semaphore, #tpu.memory_space<semaphore_mem>>)
      %dma_start3A_3058 = arith.constant 1 : i32
      %dma_start3A_3059 = arith.constant 48 : i32
      %dma_start3A_3060 = arith.constant 0 : i32
      %dma_start3A_3061 = tpu.memref_slice %arg10[%dma_start3A_3059, %dma_start3A_3060] : memref<128x128xf32, #tpu.memory_space<vmem>> -> memref<8x128xf32, #tpu.memory_space<vmem>>
      %dma_start3A_3062 = arith.constant 16 : i32
      %dma_start3A_3063 = tpu.memref_slice %arg5[%dma_start3A_3062, %multiple_of3A_2992] : memref<32x1000000xf32, #tpu.memory_space<hbm>> -> memref<8x128xf32, #tpu.memory_space<hbm>>
      %dma_start3A_3064 = tpu.memref_slice %arg13[%dma_start3A_3058] : memref<4x!tpu.dma_semaphore, #tpu.memory_space<semaphore_mem>> -> memref<1x!tpu.dma_semaphore, #tpu.memory_space<semaphore_mem>>
      %dma_start3A_3065 = tpu.memref_squeeze %dma_start3A_3064 : memref<1x!tpu.dma_semaphore, #tpu.memory_space<semaphore_mem>> -> memref<!tpu.dma_semaphore, #tpu.memory_space<semaphore_mem>>
      %dma_start3A_3066 = arith.constant 48 : i32
      %dma_start3A_3067 = arith.constant 0 : i32
      %dma_start3A_3068 = tpu.memref_slice %arg10[%dma_start3A_3066, %dma_start3A_3067] : memref<128x128xf32, #tpu.memory_space<vmem>> -> memref<8x128xf32, #tpu.memory_space<vmem>>
      %dma_start3A_3069 = arith.constant 16 : i32
      %dma_start3A_3070 = tpu.memref_slice %arg5[%dma_start3A_3069, %multiple_of3A_2992] : memref<32x1000000xf32, #tpu.memory_space<hbm>> -> memref<8x128xf32, #tpu.memory_space<hbm>>
      tpu.enqueue_dma source(%dma_start3A_3070 : memref<8x128xf32, #tpu.memory_space<hbm>>) target(%dma_start3A_3068 : memref<8x128xf32, #tpu.memory_space<vmem>>) target_semaphore(%dma_start3A_3065 : memref<!tpu.dma_semaphore, #tpu.memory_space<semaphore_mem>>)
      %dma_start3A_3071 = arith.constant 1 : i32
      %dma_start3A_3072 = arith.constant 56 : i32
      %dma_start3A_3073 = arith.constant 0 : i32
      %dma_start3A_3074 = tpu.memref_slice %arg9[%dma_start3A_3072, %dma_start3A_3073] : memref<128x128xf32, #tpu.memory_space<vmem>> -> memref<8x128xf32, #tpu.memory_space<vmem>>
      %dma_start3A_3075 = arith.constant 24 : i32
      %dma_start3A_3076 = tpu.memref_slice %arg4[%dma_start3A_3075, %multiple_of3A_2991] : memref<32x1000000xf32, #tpu.memory_space<hbm>> -> memref<8x128xf32, #tpu.memory_space<hbm>>
      %dma_start3A_3077 = tpu.memref_slice %arg12[%dma_start3A_3071] : memref<4x!tpu.dma_semaphore, #tpu.memory_space<semaphore_mem>> -> memref<1x!tpu.dma_semaphore, #tpu.memory_space<semaphore_mem>>
      %dma_start3A_3078 = tpu.memref_squeeze %dma_start3A_3077 : memref<1x!tpu.dma_semaphore, #tpu.memory_space<semaphore_mem>> -> memref<!tpu.dma_semaphore, #tpu.memory_space<semaphore_mem>>
      %dma_start3A_3079 = arith.constant 56 : i32
      %dma_start3A_3080 = arith.constant 0 : i32
      %dma_start3A_3081 = tpu.memref_slice %arg9[%dma_start3A_3079, %dma_start3A_3080] : memref<128x128xf32, #tpu.memory_space<vmem>> -> memref<8x128xf32, #tpu.memory_space<vmem>>
      %dma_start3A_3082 = arith.constant 24 : i32
      %dma_start3A_3083 = tpu.memref_slice %arg4[%dma_start3A_3082, %multiple_of3A_2991] : memref<32x1000000xf32, #tpu.memory_space<hbm>> -> memref<8x128xf32, #tpu.memory_space<hbm>>
      tpu.enqueue_dma source(%dma_start3A_3083 : memref<8x128xf32, #tpu.memory_space<hbm>>) target(%dma_start3A_3081 : memref<8x128xf32, #tpu.memory_space<vmem>>) target_semaphore(%dma_start3A_3078 : memref<!tpu.dma_semaphore, #tpu.memory_space<semaphore_mem>>)
      %dma_start3A_3084 = arith.constant 1 : i32
      %dma_start3A_3085 = arith.constant 56 : i32
      %dma_start3A_3086 = arith.constant 0 : i32
      %dma_start3A_3087 = tpu.memref_slice %arg10[%dma_start3A_3085, %dma_start3A_3086] : memref<128x128xf32, #tpu.memory_space<vmem>> -> memref<8x128xf32, #tpu.memory_space<vmem>>
      %dma_start3A_3088 = arith.constant 24 : i32
      %dma_start3A_3089 = tpu.memref_slice %arg5[%dma_start3A_3088, %multiple_of3A_2992] : memref<32x1000000xf32, #tpu.memory_space<hbm>> -> memref<8x128xf32, #tpu.memory_space<hbm>>
      %dma_start3A_3090 = tpu.memref_slice %arg13[%dma_start3A_3084] : memref<4x!tpu.dma_semaphore, #tpu.memory_space<semaphore_mem>> -> memref<1x!tpu.dma_semaphore, #tpu.memory_space<semaphore_mem>>
      %dma_start3A_3091 = tpu.memref_squeeze %dma_start3A_3090 : memref<1x!tpu.dma_semaphore, #tpu.memory_space<semaphore_mem>> -> memref<!tpu.dma_semaphore, #tpu.memory_space<semaphore_mem>>
      %dma_start3A_3092 = arith.constant 56 : i32
      %dma_start3A_3093 = arith.constant 0 : i32
      %dma_start3A_3094 = tpu.memref_slice %arg10[%dma_start3A_3092, %dma_start3A_3093] : memref<128x128xf32, #tpu.memory_space<vmem>> -> memref<8x128xf32, #tpu.memory_space<vmem>>
      %dma_start3A_3095 = arith.constant 24 : i32
      %dma_start3A_3096 = tpu.memref_slice %arg5[%dma_start3A_3095, %multiple_of3A_2992] : memref<32x1000000xf32, #tpu.memory_space<hbm>> -> memref<8x128xf32, #tpu.memory_space<hbm>>
      tpu.enqueue_dma source(%dma_start3A_3096 : memref<8x128xf32, #tpu.memory_space<hbm>>) target(%dma_start3A_3094 : memref<8x128xf32, #tpu.memory_space<vmem>>) target_semaphore(%dma_start3A_3091 : memref<!tpu.dma_semaphore, #tpu.memory_space<semaphore_mem>>)
      %dma_wait3A_3097 = arith.constant 2 : i32
      %dma_wait3A_3098 = arith.constant 64 : i32
      %dma_wait3A_3099 = arith.constant 0 : i32
      %dma_wait3A_3100 = tpu.memref_slice %arg9[%dma_wait3A_3098, %dma_wait3A_3099] : memref<128x128xf32, #tpu.memory_space<vmem>> -> memref<32x128xf32, #tpu.memory_space<vmem>>
      %dma_wait3A_3101 = arith.constant 0 : i32
      %dma_wait3A_3102 = arith.constant 0 : i32
      %dma_wait3A_3103 = tpu.memref_slice %arg4[%dma_wait3A_3101, %dma_wait3A_3102] : memref<32x1000000xf32, #tpu.memory_space<hbm>> -> memref<32x128xf32, #tpu.memory_space<hbm>>
      %dma_wait3A_3104 = tpu.memref_slice %arg12[%dma_wait3A_3097] : memref<4x!tpu.dma_semaphore, #tpu.memory_space<semaphore_mem>> -> memref<1x!tpu.dma_semaphore, #tpu.memory_space<semaphore_mem>>
      %dma_wait3A_3105 = tpu.memref_squeeze %dma_wait3A_3104 : memref<1x!tpu.dma_semaphore, #tpu.memory_space<semaphore_mem>> -> memref<!tpu.dma_semaphore, #tpu.memory_space<semaphore_mem>>
      %dma_wait3A_3106 = arith.constant 64 : i32
      %dma_wait3A_3107 = arith.constant 0 : i32
      %dma_wait3A_3108 = tpu.memref_slice %arg9[%dma_wait3A_3106, %dma_wait3A_3107] : memref<128x128xf32, #tpu.memory_space<vmem>> -> memref<32x128xf32, #tpu.memory_space<vmem>>
      %dma_wait3A_3109 = arith.constant 0 : i32
      %dma_wait3A_3110 = arith.constant 0 : i32
      %dma_wait3A_3111 = tpu.memref_slice %arg4[%dma_wait3A_3109, %dma_wait3A_3110] : memref<32x1000000xf32, #tpu.memory_space<hbm>> -> memref<32x128xf32, #tpu.memory_space<hbm>>
      tpu.wait_dma2 semaphore(%dma_wait3A_3105 : memref<!tpu.dma_semaphore, #tpu.memory_space<semaphore_mem>>) src(%dma_wait3A_3111 : memref<32x128xf32, #tpu.memory_space<hbm>>) dst(%dma_wait3A_3108 : memref<32x128xf32, #tpu.memory_space<vmem>>)
      %dma_wait3A_3112 = arith.constant 2 : i32
      %dma_wait3A_3113 = arith.constant 64 : i32
      %dma_wait3A_3114 = arith.constant 0 : i32
      %dma_wait3A_3115 = tpu.memref_slice %arg10[%dma_wait3A_3113, %dma_wait3A_3114] : memref<128x128xf32, #tpu.memory_space<vmem>> -> memref<32x128xf32, #tpu.memory_space<vmem>>
      %dma_wait3A_3116 = arith.constant 0 : i32
      %dma_wait3A_3117 = arith.constant 0 : i32
      %dma_wait3A_3118 = tpu.memref_slice %arg5[%dma_wait3A_3116, %dma_wait3A_3117] : memref<32x1000000xf32, #tpu.memory_space<hbm>> -> memref<32x128xf32, #tpu.memory_space<hbm>>
      %dma_wait3A_3119 = tpu.memref_slice %arg13[%dma_wait3A_3112] : memref<4x!tpu.dma_semaphore, #tpu.memory_space<semaphore_mem>> -> memref<1x!tpu.dma_semaphore, #tpu.memory_space<semaphore_mem>>
      %dma_wait3A_3120 = tpu.memref_squeeze %dma_wait3A_3119 : memref<1x!tpu.dma_semaphore, #tpu.memory_space<semaphore_mem>> -> memref<!tpu.dma_semaphore, #tpu.memory_space<semaphore_mem>>
      %dma_wait3A_3121 = arith.constant 64 : i32
      %dma_wait3A_3122 = arith.constant 0 : i32
      %dma_wait3A_3123 = tpu.memref_slice %arg10[%dma_wait3A_3121, %dma_wait3A_3122] : memref<128x128xf32, #tpu.memory_space<vmem>> -> memref<32x128xf32, #tpu.memory_space<vmem>>
      %dma_wait3A_3124 = arith.constant 0 : i32
      %dma_wait3A_3125 = arith.constant 0 : i32
      %dma_wait3A_3126 = tpu.memref_slice %arg5[%dma_wait3A_3124, %dma_wait3A_3125] : memref<32x1000000xf32, #tpu.memory_space<hbm>> -> memref<32x128xf32, #tpu.memory_space<hbm>>
      tpu.wait_dma2 semaphore(%dma_wait3A_3120 : memref<!tpu.dma_semaphore, #tpu.memory_space<semaphore_mem>>) src(%dma_wait3A_3126 : memref<32x128xf32, #tpu.memory_space<hbm>>) dst(%dma_wait3A_3123 : memref<32x128xf32, #tpu.memory_space<vmem>>)
      %broadcast_in_dim3A_3127 = arith.constant 64 : i32
      %broadcast_in_dim3A_3128 = vector.broadcast %broadcast_in_dim3A_3127 : i32 to vector<16xi32>
      %add3A_3129 = arith.addi %broadcast_in_dim3A_3128, %iota3A : vector<16xi32>
      %broadcast_in_dim3A_3130 = arith.constant 1 : i32
      %broadcast_in_dim3A_3131 = vector.broadcast %broadcast_in_dim3A_3130 : i32 to vector<16xi32>
      %slice3A_3132 = vector.extract_strided_slice %sub3A {offsets = [14], sizes = [1], strides = [1]} : vector<16xi32> to vector<1xi32>
      %squeeze3A_3133 = vector.extract %slice3A_3132[0] : i32 from vector<1xi32>
      %mul3A_3134 = vector.broadcast %squeeze3A_3133 : i32 to vector<16xi32>
      %mul3A_3135 = arith.muli %broadcast_in_dim3A_3131, %mul3A_3134 : vector<16xi32>
      %broadcast_in_dim3A_3136 = arith.constant 1 : i32
      %broadcast_in_dim3A_3137 = vector.broadcast %broadcast_in_dim3A_3136 : i32 to vector<16xi32>
      %slice3A_3138 = vector.extract_strided_slice %sub3A_598 {offsets = [14], sizes = [1], strides = [1]} : vector<16xi32> to vector<1xi32>
      %squeeze3A_3139 = vector.extract %slice3A_3138[0] : i32 from vector<1xi32>
      %mul3A_3140 = vector.broadcast %squeeze3A_3139 : i32 to vector<16xi32>
      %mul3A_3141 = arith.muli %broadcast_in_dim3A_3137, %mul3A_3140 : vector<16xi32>
      %gather3A_3142 = tpu.vector_load_idx %arg9[%add3A_3129, %mul3A_3135] : memref<128x128xf32, #tpu.memory_space<vmem>>[vector<16xi32>, vector<16xi32>], vector<16xf32>,
      %add3A_3143 = arith.constant 16 : i32
      %add3A_3144 = vector.broadcast %add3A_3143 : i32 to vector<16xi32>
      %add3A_3145 = arith.addi %add3A_3129, %add3A_3144 : vector<16xi32>
      %gather3A_3146 = tpu.vector_load_idx %arg9[%add3A_3145, %mul3A_3135] : memref<128x128xf32, #tpu.memory_space<vmem>>[vector<16xi32>, vector<16xi32>], vector<16xf32>,
      %gather3A_3147 = tpu.vector_load_idx %arg10[%add3A_3129, %mul3A_3141] : memref<128x128xf32, #tpu.memory_space<vmem>>[vector<16xi32>, vector<16xi32>], vector<16xf32>,
      %add3A_3148 = arith.constant 16 : i32
      %add3A_3149 = vector.broadcast %add3A_3148 : i32 to vector<16xi32>
      %add3A_3150 = arith.addi %add3A_3129, %add3A_3149 : vector<16xi32>
      %gather3A_3151 = tpu.vector_load_idx %arg10[%add3A_3150, %mul3A_3141] : memref<128x128xf32, #tpu.memory_space<vmem>>[vector<16xi32>, vector<16xi32>], vector<16xf32>,
      %mul3A_3152 = arith.mulf %gather3A_3142, %gather3A_3147 : vector<16xf32>
      %mul3A_3153 = arith.mulf %gather3A_3146, %gather3A_3151 : vector<16xf32>
      %add3A_3154 = arith.addf %mul3A_3152, %mul3A_3153 : vector<16xf32>
      %reduce_sum3A_3155 = arith.constant true
      %reduce_sum3A_3156 = vector.broadcast %reduce_sum3A_3155 : i1 to vector<16xi1>
      %reduce_sum3A_3157 = tpu.scan <sum>, %add3A_3154 masked %reduce_sum3A_3156 : vector<16xf32>, vector<16xi1> -> vector<16xf32>
      %reduce_sum3A_3158 = vector.extract %reduce_sum3A_3157[15] : f32 from vector<16xf32>
      %eq3A_3159 = arith.constant 14 : i32
      %eq3A_3160 = vector.broadcast %eq3A_3159 : i32 to vector<16xi32>
      %eq3A_3161 = arith.cmpi eq, %iota3A, %eq3A_3160 : vector<16xi32>
      %broadcast_in_dim3A_3162 = vector.broadcast %reduce_sum3A_3158 : f32 to vector<16xf32>
      %select_n3A_3163 = arith.select %eq3A_3161, %broadcast_in_dim3A_3162, %select_n3A_2986 : vector<16xi1>, vector<16xf32>
      %slice3A_3164 = vector.extract_strided_slice %mul3A_615 {offsets = [10], sizes = [1], strides = [1]} : vector<16xi32> to vector<1xi32>
      %squeeze3A_3165 = vector.extract %slice3A_3164[0] : i32 from vector<1xi32>
      %slice3A_3166 = vector.extract_strided_slice %mul3A_621 {offsets = [10], sizes = [1], strides = [1]} : vector<16xi32> to vector<1xi32>
      %squeeze3A_3167 = vector.extract %slice3A_3166[0] : i32 from vector<1xi32>
      %multiple_of3A_3168 = tpu.assume_multiple %squeeze3A_3165, 128 : i32
      %multiple_of3A_3169 = tpu.assume_multiple %squeeze3A_3167, 128 : i32
      %dma_start3A_3170 = arith.constant 2 : i32
      %dma_start3A_3171 = arith.constant 64 : i32
      %dma_start3A_3172 = arith.constant 0 : i32
      %dma_start3A_3173 = tpu.memref_slice %arg9[%dma_start3A_3171, %dma_start3A_3172] : memref<128x128xf32, #tpu.memory_space<vmem>> -> memref<8x128xf32, #tpu.memory_space<vmem>>
      %dma_start3A_3174 = arith.constant 0 : i32
      %dma_start3A_3175 = tpu.memref_slice %arg4[%dma_start3A_3174, %multiple_of3A_3168] : memref<32x1000000xf32, #tpu.memory_space<hbm>> -> memref<8x128xf32, #tpu.memory_space<hbm>>
      %dma_start3A_3176 = tpu.memref_slice %arg12[%dma_start3A_3170] : memref<4x!tpu.dma_semaphore, #tpu.memory_space<semaphore_mem>> -> memref<1x!tpu.dma_semaphore, #tpu.memory_space<semaphore_mem>>
      %dma_start3A_3177 = tpu.memref_squeeze %dma_start3A_3176 : memref<1x!tpu.dma_semaphore, #tpu.memory_space<semaphore_mem>> -> memref<!tpu.dma_semaphore, #tpu.memory_space<semaphore_mem>>
      %dma_start3A_3178 = arith.constant 64 : i32
      %dma_start3A_3179 = arith.constant 0 : i32
      %dma_start3A_3180 = tpu.memref_slice %arg9[%dma_start3A_3178, %dma_start3A_3179] : memref<128x128xf32, #tpu.memory_space<vmem>> -> memref<8x128xf32, #tpu.memory_space<vmem>>
      %dma_start3A_3181 = arith.constant 0 : i32
      %dma_start3A_3182 = tpu.memref_slice %arg4[%dma_start3A_3181, %multiple_of3A_3168] : memref<32x1000000xf32, #tpu.memory_space<hbm>> -> memref<8x128xf32, #tpu.memory_space<hbm>>
      tpu.enqueue_dma source(%dma_start3A_3182 : memref<8x128xf32, #tpu.memory_space<hbm>>) target(%dma_start3A_3180 : memref<8x128xf32, #tpu.memory_space<vmem>>) target_semaphore(%dma_start3A_3177 : memref<!tpu.dma_semaphore, #tpu.memory_space<semaphore_mem>>)
      %dma_start3A_3183 = arith.constant 2 : i32
      %dma_start3A_3184 = arith.constant 64 : i32
      %dma_start3A_3185 = arith.constant 0 : i32
      %dma_start3A_3186 = tpu.memref_slice %arg10[%dma_start3A_3184, %dma_start3A_3185] : memref<128x128xf32, #tpu.memory_space<vmem>> -> memref<8x128xf32, #tpu.memory_space<vmem>>
      %dma_start3A_3187 = arith.constant 0 : i32
      %dma_start3A_3188 = tpu.memref_slice %arg5[%dma_start3A_3187, %multiple_of3A_3169] : memref<32x1000000xf32, #tpu.memory_space<hbm>> -> memref<8x128xf32, #tpu.memory_space<hbm>>
      %dma_start3A_3189 = tpu.memref_slice %arg13[%dma_start3A_3183] : memref<4x!tpu.dma_semaphore, #tpu.memory_space<semaphore_mem>> -> memref<1x!tpu.dma_semaphore, #tpu.memory_space<semaphore_mem>>
      %dma_start3A_3190 = tpu.memref_squeeze %dma_start3A_3189 : memref<1x!tpu.dma_semaphore, #tpu.memory_space<semaphore_mem>> -> memref<!tpu.dma_semaphore, #tpu.memory_space<semaphore_mem>>
      %dma_start3A_3191 = arith.constant 64 : i32
      %dma_start3A_3192 = arith.constant 0 : i32
      %dma_start3A_3193 = tpu.memref_slice %arg10[%dma_start3A_3191, %dma_start3A_3192] : memref<128x128xf32, #tpu.memory_space<vmem>> -> memref<8x128xf32, #tpu.memory_space<vmem>>
      %dma_start3A_3194 = arith.constant 0 : i32
      %dma_start3A_3195 = tpu.memref_slice %arg5[%dma_start3A_3194, %multiple_of3A_3169] : memref<32x1000000xf32, #tpu.memory_space<hbm>> -> memref<8x128xf32, #tpu.memory_space<hbm>>
      tpu.enqueue_dma source(%dma_start3A_3195 : memref<8x128xf32, #tpu.memory_space<hbm>>) target(%dma_start3A_3193 : memref<8x128xf32, #tpu.memory_space<vmem>>) target_semaphore(%dma_start3A_3190 : memref<!tpu.dma_semaphore, #tpu.memory_space<semaphore_mem>>)
      %dma_start3A_3196 = arith.constant 2 : i32
      %dma_start3A_3197 = arith.constant 72 : i32
      %dma_start3A_3198 = arith.constant 0 : i32
      %dma_start3A_3199 = tpu.memref_slice %arg9[%dma_start3A_3197, %dma_start3A_3198] : memref<128x128xf32, #tpu.memory_space<vmem>> -> memref<8x128xf32, #tpu.memory_space<vmem>>
      %dma_start3A_3200 = arith.constant 8 : i32
      %dma_start3A_3201 = tpu.memref_slice %arg4[%dma_start3A_3200, %multiple_of3A_3168] : memref<32x1000000xf32, #tpu.memory_space<hbm>> -> memref<8x128xf32, #tpu.memory_space<hbm>>
      %dma_start3A_3202 = tpu.memref_slice %arg12[%dma_start3A_3196] : memref<4x!tpu.dma_semaphore, #tpu.memory_space<semaphore_mem>> -> memref<1x!tpu.dma_semaphore, #tpu.memory_space<semaphore_mem>>
      %dma_start3A_3203 = tpu.memref_squeeze %dma_start3A_3202 : memref<1x!tpu.dma_semaphore, #tpu.memory_space<semaphore_mem>> -> memref<!tpu.dma_semaphore, #tpu.memory_space<semaphore_mem>>
      %dma_start3A_3204 = arith.constant 72 : i32
      %dma_start3A_3205 = arith.constant 0 : i32
      %dma_start3A_3206 = tpu.memref_slice %arg9[%dma_start3A_3204, %dma_start3A_3205] : memref<128x128xf32, #tpu.memory_space<vmem>> -> memref<8x128xf32, #tpu.memory_space<vmem>>
      %dma_start3A_3207 = arith.constant 8 : i32
      %dma_start3A_3208 = tpu.memref_slice %arg4[%dma_start3A_3207, %multiple_of3A_3168] : memref<32x1000000xf32, #tpu.memory_space<hbm>> -> memref<8x128xf32, #tpu.memory_space<hbm>>
      tpu.enqueue_dma source(%dma_start3A_3208 : memref<8x128xf32, #tpu.memory_space<hbm>>) target(%dma_start3A_3206 : memref<8x128xf32, #tpu.memory_space<vmem>>) target_semaphore(%dma_start3A_3203 : memref<!tpu.dma_semaphore, #tpu.memory_space<semaphore_mem>>)
      %dma_start3A_3209 = arith.constant 2 : i32
      %dma_start3A_3210 = arith.constant 72 : i32
      %dma_start3A_3211 = arith.constant 0 : i32
      %dma_start3A_3212 = tpu.memref_slice %arg10[%dma_start3A_3210, %dma_start3A_3211] : memref<128x128xf32, #tpu.memory_space<vmem>> -> memref<8x128xf32, #tpu.memory_space<vmem>>
      %dma_start3A_3213 = arith.constant 8 : i32
      %dma_start3A_3214 = tpu.memref_slice %arg5[%dma_start3A_3213, %multiple_of3A_3169] : memref<32x1000000xf32, #tpu.memory_space<hbm>> -> memref<8x128xf32, #tpu.memory_space<hbm>>
      %dma_start3A_3215 = tpu.memref_slice %arg13[%dma_start3A_3209] : memref<4x!tpu.dma_semaphore, #tpu.memory_space<semaphore_mem>> -> memref<1x!tpu.dma_semaphore, #tpu.memory_space<semaphore_mem>>
      %dma_start3A_3216 = tpu.memref_squeeze %dma_start3A_3215 : memref<1x!tpu.dma_semaphore, #tpu.memory_space<semaphore_mem>> -> memref<!tpu.dma_semaphore, #tpu.memory_space<semaphore_mem>>
      %dma_start3A_3217 = arith.constant 72 : i32
      %dma_start3A_3218 = arith.constant 0 : i32
      %dma_start3A_3219 = tpu.memref_slice %arg10[%dma_start3A_3217, %dma_start3A_3218] : memref<128x128xf32, #tpu.memory_space<vmem>> -> memref<8x128xf32, #tpu.memory_space<vmem>>
      %dma_start3A_3220 = arith.constant 8 : i32
      %dma_start3A_3221 = tpu.memref_slice %arg5[%dma_start3A_3220, %multiple_of3A_3169] : memref<32x1000000xf32, #tpu.memory_space<hbm>> -> memref<8x128xf32, #tpu.memory_space<hbm>>
      tpu.enqueue_dma source(%dma_start3A_3221 : memref<8x128xf32, #tpu.memory_space<hbm>>) target(%dma_start3A_3219 : memref<8x128xf32, #tpu.memory_space<vmem>>) target_semaphore(%dma_start3A_3216 : memref<!tpu.dma_semaphore, #tpu.memory_space<semaphore_mem>>)
      %dma_start3A_3222 = arith.constant 2 : i32
      %dma_start3A_3223 = arith.constant 80 : i32
      %dma_start3A_3224 = arith.constant 0 : i32
      %dma_start3A_3225 = tpu.memref_slice %arg9[%dma_start3A_3223, %dma_start3A_3224] : memref<128x128xf32, #tpu.memory_space<vmem>> -> memref<8x128xf32, #tpu.memory_space<vmem>>
      %dma_start3A_3226 = arith.constant 16 : i32
      %dma_start3A_3227 = tpu.memref_slice %arg4[%dma_start3A_3226, %multiple_of3A_3168] : memref<32x1000000xf32, #tpu.memory_space<hbm>> -> memref<8x128xf32, #tpu.memory_space<hbm>>
      %dma_start3A_3228 = tpu.memref_slice %arg12[%dma_start3A_3222] : memref<4x!tpu.dma_semaphore, #tpu.memory_space<semaphore_mem>> -> memref<1x!tpu.dma_semaphore, #tpu.memory_space<semaphore_mem>>
      %dma_start3A_3229 = tpu.memref_squeeze %dma_start3A_3228 : memref<1x!tpu.dma_semaphore, #tpu.memory_space<semaphore_mem>> -> memref<!tpu.dma_semaphore, #tpu.memory_space<semaphore_mem>>
      %dma_start3A_3230 = arith.constant 80 : i32
      %dma_start3A_3231 = arith.constant 0 : i32
      %dma_start3A_3232 = tpu.memref_slice %arg9[%dma_start3A_3230, %dma_start3A_3231] : memref<128x128xf32, #tpu.memory_space<vmem>> -> memref<8x128xf32, #tpu.memory_space<vmem>>
      %dma_start3A_3233 = arith.constant 16 : i32
      %dma_start3A_3234 = tpu.memref_slice %arg4[%dma_start3A_3233, %multiple_of3A_3168] : memref<32x1000000xf32, #tpu.memory_space<hbm>> -> memref<8x128xf32, #tpu.memory_space<hbm>>
      tpu.enqueue_dma source(%dma_start3A_3234 : memref<8x128xf32, #tpu.memory_space<hbm>>) target(%dma_start3A_3232 : memref<8x128xf32, #tpu.memory_space<vmem>>) target_semaphore(%dma_start3A_3229 : memref<!tpu.dma_semaphore, #tpu.memory_space<semaphore_mem>>)
      %dma_start3A_3235 = arith.constant 2 : i32
      %dma_start3A_3236 = arith.constant 80 : i32
      %dma_start3A_3237 = arith.constant 0 : i32
      %dma_start3A_3238 = tpu.memref_slice %arg10[%dma_start3A_3236, %dma_start3A_3237] : memref<128x128xf32, #tpu.memory_space<vmem>> -> memref<8x128xf32, #tpu.memory_space<vmem>>
      %dma_start3A_3239 = arith.constant 16 : i32
      %dma_start3A_3240 = tpu.memref_slice %arg5[%dma_start3A_3239, %multiple_of3A_3169] : memref<32x1000000xf32, #tpu.memory_space<hbm>> -> memref<8x128xf32, #tpu.memory_space<hbm>>
      %dma_start3A_3241 = tpu.memref_slice %arg13[%dma_start3A_3235] : memref<4x!tpu.dma_semaphore, #tpu.memory_space<semaphore_mem>> -> memref<1x!tpu.dma_semaphore, #tpu.memory_space<semaphore_mem>>
      %dma_start3A_3242 = tpu.memref_squeeze %dma_start3A_3241 : memref<1x!tpu.dma_semaphore, #tpu.memory_space<semaphore_mem>> -> memref<!tpu.dma_semaphore, #tpu.memory_space<semaphore_mem>>
      %dma_start3A_3243 = arith.constant 80 : i32
      %dma_start3A_3244 = arith.constant 0 : i32
      %dma_start3A_3245 = tpu.memref_slice %arg10[%dma_start3A_3243, %dma_start3A_3244] : memref<128x128xf32, #tpu.memory_space<vmem>> -> memref<8x128xf32, #tpu.memory_space<vmem>>
      %dma_start3A_3246 = arith.constant 16 : i32
      %dma_start3A_3247 = tpu.memref_slice %arg5[%dma_start3A_3246, %multiple_of3A_3169] : memref<32x1000000xf32, #tpu.memory_space<hbm>> -> memref<8x128xf32, #tpu.memory_space<hbm>>
      tpu.enqueue_dma source(%dma_start3A_3247 : memref<8x128xf32, #tpu.memory_space<hbm>>) target(%dma_start3A_3245 : memref<8x128xf32, #tpu.memory_space<vmem>>) target_semaphore(%dma_start3A_3242 : memref<!tpu.dma_semaphore, #tpu.memory_space<semaphore_mem>>)
      %dma_start3A_3248 = arith.constant 2 : i32
      %dma_start3A_3249 = arith.constant 88 : i32
      %dma_start3A_3250 = arith.constant 0 : i32
      %dma_start3A_3251 = tpu.memref_slice %arg9[%dma_start3A_3249, %dma_start3A_3250] : memref<128x128xf32, #tpu.memory_space<vmem>> -> memref<8x128xf32, #tpu.memory_space<vmem>>
      %dma_start3A_3252 = arith.constant 24 : i32
      %dma_start3A_3253 = tpu.memref_slice %arg4[%dma_start3A_3252, %multiple_of3A_3168] : memref<32x1000000xf32, #tpu.memory_space<hbm>> -> memref<8x128xf32, #tpu.memory_space<hbm>>
      %dma_start3A_3254 = tpu.memref_slice %arg12[%dma_start3A_3248] : memref<4x!tpu.dma_semaphore, #tpu.memory_space<semaphore_mem>> -> memref<1x!tpu.dma_semaphore, #tpu.memory_space<semaphore_mem>>
      %dma_start3A_3255 = tpu.memref_squeeze %dma_start3A_3254 : memref<1x!tpu.dma_semaphore, #tpu.memory_space<semaphore_mem>> -> memref<!tpu.dma_semaphore, #tpu.memory_space<semaphore_mem>>
      %dma_start3A_3256 = arith.constant 88 : i32
      %dma_start3A_3257 = arith.constant 0 : i32
      %dma_start3A_3258 = tpu.memref_slice %arg9[%dma_start3A_3256, %dma_start3A_3257] : memref<128x128xf32, #tpu.memory_space<vmem>> -> memref<8x128xf32, #tpu.memory_space<vmem>>
      %dma_start3A_3259 = arith.constant 24 : i32
      %dma_start3A_3260 = tpu.memref_slice %arg4[%dma_start3A_3259, %multiple_of3A_3168] : memref<32x1000000xf32, #tpu.memory_space<hbm>> -> memref<8x128xf32, #tpu.memory_space<hbm>>
      tpu.enqueue_dma source(%dma_start3A_3260 : memref<8x128xf32, #tpu.memory_space<hbm>>) target(%dma_start3A_3258 : memref<8x128xf32, #tpu.memory_space<vmem>>) target_semaphore(%dma_start3A_3255 : memref<!tpu.dma_semaphore, #tpu.memory_space<semaphore_mem>>)
      %dma_start3A_3261 = arith.constant 2 : i32
      %dma_start3A_3262 = arith.constant 88 : i32
      %dma_start3A_3263 = arith.constant 0 : i32
      %dma_start3A_3264 = tpu.memref_slice %arg10[%dma_start3A_3262, %dma_start3A_3263] : memref<128x128xf32, #tpu.memory_space<vmem>> -> memref<8x128xf32, #tpu.memory_space<vmem>>
      %dma_start3A_3265 = arith.constant 24 : i32
      %dma_start3A_3266 = tpu.memref_slice %arg5[%dma_start3A_3265, %multiple_of3A_3169] : memref<32x1000000xf32, #tpu.memory_space<hbm>> -> memref<8x128xf32, #tpu.memory_space<hbm>>
      %dma_start3A_3267 = tpu.memref_slice %arg13[%dma_start3A_3261] : memref<4x!tpu.dma_semaphore, #tpu.memory_space<semaphore_mem>> -> memref<1x!tpu.dma_semaphore, #tpu.memory_space<semaphore_mem>>
      %dma_start3A_3268 = tpu.memref_squeeze %dma_start3A_3267 : memref<1x!tpu.dma_semaphore, #tpu.memory_space<semaphore_mem>> -> memref<!tpu.dma_semaphore, #tpu.memory_space<semaphore_mem>>
      %dma_start3A_3269 = arith.constant 88 : i32
      %dma_start3A_3270 = arith.constant 0 : i32
      %dma_start3A_3271 = tpu.memref_slice %arg10[%dma_start3A_3269, %dma_start3A_3270] : memref<128x128xf32, #tpu.memory_space<vmem>> -> memref<8x128xf32, #tpu.memory_space<vmem>>
      %dma_start3A_3272 = arith.constant 24 : i32
      %dma_start3A_3273 = tpu.memref_slice %arg5[%dma_start3A_3272, %multiple_of3A_3169] : memref<32x1000000xf32, #tpu.memory_space<hbm>> -> memref<8x128xf32, #tpu.memory_space<hbm>>
      tpu.enqueue_dma source(%dma_start3A_3273 : memref<8x128xf32, #tpu.memory_space<hbm>>) target(%dma_start3A_3271 : memref<8x128xf32, #tpu.memory_space<vmem>>) target_semaphore(%dma_start3A_3268 : memref<!tpu.dma_semaphore, #tpu.memory_space<semaphore_mem>>)
      %dma_wait3A_3274 = arith.constant 3 : i32
      %dma_wait3A_3275 = arith.constant 96 : i32
      %dma_wait3A_3276 = arith.constant 0 : i32
      %dma_wait3A_3277 = tpu.memref_slice %arg9[%dma_wait3A_3275, %dma_wait3A_3276] : memref<128x128xf32, #tpu.memory_space<vmem>> -> memref<32x128xf32, #tpu.memory_space<vmem>>
      %dma_wait3A_3278 = arith.constant 0 : i32
      %dma_wait3A_3279 = arith.constant 0 : i32
      %dma_wait3A_3280 = tpu.memref_slice %arg4[%dma_wait3A_3278, %dma_wait3A_3279] : memref<32x1000000xf32, #tpu.memory_space<hbm>> -> memref<32x128xf32, #tpu.memory_space<hbm>>
      %dma_wait3A_3281 = tpu.memref_slice %arg12[%dma_wait3A_3274] : memref<4x!tpu.dma_semaphore, #tpu.memory_space<semaphore_mem>> -> memref<1x!tpu.dma_semaphore, #tpu.memory_space<semaphore_mem>>
      %dma_wait3A_3282 = tpu.memref_squeeze %dma_wait3A_3281 : memref<1x!tpu.dma_semaphore, #tpu.memory_space<semaphore_mem>> -> memref<!tpu.dma_semaphore, #tpu.memory_space<semaphore_mem>>
      %dma_wait3A_3283 = arith.constant 96 : i32
      %dma_wait3A_3284 = arith.constant 0 : i32
      %dma_wait3A_3285 = tpu.memref_slice %arg9[%dma_wait3A_3283, %dma_wait3A_3284] : memref<128x128xf32, #tpu.memory_space<vmem>> -> memref<32x128xf32, #tpu.memory_space<vmem>>
      %dma_wait3A_3286 = arith.constant 0 : i32
      %dma_wait3A_3287 = arith.constant 0 : i32
      %dma_wait3A_3288 = tpu.memref_slice %arg4[%dma_wait3A_3286, %dma_wait3A_3287] : memref<32x1000000xf32, #tpu.memory_space<hbm>> -> memref<32x128xf32, #tpu.memory_space<hbm>>
      tpu.wait_dma2 semaphore(%dma_wait3A_3282 : memref<!tpu.dma_semaphore, #tpu.memory_space<semaphore_mem>>) src(%dma_wait3A_3288 : memref<32x128xf32, #tpu.memory_space<hbm>>) dst(%dma_wait3A_3285 : memref<32x128xf32, #tpu.memory_space<vmem>>)
      %dma_wait3A_3289 = arith.constant 3 : i32
      %dma_wait3A_3290 = arith.constant 96 : i32
      %dma_wait3A_3291 = arith.constant 0 : i32
      %dma_wait3A_3292 = tpu.memref_slice %arg10[%dma_wait3A_3290, %dma_wait3A_3291] : memref<128x128xf32, #tpu.memory_space<vmem>> -> memref<32x128xf32, #tpu.memory_space<vmem>>
      %dma_wait3A_3293 = arith.constant 0 : i32
      %dma_wait3A_3294 = arith.constant 0 : i32
      %dma_wait3A_3295 = tpu.memref_slice %arg5[%dma_wait3A_3293, %dma_wait3A_3294] : memref<32x1000000xf32, #tpu.memory_space<hbm>> -> memref<32x128xf32, #tpu.memory_space<hbm>>
      %dma_wait3A_3296 = tpu.memref_slice %arg13[%dma_wait3A_3289] : memref<4x!tpu.dma_semaphore, #tpu.memory_space<semaphore_mem>> -> memref<1x!tpu.dma_semaphore, #tpu.memory_space<semaphore_mem>>
      %dma_wait3A_3297 = tpu.memref_squeeze %dma_wait3A_3296 : memref<1x!tpu.dma_semaphore, #tpu.memory_space<semaphore_mem>> -> memref<!tpu.dma_semaphore, #tpu.memory_space<semaphore_mem>>
      %dma_wait3A_3298 = arith.constant 96 : i32
      %dma_wait3A_3299 = arith.constant 0 : i32
      %dma_wait3A_3300 = tpu.memref_slice %arg10[%dma_wait3A_3298, %dma_wait3A_3299] : memref<128x128xf32, #tpu.memory_space<vmem>> -> memref<32x128xf32, #tpu.memory_space<vmem>>
      %dma_wait3A_3301 = arith.constant 0 : i32
      %dma_wait3A_3302 = arith.constant 0 : i32
      %dma_wait3A_3303 = tpu.memref_slice %arg5[%dma_wait3A_3301, %dma_wait3A_3302] : memref<32x1000000xf32, #tpu.memory_space<hbm>> -> memref<32x128xf32, #tpu.memory_space<hbm>>
      tpu.wait_dma2 semaphore(%dma_wait3A_3297 : memref<!tpu.dma_semaphore, #tpu.memory_space<semaphore_mem>>) src(%dma_wait3A_3303 : memref<32x128xf32, #tpu.memory_space<hbm>>) dst(%dma_wait3A_3300 : memref<32x128xf32, #tpu.memory_space<vmem>>)
      %broadcast_in_dim3A_3304 = arith.constant 96 : i32
      %broadcast_in_dim3A_3305 = vector.broadcast %broadcast_in_dim3A_3304 : i32 to vector<16xi32>
      %add3A_3306 = arith.addi %broadcast_in_dim3A_3305, %iota3A : vector<16xi32>
      %broadcast_in_dim3A_3307 = arith.constant 1 : i32
      %broadcast_in_dim3A_3308 = vector.broadcast %broadcast_in_dim3A_3307 : i32 to vector<16xi32>
      %slice3A_3309 = vector.extract_strided_slice %sub3A {offsets = [15], sizes = [1], strides = [1]} : vector<16xi32> to vector<1xi32>
      %squeeze3A_3310 = vector.extract %slice3A_3309[0] : i32 from vector<1xi32>
      %mul3A_3311 = vector.broadcast %squeeze3A_3310 : i32 to vector<16xi32>
      %mul3A_3312 = arith.muli %broadcast_in_dim3A_3308, %mul3A_3311 : vector<16xi32>
      %broadcast_in_dim3A_3313 = arith.constant 1 : i32
      %broadcast_in_dim3A_3314 = vector.broadcast %broadcast_in_dim3A_3313 : i32 to vector<16xi32>
      %slice3A_3315 = vector.extract_strided_slice %sub3A_598 {offsets = [15], sizes = [1], strides = [1]} : vector<16xi32> to vector<1xi32>
      %squeeze3A_3316 = vector.extract %slice3A_3315[0] : i32 from vector<1xi32>
      %mul3A_3317 = vector.broadcast %squeeze3A_3316 : i32 to vector<16xi32>
      %mul3A_3318 = arith.muli %broadcast_in_dim3A_3314, %mul3A_3317 : vector<16xi32>
      %gather3A_3319 = tpu.vector_load_idx %arg9[%add3A_3306, %mul3A_3312] : memref<128x128xf32, #tpu.memory_space<vmem>>[vector<16xi32>, vector<16xi32>], vector<16xf32>,
      %add3A_3320 = arith.constant 16 : i32
      %add3A_3321 = vector.broadcast %add3A_3320 : i32 to vector<16xi32>
      %add3A_3322 = arith.addi %add3A_3306, %add3A_3321 : vector<16xi32>
      %gather3A_3323 = tpu.vector_load_idx %arg9[%add3A_3322, %mul3A_3312] : memref<128x128xf32, #tpu.memory_space<vmem>>[vector<16xi32>, vector<16xi32>], vector<16xf32>,
      %gather3A_3324 = tpu.vector_load_idx %arg10[%add3A_3306, %mul3A_3318] : memref<128x128xf32, #tpu.memory_space<vmem>>[vector<16xi32>, vector<16xi32>], vector<16xf32>,
      %add3A_3325 = arith.constant 16 : i32
      %add3A_3326 = vector.broadcast %add3A_3325 : i32 to vector<16xi32>
      %add3A_3327 = arith.addi %add3A_3306, %add3A_3326 : vector<16xi32>
      %gather3A_3328 = tpu.vector_load_idx %arg10[%add3A_3327, %mul3A_3318] : memref<128x128xf32, #tpu.memory_space<vmem>>[vector<16xi32>, vector<16xi32>], vector<16xf32>,
      %mul3A_3329 = arith.mulf %gather3A_3319, %gather3A_3324 : vector<16xf32>
      %mul3A_3330 = arith.mulf %gather3A_3323, %gather3A_3328 : vector<16xf32>
      %add3A_3331 = arith.addf %mul3A_3329, %mul3A_3330 : vector<16xf32>
      %reduce_sum3A_3332 = arith.constant true
      %reduce_sum3A_3333 = vector.broadcast %reduce_sum3A_3332 : i1 to vector<16xi1>
      %reduce_sum3A_3334 = tpu.scan <sum>, %add3A_3331 masked %reduce_sum3A_3333 : vector<16xf32>, vector<16xi1> -> vector<16xf32>
      %reduce_sum3A_3335 = vector.extract %reduce_sum3A_3334[15] : f32 from vector<16xf32>
      %eq3A_3336 = arith.constant 15 : i32
      %eq3A_3337 = vector.broadcast %eq3A_3336 : i32 to vector<16xi32>
      %eq3A_3338 = arith.cmpi eq, %iota3A, %eq3A_3337 : vector<16xi32>
      %broadcast_in_dim3A_3339 = vector.broadcast %reduce_sum3A_3335 : f32 to vector<16xf32>
      %select_n3A_3340 = arith.select %eq3A_3338, %broadcast_in_dim3A_3339, %select_n3A_3163 : vector<16xi1>, vector<16xf32>
      %slice3A_3341 = vector.extract_strided_slice %mul3A_615 {offsets = [11], sizes = [1], strides = [1]} : vector<16xi32> to vector<1xi32>
      %squeeze3A_3342 = vector.extract %slice3A_3341[0] : i32 from vector<1xi32>
      %slice3A_3343 = vector.extract_strided_slice %mul3A_621 {offsets = [11], sizes = [1], strides = [1]} : vector<16xi32> to vector<1xi32>
      %squeeze3A_3344 = vector.extract %slice3A_3343[0] : i32 from vector<1xi32>
      %multiple_of3A_3345 = tpu.assume_multiple %squeeze3A_3342, 128 : i32
      %multiple_of3A_3346 = tpu.assume_multiple %squeeze3A_3344, 128 : i32
      %dma_start3A_3347 = arith.constant 3 : i32
      %dma_start3A_3348 = arith.constant 96 : i32
      %dma_start3A_3349 = arith.constant 0 : i32
      %dma_start3A_3350 = tpu.memref_slice %arg9[%dma_start3A_3348, %dma_start3A_3349] : memref<128x128xf32, #tpu.memory_space<vmem>> -> memref<8x128xf32, #tpu.memory_space<vmem>>
      %dma_start3A_3351 = arith.constant 0 : i32
      %dma_start3A_3352 = tpu.memref_slice %arg4[%dma_start3A_3351, %multiple_of3A_3345] : memref<32x1000000xf32, #tpu.memory_space<hbm>> -> memref<8x128xf32, #tpu.memory_space<hbm>>
      %dma_start3A_3353 = tpu.memref_slice %arg12[%dma_start3A_3347] : memref<4x!tpu.dma_semaphore, #tpu.memory_space<semaphore_mem>> -> memref<1x!tpu.dma_semaphore, #tpu.memory_space<semaphore_mem>>
      %dma_start3A_3354 = tpu.memref_squeeze %dma_start3A_3353 : memref<1x!tpu.dma_semaphore, #tpu.memory_space<semaphore_mem>> -> memref<!tpu.dma_semaphore, #tpu.memory_space<semaphore_mem>>
      %dma_start3A_3355 = arith.constant 96 : i32
      %dma_start3A_3356 = arith.constant 0 : i32
      %dma_start3A_3357 = tpu.memref_slice %arg9[%dma_start3A_3355, %dma_start3A_3356] : memref<128x128xf32, #tpu.memory_space<vmem>> -> memref<8x128xf32, #tpu.memory_space<vmem>>
      %dma_start3A_3358 = arith.constant 0 : i32
      %dma_start3A_3359 = tpu.memref_slice %arg4[%dma_start3A_3358, %multiple_of3A_3345] : memref<32x1000000xf32, #tpu.memory_space<hbm>> -> memref<8x128xf32, #tpu.memory_space<hbm>>
      tpu.enqueue_dma source(%dma_start3A_3359 : memref<8x128xf32, #tpu.memory_space<hbm>>) target(%dma_start3A_3357 : memref<8x128xf32, #tpu.memory_space<vmem>>) target_semaphore(%dma_start3A_3354 : memref<!tpu.dma_semaphore, #tpu.memory_space<semaphore_mem>>)
      %dma_start3A_3360 = arith.constant 3 : i32
      %dma_start3A_3361 = arith.constant 96 : i32
      %dma_start3A_3362 = arith.constant 0 : i32
      %dma_start3A_3363 = tpu.memref_slice %arg10[%dma_start3A_3361, %dma_start3A_3362] : memref<128x128xf32, #tpu.memory_space<vmem>> -> memref<8x128xf32, #tpu.memory_space<vmem>>
      %dma_start3A_3364 = arith.constant 0 : i32
      %dma_start3A_3365 = tpu.memref_slice %arg5[%dma_start3A_3364, %multiple_of3A_3346] : memref<32x1000000xf32, #tpu.memory_space<hbm>> -> memref<8x128xf32, #tpu.memory_space<hbm>>
      %dma_start3A_3366 = tpu.memref_slice %arg13[%dma_start3A_3360] : memref<4x!tpu.dma_semaphore, #tpu.memory_space<semaphore_mem>> -> memref<1x!tpu.dma_semaphore, #tpu.memory_space<semaphore_mem>>
      %dma_start3A_3367 = tpu.memref_squeeze %dma_start3A_3366 : memref<1x!tpu.dma_semaphore, #tpu.memory_space<semaphore_mem>> -> memref<!tpu.dma_semaphore, #tpu.memory_space<semaphore_mem>>
      %dma_start3A_3368 = arith.constant 96 : i32
      %dma_start3A_3369 = arith.constant 0 : i32
      %dma_start3A_3370 = tpu.memref_slice %arg10[%dma_start3A_3368, %dma_start3A_3369] : memref<128x128xf32, #tpu.memory_space<vmem>> -> memref<8x128xf32, #tpu.memory_space<vmem>>
      %dma_start3A_3371 = arith.constant 0 : i32
      %dma_start3A_3372 = tpu.memref_slice %arg5[%dma_start3A_3371, %multiple_of3A_3346] : memref<32x1000000xf32, #tpu.memory_space<hbm>> -> memref<8x128xf32, #tpu.memory_space<hbm>>
      tpu.enqueue_dma source(%dma_start3A_3372 : memref<8x128xf32, #tpu.memory_space<hbm>>) target(%dma_start3A_3370 : memref<8x128xf32, #tpu.memory_space<vmem>>) target_semaphore(%dma_start3A_3367 : memref<!tpu.dma_semaphore, #tpu.memory_space<semaphore_mem>>)
      %dma_start3A_3373 = arith.constant 3 : i32
      %dma_start3A_3374 = arith.constant 104 : i32
      %dma_start3A_3375 = arith.constant 0 : i32
      %dma_start3A_3376 = tpu.memref_slice %arg9[%dma_start3A_3374, %dma_start3A_3375] : memref<128x128xf32, #tpu.memory_space<vmem>> -> memref<8x128xf32, #tpu.memory_space<vmem>>
      %dma_start3A_3377 = arith.constant 8 : i32
      %dma_start3A_3378 = tpu.memref_slice %arg4[%dma_start3A_3377, %multiple_of3A_3345] : memref<32x1000000xf32, #tpu.memory_space<hbm>> -> memref<8x128xf32, #tpu.memory_space<hbm>>
      %dma_start3A_3379 = tpu.memref_slice %arg12[%dma_start3A_3373] : memref<4x!tpu.dma_semaphore, #tpu.memory_space<semaphore_mem>> -> memref<1x!tpu.dma_semaphore, #tpu.memory_space<semaphore_mem>>
      %dma_start3A_3380 = tpu.memref_squeeze %dma_start3A_3379 : memref<1x!tpu.dma_semaphore, #tpu.memory_space<semaphore_mem>> -> memref<!tpu.dma_semaphore, #tpu.memory_space<semaphore_mem>>
      %dma_start3A_3381 = arith.constant 104 : i32
      %dma_start3A_3382 = arith.constant 0 : i32
      %dma_start3A_3383 = tpu.memref_slice %arg9[%dma_start3A_3381, %dma_start3A_3382] : memref<128x128xf32, #tpu.memory_space<vmem>> -> memref<8x128xf32, #tpu.memory_space<vmem>>
      %dma_start3A_3384 = arith.constant 8 : i32
      %dma_start3A_3385 = tpu.memref_slice %arg4[%dma_start3A_3384, %multiple_of3A_3345] : memref<32x1000000xf32, #tpu.memory_space<hbm>> -> memref<8x128xf32, #tpu.memory_space<hbm>>
      tpu.enqueue_dma source(%dma_start3A_3385 : memref<8x128xf32, #tpu.memory_space<hbm>>) target(%dma_start3A_3383 : memref<8x128xf32, #tpu.memory_space<vmem>>) target_semaphore(%dma_start3A_3380 : memref<!tpu.dma_semaphore, #tpu.memory_space<semaphore_mem>>)
      %dma_start3A_3386 = arith.constant 3 : i32
      %dma_start3A_3387 = arith.constant 104 : i32
      %dma_start3A_3388 = arith.constant 0 : i32
      %dma_start3A_3389 = tpu.memref_slice %arg10[%dma_start3A_3387, %dma_start3A_3388] : memref<128x128xf32, #tpu.memory_space<vmem>> -> memref<8x128xf32, #tpu.memory_space<vmem>>
      %dma_start3A_3390 = arith.constant 8 : i32
      %dma_start3A_3391 = tpu.memref_slice %arg5[%dma_start3A_3390, %multiple_of3A_3346] : memref<32x1000000xf32, #tpu.memory_space<hbm>> -> memref<8x128xf32, #tpu.memory_space<hbm>>
      %dma_start3A_3392 = tpu.memref_slice %arg13[%dma_start3A_3386] : memref<4x!tpu.dma_semaphore, #tpu.memory_space<semaphore_mem>> -> memref<1x!tpu.dma_semaphore, #tpu.memory_space<semaphore_mem>>
      %dma_start3A_3393 = tpu.memref_squeeze %dma_start3A_3392 : memref<1x!tpu.dma_semaphore, #tpu.memory_space<semaphore_mem>> -> memref<!tpu.dma_semaphore, #tpu.memory_space<semaphore_mem>>
      %dma_start3A_3394 = arith.constant 104 : i32
      %dma_start3A_3395 = arith.constant 0 : i32
      %dma_start3A_3396 = tpu.memref_slice %arg10[%dma_start3A_3394, %dma_start3A_3395] : memref<128x128xf32, #tpu.memory_space<vmem>> -> memref<8x128xf32, #tpu.memory_space<vmem>>
      %dma_start3A_3397 = arith.constant 8 : i32
      %dma_start3A_3398 = tpu.memref_slice %arg5[%dma_start3A_3397, %multiple_of3A_3346] : memref<32x1000000xf32, #tpu.memory_space<hbm>> -> memref<8x128xf32, #tpu.memory_space<hbm>>
      tpu.enqueue_dma source(%dma_start3A_3398 : memref<8x128xf32, #tpu.memory_space<hbm>>) target(%dma_start3A_3396 : memref<8x128xf32, #tpu.memory_space<vmem>>) target_semaphore(%dma_start3A_3393 : memref<!tpu.dma_semaphore, #tpu.memory_space<semaphore_mem>>)
      %dma_start3A_3399 = arith.constant 3 : i32
      %dma_start3A_3400 = arith.constant 112 : i32
      %dma_start3A_3401 = arith.constant 0 : i32
      %dma_start3A_3402 = tpu.memref_slice %arg9[%dma_start3A_3400, %dma_start3A_3401] : memref<128x128xf32, #tpu.memory_space<vmem>> -> memref<8x128xf32, #tpu.memory_space<vmem>>
      %dma_start3A_3403 = arith.constant 16 : i32
      %dma_start3A_3404 = tpu.memref_slice %arg4[%dma_start3A_3403, %multiple_of3A_3345] : memref<32x1000000xf32, #tpu.memory_space<hbm>> -> memref<8x128xf32, #tpu.memory_space<hbm>>
      %dma_start3A_3405 = tpu.memref_slice %arg12[%dma_start3A_3399] : memref<4x!tpu.dma_semaphore, #tpu.memory_space<semaphore_mem>> -> memref<1x!tpu.dma_semaphore, #tpu.memory_space<semaphore_mem>>
      %dma_start3A_3406 = tpu.memref_squeeze %dma_start3A_3405 : memref<1x!tpu.dma_semaphore, #tpu.memory_space<semaphore_mem>> -> memref<!tpu.dma_semaphore, #tpu.memory_space<semaphore_mem>>
      %dma_start3A_3407 = arith.constant 112 : i32
      %dma_start3A_3408 = arith.constant 0 : i32
      %dma_start3A_3409 = tpu.memref_slice %arg9[%dma_start3A_3407, %dma_start3A_3408] : memref<128x128xf32, #tpu.memory_space<vmem>> -> memref<8x128xf32, #tpu.memory_space<vmem>>
      %dma_start3A_3410 = arith.constant 16 : i32
      %dma_start3A_3411 = tpu.memref_slice %arg4[%dma_start3A_3410, %multiple_of3A_3345] : memref<32x1000000xf32, #tpu.memory_space<hbm>> -> memref<8x128xf32, #tpu.memory_space<hbm>>
      tpu.enqueue_dma source(%dma_start3A_3411 : memref<8x128xf32, #tpu.memory_space<hbm>>) target(%dma_start3A_3409 : memref<8x128xf32, #tpu.memory_space<vmem>>) target_semaphore(%dma_start3A_3406 : memref<!tpu.dma_semaphore, #tpu.memory_space<semaphore_mem>>)
      %dma_start3A_3412 = arith.constant 3 : i32
      %dma_start3A_3413 = arith.constant 112 : i32
      %dma_start3A_3414 = arith.constant 0 : i32
      %dma_start3A_3415 = tpu.memref_slice %arg10[%dma_start3A_3413, %dma_start3A_3414] : memref<128x128xf32, #tpu.memory_space<vmem>> -> memref<8x128xf32, #tpu.memory_space<vmem>>
      %dma_start3A_3416 = arith.constant 16 : i32
      %dma_start3A_3417 = tpu.memref_slice %arg5[%dma_start3A_3416, %multiple_of3A_3346] : memref<32x1000000xf32, #tpu.memory_space<hbm>> -> memref<8x128xf32, #tpu.memory_space<hbm>>
      %dma_start3A_3418 = tpu.memref_slice %arg13[%dma_start3A_3412] : memref<4x!tpu.dma_semaphore, #tpu.memory_space<semaphore_mem>> -> memref<1x!tpu.dma_semaphore, #tpu.memory_space<semaphore_mem>>
      %dma_start3A_3419 = tpu.memref_squeeze %dma_start3A_3418 : memref<1x!tpu.dma_semaphore, #tpu.memory_space<semaphore_mem>> -> memref<!tpu.dma_semaphore, #tpu.memory_space<semaphore_mem>>
      %dma_start3A_3420 = arith.constant 112 : i32
      %dma_start3A_3421 = arith.constant 0 : i32
      %dma_start3A_3422 = tpu.memref_slice %arg10[%dma_start3A_3420, %dma_start3A_3421] : memref<128x128xf32, #tpu.memory_space<vmem>> -> memref<8x128xf32, #tpu.memory_space<vmem>>
      %dma_start3A_3423 = arith.constant 16 : i32
      %dma_start3A_3424 = tpu.memref_slice %arg5[%dma_start3A_3423, %multiple_of3A_3346] : memref<32x1000000xf32, #tpu.memory_space<hbm>> -> memref<8x128xf32, #tpu.memory_space<hbm>>
      tpu.enqueue_dma source(%dma_start3A_3424 : memref<8x128xf32, #tpu.memory_space<hbm>>) target(%dma_start3A_3422 : memref<8x128xf32, #tpu.memory_space<vmem>>) target_semaphore(%dma_start3A_3419 : memref<!tpu.dma_semaphore, #tpu.memory_space<semaphore_mem>>)
      %dma_start3A_3425 = arith.constant 3 : i32
      %dma_start3A_3426 = arith.constant 120 : i32
      %dma_start3A_3427 = arith.constant 0 : i32
      %dma_start3A_3428 = tpu.memref_slice %arg9[%dma_start3A_3426, %dma_start3A_3427] : memref<128x128xf32, #tpu.memory_space<vmem>> -> memref<8x128xf32, #tpu.memory_space<vmem>>
      %dma_start3A_3429 = arith.constant 24 : i32
      %dma_start3A_3430 = tpu.memref_slice %arg4[%dma_start3A_3429, %multiple_of3A_3345] : memref<32x1000000xf32, #tpu.memory_space<hbm>> -> memref<8x128xf32, #tpu.memory_space<hbm>>
      %dma_start3A_3431 = tpu.memref_slice %arg12[%dma_start3A_3425] : memref<4x!tpu.dma_semaphore, #tpu.memory_space<semaphore_mem>> -> memref<1x!tpu.dma_semaphore, #tpu.memory_space<semaphore_mem>>
      %dma_start3A_3432 = tpu.memref_squeeze %dma_start3A_3431 : memref<1x!tpu.dma_semaphore, #tpu.memory_space<semaphore_mem>> -> memref<!tpu.dma_semaphore, #tpu.memory_space<semaphore_mem>>
      %dma_start3A_3433 = arith.constant 120 : i32
      %dma_start3A_3434 = arith.constant 0 : i32
      %dma_start3A_3435 = tpu.memref_slice %arg9[%dma_start3A_3433, %dma_start3A_3434] : memref<128x128xf32, #tpu.memory_space<vmem>> -> memref<8x128xf32, #tpu.memory_space<vmem>>
      %dma_start3A_3436 = arith.constant 24 : i32
      %dma_start3A_3437 = tpu.memref_slice %arg4[%dma_start3A_3436, %multiple_of3A_3345] : memref<32x1000000xf32, #tpu.memory_space<hbm>> -> memref<8x128xf32, #tpu.memory_space<hbm>>
      tpu.enqueue_dma source(%dma_start3A_3437 : memref<8x128xf32, #tpu.memory_space<hbm>>) target(%dma_start3A_3435 : memref<8x128xf32, #tpu.memory_space<vmem>>) target_semaphore(%dma_start3A_3432 : memref<!tpu.dma_semaphore, #tpu.memory_space<semaphore_mem>>)
      %dma_start3A_3438 = arith.constant 3 : i32
      %dma_start3A_3439 = arith.constant 120 : i32
      %dma_start3A_3440 = arith.constant 0 : i32
      %dma_start3A_3441 = tpu.memref_slice %arg10[%dma_start3A_3439, %dma_start3A_3440] : memref<128x128xf32, #tpu.memory_space<vmem>> -> memref<8x128xf32, #tpu.memory_space<vmem>>
      %dma_start3A_3442 = arith.constant 24 : i32
      %dma_start3A_3443 = tpu.memref_slice %arg5[%dma_start3A_3442, %multiple_of3A_3346] : memref<32x1000000xf32, #tpu.memory_space<hbm>> -> memref<8x128xf32, #tpu.memory_space<hbm>>
      %dma_start3A_3444 = tpu.memref_slice %arg13[%dma_start3A_3438] : memref<4x!tpu.dma_semaphore, #tpu.memory_space<semaphore_mem>> -> memref<1x!tpu.dma_semaphore, #tpu.memory_space<semaphore_mem>>
      %dma_start3A_3445 = tpu.memref_squeeze %dma_start3A_3444 : memref<1x!tpu.dma_semaphore, #tpu.memory_space<semaphore_mem>> -> memref<!tpu.dma_semaphore, #tpu.memory_space<semaphore_mem>>
      %dma_start3A_3446 = arith.constant 120 : i32
      %dma_start3A_3447 = arith.constant 0 : i32
      %dma_start3A_3448 = tpu.memref_slice %arg10[%dma_start3A_3446, %dma_start3A_3447] : memref<128x128xf32, #tpu.memory_space<vmem>> -> memref<8x128xf32, #tpu.memory_space<vmem>>
      %dma_start3A_3449 = arith.constant 24 : i32
      %dma_start3A_3450 = tpu.memref_slice %arg5[%dma_start3A_3449, %multiple_of3A_3346] : memref<32x1000000xf32, #tpu.memory_space<hbm>> -> memref<8x128xf32, #tpu.memory_space<hbm>>
      tpu.enqueue_dma source(%dma_start3A_3450 : memref<8x128xf32, #tpu.memory_space<hbm>>) target(%dma_start3A_3448 : memref<8x128xf32, #tpu.memory_space<vmem>>) target_semaphore(%dma_start3A_3445 : memref<!tpu.dma_semaphore, #tpu.memory_space<semaphore_mem>>)
      %neg3A = arith.constant 0.000000e+00 : f32
      %neg3A_3451 = vector.broadcast %neg3A : f32 to vector<16xf32>
      %neg3A_3452 = arith.subf %neg3A_3451, %select_n3A_3340 : vector<16xf32>
      %exp3A = math.exp %neg3A_3452 : vector<16xf32>
      %add3A_3453 = arith.constant 1.000000e+00 : f32
      %add3A_3454 = vector.broadcast %add3A_3453 : f32 to vector<16xf32>
      %add3A_3455 = arith.addf %add3A_3454, %exp3A : vector<16xf32>
      %div3A = arith.constant 1.000000e+00 : f32
      %div3A_3456 = vector.broadcast %div3A : f32 to vector<16xf32>
      %div3A_3457 = arith.divf %div3A_3456, %add3A_3455 : vector<16xf32>
      %mul3A_3458 = arith.constant 16 : i32
      %mul3A_3459 = arith.muli %scan3A_577, %mul3A_3458 : i32
      %swap3A = arith.index_cast %mul3A_3459 : i32 to index
      %swap3A_3460 = tpu.vector_load %arg11[%swap3A] {strides = array<i32>} : memref<512xf32, #tpu.memory_space<vmem>>, vector<16xf32>,
      tpu.vector_store %arg11[%swap3A], %div3A_3457 {strides = array<i32>} : memref<512xf32, #tpu.memory_space<vmem>>, vector<16xf32>,
    }
    %scan3A_457 = arith.constant 32 : i32
    %dma_wait3A = arith.constant 0 : i32
    %dma_wait3A_458 = arith.constant 0 : i32
    %dma_wait3A_459 = arith.constant 0 : i32
    %dma_wait3A_460 = tpu.memref_slice %arg9[%dma_wait3A_458, %dma_wait3A_459] : memref<128x128xf32, #tpu.memory_space<vmem>> -> memref<32x128xf32, #tpu.memory_space<vmem>>
    %dma_wait3A_461 = arith.constant 0 : i32
    %dma_wait3A_462 = arith.constant 0 : i32
    %dma_wait3A_463 = tpu.memref_slice %arg4[%dma_wait3A_461, %dma_wait3A_462] : memref<32x1000000xf32, #tpu.memory_space<hbm>> -> memref<32x128xf32, #tpu.memory_space<hbm>>
    %dma_wait3A_464 = tpu.memref_slice %arg12[%dma_wait3A] : memref<4x!tpu.dma_semaphore, #tpu.memory_space<semaphore_mem>> -> memref<1x!tpu.dma_semaphore, #tpu.memory_space<semaphore_mem>>
    %dma_wait3A_465 = tpu.memref_squeeze %dma_wait3A_464 : memref<1x!tpu.dma_semaphore, #tpu.memory_space<semaphore_mem>> -> memref<!tpu.dma_semaphore, #tpu.memory_space<semaphore_mem>>
    %dma_wait3A_466 = arith.constant 0 : i32
    %dma_wait3A_467 = arith.constant 0 : i32
    %dma_wait3A_468 = tpu.memref_slice %arg9[%dma_wait3A_466, %dma_wait3A_467] : memref<128x128xf32, #tpu.memory_space<vmem>> -> memref<32x128xf32, #tpu.memory_space<vmem>>
    %dma_wait3A_469 = arith.constant 0 : i32
    %dma_wait3A_470 = arith.constant 0 : i32
    %dma_wait3A_471 = tpu.memref_slice %arg4[%dma_wait3A_469, %dma_wait3A_470] : memref<32x1000000xf32, #tpu.memory_space<hbm>> -> memref<32x128xf32, #tpu.memory_space<hbm>>
    tpu.wait_dma2 semaphore(%dma_wait3A_465 : memref<!tpu.dma_semaphore, #tpu.memory_space<semaphore_mem>>) src(%dma_wait3A_471 : memref<32x128xf32, #tpu.memory_space<hbm>>) dst(%dma_wait3A_468 : memref<32x128xf32, #tpu.memory_space<vmem>>)
    %dma_wait3A_472 = arith.constant 0 : i32
    %dma_wait3A_473 = arith.constant 0 : i32
    %dma_wait3A_474 = arith.constant 0 : i32
    %dma_wait3A_475 = tpu.memref_slice %arg10[%dma_wait3A_473, %dma_wait3A_474] : memref<128x128xf32, #tpu.memory_space<vmem>> -> memref<32x128xf32, #tpu.memory_space<vmem>>
    %dma_wait3A_476 = arith.constant 0 : i32
    %dma_wait3A_477 = arith.constant 0 : i32
    %dma_wait3A_478 = tpu.memref_slice %arg5[%dma_wait3A_476, %dma_wait3A_477] : memref<32x1000000xf32, #tpu.memory_space<hbm>> -> memref<32x128xf32, #tpu.memory_space<hbm>>
    %dma_wait3A_479 = tpu.memref_slice %arg13[%dma_wait3A_472] : memref<4x!tpu.dma_semaphore, #tpu.memory_space<semaphore_mem>> -> memref<1x!tpu.dma_semaphore, #tpu.memory_space<semaphore_mem>>
    %dma_wait3A_480 = tpu.memref_squeeze %dma_wait3A_479 : memref<1x!tpu.dma_semaphore, #tpu.memory_space<semaphore_mem>> -> memref<!tpu.dma_semaphore, #tpu.memory_space<semaphore_mem>>
    %dma_wait3A_481 = arith.constant 0 : i32
    %dma_wait3A_482 = arith.constant 0 : i32
    %dma_wait3A_483 = tpu.memref_slice %arg10[%dma_wait3A_481, %dma_wait3A_482] : memref<128x128xf32, #tpu.memory_space<vmem>> -> memref<32x128xf32, #tpu.memory_space<vmem>>
    %dma_wait3A_484 = arith.constant 0 : i32
    %dma_wait3A_485 = arith.constant 0 : i32
    %dma_wait3A_486 = tpu.memref_slice %arg5[%dma_wait3A_484, %dma_wait3A_485] : memref<32x1000000xf32, #tpu.memory_space<hbm>> -> memref<32x128xf32, #tpu.memory_space<hbm>>
    tpu.wait_dma2 semaphore(%dma_wait3A_480 : memref<!tpu.dma_semaphore, #tpu.memory_space<semaphore_mem>>) src(%dma_wait3A_486 : memref<32x128xf32, #tpu.memory_space<hbm>>) dst(%dma_wait3A_483 : memref<32x128xf32, #tpu.memory_space<vmem>>)
    %dma_wait3A_487 = arith.constant 1 : i32
    %dma_wait3A_488 = arith.constant 32 : i32
    %dma_wait3A_489 = arith.constant 0 : i32
    %dma_wait3A_490 = tpu.memref_slice %arg9[%dma_wait3A_488, %dma_wait3A_489] : memref<128x128xf32, #tpu.memory_space<vmem>> -> memref<32x128xf32, #tpu.memory_space<vmem>>
    %dma_wait3A_491 = arith.constant 0 : i32
    %dma_wait3A_492 = arith.constant 0 : i32
    %dma_wait3A_493 = tpu.memref_slice %arg4[%dma_wait3A_491, %dma_wait3A_492] : memref<32x1000000xf32, #tpu.memory_space<hbm>> -> memref<32x128xf32, #tpu.memory_space<hbm>>
    %dma_wait3A_494 = tpu.memref_slice %arg12[%dma_wait3A_487] : memref<4x!tpu.dma_semaphore, #tpu.memory_space<semaphore_mem>> -> memref<1x!tpu.dma_semaphore, #tpu.memory_space<semaphore_mem>>
    %dma_wait3A_495 = tpu.memref_squeeze %dma_wait3A_494 : memref<1x!tpu.dma_semaphore, #tpu.memory_space<semaphore_mem>> -> memref<!tpu.dma_semaphore, #tpu.memory_space<semaphore_mem>>
    %dma_wait3A_496 = arith.constant 32 : i32
    %dma_wait3A_497 = arith.constant 0 : i32
    %dma_wait3A_498 = tpu.memref_slice %arg9[%dma_wait3A_496, %dma_wait3A_497] : memref<128x128xf32, #tpu.memory_space<vmem>> -> memref<32x128xf32, #tpu.memory_space<vmem>>
    %dma_wait3A_499 = arith.constant 0 : i32
    %dma_wait3A_500 = arith.constant 0 : i32
    %dma_wait3A_501 = tpu.memref_slice %arg4[%dma_wait3A_499, %dma_wait3A_500] : memref<32x1000000xf32, #tpu.memory_space<hbm>> -> memref<32x128xf32, #tpu.memory_space<hbm>>
    tpu.wait_dma2 semaphore(%dma_wait3A_495 : memref<!tpu.dma_semaphore, #tpu.memory_space<semaphore_mem>>) src(%dma_wait3A_501 : memref<32x128xf32, #tpu.memory_space<hbm>>) dst(%dma_wait3A_498 : memref<32x128xf32, #tpu.memory_space<vmem>>)
    %dma_wait3A_502 = arith.constant 1 : i32
    %dma_wait3A_503 = arith.constant 32 : i32
    %dma_wait3A_504 = arith.constant 0 : i32
    %dma_wait3A_505 = tpu.memref_slice %arg10[%dma_wait3A_503, %dma_wait3A_504] : memref<128x128xf32, #tpu.memory_space<vmem>> -> memref<32x128xf32, #tpu.memory_space<vmem>>
    %dma_wait3A_506 = arith.constant 0 : i32
    %dma_wait3A_507 = arith.constant 0 : i32
    %dma_wait3A_508 = tpu.memref_slice %arg5[%dma_wait3A_506, %dma_wait3A_507] : memref<32x1000000xf32, #tpu.memory_space<hbm>> -> memref<32x128xf32, #tpu.memory_space<hbm>>
    %dma_wait3A_509 = tpu.memref_slice %arg13[%dma_wait3A_502] : memref<4x!tpu.dma_semaphore, #tpu.memory_space<semaphore_mem>> -> memref<1x!tpu.dma_semaphore, #tpu.memory_space<semaphore_mem>>
    %dma_wait3A_510 = tpu.memref_squeeze %dma_wait3A_509 : memref<1x!tpu.dma_semaphore, #tpu.memory_space<semaphore_mem>> -> memref<!tpu.dma_semaphore, #tpu.memory_space<semaphore_mem>>
    %dma_wait3A_511 = arith.constant 32 : i32
    %dma_wait3A_512 = arith.constant 0 : i32
    %dma_wait3A_513 = tpu.memref_slice %arg10[%dma_wait3A_511, %dma_wait3A_512] : memref<128x128xf32, #tpu.memory_space<vmem>> -> memref<32x128xf32, #tpu.memory_space<vmem>>
    %dma_wait3A_514 = arith.constant 0 : i32
    %dma_wait3A_515 = arith.constant 0 : i32
    %dma_wait3A_516 = tpu.memref_slice %arg5[%dma_wait3A_514, %dma_wait3A_515] : memref<32x1000000xf32, #tpu.memory_space<hbm>> -> memref<32x128xf32, #tpu.memory_space<hbm>>
    tpu.wait_dma2 semaphore(%dma_wait3A_510 : memref<!tpu.dma_semaphore, #tpu.memory_space<semaphore_mem>>) src(%dma_wait3A_516 : memref<32x128xf32, #tpu.memory_space<hbm>>) dst(%dma_wait3A_513 : memref<32x128xf32, #tpu.memory_space<vmem>>)
    %dma_wait3A_517 = arith.constant 2 : i32
    %dma_wait3A_518 = arith.constant 64 : i32
    %dma_wait3A_519 = arith.constant 0 : i32
    %dma_wait3A_520 = tpu.memref_slice %arg9[%dma_wait3A_518, %dma_wait3A_519] : memref<128x128xf32, #tpu.memory_space<vmem>> -> memref<32x128xf32, #tpu.memory_space<vmem>>
    %dma_wait3A_521 = arith.constant 0 : i32
    %dma_wait3A_522 = arith.constant 0 : i32
    %dma_wait3A_523 = tpu.memref_slice %arg4[%dma_wait3A_521, %dma_wait3A_522] : memref<32x1000000xf32, #tpu.memory_space<hbm>> -> memref<32x128xf32, #tpu.memory_space<hbm>>
    %dma_wait3A_524 = tpu.memref_slice %arg12[%dma_wait3A_517] : memref<4x!tpu.dma_semaphore, #tpu.memory_space<semaphore_mem>> -> memref<1x!tpu.dma_semaphore, #tpu.memory_space<semaphore_mem>>
    %dma_wait3A_525 = tpu.memref_squeeze %dma_wait3A_524 : memref<1x!tpu.dma_semaphore, #tpu.memory_space<semaphore_mem>> -> memref<!tpu.dma_semaphore, #tpu.memory_space<semaphore_mem>>
    %dma_wait3A_526 = arith.constant 64 : i32
    %dma_wait3A_527 = arith.constant 0 : i32
    %dma_wait3A_528 = tpu.memref_slice %arg9[%dma_wait3A_526, %dma_wait3A_527] : memref<128x128xf32, #tpu.memory_space<vmem>> -> memref<32x128xf32, #tpu.memory_space<vmem>>
    %dma_wait3A_529 = arith.constant 0 : i32
    %dma_wait3A_530 = arith.constant 0 : i32
    %dma_wait3A_531 = tpu.memref_slice %arg4[%dma_wait3A_529, %dma_wait3A_530] : memref<32x1000000xf32, #tpu.memory_space<hbm>> -> memref<32x128xf32, #tpu.memory_space<hbm>>
    tpu.wait_dma2 semaphore(%dma_wait3A_525 : memref<!tpu.dma_semaphore, #tpu.memory_space<semaphore_mem>>) src(%dma_wait3A_531 : memref<32x128xf32, #tpu.memory_space<hbm>>) dst(%dma_wait3A_528 : memref<32x128xf32, #tpu.memory_space<vmem>>)
    %dma_wait3A_532 = arith.constant 2 : i32
    %dma_wait3A_533 = arith.constant 64 : i32
    %dma_wait3A_534 = arith.constant 0 : i32
    %dma_wait3A_535 = tpu.memref_slice %arg10[%dma_wait3A_533, %dma_wait3A_534] : memref<128x128xf32, #tpu.memory_space<vmem>> -> memref<32x128xf32, #tpu.memory_space<vmem>>
    %dma_wait3A_536 = arith.constant 0 : i32
    %dma_wait3A_537 = arith.constant 0 : i32
    %dma_wait3A_538 = tpu.memref_slice %arg5[%dma_wait3A_536, %dma_wait3A_537] : memref<32x1000000xf32, #tpu.memory_space<hbm>> -> memref<32x128xf32, #tpu.memory_space<hbm>>
    %dma_wait3A_539 = tpu.memref_slice %arg13[%dma_wait3A_532] : memref<4x!tpu.dma_semaphore, #tpu.memory_space<semaphore_mem>> -> memref<1x!tpu.dma_semaphore, #tpu.memory_space<semaphore_mem>>
    %dma_wait3A_540 = tpu.memref_squeeze %dma_wait3A_539 : memref<1x!tpu.dma_semaphore, #tpu.memory_space<semaphore_mem>> -> memref<!tpu.dma_semaphore, #tpu.memory_space<semaphore_mem>>
    %dma_wait3A_541 = arith.constant 64 : i32
    %dma_wait3A_542 = arith.constant 0 : i32
    %dma_wait3A_543 = tpu.memref_slice %arg10[%dma_wait3A_541, %dma_wait3A_542] : memref<128x128xf32, #tpu.memory_space<vmem>> -> memref<32x128xf32, #tpu.memory_space<vmem>>
    %dma_wait3A_544 = arith.constant 0 : i32
    %dma_wait3A_545 = arith.constant 0 : i32
    %dma_wait3A_546 = tpu.memref_slice %arg5[%dma_wait3A_544, %dma_wait3A_545] : memref<32x1000000xf32, #tpu.memory_space<hbm>> -> memref<32x128xf32, #tpu.memory_space<hbm>>
    tpu.wait_dma2 semaphore(%dma_wait3A_540 : memref<!tpu.dma_semaphore, #tpu.memory_space<semaphore_mem>>) src(%dma_wait3A_546 : memref<32x128xf32, #tpu.memory_space<hbm>>) dst(%dma_wait3A_543 : memref<32x128xf32, #tpu.memory_space<vmem>>)
    %dma_wait3A_547 = arith.constant 3 : i32
    %dma_wait3A_548 = arith.constant 96 : i32
    %dma_wait3A_549 = arith.constant 0 : i32
    %dma_wait3A_550 = tpu.memref_slice %arg9[%dma_wait3A_548, %dma_wait3A_549] : memref<128x128xf32, #tpu.memory_space<vmem>> -> memref<32x128xf32, #tpu.memory_space<vmem>>
    %dma_wait3A_551 = arith.constant 0 : i32
    %dma_wait3A_552 = arith.constant 0 : i32
    %dma_wait3A_553 = tpu.memref_slice %arg4[%dma_wait3A_551, %dma_wait3A_552] : memref<32x1000000xf32, #tpu.memory_space<hbm>> -> memref<32x128xf32, #tpu.memory_space<hbm>>
    %dma_wait3A_554 = tpu.memref_slice %arg12[%dma_wait3A_547] : memref<4x!tpu.dma_semaphore, #tpu.memory_space<semaphore_mem>> -> memref<1x!tpu.dma_semaphore, #tpu.memory_space<semaphore_mem>>
    %dma_wait3A_555 = tpu.memref_squeeze %dma_wait3A_554 : memref<1x!tpu.dma_semaphore, #tpu.memory_space<semaphore_mem>> -> memref<!tpu.dma_semaphore, #tpu.memory_space<semaphore_mem>>
    %dma_wait3A_556 = arith.constant 96 : i32
    %dma_wait3A_557 = arith.constant 0 : i32
    %dma_wait3A_558 = tpu.memref_slice %arg9[%dma_wait3A_556, %dma_wait3A_557] : memref<128x128xf32, #tpu.memory_space<vmem>> -> memref<32x128xf32, #tpu.memory_space<vmem>>
    %dma_wait3A_559 = arith.constant 0 : i32
    %dma_wait3A_560 = arith.constant 0 : i32
    %dma_wait3A_561 = tpu.memref_slice %arg4[%dma_wait3A_559, %dma_wait3A_560] : memref<32x1000000xf32, #tpu.memory_space<hbm>> -> memref<32x128xf32, #tpu.memory_space<hbm>>
    tpu.wait_dma2 semaphore(%dma_wait3A_555 : memref<!tpu.dma_semaphore, #tpu.memory_space<semaphore_mem>>) src(%dma_wait3A_561 : memref<32x128xf32, #tpu.memory_space<hbm>>) dst(%dma_wait3A_558 : memref<32x128xf32, #tpu.memory_space<vmem>>)
    %dma_wait3A_562 = arith.constant 3 : i32
    %dma_wait3A_563 = arith.constant 96 : i32
    %dma_wait3A_564 = arith.constant 0 : i32
    %dma_wait3A_565 = tpu.memref_slice %arg10[%dma_wait3A_563, %dma_wait3A_564] : memref<128x128xf32, #tpu.memory_space<vmem>> -> memref<32x128xf32, #tpu.memory_space<vmem>>
    %dma_wait3A_566 = arith.constant 0 : i32
    %dma_wait3A_567 = arith.constant 0 : i32
    %dma_wait3A_568 = tpu.memref_slice %arg5[%dma_wait3A_566, %dma_wait3A_567] : memref<32x1000000xf32, #tpu.memory_space<hbm>> -> memref<32x128xf32, #tpu.memory_space<hbm>>
    %dma_wait3A_569 = tpu.memref_slice %arg13[%dma_wait3A_562] : memref<4x!tpu.dma_semaphore, #tpu.memory_space<semaphore_mem>> -> memref<1x!tpu.dma_semaphore, #tpu.memory_space<semaphore_mem>>
    %dma_wait3A_570 = tpu.memref_squeeze %dma_wait3A_569 : memref<1x!tpu.dma_semaphore, #tpu.memory_space<semaphore_mem>> -> memref<!tpu.dma_semaphore, #tpu.memory_space<semaphore_mem>>
    %dma_wait3A_571 = arith.constant 96 : i32
    %dma_wait3A_572 = arith.constant 0 : i32
    %dma_wait3A_573 = tpu.memref_slice %arg10[%dma_wait3A_571, %dma_wait3A_572] : memref<128x128xf32, #tpu.memory_space<vmem>> -> memref<32x128xf32, #tpu.memory_space<vmem>>
    %dma_wait3A_574 = arith.constant 0 : i32
    %dma_wait3A_575 = arith.constant 0 : i32
    %dma_wait3A_576 = tpu.memref_slice %arg5[%dma_wait3A_574, %dma_wait3A_575] : memref<32x1000000xf32, #tpu.memory_space<hbm>> -> memref<32x128xf32, #tpu.memory_space<hbm>>
    tpu.wait_dma2 semaphore(%dma_wait3A_570 : memref<!tpu.dma_semaphore, #tpu.memory_space<semaphore_mem>>) src(%dma_wait3A_576 : memref<32x128xf32, #tpu.memory_space<hbm>>) dst(%dma_wait3A_573 : memref<32x128xf32, #tpu.memory_space<vmem>>)
    "tpu.region"() ({
      %run_scoped3A = tpu.sem_alloc : memref<!tpu.dma_semaphore, #tpu.memory_space<semaphore_mem>>
      %dma_start3A_577 = tpu.memref_slice %arg6[%mul3A_2] : memref<16384xf32, #tpu.memory_space<hbm>> -> memref<512xf32, #tpu.memory_space<hbm>>
      %dma_start3A_578 = tpu.memref_slice %arg6[%mul3A_2] : memref<16384xf32, #tpu.memory_space<hbm>> -> memref<512xf32, #tpu.memory_space<hbm>>
      tpu.enqueue_dma source(%arg11 : memref<512xf32, #tpu.memory_space<vmem>>) target(%dma_start3A_578 : memref<512xf32, #tpu.memory_space<hbm>>) target_semaphore(%run_scoped3A : memref<!tpu.dma_semaphore, #tpu.memory_space<semaphore_mem>>)
      %dma_wait3A_579 = tpu.memref_slice %arg6[%mul3A_2] : memref<16384xf32, #tpu.memory_space<hbm>> -> memref<512xf32, #tpu.memory_space<hbm>>
      %dma_wait3A_580 = tpu.memref_slice %arg6[%mul3A_2] : memref<16384xf32, #tpu.memory_space<hbm>> -> memref<512xf32, #tpu.memory_space<hbm>>
      tpu.wait_dma2 semaphore(%run_scoped3A : memref<!tpu.dma_semaphore, #tpu.memory_space<semaphore_mem>>) src(%arg11 : memref<512xf32, #tpu.memory_space<vmem>>) dst(%dma_wait3A_580 : memref<512xf32, #tpu.memory_space<hbm>>)
      tpu.yield
    }) : () -> ()
    return
  }
}

</mosaic_0001>

<sc_bundles>
// kernel: kernel.3.cloned.1.call-start
scs
__scs_entry_jumppad:
0x0: {  	(pc) =	sbr.rel $0x88, $3  }
0x1: {  	(tag) =	ssettag $0x0;
	lr =	simm.s32 $0x1  }
0x2: {  	[smem:$0x3F9E] =	sst lr;
	_ =	strace $0xD0000000  }
0x3: {  	_ = 	snop  }
0x4: {  	_ = 	snop  }
0x5: {  	_ = 	snop  }
0x6: {  	_ = 	snop  }
0x7: {  	_ = 	snop  }
__scs_overlays_trampoline_lowered:
0x8: {  	[smem:$0x3FAD] =	sst s0  }
0x9: {  	[smem:$0x3FAE] =	sst s1  }
0xa: {  	[smem:$0x3FAF] =	sst s2  }
0xb: {  	[smem:$0x3FB0] =	sst s3  }
0xc: {  	[smem:$0x3FB1] =	sst s4  }
0xd: {  	[smem:$0x3FB2] =	sst s5  }
0xe: {  	[smem:$0x3FB3] =	sst s6  }
0xf: {  	[smem:$0x3FB4] =	sst s7  }
0x10: {  	[smem:$0x3FB5] =	sst s8  }
0x11: {  	[smem:$0x3FB6] =	sst s9;
	s0 =	simm.s32 @!p0 $0x0  }
0x12: {  	s1 =	sld [smem:$0x3F9C];
	s0 =	simm.s32 @p0 $0x1  }
0x13: {  	[smem:$0x3FB7] =	sst s0;
	s0 =	simm.s32 @!p1 $0x0  }
0x14: {  	s2 =	sld [smem:$0x3F9B];
	s0 =	simm.s32 @p1 $0x1  }
0x15: {  	[smem:$0x3FB8] =	sst s0;
	s0 =	simm.s32 @!p2 $0x0  }
0x16: {  	s3 =	sld [smem:$0x3FDB];
	s0 =	simm.s32 @p2 $0x1  }
0x17: {  	s4 =	simm.s32 $0x1BF5;
	[smem:$0x3FBA] =	sst s0  }
0x18: {  	s0 =	sld [smem:$0x3F9D];
	_ =	swait.ge [sflag:s4], $0x0  }
0x19: {  	s7 =	sld [smem:$0x3F9E]  }
0x1a: {  	s8 =	sadd.s32 $0xFFFFE003, lr  }
0x1b: {  	s9 =	sadd.s32 $0xFFFFFEF7, lr;
	s5 =	simm.s32 $0xFFFFFFFF;
	p2 =	slt.u32 s8, $0xFFFFF086  }
0x1c: {  	p1 =	slt.u32 s9, $0xF7A;
	s5 =	simm.s32 @!p2 $0x0  }
0x1d: {  	s5 =	simm.s32 @p1 $0x1;
	p0 =	seq.s32 s7, s2  }
0x1e: {  	s7 =	smul.u32 @!p0 $0xF7A, s2;
	p2 =	seq.s32 @!p0 s5, $0x0  }
0x1f: {  	s9 =	smul.u32 $0xF7A, s1;
	s8 =	simm.s32 @!p0 $0x1BF5;
	p2 =	por !p2, p0  }
0x20: {  	[sflag:s8] =	ssyncset.s32 @!p0 $0xFFFFF086;
	s6 =	sadd.s32 @!p0 s3, s7;
	s7 =	simm.s32 @!p0 $0x108  }
0x21: {  	s3 =	sadd.s32 s3, s9;
	s6 =	sadd.s32 @!p0 $0x88, s6;
	s7 =	simm.s32 @p2 $0x1082  }
0x22: {  	[simem:s7], [sflag:s8] =	dma.local @!p0 [hbm:s6], $0xF7A  }
0x23: {  	s9 =	sor.u32 $0xD0000000, s2;
	s6 =	simm.s32 $0x108;
	_ =	swait.ge @!p0 [sflag:s8], $0x0  }
0x24: {  	s3 =	sadd.s32 $0x88, s3;
	s6 =	simm.s32 @!p1 $0x1082;
	[sflag:s4] =	ssyncset.s32 $0xFFFFF086  }
0x25: {  	[simem:s6], [sflag:s4] =	dma.local [hbm:s3], $0xF7A  }
0x26: {  	[smem:$0x3F9E] =	sst s1;
	(tag) =	ssettag s2;
	_ =	strace s9  }
0x27: {  	s1 =	sld [smem:$0x3FAE]  }
0x28: {  	s2 =	sld [smem:$0x3FAF]  }
0x29: {  	s4 =	sld [smem:$0x3FB1]  }
0x2a: {  	p0 =	seq.s32 s5, $0x0;
	s5 =	sld [smem:$0x3FB2]  }
0x2b: {  	s6 =	sld [smem:$0x3FB3]  }
0x2c: {  	s7 =	sld [smem:$0x3FB4]  }
0x2d: {  	s3 =	simm.s32 $0x108;
	s8 =	sld [smem:$0x3FB5]  }
0x2e: {  	s3 =	simm.s32 @!p0 $0x1082;
	s9 =	sld [smem:$0x3FB6]  }
0x2f: {  	lr =	sadd.s32 s0, s3;
	s0 =	sld [smem:$0x3FAD]  }
0x30: {  	s3 =	sld [smem:$0x3FB0]  }
0x31: {  	[smem:$0x3FB9] =	sst s10  }
0x32: {  	s10 =	sld [smem:$0x3FB7];
	_ =	sdelay $0x3  }
0x33: {  	p0 =	seq.s32 s10, $0x1;
	s10 =	sld [smem:$0x3FB9];
	_ =	sdelay $0x3  }
0x34: {  	[smem:$0x3FB9] =	sst s10  }
0x35: {  	s10 =	sld [smem:$0x3FB8];
	_ =	sdelay $0x3  }
0x36: {  	p1 =	seq.s32 s10, $0x1;
	s10 =	sld [smem:$0x3FB9];
	_ =	sdelay $0x3  }
0x37: {  	[smem:$0x3FB9] =	sst s10  }
0x38: {  	s10 =	sld [smem:$0x3FBA]  }
0x39: {  	_ = 	snop;
	(pc) =	sbr.ind lr, $3  }
0x3a: {  	_ = 	snop  }
0x3b: {  	_ = 	snop  }
0x3c: {  	p2 =	seq.s32 s10, $0x1;
	s10 =	sld [smem:$0x3FB9]  }
0x3d: {  	_ =	shalt  }
0x3e: {  	_ =	shalt  }
0x3f: {  	_ =	shalt  }
0x40: {  	_ =	shalt  }
0x41: {  	_ =	shalt  }
0x42: {  	_ =	shalt  }
0x43: {  	_ =	shalt  }
0x44: {  	_ =	shalt  }
0x45: {  	_ =	shalt  }
0x46: {  	_ =	shalt  }
0x47: {  	_ =	shalt  }
0x48: {  	_ =	shalt  }
0x49: {  	_ =	shalt  }
0x4a: {  	_ =	shalt  }
0x4b: {  	_ =	shalt  }
0x4c: {  	_ =	shalt  }
0x4d: {  	_ =	shalt  }
0x4e: {  	_ =	shalt  }
0x4f: {  	_ =	shalt  }
0x50: {  	_ =	shalt  }
0x51: {  	_ =	shalt  }
0x52: {  	_ =	shalt  }
0x53: {  	_ =	shalt  }
0x54: {  	_ =	shalt  }
0x55: {  	_ =	shalt  }
0x56: {  	_ =	shalt  }
0x57: {  	_ =	shalt  }
0x58: {  	_ =	shalt  }
0x59: {  	_ =	shalt  }
0x5a: {  	_ =	shalt  }
0x5b: {  	_ =	shalt  }
0x5c: {  	_ =	shalt  }
0x5d: {  	_ =	shalt  }
0x5e: {  	_ =	shalt  }
0x5f: {  	_ =	shalt  }
0x60: {  	_ =	shalt  }
0x61: {  	_ =	shalt  }
0x62: {  	_ =	shalt  }
0x63: {  	_ =	shalt  }
0x64: {  	_ =	shalt  }
0x65: {  	_ =	shalt  }
0x66: {  	_ =	shalt  }
0x67: {  	_ =	shalt  }
0x68: {  	_ =	shalt  }
0x69: {  	_ =	shalt  }
0x6a: {  	_ =	shalt  }
0x6b: {  	_ =	shalt  }
0x6c: {  	_ =	shalt  }
0x6d: {  	_ =	shalt  }
0x6e: {  	_ =	shalt  }
0x6f: {  	_ =	shalt  }
0x70: {  	_ =	shalt  }
0x71: {  	_ =	shalt  }
0x72: {  	_ =	shalt  }
0x73: {  	_ =	shalt  }
0x74: {  	_ =	shalt  }
0x75: {  	_ =	shalt  }
0x76: {  	_ =	shalt  }
0x77: {  	_ =	shalt  }
0x78: {  	_ =	shalt  }
0x79: {  	_ =	shalt  }
0x7a: {  	_ =	shalt  }
0x7b: {  	_ =	shalt  }
0x7c: {  	_ =	shalt  }
0x7d: {  	_ =	shalt  }
0x7e: {  	_ =	shalt  }
0x7f: {  	_ =	shalt  }
0x80: {  	_ =	shalt  }
0x81: {  	_ =	shalt  }
0x82: {  	_ =	shalt  }
0x83: {  	_ =	shalt  }
0x84: {  	_ =	shalt  }
0x85: {  	_ =	shalt  }
0x86: {  	_ =	shalt  }
0x87: {  	_ =	shalt  }
.Lfunc_end0:
.L_simem_size_0:
called_computation_lowered:
.L_overlay_start_0:
0x88: {  	s2 =	sld [smem:$0x3FD9]  }
0x89: {  	s3 =	sld [smem:$0x3FFE];
	_ =	sdelay $0x1  }
0x8a: {  	s1 =	srdreg.scid  }
0x8b: {  	s0 =	sand.u32 $0x1, s1  }
0x8c: {  	s17 =	sshll.u32 s0, $0xA;
	s2 =	sadd.s32 s3, s2  }
0x8d: {  	s2 =	sadd.s32 s2, s17  }
0x8e: {  	[smem:$0x3FC5] =	sst s2  }
0x8f: {  	_ = 	snop  }
0x90: {  	s2 =	sld [smem:$0x3FC8]  }
0x91: {  	s18 =	sld [smem:$0x3FC7]  }
0x92: {  	s4 =	sld [smem:$0x3FD0];
	(tm) =	ssettm $0x1  }
0x93: {  	s5 =	sld [smem:$0x3FFB];
	_ =	sdelay $0x3  }
0x94: {  	_ =	strace s5  }
0x95: {  	s5 =	sld [smem:$0x3FFC];
	_ =	sdelay $0x3  }
0x96: {  	_ =	strace s5  }
0x97: {  	s5 =	sld [smem:$0x3FFD];
	_ =	sdelay $0x3  }
0x98: {  	_ =	strace s5  }
0x99: {  	_ =	strace $0x8FFFFFFF  }
0x9a: {  	s19 =	sld [smem:$0x3FDB];
	_ =	sdelay $0x1  }
0x9b: {  	s6 =	simm.s32 $_scs_section_size  }
0x9c: {  	s7 =	simm.s32 $_size__tile_overlayer_lowered;
	s8 =	simm.s32 $_tile_overlayer_lowered  }
0x9d: {  	s22 =	simm.s32 $0x1BFF;
	s21 =	sshll.u32 s8, $0x1;
	s5 =	sadd.s32 s6, s19  }
0x9e: {  	s9 =	simm.s32 $0x0;
	s20 =	sshll.u32 s7, $0x1;
	s7 =	sadd.s32 s21, s5  }
0x9f: {  	[timem:s9], [sflag:s22] =	dma.local [hbm:s7], s20  }
0xa0: {  	_ =	swait.ge [sflag:s22], s20  }
0xa1: {  	s6 =	ssub.s32 $0x0, s20;
	[sflag:s22] =	ssyncset.done $0x0  }
0xa2: {  	[sflag:s22] =	ssyncadd.s32 s6;
	_ =	sdelay $0x1  }
0xa3: {  	s23 =	simm.s32 $0x1B8B  }
0xa4: {  	_ =	swait.ge [sflag:s23], $0x1  }
0xa5: {  	[sflag:s23] =	ssyncset.done $0x0  }
0xa6: {  	s25 =	simm.s32 $0x1B8E;
	s24 =	sld [smem:$0x3FFE];
	[sflag:s23] =	ssyncadd.s32 $0xFFFFFFFF  }
0xa7: {  	s26 =	simm.s32 $execute0_lowered;
	[smem:$0x3FD2] =	sst s25  }
0xa8: {  	s7 =	sshll.u32 s26, $0x1;
	_ =	strace $0x80000046;
	[dreg:$0x1] =	wrdreg $0xFFFFFFFF  }
0xa9: {  	s28 =	simm.s32 $_size_execute0_lowered;
	s5 =	sadd.s32 s5, s7;
	[dreg:$0x0] =	wrdreg $0x0  }
0xaa: {  	s7 =	sshll.u32 s28, $0x1;
	[dreg:$0x2] =	wrdreg s5  }
0xab: {  	[dreg:$0x3] =	wrdreg s7  }
0xac: {  	[dreg:$0x4] =	wrdreg $0xC0  }
0xad: {  	_ =	task [dreg:s9], $0x5FFFF  }
0xae: {  	[dreg:$0x1] =	wrdreg $0xFFFFFFFF  }
0xaf: {  	[dreg:$0x0] =	wrdreg $0x60  }
0xb0: {  	[dreg:$0x2] =	wrdreg s24  }
0xb1: {  	[dreg:$0x3] =	wrdreg s2  }
0xb2: {  	[dreg:$0x4] =	wrdreg s18  }
0xb3: {  	[dreg:$0x5] =	wrdreg s4  }
0xb4: {  	[dreg:$0x6] =	wrdreg $0x9  }
0xb5: {  	_ =	task.clear_ibuf [dreg:s9], $0x7FFFF;
	_ =	strace $0x90000046  }
0xb6: {  	s29 =	simm.s32 $0x9;
	_ =	strace $0x80000048  }
0xb7: {  	_ =	swait.ge [sflag:s29], $0x1  }
0xb8: {  	[sflag:s29] =	ssyncadd.s32 $0xFFFFFFFF  }
0xb9: {  	_ =	strace $0x90000048  }
0xba: {  	_ =	sfence  }
0xbb: {  	s30 =	sld [smem:$0x0];
	_ =	sdelay $0x2  }
0xbc: {  	s31 =	sshll.u32 s1, $0xD;
	s1 =	sshrl.u32 s1, $0x2  }
0xbd: {  	s3 =	sand.u32 $0x4000, s31;
	s1 =	sadd.s32 s1, s30  }
0xbe: {  	s0 =	sor.u32 s3, s0;
	s1 =	sshll.u32 s1, $0x11  }
0xbf: {  	s0 =	sor.u32 s1, s0  }
0xc0: {  	s0 =	sadd.s32 $0x8F2B, s0  }
0xc1: {  	[sflag:s0] =	ssyncadd.remote.s32 $0x1  }
0xc2: {  	_ =	sfence.sel $0xFFFF  }
0xc3: {  	[dreg:$0x0] =	wrdreg $0xFFFFFFFF;
	(pc) =	sbr.abs _section_cstart, $3  }
0xc4: {  	[dreg:$0x1] =	wrdreg $0xFFFFFFFF  }
0xc5: {  	_ =	task.clear_ibuf [dreg:s9], $0x2FFFF;
	_ =	strace $0x9FFFFFFF  }
0xc6: {  	(tm) =	ssettm $0x7FFFFFFF  }
0xc7: {  	_ =	shalt  }
tec
execute0_lowered:
.L_overlay_start_1:
0x0: {  	(tag) =	ssettag $0x1  }
0x1: {  	s0 =	rddreg [dreg:$0x0]  }
0x2: {  	s24 =	rddreg [dreg:$0x1]  }
0x3: {  	s3 =	rddreg [dreg:$0x2]  }
0x4: {  	s2 =	rddreg [dreg:$0x3]  }
0x5: {  	s4 =	srdreg.scid;
	s6 =	stileid.u32;
	s18 =	simm.s32 $0x9  }
0x6: {  	s16 =	simm.s32 $0x400;
	s17 =	simm.s32 $0x4400;
	s20 =	simm.s32 $0x800  }
0x7: {  	s21 =	simm.s32 $0x4800;
	s29 =	simm.s32 $0x1000;
	s28 =	simm.s32 $0x3  }
0x8: {  	s13 =	simm.s32 $0x8;
	s15 =	simm.s32 $0x0;
	s30 =	simm.s32 $0x5  }
0x9: {  	s31 =	simm.s32 $0x2;
	s5 =	sand.u32 $0x1, s4;
	s4 =	simm.s32 $0x0  }
0xa: {  	s6 =	sshll.u32 s6, $0x7;
	s8 =	sadd.s32 $0xF4280, s3;
	s9 =	sadd.s32 $0x1E8500, s24  }
0xb: {  	s10 =	sadd.s32 $0x1E8500, s3;
	s11 =	sadd.s32 $0x2DC780, s24;
	s12 =	sadd.s32 $0x2DC780, s3  }
0xc: {  	v0 =	vlaneseq.u32;
	vm0 =	vmmov $0x1;
	vm1 =	vmmov $0x3;
	s7 =	sshll.u32 s5, $0x6;
	[smem:$0x7FF] =	sst s4;
	s5 =	ssub.s32 $0x2, s5  }
0xd: {  	vm2 =	vmmov $0x7;
	vm3 =	vmmov $0xf;
	vm4 =	vmmov $0x1f;
	s6 =	sor.u32 s7, s6;
	_ =	strace $0x80000047;
	s22 =	sshrl.u32 s5, $0x1  }
0xe: {  	vm5 =	vmmov $0x3f;
	vm6 =	vmmov $0x7f;
	vm7 =	vmmov $0xff;
	s7 =	sadd.s32 $0xF4280, s24;
	s0 =	sadd.s32 s6, s0;
	s25 =	sadd.s32 s2, s6  }
0xf: {  	vm8 =	vmmov $0x1ff;
	vm9 =	vmmov $0x3ff;
	v0 =	vmul.u32 $0x80, v0;
	s5 =	ssub.s32 s5, s22;
	s23 =	sadd.s32 $0xE00, s0;
	[dreg:$0x7] =	wrdreg s25  }
0x10: {  	vm10 =	vmmov $0x7ff;
	vm11 =	vmmov $0xfff;
	vm12 =	vmmov $0x1fff;
	s22 =	simm.s32 $0xC00;
	s0 =	sadd.s32 $0x600, s0;
	[dreg:$0x5] =	wrdreg s23  }
0x11: {  	vm13 =	vmmov $0x3fff;
	vm14 =	vmmov $0x7fff;
	v1 =	vor.u32 $0x800, v0;
	s6 =	simm.s32 $0x4;
	s26 =	smax.u32 s5, $0x1;
	[dreg:$0x6] =	wrdreg s0  }
0x12: {  	v2 =	vor.u32 $0x1000, v0;
	v3 =	vor.u32 $0x1800, v0;
	v4 =	vor.u32 $0x2000, v0;
	s25 =	simm.s32 $0x1400;
	s5 =	simm.s32 $0x7;
	[dreg:$0x8] =	wrdreg s26  }
0x13: {  	v5 =	vor.u32 $0x2800, v0;
	v6 =	vor.u32 $0x3000, v0;
	v7 =	vor.u32 $0x3800, v0;
	s23 =	simm.s32 $0x4C00;
	s0 =	simm.s32 $0x5000;
	s26 =	simm.s32 $0x5400  }
.LBB2_1:
0x14: {  	[dreg:$0x9] =	wrdreg s15  }
0x15: {  	s14 =	rddreg [dreg:$0x5]  }
0x16: {  	[tilespmem:s4], [sflag:$0x9] =	stream.linear.gather [hbm4b:s14+s4], $0x200, $0x38;
	[tilespmem:$0x8600] =	vst v63  }
0x17: {  	_ =	swait.ge [sflag:s18], $0x200  }
0x18: {  	[sflag:s18] =	ssyncset.done $0x0  }
0x19: {  	s14 =	simm.s32 $0x200;
	s1 =	rddreg [dreg:$0x6];
	[sflag:s18] =	ssyncadd.s32 $0xFFFFFE00  }
0x1a: {  	[tilespmem:s14], [sflag:$0x9] =	stream.linear.gather [hbm4b:s1+s4], $0x200, $0x38;
	[tilespmem:$0x8600] =	vst v63  }
0x1b: {  	_ =	swait.ge [sflag:s18], $0x200  }
0x1c: {  	[sflag:s18] =	ssyncset.done $0x0  }
0x1d: {  	[sflag:s18] =	ssyncadd.s32 $0xFFFFFE00  }
0x1e: {  	v8 =	vld [tilespmem:$0x0]  }
0x1f: {  	v9 =	vld [tilespmem:$0x200];
	_ =	sdelay $0x3  }
0x20: {  	v8 =	vand.u32 $0xFFFFFF80, v8  }
0x21: {  	v9 =	vand.u32 $0xFFFFFF80, v9;
	(v2sf) =	vpush v8, $0x0  }
0x22: {  	(v2sf) =	vpush v9, $0x0;
	_ =	sdelay $0xd  }
0x23: {  	s15 =	spop (v2sf);
	(v2sf) =	vpush v8, $0x1  }
0x24: {  	s18 =	spop (v2sf);
	s19 =	sadd.s32 s24, s15  }
0x25: {  	(v2sf) =	vpush v9, $0x1;
	[tilespmem:s16], [sflag:$0x1] =	stream.linear.gather [hbm4b:s19+s4], $0x400, $0x38;
	[tilespmem:$0x8600] =	vst v63  }
0x26: {  	s2 =	sadd.s32 s3, s18  }
0x27: {  	[tilespmem:s17], [sflag:$0x5] =	stream.linear.gather [hbm4b:s2+s4], $0x400, $0x38;
	[tilespmem:$0x8600] =	vst v63  }
0x28: {  	s1 =	sadd.s32 s15, s7  }
0x29: {  	[tilespmem:s20], [sflag:$0x1] =	stream.linear.gather [hbm4b:s1+s4], $0x400, $0x38;
	[tilespmem:$0x8600] =	vst v63  }
0x2a: {  	s2 =	sadd.s32 s18, s8  }
0x2b: {  	[tilespmem:s21], [sflag:$0x5] =	stream.linear.gather [hbm4b:s2+s4], $0x400, $0x38;
	[tilespmem:$0x8600] =	vst v63  }
0x2c: {  	s20 =	sadd.s32 s15, s9  }
0x2d: {  	[tilespmem:s22], [sflag:$0x1] =	stream.linear.gather [hbm4b:s20+s4], $0x400, $0x38;
	[tilespmem:$0x8600] =	vst v63  }
0x2e: {  	s21 =	sadd.s32 s18, s10  }
0x2f: {  	[tilespmem:s23], [sflag:$0x5] =	stream.linear.gather [hbm4b:s21+s4], $0x400, $0x38;
	[tilespmem:$0x8600] =	vst v63  }
0x30: {  	s15 =	sadd.s32 s15, s11  }
0x31: {  	[tilespmem:s29], [sflag:$0x1] =	stream.linear.gather [hbm4b:s15+s4], $0x400, $0x38;
	[tilespmem:$0x8600] =	vst v63  }
0x32: {  	s22 =	sadd.s32 s18, s12;
	s15 =	spop (v2sf)  }
0x33: {  	(v2sf) =	vpush v8, $0x2;
	[tilespmem:s0], [sflag:$0x5] =	stream.linear.gather [hbm4b:s22+s4], $0x400, $0x38;
	[tilespmem:$0x8600] =	vst v63  }
0x34: {  	s18 =	spop (v2sf);
	s23 =	sadd.s32 s24, s15  }
0x35: {  	(v2sf) =	vpush v9, $0x2;
	[tilespmem:s25], [sflag:$0x2] =	stream.linear.gather [hbm4b:s23+s4], $0x400, $0x38;
	[tilespmem:$0x8600] =	vst v63  }
0x36: {  	s25 =	sadd.s32 s3, s18  }
0x37: {  	[tilespmem:s26], [sflag:$0x6] =	stream.linear.gather [hbm4b:s25+s4], $0x400, $0x38;
	[tilespmem:$0x8600] =	vst v63  }
0x38: {  	s29 =	sadd.s32 s15, s7;
	s0 =	simm.s32 $0x1800  }
0x39: {  	[tilespmem:s0], [sflag:$0x2] =	stream.linear.gather [hbm4b:s29+s4], $0x400, $0x38;
	[tilespmem:$0x8600] =	vst v63  }
0x3a: {  	s2 =	simm.s32 $0x5800;
	s1 =	sadd.s32 s18, s8  }
0x3b: {  	[tilespmem:s2], [sflag:$0x6] =	stream.linear.gather [hbm4b:s1+s4], $0x400, $0x38;
	[tilespmem:$0x8600] =	vst v63  }
0x3c: {  	s21 =	sadd.s32 s15, s9;
	s22 =	simm.s32 $0x1C00  }
0x3d: {  	[tilespmem:s22], [sflag:$0x2] =	stream.linear.gather [hbm4b:s21+s4], $0x400, $0x38;
	[tilespmem:$0x8600] =	vst v63  }
0x3e: {  	s23 =	sadd.s32 s18, s10;
	s25 =	simm.s32 $0x5C00  }
0x3f: {  	[tilespmem:s25], [sflag:$0x6] =	stream.linear.gather [hbm4b:s23+s4], $0x400, $0x38;
	[tilespmem:$0x8600] =	vst v63  }
0x40: {  	s15 =	sadd.s32 s15, s11;
	s26 =	simm.s32 $0x2000  }
0x41: {  	[tilespmem:s26], [sflag:$0x2] =	stream.linear.gather [hbm4b:s15+s4], $0x400, $0x38;
	[tilespmem:$0x8600] =	vst v63  }
0x42: {  	s29 =	sadd.s32 s18, s12;
	s0 =	simm.s32 $0x6000;
	s15 =	spop (v2sf)  }
0x43: {  	(v2sf) =	vpush v8, $0x3;
	[tilespmem:s0], [sflag:$0x6] =	stream.linear.gather [hbm4b:s29+s4], $0x400, $0x38;
	[tilespmem:$0x8600] =	vst v63  }
0x44: {  	s2 =	simm.s32 $0x2400;
	s18 =	spop (v2sf);
	s1 =	sadd.s32 s24, s15  }
0x45: {  	(v2sf) =	vpush v9, $0x3;
	[tilespmem:s2], [sflag:$0x3] =	stream.linear.gather [hbm4b:s1+s4], $0x400, $0x38;
	[tilespmem:$0x8600] =	vst v63  }
0x46: {  	s21 =	simm.s32 $0x6400;
	s20 =	sadd.s32 s3, s18  }
0x47: {  	[tilespmem:s21], [sflag:$0x7] =	stream.linear.gather [hbm4b:s20+s4], $0x400, $0x38;
	[tilespmem:$0x8600] =	vst v63  }
0x48: {  	s23 =	simm.s32 $0x2800;
	s22 =	sadd.s32 s15, s7  }
0x49: {  	[tilespmem:s23], [sflag:$0x3] =	stream.linear.gather [hbm4b:s22+s4], $0x400, $0x38;
	[tilespmem:$0x8600] =	vst v63  }
0x4a: {  	s26 =	simm.s32 $0x6800;
	s25 =	sadd.s32 s18, s8  }
0x4b: {  	[tilespmem:s26], [sflag:$0x7] =	stream.linear.gather [hbm4b:s25+s4], $0x400, $0x38;
	[tilespmem:$0x8600] =	vst v63  }
0x4c: {  	s29 =	sadd.s32 s15, s9;
	s0 =	simm.s32 $0x2C00  }
0x4d: {  	[tilespmem:s0], [sflag:$0x3] =	stream.linear.gather [hbm4b:s29+s4], $0x400, $0x38;
	[tilespmem:$0x8600] =	vst v63  }
0x4e: {  	s1 =	sadd.s32 s18, s10;
	s2 =	simm.s32 $0x6C00  }
0x4f: {  	[tilespmem:s2], [sflag:$0x7] =	stream.linear.gather [hbm4b:s1+s4], $0x400, $0x38;
	[tilespmem:$0x8600] =	vst v63  }
0x50: {  	s15 =	sadd.s32 s15, s11;
	s20 =	simm.s32 $0x3000  }
0x51: {  	[tilespmem:s20], [sflag:$0x3] =	stream.linear.gather [hbm4b:s15+s4], $0x400, $0x38;
	[tilespmem:$0x8600] =	vst v63  }
0x52: {  	s18 =	sadd.s32 s18, s12;
	s21 =	simm.s32 $0x7000;
	s15 =	spop (v2sf)  }
0x53: {  	[tilespmem:s21], [sflag:$0x7] =	stream.linear.gather [hbm4b:s18+s4], $0x400, $0x38;
	[tilespmem:$0x8600] =	vst v63  }
0x54: {  	s23 =	simm.s32 $0x3400;
	s22 =	sadd.s32 s24, s15;
	s18 =	spop (v2sf)  }
0x55: {  	[tilespmem:s23], [sflag:$0x4] =	stream.linear.gather [hbm4b:s22+s4], $0x400, $0x38;
	[tilespmem:$0x8600] =	vst v63  }
0x56: {  	s26 =	simm.s32 $0x7400;
	s25 =	sadd.s32 s3, s18  }
0x57: {  	[tilespmem:s26], [sflag:$0x8] =	stream.linear.gather [hbm4b:s25+s4], $0x400, $0x38;
	[tilespmem:$0x8600] =	vst v63  }
0x58: {  	s0 =	simm.s32 $0x3800;
	s29 =	sadd.s32 s15, s7  }
0x59: {  	[tilespmem:s0], [sflag:$0x4] =	stream.linear.gather [hbm4b:s29+s4], $0x400, $0x38;
	[tilespmem:$0x8600] =	vst v63  }
0x5a: {  	s2 =	simm.s32 $0x7800;
	s1 =	sadd.s32 s18, s8  }
0x5b: {  	[tilespmem:s2], [sflag:$0x8] =	stream.linear.gather [hbm4b:s1+s4], $0x400, $0x38;
	[tilespmem:$0x8600] =	vst v63  }
0x5c: {  	s20 =	sadd.s32 s15, s9;
	s21 =	simm.s32 $0x3C00  }
0x5d: {  	[tilespmem:s21], [sflag:$0x4] =	stream.linear.gather [hbm4b:s20+s4], $0x400, $0x38;
	[tilespmem:$0x8600] =	vst v63  }
0x5e: {  	s19 =	simm.s32 $0x1;
	s22 =	sadd.s32 s18, s10;
	s23 =	simm.s32 $0x7C00  }
0x5f: {  	[tilespmem:s23], [sflag:$0x8] =	stream.linear.gather [hbm4b:s22+s4], $0x400, $0x38;
	[tilespmem:$0x8600] =	vst v63  }
0x60: {  	s15 =	sadd.s32 s15, s11;
	s25 =	simm.s32 $0x4000;
	s26 =	sadd.s32 s18, s12  }
0x61: {  	[tilespmem:s25], [sflag:$0x4] =	stream.linear.gather [hbm4b:s15+s4], $0x400, $0x38;
	[tilespmem:$0x8600] =	vst v63  }
0x62: {  	s18 =	simm.s32 $0x0;
	s29 =	simm.s32 $0x8000;
	s15 =	simm.s32 $0x8400  }
0x63: {  	[tilespmem:s29], [sflag:$0x8] =	stream.linear.gather [hbm4b:s26+s4], $0x400, $0x38;
	[tilespmem:$0x8600] =	vst v63  }
.LBB2_2:
0x64: {  	v8 =	vld [tilespmem:s18+$0x0];
	s20 =	smin.u32 s19, $0x1F  }
0x65: {  	v9 =	vld [tilespmem:s14+$0x0];
	s20 =	sshll.u32 s20, $0x4  }
0x66: {  	s1 =	simm.s32 $0x1;
	v14 =	vld [tilespmem:s20+$0x0]  }
0x67: {  	v13 =	vld [tilespmem:s20+$0x200];
	_ =	swait.ge [sflag:s1], $0x1000  }
0x68: {  	[sflag:s1] =	ssyncset.done $0x0  }
0x69: {  	[sflag:s1] =	ssyncadd.s32 $0xFFFFF000  }
0x6a: {  	v15 =	vand.u32 $0xFFFFFF80, v8;
	_ =	swait.ge [sflag:s30], $0x1000  }
0x6b: {  	v16 =	vand.u32 $0xFFFFFF80, v9;
	v8 =	vand.u32 $0x7F, v8;
	(v2sf) =	vpush v15, $0x4  }
0x6c: {  	v10 =	vbroadcast v8, $0x0;
	(v2sf) =	vpush v16, $0x4  }
0x6d: {  	v9 =	vand.u32 $0x7F, v9  }
0x6e: {  	v11 =	vbroadcast v9, $0x0;
	v12 =	vor.u32 v0, v10  }
0x6f: {  	v10 =	vor.u32 v1, v10  }
0x70: {  	v17 =	vor.u32 v0, v11  }
0x71: {  	[sflag:s30] =	ssyncset.done $0x0;
	v11 =	vor.u32 v1, v11  }
0x72: {  	[sflag:s30] =	ssyncadd.s32 $0xFFFFF000  }
0x73: {  	v12 =	vld.idx.msk [tilespmem:v12+s16+$0x0], $0xffff  }
0x74: {  	v10 =	vld.idx.msk [tilespmem:v10+s16+$0x0], $0xffff  }
0x75: {  	v17 =	vld.idx.msk [tilespmem:v17+s17+$0x0], $0xffff  }
0x76: {  	v11 =	vld.idx.msk [tilespmem:v11+s17+$0x0], $0xffff;
	_ =	sdelay $0x3  }
0x77: {  	s20 =	spop (v2sf)  }
0x78: {  	v12 =	vmul.f32 v17, v12;
	v10 =	vmul.f32 v11, v10;
	s21 =	spop (v2sf);
	s22 =	sadd.s32 s24, s20  }
0x79: {  	[tilespmem:s16], [sflag:$0x1] =	stream.linear.gather [hbm4b:s22+s4], $0x400, $0x38;
	[tilespmem:$0x8600] =	vst v63  }
0x7a: {  	v10 =	vadd.f32 v10, v12;
	s0 =	sadd.s32 s3, s21  }
0x7b: {  	[tilespmem:s17], [sflag:$0x5] =	stream.linear.gather [hbm4b:s0+s4], $0x400, $0x38;
	[tilespmem:$0x8600] =	vst v63  }
0x7c: {  	s23 =	simm.s32 $0x800;
	(xrf2) =	vadd.scan.msk.f32 $0xffff, v10;
	s2 =	sadd.s32 s20, s7  }
0x7d: {  	[tilespmem:s23], [sflag:$0x1] =	stream.linear.gather [hbm4b:s2+s4], $0x400, $0x38;
	[tilespmem:$0x8600] =	vst v63  }
0x7e: {  	s29 =	simm.s32 $0x4800;
	s25 =	sadd.s32 s21, s8  }
0x7f: {  	[tilespmem:s29], [sflag:$0x5] =	stream.linear.gather [hbm4b:s25+s4], $0x400, $0x38;
	[tilespmem:$0x8600] =	vst v63  }
0x80: {  	s0 =	sadd.s32 s20, s9;
	s2 =	simm.s32 $0xC00  }
0x81: {  	[tilespmem:s2], [sflag:$0x1] =	stream.linear.gather [hbm4b:s0+s4], $0x400, $0x38;
	[tilespmem:$0x8600] =	vst v63  }
0x82: {  	s25 =	sadd.s32 s21, s10;
	s29 =	simm.s32 $0x4C00  }
0x83: {  	[tilespmem:s29], [sflag:$0x5] =	stream.linear.gather [hbm4b:s25+s4], $0x400, $0x38;
	[tilespmem:$0x8600] =	vst v63  }
0x84: {  	s20 =	sadd.s32 s20, s11;
	s0 =	simm.s32 $0x1000  }
0x85: {  	[tilespmem:s0], [sflag:$0x1] =	stream.linear.gather [hbm4b:s20+s4], $0x400, $0x38;
	[tilespmem:$0x8600] =	vst v63  }
0x86: {  	s22 =	sadd.s32 s21, s12;
	s23 =	simm.s32 $0x5000  }
0x87: {  	v10, _, _ =	vpop (xrf2);
	[tilespmem:s23], [sflag:$0x5] =	stream.linear.gather [hbm4b:s22+s4], $0x400, $0x38;
	[tilespmem:$0x8600] =	vst v63  }
0x88: {  	_ =	swait.ge [sflag:s31], $0x1000  }
0x89: {  	[sflag:s31] =	ssyncset.done $0x0  }
0x8a: {  	s0 =	simm.s32 $0x6;
	[sflag:s31] =	ssyncadd.s32 $0xFFFFF000  }
0x8b: {  	_ =	swait.ge [sflag:s0], $0x1000  }
0x8c: {  	(v2sf) =	vpush v15, $0x5  }
0x8d: {  	v45 =	vbroadcast v8, $0x1;
	(v2sf) =	vpush v16, $0x5;
	_ =	sdelay $0x1  }
0x8e: {  	v46 =	vbroadcast v9, $0x1;
	v47 =	vor.u32 v2, v45  }
0x8f: {  	v11 =	vor.u32 v3, v45  }
0x90: {  	v18 =	vor.u32 v2, v46  }
0x91: {  	v12 =	vor.u32 v3, v46;
	[sflag:s0] =	ssyncset.done $0x0  }
0x92: {  	[sflag:s0] =	ssyncadd.s32 $0xFFFFF000  }
0x93: {  	v17 =	vld.idx.msk [tilespmem:v47+s16+$0x0], $0xffff  }
0x94: {  	v11 =	vld.idx.msk [tilespmem:v11+s16+$0x0], $0xffff  }
0x95: {  	v18 =	vld.idx.msk [tilespmem:v18+s17+$0x0], $0xffff  }
0x96: {  	v12 =	vld.idx.msk [tilespmem:v12+s17+$0x0], $0xffff;
	_ =	sdelay $0x3  }
0x97: {  	s20 =	spop (v2sf)  }
0x98: {  	s29 =	simm.s32 $0x1400;
	v17 =	vmul.f32 v18, v17;
	v11 =	vmul.f32 v12, v11;
	s21 =	spop (v2sf);
	s25 =	sadd.s32 s24, s20  }
0x99: {  	[tilespmem:s29], [sflag:$0x2] =	stream.linear.gather [hbm4b:s25+s4], $0x400, $0x38;
	[tilespmem:$0x8600] =	vst v63  }
0x9a: {  	v11 =	vadd.f32 v11, v17;
	s25 =	sadd.s32 s3, s21;
	s29 =	simm.s32 $0x5400  }
0x9b: {  	[tilespmem:s29], [sflag:$0x6] =	stream.linear.gather [hbm4b:s25+s4], $0x400, $0x38;
	[tilespmem:$0x8600] =	vst v63  }
0x9c: {  	(xrf2) =	vadd.scan.msk.f32 $0xffff, v11;
	s25 =	sadd.s32 s20, s7;
	s29 =	simm.s32 $0x1800  }
0x9d: {  	[tilespmem:s29], [sflag:$0x2] =	stream.linear.gather [hbm4b:s25+s4], $0x400, $0x38;
	[tilespmem:$0x8600] =	vst v63  }
0x9e: {  	s23 =	sadd.s32 s21, s8;
	s29 =	simm.s32 $0x5800  }
0x9f: {  	[tilespmem:s29], [sflag:$0x6] =	stream.linear.gather [hbm4b:s23+s4], $0x400, $0x38;
	[tilespmem:$0x8600] =	vst v63  }
0xa0: {  	s23 =	sadd.s32 s20, s9;
	s29 =	simm.s32 $0x1C00  }
0xa1: {  	[tilespmem:s29], [sflag:$0x2] =	stream.linear.gather [hbm4b:s23+s4], $0x400, $0x38;
	[tilespmem:$0x8600] =	vst v63  }
0xa2: {  	s23 =	sadd.s32 s21, s10;
	s29 =	simm.s32 $0x5C00  }
0xa3: {  	[tilespmem:s29], [sflag:$0x6] =	stream.linear.gather [hbm4b:s23+s4], $0x400, $0x38;
	[tilespmem:$0x8600] =	vst v63  }
0xa4: {  	s20 =	sadd.s32 s20, s11;
	s29 =	simm.s32 $0x2000  }
0xa5: {  	[tilespmem:s29], [sflag:$0x2] =	stream.linear.gather [hbm4b:s20+s4], $0x400, $0x38;
	[tilespmem:$0x8600] =	vst v63  }
0xa6: {  	s22 =	sadd.s32 s21, s12;
	s23 =	simm.s32 $0x6000  }
0xa7: {  	v11, _, _ =	vpop (xrf2);
	[tilespmem:s23], [sflag:$0x6] =	stream.linear.gather [hbm4b:s22+s4], $0x400, $0x38;
	[tilespmem:$0x8600] =	vst v63  }
0xa8: {  	_ =	swait.ge [sflag:s28], $0x1000  }
0xa9: {  	[sflag:s28] =	ssyncset.done $0x0  }
0xaa: {  	[sflag:s28] =	ssyncadd.s32 $0xFFFFF000  }
0xab: {  	_ =	swait.ge [sflag:s5], $0x1000  }
0xac: {  	(v2sf) =	vpush v15, $0x6  }
0xad: {  	v48 =	vbroadcast v8, $0x2;
	(v2sf) =	vpush v16, $0x6;
	_ =	sdelay $0x1  }
0xae: {  	v49 =	vbroadcast v9, $0x2;
	v50 =	vor.u32 v4, v48  }
0xaf: {  	v12 =	vor.u32 v5, v48  }
0xb0: {  	v19 =	vor.u32 v4, v49  }
0xb1: {  	v17 =	vor.u32 v5, v49;
	[sflag:s5] =	ssyncset.done $0x0  }
0xb2: {  	[sflag:s5] =	ssyncadd.s32 $0xFFFFF000  }
0xb3: {  	v18 =	vld.idx.msk [tilespmem:v50+s16+$0x0], $0xffff  }
0xb4: {  	v12 =	vld.idx.msk [tilespmem:v12+s16+$0x0], $0xffff  }
0xb5: {  	v19 =	vld.idx.msk [tilespmem:v19+s17+$0x0], $0xffff  }
0xb6: {  	v17 =	vld.idx.msk [tilespmem:v17+s17+$0x0], $0xffff;
	_ =	sdelay $0x3  }
0xb7: {  	s20 =	spop (v2sf)  }
0xb8: {  	s5 =	simm.s32 $0x2400;
	v18 =	vmul.f32 v19, v18;
	v12 =	vmul.f32 v17, v12;
	s21 =	spop (v2sf);
	s29 =	sadd.s32 s24, s20  }
0xb9: {  	[tilespmem:s5], [sflag:$0x3] =	stream.linear.gather [hbm4b:s29+s4], $0x400, $0x38;
	[tilespmem:$0x8600] =	vst v63  }
0xba: {  	v12 =	vadd.f32 v12, v18;
	s29 =	sadd.s32 s3, s21;
	s5 =	simm.s32 $0x6400  }
0xbb: {  	[tilespmem:s5], [sflag:$0x7] =	stream.linear.gather [hbm4b:s29+s4], $0x400, $0x38;
	[tilespmem:$0x8600] =	vst v63  }
0xbc: {  	(xrf2) =	vadd.scan.msk.f32 $0xffff, v12;
	s29 =	sadd.s32 s20, s7;
	s5 =	simm.s32 $0x2800  }
0xbd: {  	[tilespmem:s5], [sflag:$0x3] =	stream.linear.gather [hbm4b:s29+s4], $0x400, $0x38;
	[tilespmem:$0x8600] =	vst v63  }
0xbe: {  	s29 =	sadd.s32 s21, s8;
	s5 =	simm.s32 $0x6800  }
0xbf: {  	[tilespmem:s5], [sflag:$0x7] =	stream.linear.gather [hbm4b:s29+s4], $0x400, $0x38;
	[tilespmem:$0x8600] =	vst v63  }
0xc0: {  	s29 =	sadd.s32 s20, s9;
	s5 =	simm.s32 $0x2C00  }
0xc1: {  	[tilespmem:s5], [sflag:$0x3] =	stream.linear.gather [hbm4b:s29+s4], $0x400, $0x38;
	[tilespmem:$0x8600] =	vst v63  }
0xc2: {  	s29 =	sadd.s32 s21, s10;
	s5 =	simm.s32 $0x6C00  }
0xc3: {  	[tilespmem:s5], [sflag:$0x7] =	stream.linear.gather [hbm4b:s29+s4], $0x400, $0x38;
	[tilespmem:$0x8600] =	vst v63  }
0xc4: {  	s23 =	simm.s32 $0x3000;
	s20 =	sadd.s32 s20, s11  }
0xc5: {  	[tilespmem:s23], [sflag:$0x3] =	stream.linear.gather [hbm4b:s20+s4], $0x400, $0x38;
	[tilespmem:$0x8600] =	vst v63  }
0xc6: {  	s29 =	sadd.s32 s21, s12;
	s5 =	simm.s32 $0x7000  }
0xc7: {  	v12, _, _ =	vpop (xrf2);
	[tilespmem:s5], [sflag:$0x7] =	stream.linear.gather [hbm4b:s29+s4], $0x400, $0x38;
	[tilespmem:$0x8600] =	vst v63  }
0xc8: {  	_ =	swait.ge [sflag:s6], $0x1000  }
0xc9: {  	[sflag:s6] =	ssyncset.done $0x0  }
0xca: {  	[sflag:s6] =	ssyncadd.s32 $0xFFFFF000  }
0xcb: {  	_ =	swait.ge [sflag:s13], $0x1000  }
0xcc: {  	(v2sf) =	vpush v15, $0x7  }
0xcd: {  	v51 =	vbroadcast v8, $0x3;
	(v2sf) =	vpush v16, $0x7  }
0xce: {  	v52 =	vbroadcast v9, $0x3  }
0xcf: {  	v53 =	vor.u32 v6, v51  }
0xd0: {  	v54 =	vor.u32 v6, v52  }
0xd1: {  	v15 =	vor.u32 v7, v51  }
0xd2: {  	[sflag:s13] =	ssyncset.done $0x0;
	v16 =	vor.u32 v7, v52  }
0xd3: {  	[sflag:s13] =	ssyncadd.s32 $0xFFFFF000  }
0xd4: {  	v17 =	vld.idx.msk [tilespmem:v53+s16+$0x0], $0xffff  }
0xd5: {  	v18 =	vld.idx.msk [tilespmem:v54+s17+$0x0], $0xffff  }
0xd6: {  	v15 =	vld.idx.msk [tilespmem:v15+s16+$0x0], $0xffff  }
0xd7: {  	v16 =	vld.idx.msk [tilespmem:v16+s17+$0x0], $0xffff;
	_ =	sdelay $0x3  }
0xd8: {  	s20 =	spop (v2sf)  }
0xd9: {  	s13 =	simm.s32 $0x3400;
	v17 =	vmul.f32 v18, v17;
	v15 =	vmul.f32 v16, v15;
	s21 =	spop (v2sf);
	s6 =	sadd.s32 s24, s20  }
0xda: {  	[tilespmem:s13], [sflag:$0x4] =	stream.linear.gather [hbm4b:s6+s4], $0x400, $0x38;
	[tilespmem:$0x8600] =	vst v63  }
0xdb: {  	s5 =	simm.s32 $0x7400;
	v15 =	vadd.f32 v15, v17;
	s29 =	sadd.s32 s3, s21  }
0xdc: {  	[tilespmem:s5], [sflag:$0x8] =	stream.linear.gather [hbm4b:s29+s4], $0x400, $0x38;
	[tilespmem:$0x8600] =	vst v63  }
0xdd: {  	(xrf2) =	vadd.scan.msk.f32 $0xffff, v15;
	s6 =	sadd.s32 s20, s7;
	s13 =	simm.s32 $0x3800  }
0xde: {  	[tilespmem:s13], [sflag:$0x4] =	stream.linear.gather [hbm4b:s6+s4], $0x400, $0x38;
	[tilespmem:$0x8600] =	vst v63  }
0xdf: {  	s23 =	sadd.s32 s21, s8;
	s5 =	simm.s32 $0x7800  }
0xe0: {  	[tilespmem:s5], [sflag:$0x8] =	stream.linear.gather [hbm4b:s23+s4], $0x400, $0x38;
	[tilespmem:$0x8600] =	vst v63  }
0xe1: {  	s6 =	sadd.s32 s20, s9;
	s13 =	simm.s32 $0x3C00  }
0xe2: {  	[tilespmem:s13], [sflag:$0x4] =	stream.linear.gather [hbm4b:s6+s4], $0x400, $0x38;
	[tilespmem:$0x8600] =	vst v63  }
0xe3: {  	s5 =	sadd.s32 s21, s10;
	s6 =	simm.s32 $0x7C00  }
0xe4: {  	[tilespmem:s6], [sflag:$0x8] =	stream.linear.gather [hbm4b:s5+s4], $0x400, $0x38;
	[tilespmem:$0x8600] =	vst v63  }
0xe5: {  	s20 =	sadd.s32 s20, s11;
	s13 =	simm.s32 $0x4000  }
0xe6: {  	[tilespmem:s13], [sflag:$0x4] =	stream.linear.gather [hbm4b:s20+s4], $0x400, $0x38;
	[tilespmem:$0x8600] =	vst v63  }
0xe7: {  	s22 =	sadd.s32 s21, s12;
	s23 =	simm.s32 $0x8000  }
0xe8: {  	v15, _, _ =	vpop (xrf2);
	[tilespmem:s23], [sflag:$0x8] =	stream.linear.gather [hbm4b:s22+s4], $0x400, $0x38;
	[tilespmem:$0x8600] =	vst v63  }
0xe9: {  	_ =	swait.ge [sflag:s1], $0x1000  }
0xea: {  	[sflag:s1] =	ssyncset.done $0x0  }
0xeb: {  	[sflag:s1] =	ssyncadd.s32 $0xFFFFF000  }
0xec: {  	v14 =	vand.u32 $0xFFFFFF80, v14;
	_ =	swait.ge [sflag:s30], $0x1000  }
0xed: {  	v13 =	vand.u32 $0xFFFFFF80, v13;
	(v2sf) =	vpush v14, $0x0  }
0xee: {  	v55 =	vbroadcast v8, $0x4;
	(v2sf) =	vpush v13, $0x0;
	_ =	sdelay $0x1  }
0xef: {  	v56 =	vbroadcast v9, $0x4;
	v57 =	vor.u32 v0, v55  }
0xf0: {  	v16 =	vor.u32 v1, v55  }
0xf1: {  	v58 =	vor.u32 v0, v56  }
0xf2: {  	v17 =	vor.u32 v1, v56;
	[sflag:s30] =	ssyncset.done $0x0  }
0xf3: {  	[sflag:s30] =	ssyncadd.s32 $0xFFFFF000  }
0xf4: {  	v18 =	vld.idx.msk [tilespmem:v57+s16+$0x0], $0xffff  }
0xf5: {  	v16 =	vld.idx.msk [tilespmem:v16+s16+$0x0], $0xffff  }
0xf6: {  	v19 =	vld.idx.msk [tilespmem:v58+s17+$0x0], $0xffff  }
0xf7: {  	v17 =	vld.idx.msk [tilespmem:v17+s17+$0x0], $0xffff;
	_ =	sdelay $0x3  }
0xf8: {  	s20 =	spop (v2sf)  }
0xf9: {  	v18 =	vmul.f32 v19, v18;
	v16 =	vmul.f32 v17, v16;
	s21 =	spop (v2sf);
	s5 =	sadd.s32 s24, s20  }
0xfa: {  	[tilespmem:s16], [sflag:$0x1] =	stream.linear.gather [hbm4b:s5+s4], $0x400, $0x38;
	[tilespmem:$0x8600] =	vst v63  }
0xfb: {  	v16 =	vadd.f32 v16, v18;
	s6 =	sadd.s32 s3, s21  }
0xfc: {  	[tilespmem:s17], [sflag:$0x5] =	stream.linear.gather [hbm4b:s6+s4], $0x400, $0x38;
	[tilespmem:$0x8600] =	vst v63  }
0xfd: {  	s26 =	simm.s32 $0x800;
	(xrf2) =	vadd.scan.msk.f32 $0xffff, v16;
	s13 =	sadd.s32 s20, s7  }
0xfe: {  	[tilespmem:s26], [sflag:$0x1] =	stream.linear.gather [hbm4b:s13+s4], $0x400, $0x38;
	[tilespmem:$0x8600] =	vst v63  }
0xff: {  	s23 =	sadd.s32 s21, s8;
	s26 =	simm.s32 $0x4800  }
0x100: {  	[tilespmem:s26], [sflag:$0x5] =	stream.linear.gather [hbm4b:s23+s4], $0x400, $0x38;
	[tilespmem:$0x8600] =	vst v63  }
0x101: {  	s6 =	sadd.s32 s20, s9;
	s13 =	simm.s32 $0xC00  }
0x102: {  	[tilespmem:s13], [sflag:$0x1] =	stream.linear.gather [hbm4b:s6+s4], $0x400, $0x38;
	[tilespmem:$0x8600] =	vst v63  }
0x103: {  	s2 =	simm.s32 $0x4C00;
	s23 =	sadd.s32 s21, s10  }
0x104: {  	[tilespmem:s2], [sflag:$0x5] =	stream.linear.gather [hbm4b:s23+s4], $0x400, $0x38;
	[tilespmem:$0x8600] =	vst v63  }
0x105: {  	s20 =	sadd.s32 s20, s11;
	s26 =	simm.s32 $0x1000  }
0x106: {  	[tilespmem:s26], [sflag:$0x1] =	stream.linear.gather [hbm4b:s20+s4], $0x400, $0x38;
	[tilespmem:$0x8600] =	vst v63  }
0x107: {  	s5 =	simm.s32 $0x5000;
	s2 =	sadd.s32 s21, s12  }
0x108: {  	v16, _, _ =	vpop (xrf2);
	[tilespmem:s5], [sflag:$0x5] =	stream.linear.gather [hbm4b:s2+s4], $0x400, $0x38;
	[tilespmem:$0x8600] =	vst v63  }
0x109: {  	_ =	swait.ge [sflag:s31], $0x1000  }
0x10a: {  	[sflag:s31] =	ssyncset.done $0x0  }
0x10b: {  	[sflag:s31] =	ssyncadd.s32 $0xFFFFF000  }
0x10c: {  	_ =	swait.ge [sflag:s0], $0x1000  }
0x10d: {  	(v2sf) =	vpush v14, $0x1  }
0x10e: {  	v59 =	vbroadcast v8, $0x5;
	(v2sf) =	vpush v13, $0x1;
	_ =	sdelay $0x1  }
0x10f: {  	v60 =	vbroadcast v9, $0x5;
	v61 =	vor.u32 v2, v59  }
0x110: {  	v17 =	vor.u32 v3, v59  }
0x111: {  	v20 =	vor.u32 v2, v60  }
0x112: {  	v18 =	vor.u32 v3, v60;
	[sflag:s0] =	ssyncset.done $0x0  }
0x113: {  	[sflag:s0] =	ssyncadd.s32 $0xFFFFF000  }
0x114: {  	v19 =	vld.idx.msk [tilespmem:v61+s16+$0x0], $0xffff  }
0x115: {  	v17 =	vld.idx.msk [tilespmem:v17+s16+$0x0], $0xffff  }
0x116: {  	v20 =	vld.idx.msk [tilespmem:v20+s17+$0x0], $0xffff  }
0x117: {  	v18 =	vld.idx.msk [tilespmem:v18+s17+$0x0], $0xffff;
	_ =	sdelay $0x3  }
0x118: {  	s20 =	spop (v2sf)  }
0x119: {  	s13 =	simm.s32 $0x1400;
	v19 =	vmul.f32 v20, v19;
	v17 =	vmul.f32 v18, v17;
	s21 =	spop (v2sf);
	s6 =	sadd.s32 s24, s20  }
0x11a: {  	[tilespmem:s13], [sflag:$0x2] =	stream.linear.gather [hbm4b:s6+s4], $0x400, $0x38;
	[tilespmem:$0x8600] =	vst v63  }
0x11b: {  	s26 =	simm.s32 $0x5400;
	v17 =	vadd.f32 v17, v19;
	s23 =	sadd.s32 s3, s21  }
0x11c: {  	[tilespmem:s26], [sflag:$0x6] =	stream.linear.gather [hbm4b:s23+s4], $0x400, $0x38;
	[tilespmem:$0x8600] =	vst v63  }
0x11d: {  	s25 =	simm.s32 $0x1800;
	(xrf2) =	vadd.scan.msk.f32 $0xffff, v17;
	s5 =	sadd.s32 s20, s7  }
0x11e: {  	[tilespmem:s25], [sflag:$0x2] =	stream.linear.gather [hbm4b:s5+s4], $0x400, $0x38;
	[tilespmem:$0x8600] =	vst v63  }
0x11f: {  	s6 =	sadd.s32 s21, s8;
	s26 =	simm.s32 $0x5800  }
0x120: {  	[tilespmem:s26], [sflag:$0x6] =	stream.linear.gather [hbm4b:s6+s4], $0x400, $0x38;
	[tilespmem:$0x8600] =	vst v63  }
0x121: {  	s28 =	simm.s32 $0x1C00;
	s13 =	sadd.s32 s20, s9  }
0x122: {  	[tilespmem:s28], [sflag:$0x2] =	stream.linear.gather [hbm4b:s13+s4], $0x400, $0x38;
	[tilespmem:$0x8600] =	vst v63  }
0x123: {  	s23 =	sadd.s32 s21, s10;
	s6 =	simm.s32 $0x5C00  }
0x124: {  	[tilespmem:s6], [sflag:$0x6] =	stream.linear.gather [hbm4b:s23+s4], $0x400, $0x38;
	[tilespmem:$0x8600] =	vst v63  }
0x125: {  	s20 =	sadd.s32 s20, s11;
	s23 =	simm.s32 $0x2000  }
0x126: {  	[tilespmem:s23], [sflag:$0x2] =	stream.linear.gather [hbm4b:s20+s4], $0x400, $0x38;
	[tilespmem:$0x8600] =	vst v63  }
0x127: {  	s22 =	simm.s32 $0x6000;
	s21 =	sadd.s32 s21, s12;
	s5 =	simm.s32 $0x3  }
0x128: {  	v17, _, _ =	vpop (xrf2);
	[tilespmem:s22], [sflag:$0x6] =	stream.linear.gather [hbm4b:s21+s4], $0x400, $0x38;
	[tilespmem:$0x8600] =	vst v63  }
0x129: {  	_ =	swait.ge [sflag:s5], $0x1000  }
0x12a: {  	[sflag:s5] =	ssyncset.done $0x0  }
0x12b: {  	s25 =	simm.s32 $0x7;
	[sflag:s5] =	ssyncadd.s32 $0xFFFFF000  }
0x12c: {  	_ =	swait.ge [sflag:s25], $0x1000  }
0x12d: {  	(v2sf) =	vpush v14, $0x2  }
0x12e: {  	v62 =	vbroadcast v8, $0x6;
	(v2sf) =	vpush v13, $0x2;
	_ =	sdelay $0x1  }
0x12f: {  	v63 =	vbroadcast v9, $0x6;
	v24 =	vor.u32 v4, v62  }
0x130: {  	v18 =	vor.u32 v5, v62  }
0x131: {  	v21 =	vor.u32 v4, v63  }
0x132: {  	v19 =	vor.u32 v5, v63;
	[sflag:s25] =	ssyncset.done $0x0  }
0x133: {  	[sflag:s25] =	ssyncadd.s32 $0xFFFFF000  }
0x134: {  	v20 =	vld.idx.msk [tilespmem:v24+s16+$0x0], $0xffff  }
0x135: {  	v18 =	vld.idx.msk [tilespmem:v18+s16+$0x0], $0xffff  }
0x136: {  	v21 =	vld.idx.msk [tilespmem:v21+s17+$0x0], $0xffff  }
0x137: {  	v19 =	vld.idx.msk [tilespmem:v19+s17+$0x0], $0xffff;
	_ =	sdelay $0x3  }
0x138: {  	s20 =	spop (v2sf)  }
0x139: {  	s25 =	simm.s32 $0x2400;
	v20 =	vmul.f32 v21, v20;
	v18 =	vmul.f32 v19, v18;
	s21 =	spop (v2sf);
	s22 =	sadd.s32 s24, s20  }
0x13a: {  	[tilespmem:s25], [sflag:$0x3] =	stream.linear.gather [hbm4b:s22+s4], $0x400, $0x38;
	[tilespmem:$0x8600] =	vst v63  }
0x13b: {  	v18 =	vadd.f32 v18, v20;
	s22 =	sadd.s32 s3, s21;
	s25 =	simm.s32 $0x6400  }
0x13c: {  	[tilespmem:s25], [sflag:$0x7] =	stream.linear.gather [hbm4b:s22+s4], $0x400, $0x38;
	[tilespmem:$0x8600] =	vst v63  }
0x13d: {  	(xrf2) =	vadd.scan.msk.f32 $0xffff, v18;
	s22 =	sadd.s32 s20, s7;
	s25 =	simm.s32 $0x2800  }
0x13e: {  	[tilespmem:s25], [sflag:$0x3] =	stream.linear.gather [hbm4b:s22+s4], $0x400, $0x38;
	[tilespmem:$0x8600] =	vst v63  }
0x13f: {  	s22 =	sadd.s32 s21, s8;
	s25 =	simm.s32 $0x6800  }
0x140: {  	[tilespmem:s25], [sflag:$0x7] =	stream.linear.gather [hbm4b:s22+s4], $0x400, $0x38;
	[tilespmem:$0x8600] =	vst v63  }
0x141: {  	s22 =	sadd.s32 s20, s9;
	s25 =	simm.s32 $0x2C00  }
0x142: {  	[tilespmem:s25], [sflag:$0x3] =	stream.linear.gather [hbm4b:s22+s4], $0x400, $0x38;
	[tilespmem:$0x8600] =	vst v63  }
0x143: {  	s22 =	sadd.s32 s21, s10;
	s25 =	simm.s32 $0x6C00  }
0x144: {  	[tilespmem:s25], [sflag:$0x7] =	stream.linear.gather [hbm4b:s22+s4], $0x400, $0x38;
	[tilespmem:$0x8600] =	vst v63  }
0x145: {  	s20 =	sadd.s32 s20, s11;
	s25 =	simm.s32 $0x3000  }
0x146: {  	[tilespmem:s25], [sflag:$0x3] =	stream.linear.gather [hbm4b:s20+s4], $0x400, $0x38;
	[tilespmem:$0x8600] =	vst v63  }
0x147: {  	s13 =	simm.s32 $0x4;
	s22 =	sadd.s32 s21, s12;
	s25 =	simm.s32 $0x7000  }
0x148: {  	v18, _, _ =	vpop (xrf2);
	[tilespmem:s25], [sflag:$0x7] =	stream.linear.gather [hbm4b:s22+s4], $0x400, $0x38;
	[tilespmem:$0x8600] =	vst v63  }
0x149: {  	_ =	swait.ge [sflag:s13], $0x1000  }
0x14a: {  	[sflag:s13] =	ssyncset.done $0x0  }
0x14b: {  	s2 =	simm.s32 $0x8;
	[sflag:s13] =	ssyncadd.s32 $0xFFFFF000  }
0x14c: {  	_ =	swait.ge [sflag:s2], $0x1000  }
0x14d: {  	(v2sf) =	vpush v14, $0x3  }
0x14e: {  	v25 =	vbroadcast v8, $0x7;
	(v2sf) =	vpush v13, $0x3;
	_ =	sdelay $0x1  }
0x14f: {  	v26 =	vbroadcast v9, $0x7;
	v27 =	vor.u32 v6, v25  }
0x150: {  	v19 =	vor.u32 v7, v25  }
0x151: {  	v22 =	vor.u32 v6, v26  }
0x152: {  	v20 =	vor.u32 v7, v26;
	[sflag:s2] =	ssyncset.done $0x0  }
0x153: {  	[sflag:s2] =	ssyncadd.s32 $0xFFFFF000  }
0x154: {  	v21 =	vld.idx.msk [tilespmem:v27+s16+$0x0], $0xffff  }
0x155: {  	v19 =	vld.idx.msk [tilespmem:v19+s16+$0x0], $0xffff  }
0x156: {  	v22 =	vld.idx.msk [tilespmem:v22+s17+$0x0], $0xffff  }
0x157: {  	v20 =	vld.idx.msk [tilespmem:v20+s17+$0x0], $0xffff;
	_ =	sdelay $0x3  }
0x158: {  	s20 =	spop (v2sf)  }
0x159: {  	s25 =	simm.s32 $0x3400;
	v21 =	vmul.f32 v22, v21;
	v19 =	vmul.f32 v20, v19;
	s21 =	spop (v2sf);
	s2 =	sadd.s32 s24, s20  }
0x15a: {  	[tilespmem:s25], [sflag:$0x4] =	stream.linear.gather [hbm4b:s2+s4], $0x400, $0x38;
	[tilespmem:$0x8600] =	vst v63  }
0x15b: {  	v19 =	vadd.f32 v19, v21;
	s2 =	sadd.s32 s3, s21;
	s25 =	simm.s32 $0x7400  }
0x15c: {  	[tilespmem:s25], [sflag:$0x8] =	stream.linear.gather [hbm4b:s2+s4], $0x400, $0x38;
	[tilespmem:$0x8600] =	vst v63  }
0x15d: {  	s29 =	simm.s32 $0x3800;
	(xrf2) =	vadd.scan.msk.f32 $0xffff, v19;
	s2 =	sadd.s32 s20, s7  }
0x15e: {  	[tilespmem:s29], [sflag:$0x4] =	stream.linear.gather [hbm4b:s2+s4], $0x400, $0x38;
	[tilespmem:$0x8600] =	vst v63  }
0x15f: {  	s2 =	sadd.s32 s21, s8;
	s29 =	simm.s32 $0x7800  }
0x160: {  	[tilespmem:s29], [sflag:$0x8] =	stream.linear.gather [hbm4b:s2+s4], $0x400, $0x38;
	[tilespmem:$0x8600] =	vst v63  }
0x161: {  	s22 =	sadd.s32 s20, s9;
	s2 =	simm.s32 $0x3C00  }
0x162: {  	[tilespmem:s2], [sflag:$0x4] =	stream.linear.gather [hbm4b:s22+s4], $0x400, $0x38;
	[tilespmem:$0x8600] =	vst v63  }
0x163: {  	s22 =	sadd.s32 s21, s10;
	s2 =	simm.s32 $0x7C00  }
0x164: {  	[tilespmem:s2], [sflag:$0x8] =	stream.linear.gather [hbm4b:s22+s4], $0x400, $0x38;
	[tilespmem:$0x8600] =	vst v63  }
0x165: {  	s20 =	sadd.s32 s20, s11;
	s22 =	simm.s32 $0x4000  }
0x166: {  	[tilespmem:s22], [sflag:$0x4] =	stream.linear.gather [hbm4b:s20+s4], $0x400, $0x38;
	[tilespmem:$0x8600] =	vst v63  }
0x167: {  	s21 =	sadd.s32 s21, s12;
	s22 =	simm.s32 $0x8000  }
0x168: {  	v19, _, _ =	vpop (xrf2);
	[tilespmem:s22], [sflag:$0x8] =	stream.linear.gather [hbm4b:s21+s4], $0x400, $0x38;
	[tilespmem:$0x8600] =	vst v63  }
0x169: {  	_ =	swait.ge [sflag:s1], $0x1000  }
0x16a: {  	[sflag:s1] =	ssyncset.done $0x0  }
0x16b: {  	[sflag:s1] =	ssyncadd.s32 $0xFFFFF000  }
0x16c: {  	_ =	swait.ge [sflag:s30], $0x1000  }
0x16d: {  	(v2sf) =	vpush v14, $0x4  }
0x16e: {  	v28 =	vbroadcast v8, $0x8;
	(v2sf) =	vpush v13, $0x4;
	_ =	sdelay $0x1  }
0x16f: {  	v29 =	vbroadcast v9, $0x8;
	v30 =	vor.u32 v0, v28  }
0x170: {  	v20 =	vor.u32 v1, v28  }
0x171: {  	v23 =	vor.u32 v0, v29  }
0x172: {  	v21 =	vor.u32 v1, v29;
	[sflag:s30] =	ssyncset.done $0x0  }
0x173: {  	[sflag:s30] =	ssyncadd.s32 $0xFFFFF000  }
0x174: {  	v22 =	vld.idx.msk [tilespmem:v30+s16+$0x0], $0xffff  }
0x175: {  	v20 =	vld.idx.msk [tilespmem:v20+s16+$0x0], $0xffff  }
0x176: {  	v23 =	vld.idx.msk [tilespmem:v23+s17+$0x0], $0xffff  }
0x177: {  	v21 =	vld.idx.msk [tilespmem:v21+s17+$0x0], $0xffff;
	_ =	sdelay $0x3  }
0x178: {  	s20 =	spop (v2sf)  }
0x179: {  	v22 =	vmul.f32 v23, v22;
	v20 =	vmul.f32 v21, v20;
	s21 =	spop (v2sf);
	s2 =	sadd.s32 s24, s20  }
0x17a: {  	[tilespmem:s16], [sflag:$0x1] =	stream.linear.gather [hbm4b:s2+s4], $0x400, $0x38;
	[tilespmem:$0x8600] =	vst v63  }
0x17b: {  	v20 =	vadd.f32 v20, v22;
	s2 =	sadd.s32 s3, s21  }
0x17c: {  	[tilespmem:s17], [sflag:$0x5] =	stream.linear.gather [hbm4b:s2+s4], $0x400, $0x38;
	[tilespmem:$0x8600] =	vst v63  }
0x17d: {  	(xrf2) =	vadd.scan.msk.f32 $0xffff, v20;
	s22 =	sadd.s32 s20, s7;
	s2 =	simm.s32 $0x800  }
0x17e: {  	[tilespmem:s2], [sflag:$0x1] =	stream.linear.gather [hbm4b:s22+s4], $0x400, $0x38;
	[tilespmem:$0x8600] =	vst v63  }
0x17f: {  	s22 =	sadd.s32 s21, s8;
	s2 =	simm.s32 $0x4800  }
0x180: {  	[tilespmem:s2], [sflag:$0x5] =	stream.linear.gather [hbm4b:s22+s4], $0x400, $0x38;
	[tilespmem:$0x8600] =	vst v63  }
0x181: {  	s22 =	sadd.s32 s20, s9;
	s2 =	simm.s32 $0xC00  }
0x182: {  	[tilespmem:s2], [sflag:$0x1] =	stream.linear.gather [hbm4b:s22+s4], $0x400, $0x38;
	[tilespmem:$0x8600] =	vst v63  }
0x183: {  	s22 =	sadd.s32 s21, s10;
	s2 =	simm.s32 $0x4C00  }
0x184: {  	[tilespmem:s2], [sflag:$0x5] =	stream.linear.gather [hbm4b:s22+s4], $0x400, $0x38;
	[tilespmem:$0x8600] =	vst v63  }
0x185: {  	s20 =	sadd.s32 s20, s11;
	s22 =	simm.s32 $0x1000  }
0x186: {  	[tilespmem:s22], [sflag:$0x1] =	stream.linear.gather [hbm4b:s20+s4], $0x400, $0x38;
	[tilespmem:$0x8600] =	vst v63  }
0x187: {  	s21 =	sadd.s32 s21, s12;
	s22 =	simm.s32 $0x5000  }
0x188: {  	v20, _, _ =	vpop (xrf2);
	[tilespmem:s22], [sflag:$0x5] =	stream.linear.gather [hbm4b:s21+s4], $0x400, $0x38;
	[tilespmem:$0x8600] =	vst v63  }
0x189: {  	_ =	swait.ge [sflag:s31], $0x1000  }
0x18a: {  	[sflag:s31] =	ssyncset.done $0x0  }
0x18b: {  	[sflag:s31] =	ssyncadd.s32 $0xFFFFF000  }
0x18c: {  	_ =	swait.ge [sflag:s0], $0x1000  }
0x18d: {  	(v2sf) =	vpush v14, $0x5  }
0x18e: {  	v31 =	vbroadcast v8, $0x9;
	(v2sf) =	vpush v13, $0x5;
	_ =	sdelay $0x1  }
0x18f: {  	v32 =	vbroadcast v9, $0x9;
	v33 =	vor.u32 v2, v31  }
0x190: {  	v21 =	vor.u32 v3, v31  }
0x191: {  	v24 =	vor.u32 v2, v32  }
0x192: {  	v22 =	vor.u32 v3, v32;
	[sflag:s0] =	ssyncset.done $0x0  }
0x193: {  	[sflag:s0] =	ssyncadd.s32 $0xFFFFF000  }
0x194: {  	v23 =	vld.idx.msk [tilespmem:v33+s16+$0x0], $0xffff  }
0x195: {  	v21 =	vld.idx.msk [tilespmem:v21+s16+$0x0], $0xffff  }
0x196: {  	v24 =	vld.idx.msk [tilespmem:v24+s17+$0x0], $0xffff  }
0x197: {  	v22 =	vld.idx.msk [tilespmem:v22+s17+$0x0], $0xffff;
	_ =	sdelay $0x3  }
0x198: {  	s20 =	spop (v2sf)  }
0x199: {  	s2 =	simm.s32 $0x1400;
	v23 =	vmul.f32 v24, v23;
	v21 =	vmul.f32 v22, v21;
	s21 =	spop (v2sf);
	s22 =	sadd.s32 s24, s20  }
0x19a: {  	[tilespmem:s2], [sflag:$0x2] =	stream.linear.gather [hbm4b:s22+s4], $0x400, $0x38;
	[tilespmem:$0x8600] =	vst v63  }
0x19b: {  	v21 =	vadd.f32 v21, v23;
	s22 =	sadd.s32 s3, s21;
	s2 =	simm.s32 $0x5400  }
0x19c: {  	[tilespmem:s2], [sflag:$0x6] =	stream.linear.gather [hbm4b:s22+s4], $0x400, $0x38;
	[tilespmem:$0x8600] =	vst v63  }
0x19d: {  	(xrf2) =	vadd.scan.msk.f32 $0xffff, v21;
	s22 =	sadd.s32 s20, s7;
	s2 =	simm.s32 $0x1800  }
0x19e: {  	[tilespmem:s2], [sflag:$0x2] =	stream.linear.gather [hbm4b:s22+s4], $0x400, $0x38;
	[tilespmem:$0x8600] =	vst v63  }
0x19f: {  	s2 =	sadd.s32 s21, s8  }
0x1a0: {  	[tilespmem:s26], [sflag:$0x6] =	stream.linear.gather [hbm4b:s2+s4], $0x400, $0x38;
	[tilespmem:$0x8600] =	vst v63  }
0x1a1: {  	s2 =	sadd.s32 s20, s9  }
0x1a2: {  	[tilespmem:s28], [sflag:$0x2] =	stream.linear.gather [hbm4b:s2+s4], $0x400, $0x38;
	[tilespmem:$0x8600] =	vst v63  }
0x1a3: {  	s2 =	sadd.s32 s21, s10  }
0x1a4: {  	[tilespmem:s6], [sflag:$0x6] =	stream.linear.gather [hbm4b:s2+s4], $0x400, $0x38;
	[tilespmem:$0x8600] =	vst v63  }
0x1a5: {  	s20 =	sadd.s32 s20, s11  }
0x1a6: {  	[tilespmem:s23], [sflag:$0x2] =	stream.linear.gather [hbm4b:s20+s4], $0x400, $0x38;
	[tilespmem:$0x8600] =	vst v63  }
0x1a7: {  	s22 =	sadd.s32 s21, s12;
	s2 =	simm.s32 $0x6000  }
0x1a8: {  	v21, _, _ =	vpop (xrf2);
	[tilespmem:s2], [sflag:$0x6] =	stream.linear.gather [hbm4b:s22+s4], $0x400, $0x38;
	[tilespmem:$0x8600] =	vst v63  }
0x1a9: {  	_ =	swait.ge [sflag:s5], $0x1000  }
0x1aa: {  	[sflag:s5] =	ssyncset.done $0x0  }
0x1ab: {  	[sflag:s5] =	ssyncadd.s32 $0xFFFFF000;
	s5 =	simm.s32 $0x7  }
0x1ac: {  	_ =	swait.ge [sflag:s5], $0x1000  }
0x1ad: {  	(v2sf) =	vpush v14, $0x6  }
0x1ae: {  	v34 =	vbroadcast v8, $0xA;
	(v2sf) =	vpush v13, $0x6;
	_ =	sdelay $0x1  }
0x1af: {  	v35 =	vbroadcast v9, $0xA;
	v36 =	vor.u32 v4, v34  }
0x1b0: {  	v22 =	vor.u32 v5, v34  }
0x1b1: {  	v25 =	vor.u32 v4, v35  }
0x1b2: {  	v23 =	vor.u32 v5, v35;
	[sflag:s5] =	ssyncset.done $0x0  }
0x1b3: {  	[sflag:s5] =	ssyncadd.s32 $0xFFFFF000  }
0x1b4: {  	v24 =	vld.idx.msk [tilespmem:v36+s16+$0x0], $0xffff  }
0x1b5: {  	v22 =	vld.idx.msk [tilespmem:v22+s16+$0x0], $0xffff  }
0x1b6: {  	v25 =	vld.idx.msk [tilespmem:v25+s17+$0x0], $0xffff  }
0x1b7: {  	v23 =	vld.idx.msk [tilespmem:v23+s17+$0x0], $0xffff;
	_ =	sdelay $0x3  }
0x1b8: {  	s20 =	spop (v2sf)  }
0x1b9: {  	s2 =	simm.s32 $0x2400;
	v24 =	vmul.f32 v25, v24;
	v22 =	vmul.f32 v23, v22;
	s21 =	spop (v2sf);
	s6 =	sadd.s32 s24, s20  }
0x1ba: {  	[tilespmem:s2], [sflag:$0x3] =	stream.linear.gather [hbm4b:s6+s4], $0x400, $0x38;
	[tilespmem:$0x8600] =	vst v63  }
0x1bb: {  	v22 =	vadd.f32 v22, v24;
	s6 =	sadd.s32 s3, s21;
	s2 =	simm.s32 $0x6400  }
0x1bc: {  	[tilespmem:s2], [sflag:$0x7] =	stream.linear.gather [hbm4b:s6+s4], $0x400, $0x38;
	[tilespmem:$0x8600] =	vst v63  }
0x1bd: {  	(xrf2) =	vadd.scan.msk.f32 $0xffff, v22;
	s6 =	sadd.s32 s20, s7;
	s2 =	simm.s32 $0x2800  }
0x1be: {  	[tilespmem:s2], [sflag:$0x3] =	stream.linear.gather [hbm4b:s6+s4], $0x400, $0x38;
	[tilespmem:$0x8600] =	vst v63  }
0x1bf: {  	s6 =	sadd.s32 s21, s8;
	s2 =	simm.s32 $0x6800  }
0x1c0: {  	[tilespmem:s2], [sflag:$0x7] =	stream.linear.gather [hbm4b:s6+s4], $0x400, $0x38;
	[tilespmem:$0x8600] =	vst v63  }
0x1c1: {  	s6 =	sadd.s32 s20, s9;
	s2 =	simm.s32 $0x2C00  }
0x1c2: {  	[tilespmem:s2], [sflag:$0x3] =	stream.linear.gather [hbm4b:s6+s4], $0x400, $0x38;
	[tilespmem:$0x8600] =	vst v63  }
0x1c3: {  	s6 =	sadd.s32 s21, s10;
	s2 =	simm.s32 $0x6C00  }
0x1c4: {  	[tilespmem:s2], [sflag:$0x7] =	stream.linear.gather [hbm4b:s6+s4], $0x400, $0x38;
	[tilespmem:$0x8600] =	vst v63  }
0x1c5: {  	s20 =	sadd.s32 s20, s11;
	s2 =	simm.s32 $0x3000  }
0x1c6: {  	[tilespmem:s2], [sflag:$0x3] =	stream.linear.gather [hbm4b:s20+s4], $0x400, $0x38;
	[tilespmem:$0x8600] =	vst v63  }
0x1c7: {  	s22 =	simm.s32 $0x7000;
	s21 =	sadd.s32 s21, s12  }
0x1c8: {  	v22, _, _ =	vpop (xrf2);
	[tilespmem:s22], [sflag:$0x7] =	stream.linear.gather [hbm4b:s21+s4], $0x400, $0x38;
	[tilespmem:$0x8600] =	vst v63  }
0x1c9: {  	_ =	swait.ge [sflag:s13], $0x1000  }
0x1ca: {  	[sflag:s13] =	ssyncset.done $0x0  }
0x1cb: {  	[sflag:s13] =	ssyncadd.s32 $0xFFFFF000;
	s13 =	simm.s32 $0x8  }
0x1cc: {  	_ =	swait.ge [sflag:s13], $0x1000  }
0x1cd: {  	(v2sf) =	vpush v14, $0x7  }
0x1ce: {  	v37 =	vbroadcast v8, $0xB;
	(v2sf) =	vpush v13, $0x7;
	_ =	sdelay $0x1  }
0x1cf: {  	v38 =	vbroadcast v9, $0xB;
	v39 =	vor.u32 v6, v37  }
0x1d0: {  	v23 =	vor.u32 v7, v37  }
0x1d1: {  	v26 =	vor.u32 v6, v38  }
0x1d2: {  	v24 =	vor.u32 v7, v38;
	[sflag:s13] =	ssyncset.done $0x0  }
0x1d3: {  	[sflag:s13] =	ssyncadd.s32 $0xFFFFF000  }
0x1d4: {  	v25 =	vld.idx.msk [tilespmem:v39+s16+$0x0], $0xffff  }
0x1d5: {  	v23 =	vld.idx.msk [tilespmem:v23+s16+$0x0], $0xffff  }
0x1d6: {  	v26 =	vld.idx.msk [tilespmem:v26+s17+$0x0], $0xffff  }
0x1d7: {  	v24 =	vld.idx.msk [tilespmem:v24+s17+$0x0], $0xffff;
	_ =	sdelay $0x3  }
0x1d8: {  	s20 =	spop (v2sf)  }
0x1d9: {  	s6 =	simm.s32 $0x3400;
	v25 =	vmul.f32 v26, v25;
	v23 =	vmul.f32 v24, v23;
	s21 =	spop (v2sf);
	s2 =	sadd.s32 s24, s20  }
0x1da: {  	[tilespmem:s6], [sflag:$0x4] =	stream.linear.gather [hbm4b:s2+s4], $0x400, $0x38;
	[tilespmem:$0x8600] =	vst v63  }
0x1db: {  	v23 =	vadd.f32 v23, v25;
	s6 =	sadd.s32 s3, s21  }
0x1dc: {  	[tilespmem:s25], [sflag:$0x8] =	stream.linear.gather [hbm4b:s6+s4], $0x400, $0x38;
	[tilespmem:$0x8600] =	vst v63  }
0x1dd: {  	(xrf2) =	vadd.scan.msk.f32 $0xffff, v23;
	s2 =	sadd.s32 s20, s7;
	s6 =	simm.s32 $0x3800  }
0x1de: {  	[tilespmem:s6], [sflag:$0x4] =	stream.linear.gather [hbm4b:s2+s4], $0x400, $0x38;
	[tilespmem:$0x8600] =	vst v63  }
0x1df: {  	s2 =	sadd.s32 s21, s8  }
0x1e0: {  	[tilespmem:s29], [sflag:$0x8] =	stream.linear.gather [hbm4b:s2+s4], $0x400, $0x38;
	[tilespmem:$0x8600] =	vst v63  }
0x1e1: {  	s6 =	sadd.s32 s20, s9;
	s29 =	simm.s32 $0x3C00  }
0x1e2: {  	[tilespmem:s29], [sflag:$0x4] =	stream.linear.gather [hbm4b:s6+s4], $0x400, $0x38;
	[tilespmem:$0x8600] =	vst v63  }
0x1e3: {  	s6 =	sadd.s32 s21, s10;
	s29 =	simm.s32 $0x7C00  }
0x1e4: {  	[tilespmem:s29], [sflag:$0x8] =	stream.linear.gather [hbm4b:s6+s4], $0x400, $0x38;
	[tilespmem:$0x8600] =	vst v63  }
0x1e5: {  	s20 =	sadd.s32 s20, s11;
	s2 =	simm.s32 $0x4000  }
0x1e6: {  	[tilespmem:s2], [sflag:$0x4] =	stream.linear.gather [hbm4b:s20+s4], $0x400, $0x38;
	[tilespmem:$0x8600] =	vst v63  }
0x1e7: {  	s22 =	simm.s32 $0x8000;
	s21 =	sadd.s32 s21, s12  }
0x1e8: {  	v23, _, _ =	vpop (xrf2);
	[tilespmem:s22], [sflag:$0x8] =	stream.linear.gather [hbm4b:s21+s4], $0x400, $0x38;
	[tilespmem:$0x8600] =	vst v63  }
0x1e9: {  	_ =	swait.ge [sflag:s1], $0x1000  }
0x1ea: {  	[sflag:s1] =	ssyncset.done $0x0  }
0x1eb: {  	[sflag:s1] =	ssyncadd.s32 $0xFFFFF000  }
0x1ec: {  	_ =	swait.ge [sflag:s30], $0x1000  }
0x1ed: {  	(v2sf) =	vpush v14, $0x8  }
0x1ee: {  	v40 =	vbroadcast v8, $0xC;
	(v2sf) =	vpush v13, $0x8;
	_ =	sdelay $0x1  }
0x1ef: {  	v41 =	vbroadcast v9, $0xC;
	v42 =	vor.u32 v0, v40  }
0x1f0: {  	v24 =	vor.u32 v1, v40  }
0x1f1: {  	v27 =	vor.u32 v0, v41  }
0x1f2: {  	v25 =	vor.u32 v1, v41;
	[sflag:s30] =	ssyncset.done $0x0  }
0x1f3: {  	[sflag:s30] =	ssyncadd.s32 $0xFFFFF000  }
0x1f4: {  	v26 =	vld.idx.msk [tilespmem:v42+s16+$0x0], $0xffff  }
0x1f5: {  	v24 =	vld.idx.msk [tilespmem:v24+s16+$0x0], $0xffff  }
0x1f6: {  	v27 =	vld.idx.msk [tilespmem:v27+s17+$0x0], $0xffff  }
0x1f7: {  	v25 =	vld.idx.msk [tilespmem:v25+s17+$0x0], $0xffff;
	_ =	sdelay $0x3  }
0x1f8: {  	s20 =	spop (v2sf)  }
0x1f9: {  	v26 =	vmul.f32 v27, v26;
	v24 =	vmul.f32 v25, v24;
	s21 =	spop (v2sf);
	s1 =	sadd.s32 s24, s20  }
0x1fa: {  	[tilespmem:s16], [sflag:$0x1] =	stream.linear.gather [hbm4b:s1+s4], $0x400, $0x38;
	[tilespmem:$0x8600] =	vst v63  }
0x1fb: {  	v24 =	vadd.f32 v24, v26;
	s6 =	sadd.s32 s3, s21  }
0x1fc: {  	[tilespmem:s17], [sflag:$0x5] =	stream.linear.gather [hbm4b:s6+s4], $0x400, $0x38;
	[tilespmem:$0x8600] =	vst v63  }
0x1fd: {  	(xrf2) =	vadd.scan.msk.f32 $0xffff, v24;
	s1 =	sadd.s32 s20, s7;
	s6 =	simm.s32 $0x800  }
0x1fe: {  	[tilespmem:s6], [sflag:$0x1] =	stream.linear.gather [hbm4b:s1+s4], $0x400, $0x38;
	[tilespmem:$0x8600] =	vst v63  }
0x1ff: {  	s1 =	sadd.s32 s21, s8;
	s6 =	simm.s32 $0x4800  }
0x200: {  	[tilespmem:s6], [sflag:$0x5] =	stream.linear.gather [hbm4b:s1+s4], $0x400, $0x38;
	[tilespmem:$0x8600] =	vst v63  }
0x201: {  	s1 =	sadd.s32 s20, s9;
	s6 =	simm.s32 $0xC00  }
0x202: {  	[tilespmem:s6], [sflag:$0x1] =	stream.linear.gather [hbm4b:s1+s4], $0x400, $0x38;
	[tilespmem:$0x8600] =	vst v63  }
0x203: {  	s1 =	sadd.s32 s21, s10;
	s6 =	simm.s32 $0x4C00  }
0x204: {  	[tilespmem:s6], [sflag:$0x5] =	stream.linear.gather [hbm4b:s1+s4], $0x400, $0x38;
	[tilespmem:$0x8600] =	vst v63  }
0x205: {  	s20 =	sadd.s32 s20, s11;
	s6 =	simm.s32 $0x1000  }
0x206: {  	[tilespmem:s6], [sflag:$0x1] =	stream.linear.gather [hbm4b:s20+s4], $0x400, $0x38;
	[tilespmem:$0x8600] =	vst v63  }
0x207: {  	s22 =	simm.s32 $0x5000;
	s21 =	sadd.s32 s21, s12  }
0x208: {  	v24, _, _ =	vpop (xrf2);
	[tilespmem:s22], [sflag:$0x5] =	stream.linear.gather [hbm4b:s21+s4], $0x400, $0x38;
	[tilespmem:$0x8600] =	vst v63  }
0x209: {  	_ =	swait.ge [sflag:s31], $0x1000  }
0x20a: {  	[sflag:s31] =	ssyncset.done $0x0  }
0x20b: {  	[sflag:s31] =	ssyncadd.s32 $0xFFFFF000  }
0x20c: {  	_ =	swait.ge [sflag:s0], $0x1000  }
0x20d: {  	(v2sf) =	vpush v14, $0x9  }
0x20e: {  	v43 =	vbroadcast v8, $0xD;
	(v2sf) =	vpush v13, $0x9;
	_ =	sdelay $0x1  }
0x20f: {  	v44 =	vbroadcast v9, $0xD;
	v45 =	vor.u32 v2, v43  }
0x210: {  	v25 =	vor.u32 v3, v43  }
0x211: {  	v28 =	vor.u32 v2, v44  }
0x212: {  	v26 =	vor.u32 v3, v44;
	[sflag:s0] =	ssyncset.done $0x0  }
0x213: {  	[sflag:s0] =	ssyncadd.s32 $0xFFFFF000  }
0x214: {  	v27 =	vld.idx.msk [tilespmem:v45+s16+$0x0], $0xffff  }
0x215: {  	v25 =	vld.idx.msk [tilespmem:v25+s16+$0x0], $0xffff  }
0x216: {  	v28 =	vld.idx.msk [tilespmem:v28+s17+$0x0], $0xffff  }
0x217: {  	v26 =	vld.idx.msk [tilespmem:v26+s17+$0x0], $0xffff;
	_ =	sdelay $0x3  }
0x218: {  	s20 =	spop (v2sf)  }
0x219: {  	s6 =	simm.s32 $0x1400;
	v27 =	vmul.f32 v28, v27;
	v25 =	vmul.f32 v26, v25;
	s21 =	spop (v2sf);
	s1 =	sadd.s32 s24, s20  }
0x21a: {  	[tilespmem:s6], [sflag:$0x2] =	stream.linear.gather [hbm4b:s1+s4], $0x400, $0x38;
	[tilespmem:$0x8600] =	vst v63  }
0x21b: {  	v25 =	vadd.f32 v25, v27;
	s1 =	sadd.s32 s3, s21;
	s6 =	simm.s32 $0x5400  }
0x21c: {  	[tilespmem:s6], [sflag:$0x6] =	stream.linear.gather [hbm4b:s1+s4], $0x400, $0x38;
	[tilespmem:$0x8600] =	vst v63  }
0x21d: {  	(xrf2) =	vadd.scan.msk.f32 $0xffff, v25;
	s0 =	sadd.s32 s20, s7;
	s1 =	simm.s32 $0x1800  }
0x21e: {  	[tilespmem:s1], [sflag:$0x2] =	stream.linear.gather [hbm4b:s0+s4], $0x400, $0x38;
	[tilespmem:$0x8600] =	vst v63  }
0x21f: {  	s26 =	simm.s32 $0x5800;
	s6 =	sadd.s32 s21, s8  }
0x220: {  	[tilespmem:s26], [sflag:$0x6] =	stream.linear.gather [hbm4b:s6+s4], $0x400, $0x38;
	[tilespmem:$0x8600] =	vst v63  }
0x221: {  	s28 =	simm.s32 $0x1C00;
	s0 =	sadd.s32 s20, s9  }
0x222: {  	[tilespmem:s28], [sflag:$0x2] =	stream.linear.gather [hbm4b:s0+s4], $0x400, $0x38;
	[tilespmem:$0x8600] =	vst v63  }
0x223: {  	s1 =	sadd.s32 s21, s10;
	s6 =	simm.s32 $0x5C00  }
0x224: {  	[tilespmem:s6], [sflag:$0x6] =	stream.linear.gather [hbm4b:s1+s4], $0x400, $0x38;
	[tilespmem:$0x8600] =	vst v63  }
0x225: {  	s23 =	simm.s32 $0x2000;
	s20 =	sadd.s32 s20, s11  }
0x226: {  	[tilespmem:s23], [sflag:$0x2] =	stream.linear.gather [hbm4b:s20+s4], $0x400, $0x38;
	[tilespmem:$0x8600] =	vst v63  }
0x227: {  	s26 =	simm.s32 $0x6000;
	s28 =	simm.s32 $0x3;
	s23 =	sadd.s32 s21, s12  }
0x228: {  	v25, _, _ =	vpop (xrf2);
	[tilespmem:s26], [sflag:$0x6] =	stream.linear.gather [hbm4b:s23+s4], $0x400, $0x38;
	[tilespmem:$0x8600] =	vst v63  }
0x229: {  	_ =	swait.ge [sflag:s28], $0x1000  }
0x22a: {  	[sflag:s28] =	ssyncset.done $0x0  }
0x22b: {  	[sflag:s28] =	ssyncadd.s32 $0xFFFFF000  }
0x22c: {  	_ =	swait.ge [sflag:s5], $0x1000  }
0x22d: {  	(v2sf) =	vpush v14, $0xA  }
0x22e: {  	v46 =	vbroadcast v8, $0xE;
	(v2sf) =	vpush v13, $0xA;
	_ =	sdelay $0x1  }
0x22f: {  	v47 =	vbroadcast v9, $0xE;
	v48 =	vor.u32 v4, v46  }
0x230: {  	v26 =	vor.u32 v5, v46  }
0x231: {  	v29 =	vor.u32 v4, v47  }
0x232: {  	v27 =	vor.u32 v5, v47;
	[sflag:s5] =	ssyncset.done $0x0  }
0x233: {  	[sflag:s5] =	ssyncadd.s32 $0xFFFFF000  }
0x234: {  	v28 =	vld.idx.msk [tilespmem:v48+s16+$0x0], $0xffff  }
0x235: {  	v26 =	vld.idx.msk [tilespmem:v26+s16+$0x0], $0xffff  }
0x236: {  	v29 =	vld.idx.msk [tilespmem:v29+s17+$0x0], $0xffff  }
0x237: {  	v27 =	vld.idx.msk [tilespmem:v27+s17+$0x0], $0xffff;
	_ =	sdelay $0x3  }
0x238: {  	s20 =	spop (v2sf)  }
0x239: {  	s1 =	simm.s32 $0x2400;
	v28 =	vmul.f32 v29, v28;
	v26 =	vmul.f32 v27, v26;
	s21 =	spop (v2sf);
	s0 =	sadd.s32 s24, s20  }
0x23a: {  	[tilespmem:s1], [sflag:$0x3] =	stream.linear.gather [hbm4b:s0+s4], $0x400, $0x38;
	[tilespmem:$0x8600] =	vst v63  }
0x23b: {  	s26 =	simm.s32 $0x6400;
	v26 =	vadd.f32 v26, v28;
	s23 =	sadd.s32 s3, s21  }
0x23c: {  	[tilespmem:s26], [sflag:$0x7] =	stream.linear.gather [hbm4b:s23+s4], $0x400, $0x38;
	[tilespmem:$0x8600] =	vst v63  }
0x23d: {  	(xrf2) =	vadd.scan.msk.f32 $0xffff, v26;
	s0 =	sadd.s32 s20, s7;
	s1 =	simm.s32 $0x2800  }
0x23e: {  	[tilespmem:s1], [sflag:$0x3] =	stream.linear.gather [hbm4b:s0+s4], $0x400, $0x38;
	[tilespmem:$0x8600] =	vst v63  }
0x23f: {  	s23 =	sadd.s32 s21, s8;
	s26 =	simm.s32 $0x6800  }
0x240: {  	[tilespmem:s26], [sflag:$0x7] =	stream.linear.gather [hbm4b:s23+s4], $0x400, $0x38;
	[tilespmem:$0x8600] =	vst v63  }
0x241: {  	s0 =	sadd.s32 s20, s9;
	s1 =	simm.s32 $0x2C00  }
0x242: {  	[tilespmem:s1], [sflag:$0x3] =	stream.linear.gather [hbm4b:s0+s4], $0x400, $0x38;
	[tilespmem:$0x8600] =	vst v63  }
0x243: {  	s23 =	sadd.s32 s21, s10;
	s26 =	simm.s32 $0x6C00  }
0x244: {  	[tilespmem:s26], [sflag:$0x7] =	stream.linear.gather [hbm4b:s23+s4], $0x400, $0x38;
	[tilespmem:$0x8600] =	vst v63  }
0x245: {  	s20 =	sadd.s32 s20, s11;
	s1 =	simm.s32 $0x3000  }
0x246: {  	[tilespmem:s1], [sflag:$0x3] =	stream.linear.gather [hbm4b:s20+s4], $0x400, $0x38;
	[tilespmem:$0x8600] =	vst v63  }
0x247: {  	s22 =	simm.s32 $0x7000;
	s6 =	simm.s32 $0x4;
	s21 =	sadd.s32 s21, s12  }
0x248: {  	v8 =	vbroadcast v8, $0xF;
	v26, _, _ =	vpop (xrf2);
	[tilespmem:s22], [sflag:$0x7] =	stream.linear.gather [hbm4b:s21+s4], $0x400, $0x38;
	[tilespmem:$0x8600] =	vst v63  }
0x249: {  	v9 =	vbroadcast v9, $0xF;
	_ =	swait.ge [sflag:s6], $0x1000  }
0x24a: {  	v49 =	vor.u32 v6, v8;
	[sflag:s6] =	ssyncset.done $0x0  }
0x24b: {  	v50 =	vor.u32 v6, v9;
	[sflag:s6] =	ssyncadd.s32 $0xFFFFF000  }
0x24c: {  	v8 =	vor.u32 v7, v8;
	_ =	swait.ge [sflag:s13], $0x1000  }
0x24d: {  	v9 =	vor.u32 v7, v9;
	[sflag:s13] =	ssyncset.done $0x0  }
0x24e: {  	[sflag:s13] =	ssyncadd.s32 $0xFFFFF000  }
0x24f: {  	v27 =	vld.idx.msk [tilespmem:v49+s16+$0x0], $0xffff  }
0x250: {  	v28 =	vld.idx.msk [tilespmem:v50+s17+$0x0], $0xffff  }
0x251: {  	v8 =	vld.idx.msk [tilespmem:v8+s16+$0x0], $0xffff  }
0x252: {  	v9 =	vld.idx.msk [tilespmem:v9+s17+$0x0], $0xffff;
	_ =	sdelay $0x2  }
0x253: {  	v10 =	vbroadcast v10, $0xF  }
0x254: {  	v11 =	vbroadcast v11, $0xF;
	v51 =	vbroadcast v12, $0xF  }
0x255: {  	v27 =	vmul.f32 v28, v27;
	v8 =	vmul.f32 v9, v8  }
0x256: {  	v10 =	vsel vm0, v10, v11;
	v52 =	vbroadcast v15, $0xF  }
0x257: {  	v53 =	vbroadcast v16, $0xF;
	v9 =	vsel vm1, v10, v51;
	v8 =	vadd.f32 v8, v27  }
0x258: {  	v54 =	vbroadcast v17, $0xF;
	v9 =	vsel vm2, v9, v52  }
0x259: {  	v9 =	vsel vm3, v9, v53;
	(xrf2) =	vadd.scan.msk.f32 $0xffff, v8;
	v8 =	vbroadcast v18, $0xF  }
0x25a: {  	v55 =	vbroadcast v19, $0xF;
	v9 =	vsel vm4, v9, v54  }
0x25b: {  	v56 =	vbroadcast v20, $0xF;
	v8 =	vsel vm5, v9, v8  }
0x25c: {  	v57 =	vbroadcast v21, $0xF;
	v8 =	vsel vm6, v8, v55  }
0x25d: {  	v58 =	vbroadcast v22, $0xF;
	v8 =	vsel vm7, v8, v56  }
0x25e: {  	v59 =	vbroadcast v23, $0xF;
	v8 =	vsel vm8, v8, v57  }
0x25f: {  	v60 =	vbroadcast v24, $0xF;
	(v2sf) =	vpush v14, $0xB;
	v8 =	vsel vm9, v8, v58  }
0x260: {  	v61 =	vbroadcast v25, $0xF;
	(v2sf) =	vpush v13, $0xB;
	v8 =	vsel vm10, v8, v59  }
0x261: {  	v62 =	vbroadcast v26, $0xF;
	v8 =	vsel vm11, v8, v60  }
0x262: {  	v8 =	vsel vm12, v8, v61  }
0x263: {  	v8 =	vsel vm13, v8, v62;
	v63, _, _ =	vpop (xrf2)  }
0x264: {  	v8 =	vsel vm14, v8, v63  }
0x265: {  	v8 =	vsub.f32 $0.0e+00, v8;
	_ =	sdelay $0x1  }
0x266: {  	v8 =	vmul.f32 $1.442695020e+00, v8;
	_ =	sdelay $0x1  }
0x267: {  	(erf) = vpow2.f32 v8;
	_ =	sdelay $0x4  }
0x268: {  	s20 =	spop (v2sf)  }
0x269: {  	s26 =	simm.s32 $0x3400;
	s21 =	spop (v2sf);
	s23 =	sadd.s32 s24, s20  }
0x26a: {  	[tilespmem:s26], [sflag:$0x4] =	stream.linear.gather [hbm4b:s23+s4], $0x400, $0x38;
	[tilespmem:$0x8600] =	vst v63  }
0x26b: {  	s25 =	simm.s32 $0x7400;
	s0 =	sadd.s32 s3, s21  }
0x26c: {  	[tilespmem:s25], [sflag:$0x8] =	stream.linear.gather [hbm4b:s0+s4], $0x400, $0x38;
	v8 =	vpop (erf);
	[tilespmem:$0x8600] =	vst v63  }
0x26d: {  	s1 =	sadd.s32 s20, s7;
	s23 =	simm.s32 $0x3800;
	v8 =	vadd.f32 $1.000000000e+00, v8  }
0x26e: {  	[tilespmem:s23], [sflag:$0x4] =	stream.linear.gather [hbm4b:s1+s4], $0x400, $0x38;
	[tilespmem:$0x8600] =	vst v63  }
0x26f: {  	s26 =	simm.s32 $0x7800;
	s25 =	sadd.s32 s21, s8;
	(erf) = vrcp.f32 v8  }
0x270: {  	[tilespmem:s26], [sflag:$0x8] =	stream.linear.gather [hbm4b:s25+s4], $0x400, $0x38;
	[tilespmem:$0x8600] =	vst v63  }
0x271: {  	s1 =	sadd.s32 s20, s9;
	s23 =	simm.s32 $0x3C00  }
0x272: {  	[tilespmem:s23], [sflag:$0x4] =	stream.linear.gather [hbm4b:s1+s4], $0x400, $0x38;
	[tilespmem:$0x8600] =	vst v63  }
0x273: {  	p0 =	sne.s32 s19, $0x20;
	s25 =	sadd.s32 s21, s10  }
0x274: {  	[tilespmem:s29], [sflag:$0x8] =	stream.linear.gather [hbm4b:s25+s4], $0x400, $0x38;
	[tilespmem:$0x8600] =	vst v63  }
.Ltmp0:
0x275: {  	s20 =	sadd.s32 s20, s11;
	(pc) =	sbr.rel @p0 .LBB2_2-.Ltmp0, $4  }
0x276: {  	[tilespmem:s2], [sflag:$0x4] =	stream.linear.gather [hbm4b:s20+s4], $0x400, $0x38;
	[tilespmem:$0x8600] =	vst v63  }
0x277: {  	s18 =	sadd.s32 $0x10, s18;
	s26 =	sadd.s32 s21, s12;
	s29 =	simm.s32 $0x8000  }
0x278: {  	[tilespmem:s29], [sflag:$0x8] =	stream.linear.gather [hbm4b:s26+s4], $0x400, $0x38;
	v8 =	vpop (erf);
	[tilespmem:$0x8600] =	vst v63  }
0x279: {  	s14 =	sadd.s32 $0x10, s14;
	s19 =	sadd.s32 $0x1, s19;
	[tilespmem:s15+$0x0] =	vst v8;
	s15 =	sadd.s32 $0x10, s15  }
0x27a: {  	s0 =	simm.s32 $0x1  }
0x27b: {  	_ =	swait.ge [sflag:s0], $0x1000  }
0x27c: {  	[sflag:s0] =	ssyncset.done $0x0  }
0x27d: {  	s21 =	simm.s32 $0x5;
	[sflag:s0] =	ssyncadd.s32 $0xFFFFF000  }
0x27e: {  	_ =	swait.ge [sflag:s21], $0x1000  }
0x27f: {  	[sflag:s21] =	ssyncset.done $0x0  }
0x280: {  	s22 =	simm.s32 $0x2;
	[sflag:s21] =	ssyncadd.s32 $0xFFFFF000  }
0x281: {  	_ =	swait.ge [sflag:s22], $0x1000  }
0x282: {  	[sflag:s22] =	ssyncset.done $0x0  }
0x283: {  	s23 =	simm.s32 $0x6;
	[sflag:s22] =	ssyncadd.s32 $0xFFFFF000  }
0x284: {  	_ =	swait.ge [sflag:s23], $0x1000  }
0x285: {  	[sflag:s23] =	ssyncset.done $0x0  }
0x286: {  	[sflag:s23] =	ssyncadd.s32 $0xFFFFF000  }
0x287: {  	_ =	swait.ge [sflag:s28], $0x1000  }
0x288: {  	[sflag:s28] =	ssyncset.done $0x0  }
0x289: {  	[sflag:s28] =	ssyncadd.s32 $0xFFFFF000  }
0x28a: {  	_ =	swait.ge [sflag:s5], $0x1000  }
0x28b: {  	[sflag:s5] =	ssyncset.done $0x0  }
0x28c: {  	[sflag:s5] =	ssyncadd.s32 $0xFFFFF000  }
0x28d: {  	_ =	swait.ge [sflag:s6], $0x1000  }
0x28e: {  	[sflag:s6] =	ssyncset.done $0x0  }
0x28f: {  	[sflag:s6] =	ssyncadd.s32 $0xFFFFF000  }
0x290: {  	_ =	swait.ge [sflag:s13], $0x1000  }
0x291: {  	s15 =	simm.s32 $0x8400;
	[sflag:s13] =	ssyncset.done $0x0  }
0x292: {  	s18 =	simm.s32 $0x9;
	s14 =	rddreg [dreg:$0x7];
	[sflag:s13] =	ssyncadd.s32 $0xFFFFF000  }
0x293: {  	[hbm4b:s14+s4] =	stream.linear.scatter [tilespmem:s15], [sflag:$0x9], $0x200, $0x38;
	[tilespmem:$0x8600] =	vst v63  }
0x294: {  	_ =	swait.ge [sflag:s18], $0x200  }
0x295: {  	s25 =	rddreg [dreg:$0x9]  }
0x296: {  	s26 =	rddreg [dreg:$0x8];
	s15 =	sadd.s32 $0x1, s25  }
0x297: {  	p0 =	sne.s32 s15, s26  }
.Ltmp1:
0x298: {  	_ = 	snop;
	(pc) =	sbr.rel @p0 .LBB2_1-.Ltmp1, $4  }
0x299: {  	s20 =	simm.s32 $0x800  }
0x29a: {  	s29 =	simm.s32 $0x1000;
	s0 =	simm.s32 $0x5000;
	s21 =	simm.s32 $0x4800  }
0x29b: {  	s22 =	simm.s32 $0xC00;
	s23 =	simm.s32 $0x4C00;
	[sflag:s18] =	ssyncset.done $0x0  }
0x29c: {  	[sflag:s18] =	ssyncadd.s32 $0xFFFFFE00;
	s25 =	simm.s32 $0x1400;
	s26 =	simm.s32 $0x5400  }
0x29d: {  	_ =	sfence.sel $0x180000  }
0x29e: {  	[bflag:$0x0] =	sbarrier.arrive $0xFFFF  }
0x29f: {  	_ =	strace $0x90000047  }
0x2a0: {  	s0 =	stileid.u32;
	[bflag:$0x2] =	sbarrier.arrive $0xFFFF  }
0x2a1: {  	p0 =	sne.s32 s0, $0x0;
	s0 =	rddreg [dreg:$0x4]  }
0x2a2: {  	s0 =	sadd.s32 @!p0 $0x100000, s0  }
0x2a3: {  	[sflag:s0] =	ssyncadd.tile.s32 @!p0 $0x1;
	_ =	shalt  }
.Lfunc_end2:
_tile_overlayer_lowered:
.L_overlay_start_2:
0x2a4: {  	(tag) =	ssettag $0x2  }
0x2a5: {  	s0 =	rddreg [dreg:$0x0];
	s2 =	stileid.u32  }
0x2a6: {  	s1 =	rddreg [dreg:$0x1];
	p0 =	sne.s32 s2, $0x0  }
0x2a7: {  	s3 =	rddreg [dreg:$0x2];
	[bflag:$0x3] =	sbarrier.arrive $0xFFFF;
	s2 =	simm.s32 @!p0 $0x1C09  }
0x2a8: {  	[timem:s3], [sflag:s2] =	dma.local @!p0 [hbm:s0], s1  }
0x2a9: {  	s0 =	simm.s32 @!p0 $0x9  }
0x2aa: {  	_ =	swait.ge @!p0 [sflag:s0], s1  }
0x2ab: {  	s1 =	ssub.s32 @!p0 $0x0, s1;
	[sflag:s0] =	ssyncset.done @!p0 $0x0  }
0x2ac: {  	[sflag:s0] =	ssyncadd.s32 @!p0 s1  }
0x2ad: {  	[bflag:$0x3] =	sbarrier.arrive $0xFFFF  }
0x2ae: {  	_ =	shalt  }

</sc_bundles>
